<compile_context>
chip_gen: v7x
topology: tpu7x:2x2x1
jax: 0.10.2.dev20260603
libtpu: 0.0.44.dev20260713+nightly
codegen_flags: <defaults>
</compile_context>

<pallas_src>
import functools

import jax
import jax.numpy as jnp
from jax import lax
from jax.experimental import pallas as pl
from jax.experimental.pallas import tpu as pltpu
from jax.experimental.pallas import tpu_sc as plsc

N_TOKENS = 2048
D_MODEL = 1024
N_EXPERTS = 8
BT = 256
NBMAX = 23
M_ROWS = NBMAX * BT


def _router_body(x_ref, gw_ref, gb_ref,
                 pos0_ref, pos1_ref, w0_ref, w1_ref, be_ref, nb_ref):
    lT = jax.lax.dot_general(
        gw_ref[...], x_ref[...], (((1,), (1,)), ((), ())),
        preferred_element_type=jnp.float32) + gb_ref[...]
    eidx = jax.lax.broadcasted_iota(jnp.int32, (N_EXPERTS, N_TOKENS), 0)
    m1 = jnp.max(lT, axis=0, keepdims=True)
    i1 = jnp.min(jnp.where(lT == m1, eidx, N_EXPERTS), axis=0, keepdims=True)
    masked = jnp.where(eidx == i1, -jnp.inf, lT)
    m2 = jnp.max(masked, axis=0, keepdims=True)
    i2 = jnp.min(jnp.where(masked == m2, eidx, N_EXPERTS), axis=0,
                 keepdims=True)
    t = jnp.exp(m2 - m1)
    w0_ref[...] = 1.0 / (1.0 + t)
    w1_ref[...] = t / (1.0 + t)

    sel = ((eidx == i1) | (eidx == i2)).astype(jnp.int32)
    run = sel
    k = 1
    while k < N_TOKENS:
        shifted = jnp.concatenate(
            [jnp.zeros((N_EXPERTS, k), jnp.int32), run[:, :N_TOKENS - k]],
            axis=1)
        run = run + shifted
        k *= 2
    rank = run - sel
    counts = run[:, N_TOKENS - 1:N_TOKENS]
    nblk = (counts + (BT - 1)) // BT
    padded = nblk * BT
    lo = (jax.lax.broadcasted_iota(jnp.int32, (N_EXPERTS, N_EXPERTS), 0)
          > jax.lax.broadcasted_iota(jnp.int32, (N_EXPERTS, N_EXPERTS), 1)
          ).astype(jnp.float32)
    P = jax.lax.dot_general(
        lo, padded.astype(jnp.float32), (((1,), (0,)), ((), ())),
        preferred_element_type=jnp.float32).astype(jnp.int32)
    pos = P + rank
    pos0_ref[...] = jnp.sum(jnp.where(eidx == i1, pos, 0), axis=0,
                            keepdims=True)
    pos1_ref[...] = jnp.sum(jnp.where(eidx == i2, pos, 0), axis=0,
                            keepdims=True)
    Pb = P // BT
    bidx = jax.lax.broadcasted_iota(jnp.int32, (N_EXPERTS, NBMAX), 1)
    be_ref[...] = (jnp.sum((bidx >= Pb).astype(jnp.int32), axis=0,
                           keepdims=True) - 1)
    nb_ref[...] = jnp.sum(nblk, axis=0, keepdims=True)


def _router(x, gate_W, gate_b):
    out_shapes = (
        jax.ShapeDtypeStruct((1, N_TOKENS), jnp.int32),
        jax.ShapeDtypeStruct((1, N_TOKENS), jnp.int32),
        jax.ShapeDtypeStruct((1, N_TOKENS), jnp.float32),
        jax.ShapeDtypeStruct((1, N_TOKENS), jnp.float32),
        jax.ShapeDtypeStruct((1, NBMAX), jnp.int32),
        jax.ShapeDtypeStruct((1, 1), jnp.int32),
    )
    return pl.pallas_call(
        _router_body,
        grid=(1,),
        in_specs=[
            pl.BlockSpec((N_TOKENS, D_MODEL), lambda i: (0, 0)),
            pl.BlockSpec((N_EXPERTS, D_MODEL), lambda i: (0, 0)),
            pl.BlockSpec((N_EXPERTS, 1), lambda i: (0, 0)),
        ],
        out_specs=tuple(
            pl.BlockSpec(s.shape, lambda i: (0,) * len(s.shape))
            for s in out_shapes),
        out_shape=out_shapes,
    )(x, gate_W, gate_b.reshape(N_EXPERTS, 1))


_SC_CORES = 2
_SC_SUBCORES = 16
_NW = _SC_CORES * _SC_SUBCORES
_LANES = 16


def _sc_mesh():
    return plsc.VectorSubcoreMesh(core_axis_name="c", subcore_axis_name="s")


def _sc_no_layout_params():
    import dataclasses
    cp = pltpu.CompilerParams()
    if "needs_layout_passes" in pltpu.CompilerParams.__dataclass_fields__:
        cp = dataclasses.replace(cp, needs_layout_passes=False)
    return cp


def _sc_dispatch(x, pos0, pos1, w0, w1):
    t_per_w = N_TOKENS // _NW

    @functools.partial(
        pl.kernel,
        out_type=(jax.ShapeDtypeStruct((M_ROWS, D_MODEL), jnp.float32),
                  jax.ShapeDtypeStruct((M_ROWS, 128), jnp.float32)),
        mesh=_sc_mesh(),
        scratch_types=[pltpu.VMEM((t_per_w,), jnp.int32),
                       pltpu.VMEM((t_per_w,), jnp.int32),
                       pltpu.VMEM((t_per_w, D_MODEL), jnp.float32),
                       pltpu.VMEM((t_per_w,), jnp.float32),
                       pltpu.VMEM((t_per_w,), jnp.float32),
                       pltpu.VMEM((t_per_w, 128), jnp.float32),
                       pltpu.VMEM((t_per_w, 128), jnp.float32),
                       pltpu.SemaphoreType.DMA,
                       pltpu.SemaphoreType.DMA,
                       pltpu.SemaphoreType.DMA,
                       pltpu.SemaphoreType.DMA,
                       pltpu.SemaphoreType.DMA,
                       pltpu.SemaphoreType.DMA,
                       pltpu.SemaphoreType.DMA,
                       pltpu.SemaphoreType.DMA,
                       pltpu.SemaphoreType.DMA],
        compiler_params=_sc_no_layout_params(),
    )
    def k(x_hbm, pos0_hbm, pos1_hbm, w0_hbm, w1_hbm, disp_hbm, wgt_hbm,
          p0_v, p1_v, rows_v, w0_v, w1_v, wrow0_v, wrow1_v,
          s0, s1, s2, s3, s4, sa, sb, sc, sd):
        wid = lax.axis_index("s") * _SC_CORES + lax.axis_index("c")
        base = wid * t_per_w
        c0 = pltpu.async_copy(pos0_hbm.at[pl.ds(base, t_per_w)], p0_v, s0)
        c1 = pltpu.async_copy(pos1_hbm.at[pl.ds(base, t_per_w)], p1_v, s1)
        c2 = pltpu.async_copy(x_hbm.at[pl.ds(base, t_per_w)], rows_v, s2)
        c3 = pltpu.async_copy(w0_hbm.at[pl.ds(base, t_per_w)], w0_v, s3)
        c4 = pltpu.async_copy(w1_hbm.at[pl.ds(base, t_per_w)], w1_v, s4)
        c2.wait()
        c0.wait()
        d0 = pltpu.async_copy(rows_v, disp_hbm.at[p0_v], sa)
        c1.wait()
        d1 = pltpu.async_copy(rows_v, disp_hbm.at[p1_v], sb)

        c3.wait()

        @pl.loop(0, t_per_w)
        def _(r):
            rsplat = jnp.full((_LANES,), r, jnp.int32)
            ws = plsc.load_gather(w0_v, [rsplat])
            for c in range(0, 128, _LANES):
                wrow0_v[r, pl.ds(c, _LANES)] = ws

        d2 = pltpu.async_copy(wrow0_v, wgt_hbm.at[p0_v], sc)

        c4.wait()

        @pl.loop(0, t_per_w)
        def _(r):
            rsplat = jnp.full((_LANES,), r, jnp.int32)
            ws = plsc.load_gather(w1_v, [rsplat])
            for c in range(0, 128, _LANES):
                wrow1_v[r, pl.ds(c, _LANES)] = ws

        d3 = pltpu.async_copy(wrow1_v, wgt_hbm.at[p1_v], sd)
        d0.wait()
        d1.wait()
        d2.wait()
        d3.wait()

    return k(x, pos0, pos1, w0, w1)


def _sc_combine(y, pos0, pos1):
    t_per_w = N_TOKENS // _NW
    SUB = 32

    @functools.partial(
        pl.kernel,
        out_type=jax.ShapeDtypeStruct((N_TOKENS, D_MODEL), jnp.float32),
        mesh=_sc_mesh(),
        scratch_types=[pltpu.VMEM((SUB,), jnp.int32),
                       pltpu.VMEM((SUB,), jnp.int32),
                       pltpu.VMEM((SUB, D_MODEL), jnp.float32),
                       pltpu.VMEM((SUB, D_MODEL), jnp.float32),
                       pltpu.SemaphoreType.DMA,
                       pltpu.SemaphoreType.DMA,
                       pltpu.SemaphoreType.DMA,
                       pltpu.SemaphoreType.DMA],
    )
    def k(y_hbm, pos0_hbm, pos1_hbm, out_hbm, i0_v, i1_v, a_v, b_v,
          s0, s1, s2, s3):
        wid = lax.axis_index("s") * _SC_CORES + lax.axis_index("c")

        for sub in range(t_per_w // SUB):
            base = wid * t_per_w + sub * SUB
            p0 = pltpu.async_copy(pos0_hbm.at[pl.ds(base, SUB)], i0_v, s2)
            p1 = pltpu.async_copy(pos1_hbm.at[pl.ds(base, SUB)], i1_v, s3)
            p0.wait()
            c0 = pltpu.async_copy(y_hbm.at[i0_v], a_v, s0)
            p1.wait()
            c1 = pltpu.async_copy(y_hbm.at[i1_v], b_v, s1)
            c0.wait()
            c1.wait()

            @pl.loop(0, SUB)
            def _(r):
                for c in range(0, D_MODEL, _LANES):
                    a_v[r, pl.ds(c, _LANES)] = (a_v[r, pl.ds(c, _LANES)]
                                                + b_v[r, pl.ds(c, _LANES)])

            pltpu.sync_copy(a_v, out_hbm.at[pl.ds(base, SUB)])

    return k(y, pos0, pos1)


def _grouped_body(be_ref, nb_ref, disp_ref, W1_ref, b1_ref, W2_ref, b2_ref,
                  wgt_ref, y_ref, W1c, W2c):
    i = pl.program_id(0)

    @pl.when(i < nb_ref[0])
    def _():
        prev = be_ref[jnp.maximum(i - 1, 0)]

        @pl.when((i == 0) | (be_ref[i] != prev))
        def _():
            W1c[...] = W1_ref[0].astype(jnp.bfloat16)
            W2c[...] = W2_ref[0].astype(jnp.bfloat16)

        xs = disp_ref[...].astype(jnp.bfloat16)
        h = jnp.maximum(
            jnp.dot(xs, W1c[...], preferred_element_type=jnp.float32)
            + b1_ref[0], 0.0)
        o = (jnp.dot(h.astype(jnp.bfloat16), W2c[...],
                     preferred_element_type=jnp.float32) + b2_ref[0])
        y_ref[...] = o * wgt_ref[:, 0:1]


def _grouped_matmul(be, nb, disp, W1, b1r, W2, b2r, wgt16):
    grid_spec = pltpu.PrefetchScalarGridSpec(
        num_scalar_prefetch=2,
        grid=(NBMAX,),
        in_specs=[
            pl.BlockSpec((BT, D_MODEL),
                         lambda i, be, nb: (jnp.minimum(i, nb[0] - 1), 0)),
            pl.BlockSpec((1, D_MODEL, D_MODEL),
                         lambda i, be, nb: (be[jnp.minimum(i, nb[0] - 1)], 0, 0)),
            pl.BlockSpec((1, 1, D_MODEL), lambda i, be, nb: (be[jnp.minimum(i, nb[0] - 1)], 0, 0)),
            pl.BlockSpec((1, D_MODEL, D_MODEL),
                         lambda i, be, nb: (be[jnp.minimum(i, nb[0] - 1)], 0, 0)),
            pl.BlockSpec((1, 1, D_MODEL), lambda i, be, nb: (be[jnp.minimum(i, nb[0] - 1)], 0, 0)),
            pl.BlockSpec((BT, 128),
                         lambda i, be, nb: (jnp.minimum(i, nb[0] - 1), 0)),
        ],
        out_specs=pl.BlockSpec(
            (BT, D_MODEL),
            lambda i, be, nb: (jnp.minimum(i, nb[0] - 1), 0)),
        scratch_shapes=[pltpu.VMEM((D_MODEL, D_MODEL), jnp.bfloat16),
                        pltpu.VMEM((D_MODEL, D_MODEL), jnp.bfloat16)],
    )
    return pl.pallas_call(
        _grouped_body,
        grid_spec=grid_spec,
        out_shape=jax.ShapeDtypeStruct((M_ROWS, D_MODEL), jnp.float32),
    )(be, nb, disp, W1, b1r, W2, b2r, wgt16)


@jax.jit
def kernel(x, gate_W, gate_b, W1, b1, W2, b2):
    b1r = b1.reshape(N_EXPERTS, 1, D_MODEL)
    b2r = b2.reshape(N_EXPERTS, 1, D_MODEL)

    pos0, pos1, w0, w1, be, nb = _router(x, gate_W, gate_b)
    pos0f, pos1f = pos0.reshape(-1), pos1.reshape(-1)

    disp, wgt16 = _sc_dispatch(x, pos0f, pos1f,
                               w0.reshape(-1), w1.reshape(-1))
    y = _grouped_matmul(be.reshape(-1), nb.reshape(-1), disp,
                        W1, b1r, W2, b2r, wgt16)
    return _sc_combine(y, pos0f, pos1f)

# --- scband reference (transcript-rebuilt; emitter-appended) ---
"""Pipeline reference for scband-mo-elayer-50740743635377 (READ-ONLY COPY).

The authoritative reference and input builder live on the scoring server;
editing this copy changes nothing except your own understanding.
"""

import jax, jax.numpy as jnp
import numpy as np

N_TOK = 2048
D_IN = 1024
D_OUT = 1024
N_EXP = 8
TOP_K = 2


def setup_inputs(seed: int = 0) -> dict:
    key = jax.random.key(seed)
    ks = jax.random.split(key, 8)
    x = jax.random.normal(ks[0], (N_TOK, D_IN), dtype=jnp.float32)
    gate_W = jax.random.normal(ks[1], (N_EXP, D_IN), dtype=jnp.float32) * 0.02
    gate_b = jnp.zeros((N_EXP,), dtype=jnp.float32)
    # Expert nets: Linear(D_IN, D_OUT) -> ReLU -> Linear(D_OUT, D_OUT), stacked over experts
    W1 = jax.random.normal(ks[2], (N_EXP, D_IN, D_OUT), dtype=jnp.float32) * 0.02
    b1 = jnp.zeros((N_EXP, D_OUT), dtype=jnp.float32)
    W2 = jax.random.normal(ks[3], (N_EXP, D_OUT, D_OUT), dtype=jnp.float32) * 0.02
    b2 = jnp.zeros((N_EXP, D_OUT), dtype=jnp.float32)
    return {"x": x, "gate_W": gate_W, "gate_b": gate_b, "W1": W1, "b1": b1, "W2": W2, "b2": b2}


def reference(x, gate_W, gate_b, W1, b1, W2, b2):
    # NoisyTopKGating in eval mode: no noise added
    logits = x @ gate_W.T + gate_b  # [N, E]
    top_vals, top_idx = jax.lax.top_k(logits, TOP_K)  # [N, k]
    full = jnp.full(logits.shape, -jnp.inf, dtype=logits.dtype)
    row_idx = jnp.arange(logits.shape[0])[:, None]
    full = full.at[row_idx, top_idx].set(top_vals)
    gate_probs = jax.nn.softmax(full, axis=-1)  # [N, E], zero for non-selected experts
    # Expert computation: equivalent to masked dispatch + index_add, since
    # non-selected experts have gate weight exactly 0.
    h = jax.nn.relu(jnp.einsum('nd,edh->neh', x, W1) + b1[None, :, :])  # [N, E, H]
    expert_out = jnp.einsum('neh,eho->neo', h, W2) + b2[None, :, :]  # [N, E, D_OUT]
    final = jnp.einsum('neo,ne->no', expert_out, gate_probs)  # [N, D_OUT]
    return final

if __name__ == "__main__":
    import jax
    _d = setup_inputs()
    print(jax.jit(kernel)(*tuple(_d.values())))

</pallas_src>

<mosaic_0001>
#map = affine_map<(d0, d1) -> (0, 0)>
#map1 = affine_map<(d0, d1) -> (0)>
module attributes {stable_mosaic.version = 14 : i64} {
  func.func @k(%arg0: i32, %arg1: i32, %arg2: memref<2048x1024xf32, #tpu.memory_space<hbm>>, %arg3: memref<2048xi32, #tpu.memory_space<hbm>>, %arg4: memref<2048xi32, #tpu.memory_space<hbm>>, %arg5: memref<2048xf32, #tpu.memory_space<hbm>>, %arg6: memref<2048xf32, #tpu.memory_space<hbm>>, %arg7: memref<5888x1024xf32, #tpu.memory_space<hbm>>, %arg8: memref<5888x128xf32, #tpu.memory_space<hbm>>, %arg9: memref<64xi32, #tpu.memory_space<vmem>>, %arg10: memref<64xi32, #tpu.memory_space<vmem>>, %arg11: memref<64x1024xf32, #tpu.memory_space<vmem>>, %arg12: memref<64xf32, #tpu.memory_space<vmem>>, %arg13: memref<64xf32, #tpu.memory_space<vmem>>, %arg14: memref<64x128xf32, #tpu.memory_space<vmem>>, %arg15: memref<64x128xf32, #tpu.memory_space<vmem>>, %arg16: memref<!tpu.dma_semaphore, #tpu.memory_space<semaphore_mem>>, %arg17: memref<!tpu.dma_semaphore, #tpu.memory_space<semaphore_mem>>, %arg18: memref<!tpu.dma_semaphore, #tpu.memory_space<semaphore_mem>>, %arg19: memref<!tpu.dma_semaphore, #tpu.memory_space<semaphore_mem>>, %arg20: memref<!tpu.dma_semaphore, #tpu.memory_space<semaphore_mem>>, %arg21: memref<!tpu.dma_semaphore, #tpu.memory_space<semaphore_mem>>, %arg22: memref<!tpu.dma_semaphore, #tpu.memory_space<semaphore_mem>>, %arg23: memref<!tpu.dma_semaphore, #tpu.memory_space<semaphore_mem>>, %arg24: memref<!tpu.dma_semaphore, #tpu.memory_space<semaphore_mem>>) attributes {dimension_semantics = [#tpu.dimension_semantics<core_parallel>, #tpu.dimension_semantics<subcore_parallel>], iteration_bounds = array<i64: 2, 16>, scalar_prefetch = 0 : i64, scratch_operands = 16 : i64, tpu.core_type = #tpu.core_type<sc_vector_subcore>, window_params = [{transform_indices = #map}, {transform_indices = #map1}, {transform_indices = #map1}, {transform_indices = #map1}, {transform_indices = #map1}, {transform_indices = #map}, {transform_indices = #map}]} {
    %mul3A = arith.constant 2 : i32
    %mul3A_0 = arith.muli %arg1, %mul3A : i32
    %add3A = arith.addi %mul3A_0, %arg0 : i32
    %mul3A_1 = arith.constant 64 : i32
    %mul3A_2 = arith.muli %add3A, %mul3A_1 : i32
    %dma_start3A = tpu.memref_slice %arg3[%mul3A_2] : memref<2048xi32, #tpu.memory_space<hbm>> -> memref<64xi32, #tpu.memory_space<hbm>>
    %dma_start3A_3 = tpu.memref_slice %arg3[%mul3A_2] : memref<2048xi32, #tpu.memory_space<hbm>> -> memref<64xi32, #tpu.memory_space<hbm>>
    tpu.enqueue_dma source(%dma_start3A_3 : memref<64xi32, #tpu.memory_space<hbm>>) target(%arg9 : memref<64xi32, #tpu.memory_space<vmem>>) target_semaphore(%arg16 : memref<!tpu.dma_semaphore, #tpu.memory_space<semaphore_mem>>)
    %dma_start3A_4 = tpu.memref_slice %arg4[%mul3A_2] : memref<2048xi32, #tpu.memory_space<hbm>> -> memref<64xi32, #tpu.memory_space<hbm>>
    %dma_start3A_5 = tpu.memref_slice %arg4[%mul3A_2] : memref<2048xi32, #tpu.memory_space<hbm>> -> memref<64xi32, #tpu.memory_space<hbm>>
    tpu.enqueue_dma source(%dma_start3A_5 : memref<64xi32, #tpu.memory_space<hbm>>) target(%arg10 : memref<64xi32, #tpu.memory_space<vmem>>) target_semaphore(%arg17 : memref<!tpu.dma_semaphore, #tpu.memory_space<semaphore_mem>>)
    %dma_start3A_6 = arith.constant 0 : i32
    %dma_start3A_7 = tpu.memref_slice %arg2[%mul3A_2, %dma_start3A_6] : memref<2048x1024xf32, #tpu.memory_space<hbm>> -> memref<64x1024xf32, #tpu.memory_space<hbm>>
    %dma_start3A_8 = arith.constant 0 : i32
    %dma_start3A_9 = tpu.memref_slice %arg2[%mul3A_2, %dma_start3A_8] : memref<2048x1024xf32, #tpu.memory_space<hbm>> -> memref<64x1024xf32, #tpu.memory_space<hbm>>
    tpu.enqueue_dma source(%dma_start3A_9 : memref<64x1024xf32, #tpu.memory_space<hbm>>) target(%arg11 : memref<64x1024xf32, #tpu.memory_space<vmem>>) target_semaphore(%arg18 : memref<!tpu.dma_semaphore, #tpu.memory_space<semaphore_mem>>)
    %dma_start3A_10 = tpu.memref_slice %arg5[%mul3A_2] : memref<2048xf32, #tpu.memory_space<hbm>> -> memref<64xf32, #tpu.memory_space<hbm>>
    %dma_start3A_11 = tpu.memref_slice %arg5[%mul3A_2] : memref<2048xf32, #tpu.memory_space<hbm>> -> memref<64xf32, #tpu.memory_space<hbm>>
    tpu.enqueue_dma source(%dma_start3A_11 : memref<64xf32, #tpu.memory_space<hbm>>) target(%arg12 : memref<64xf32, #tpu.memory_space<vmem>>) target_semaphore(%arg19 : memref<!tpu.dma_semaphore, #tpu.memory_space<semaphore_mem>>)
    %dma_start3A_12 = tpu.memref_slice %arg6[%mul3A_2] : memref<2048xf32, #tpu.memory_space<hbm>> -> memref<64xf32, #tpu.memory_space<hbm>>
    %dma_start3A_13 = tpu.memref_slice %arg6[%mul3A_2] : memref<2048xf32, #tpu.memory_space<hbm>> -> memref<64xf32, #tpu.memory_space<hbm>>
    tpu.enqueue_dma source(%dma_start3A_13 : memref<64xf32, #tpu.memory_space<hbm>>) target(%arg13 : memref<64xf32, #tpu.memory_space<vmem>>) target_semaphore(%arg20 : memref<!tpu.dma_semaphore, #tpu.memory_space<semaphore_mem>>)
    %dma_wait3A = arith.constant 0 : i32
    %dma_wait3A_14 = tpu.memref_slice %arg2[%mul3A_2, %dma_wait3A] : memref<2048x1024xf32, #tpu.memory_space<hbm>> -> memref<64x1024xf32, #tpu.memory_space<hbm>>
    %dma_wait3A_15 = arith.constant 0 : i32
    %dma_wait3A_16 = tpu.memref_slice %arg2[%mul3A_2, %dma_wait3A_15] : memref<2048x1024xf32, #tpu.memory_space<hbm>> -> memref<64x1024xf32, #tpu.memory_space<hbm>>
    tpu.wait_dma2 semaphore(%arg18 : memref<!tpu.dma_semaphore, #tpu.memory_space<semaphore_mem>>) src(%dma_wait3A_16 : memref<64x1024xf32, #tpu.memory_space<hbm>>) dst(%arg11 : memref<64x1024xf32, #tpu.memory_space<vmem>>)
    %dma_wait3A_17 = tpu.memref_slice %arg3[%mul3A_2] : memref<2048xi32, #tpu.memory_space<hbm>> -> memref<64xi32, #tpu.memory_space<hbm>>
    %dma_wait3A_18 = tpu.memref_slice %arg3[%mul3A_2] : memref<2048xi32, #tpu.memory_space<hbm>> -> memref<64xi32, #tpu.memory_space<hbm>>
    tpu.wait_dma2 semaphore(%arg16 : memref<!tpu.dma_semaphore, #tpu.memory_space<semaphore_mem>>) src(%dma_wait3A_18 : memref<64xi32, #tpu.memory_space<hbm>>) dst(%arg9 : memref<64xi32, #tpu.memory_space<vmem>>)
    %dma_start3A_19 = arith.constant 0 : i32
    %dma_start3A_20 = arith.constant 0 : i32
    %dma_start3A_21 = tpu.memref_slice %arg7[%dma_start3A_19, %dma_start3A_20] : memref<5888x1024xf32, #tpu.memory_space<hbm>> -> memref<5888x1024xf32, #tpu.memory_space<hbm>>
    tpu.enqueue_indirect_dma source(%arg11 : memref<64x1024xf32, #tpu.memory_space<vmem>>) target(%dma_start3A_21 : memref<5888x1024xf32, #tpu.memory_space<hbm>>) offsets(%arg9 : memref<64xi32, #tpu.memory_space<vmem>>) semaphore(%arg21 : memref<!tpu.dma_semaphore, #tpu.memory_space<semaphore_mem>>)
    %dma_wait3A_22 = tpu.memref_slice %arg4[%mul3A_2] : memref<2048xi32, #tpu.memory_space<hbm>> -> memref<64xi32, #tpu.memory_space<hbm>>
    %dma_wait3A_23 = tpu.memref_slice %arg4[%mul3A_2] : memref<2048xi32, #tpu.memory_space<hbm>> -> memref<64xi32, #tpu.memory_space<hbm>>
    tpu.wait_dma2 semaphore(%arg17 : memref<!tpu.dma_semaphore, #tpu.memory_space<semaphore_mem>>) src(%dma_wait3A_23 : memref<64xi32, #tpu.memory_space<hbm>>) dst(%arg10 : memref<64xi32, #tpu.memory_space<vmem>>)
    %dma_start3A_24 = arith.constant 0 : i32
    %dma_start3A_25 = arith.constant 0 : i32
    %dma_start3A_26 = tpu.memref_slice %arg7[%dma_start3A_24, %dma_start3A_25] : memref<5888x1024xf32, #tpu.memory_space<hbm>> -> memref<5888x1024xf32, #tpu.memory_space<hbm>>
    tpu.enqueue_indirect_dma source(%arg11 : memref<64x1024xf32, #tpu.memory_space<vmem>>) target(%dma_start3A_26 : memref<5888x1024xf32, #tpu.memory_space<hbm>>) offsets(%arg10 : memref<64xi32, #tpu.memory_space<vmem>>) semaphore(%arg22 : memref<!tpu.dma_semaphore, #tpu.memory_space<semaphore_mem>>)
    %dma_wait3A_27 = tpu.memref_slice %arg5[%mul3A_2] : memref<2048xf32, #tpu.memory_space<hbm>> -> memref<64xf32, #tpu.memory_space<hbm>>
    %dma_wait3A_28 = tpu.memref_slice %arg5[%mul3A_2] : memref<2048xf32, #tpu.memory_space<hbm>> -> memref<64xf32, #tpu.memory_space<hbm>>
    tpu.wait_dma2 semaphore(%arg19 : memref<!tpu.dma_semaphore, #tpu.memory_space<semaphore_mem>>) src(%dma_wait3A_28 : memref<64xf32, #tpu.memory_space<hbm>>) dst(%arg12 : memref<64xf32, #tpu.memory_space<vmem>>)
    %scan3A = arith.constant 0 : i32
    %scan3A_29 = arith.constant 64 : i32
    %scan3A_30 = arith.addi %scan3A, %scan3A_29 : i32
    %scan3A_31 = arith.constant 1 : i32
    scf.for %scan3A_58 = %scan3A to %scan3A_30 step %scan3A_31  : i32 {
      %mul3A_59 = arith.constant 1 : i32
      %mul3A_60 = arith.muli %scan3A_58, %mul3A_59 : i32
      %add3A_61 = arith.constant 0 : i32
      %add3A_62 = arith.addi %add3A_61, %mul3A_60 : i32
      %broadcast_in_dim3A = vector.broadcast %add3A_62 : i32 to vector<16xi32>
      %gather3A = tpu.vector_load_idx %arg12[%broadcast_in_dim3A] : memref<64xf32, #tpu.memory_space<vmem>>[vector<16xi32>], vector<16xf32>,
      %swap3A = arith.index_cast %add3A_62 : i32 to index
      %swap3A_63 = arith.constant 0 : index
      %swap3A_64 = tpu.vector_load %arg14[%swap3A, %swap3A_63] {strides = array<i32>} : memref<64x128xf32, #tpu.memory_space<vmem>>, vector<16xf32>,
      tpu.vector_store %arg14[%swap3A, %swap3A_63], %gather3A {strides = array<i32>} : memref<64x128xf32, #tpu.memory_space<vmem>>, vector<16xf32>,
      %swap3A_65 = arith.index_cast %add3A_62 : i32 to index
      %swap3A_66 = arith.constant 16 : index
      %swap3A_67 = tpu.vector_load %arg14[%swap3A_65, %swap3A_66] {strides = array<i32>} : memref<64x128xf32, #tpu.memory_space<vmem>>, vector<16xf32>,
      tpu.vector_store %arg14[%swap3A_65, %swap3A_66], %gather3A {strides = array<i32>} : memref<64x128xf32, #tpu.memory_space<vmem>>, vector<16xf32>,
      %swap3A_68 = arith.index_cast %add3A_62 : i32 to index
      %swap3A_69 = arith.constant 32 : index
      %swap3A_70 = tpu.vector_load %arg14[%swap3A_68, %swap3A_69] {strides = array<i32>} : memref<64x128xf32, #tpu.memory_space<vmem>>, vector<16xf32>,
      tpu.vector_store %arg14[%swap3A_68, %swap3A_69], %gather3A {strides = array<i32>} : memref<64x128xf32, #tpu.memory_space<vmem>>, vector<16xf32>,
      %swap3A_71 = arith.index_cast %add3A_62 : i32 to index
      %swap3A_72 = arith.constant 48 : index
      %swap3A_73 = tpu.vector_load %arg14[%swap3A_71, %swap3A_72] {strides = array<i32>} : memref<64x128xf32, #tpu.memory_space<vmem>>, vector<16xf32>,
      tpu.vector_store %arg14[%swap3A_71, %swap3A_72], %gather3A {strides = array<i32>} : memref<64x128xf32, #tpu.memory_space<vmem>>, vector<16xf32>,
      %swap3A_74 = arith.index_cast %add3A_62 : i32 to index
      %swap3A_75 = arith.constant 64 : index
      %swap3A_76 = tpu.vector_load %arg14[%swap3A_74, %swap3A_75] {strides = array<i32>} : memref<64x128xf32, #tpu.memory_space<vmem>>, vector<16xf32>,
      tpu.vector_store %arg14[%swap3A_74, %swap3A_75], %gather3A {strides = array<i32>} : memref<64x128xf32, #tpu.memory_space<vmem>>, vector<16xf32>,
      %swap3A_77 = arith.index_cast %add3A_62 : i32 to index
      %swap3A_78 = arith.constant 80 : index
      %swap3A_79 = tpu.vector_load %arg14[%swap3A_77, %swap3A_78] {strides = array<i32>} : memref<64x128xf32, #tpu.memory_space<vmem>>, vector<16xf32>,
      tpu.vector_store %arg14[%swap3A_77, %swap3A_78], %gather3A {strides = array<i32>} : memref<64x128xf32, #tpu.memory_space<vmem>>, vector<16xf32>,
      %swap3A_80 = arith.index_cast %add3A_62 : i32 to index
      %swap3A_81 = arith.constant 96 : index
      %swap3A_82 = tpu.vector_load %arg14[%swap3A_80, %swap3A_81] {strides = array<i32>} : memref<64x128xf32, #tpu.memory_space<vmem>>, vector<16xf32>,
      tpu.vector_store %arg14[%swap3A_80, %swap3A_81], %gather3A {strides = array<i32>} : memref<64x128xf32, #tpu.memory_space<vmem>>, vector<16xf32>,
      %swap3A_83 = arith.index_cast %add3A_62 : i32 to index
      %swap3A_84 = arith.constant 112 : index
      %swap3A_85 = tpu.vector_load %arg14[%swap3A_83, %swap3A_84] {strides = array<i32>} : memref<64x128xf32, #tpu.memory_space<vmem>>, vector<16xf32>,
      tpu.vector_store %arg14[%swap3A_83, %swap3A_84], %gather3A {strides = array<i32>} : memref<64x128xf32, #tpu.memory_space<vmem>>, vector<16xf32>,
    }
    %scan3A_32 = arith.constant 64 : i32
    %dma_start3A_33 = arith.constant 0 : i32
    %dma_start3A_34 = arith.constant 0 : i32
    %dma_start3A_35 = tpu.memref_slice %arg8[%dma_start3A_33, %dma_start3A_34] : memref<5888x128xf32, #tpu.memory_space<hbm>> -> memref<5888x128xf32, #tpu.memory_space<hbm>>
    tpu.enqueue_indirect_dma source(%arg14 : memref<64x128xf32, #tpu.memory_space<vmem>>) target(%dma_start3A_35 : memref<5888x128xf32, #tpu.memory_space<hbm>>) offsets(%arg9 : memref<64xi32, #tpu.memory_space<vmem>>) semaphore(%arg23 : memref<!tpu.dma_semaphore, #tpu.memory_space<semaphore_mem>>)
    %dma_wait3A_36 = tpu.memref_slice %arg6[%mul3A_2] : memref<2048xf32, #tpu.memory_space<hbm>> -> memref<64xf32, #tpu.memory_space<hbm>>
    %dma_wait3A_37 = tpu.memref_slice %arg6[%mul3A_2] : memref<2048xf32, #tpu.memory_space<hbm>> -> memref<64xf32, #tpu.memory_space<hbm>>
    tpu.wait_dma2 semaphore(%arg20 : memref<!tpu.dma_semaphore, #tpu.memory_space<semaphore_mem>>) src(%dma_wait3A_37 : memref<64xf32, #tpu.memory_space<hbm>>) dst(%arg13 : memref<64xf32, #tpu.memory_space<vmem>>)
    %scan3A_38 = arith.constant 0 : i32
    %scan3A_39 = arith.constant 64 : i32
    %scan3A_40 = arith.addi %scan3A_38, %scan3A_39 : i32
    %scan3A_41 = arith.constant 1 : i32
    scf.for %scan3A_58 = %scan3A_38 to %scan3A_40 step %scan3A_41  : i32 {
      %mul3A_59 = arith.constant 1 : i32
      %mul3A_60 = arith.muli %scan3A_58, %mul3A_59 : i32
      %add3A_61 = arith.constant 0 : i32
      %add3A_62 = arith.addi %add3A_61, %mul3A_60 : i32
      %broadcast_in_dim3A = vector.broadcast %add3A_62 : i32 to vector<16xi32>
      %gather3A = tpu.vector_load_idx %arg13[%broadcast_in_dim3A] : memref<64xf32, #tpu.memory_space<vmem>>[vector<16xi32>], vector<16xf32>,
      %swap3A = arith.index_cast %add3A_62 : i32 to index
      %swap3A_63 = arith.constant 0 : index
      %swap3A_64 = tpu.vector_load %arg15[%swap3A, %swap3A_63] {strides = array<i32>} : memref<64x128xf32, #tpu.memory_space<vmem>>, vector<16xf32>,
      tpu.vector_store %arg15[%swap3A, %swap3A_63], %gather3A {strides = array<i32>} : memref<64x128xf32, #tpu.memory_space<vmem>>, vector<16xf32>,
      %swap3A_65 = arith.index_cast %add3A_62 : i32 to index
      %swap3A_66 = arith.constant 16 : index
      %swap3A_67 = tpu.vector_load %arg15[%swap3A_65, %swap3A_66] {strides = array<i32>} : memref<64x128xf32, #tpu.memory_space<vmem>>, vector<16xf32>,
      tpu.vector_store %arg15[%swap3A_65, %swap3A_66], %gather3A {strides = array<i32>} : memref<64x128xf32, #tpu.memory_space<vmem>>, vector<16xf32>,
      %swap3A_68 = arith.index_cast %add3A_62 : i32 to index
      %swap3A_69 = arith.constant 32 : index
      %swap3A_70 = tpu.vector_load %arg15[%swap3A_68, %swap3A_69] {strides = array<i32>} : memref<64x128xf32, #tpu.memory_space<vmem>>, vector<16xf32>,
      tpu.vector_store %arg15[%swap3A_68, %swap3A_69], %gather3A {strides = array<i32>} : memref<64x128xf32, #tpu.memory_space<vmem>>, vector<16xf32>,
      %swap3A_71 = arith.index_cast %add3A_62 : i32 to index
      %swap3A_72 = arith.constant 48 : index
      %swap3A_73 = tpu.vector_load %arg15[%swap3A_71, %swap3A_72] {strides = array<i32>} : memref<64x128xf32, #tpu.memory_space<vmem>>, vector<16xf32>,
      tpu.vector_store %arg15[%swap3A_71, %swap3A_72], %gather3A {strides = array<i32>} : memref<64x128xf32, #tpu.memory_space<vmem>>, vector<16xf32>,
      %swap3A_74 = arith.index_cast %add3A_62 : i32 to index
      %swap3A_75 = arith.constant 64 : index
      %swap3A_76 = tpu.vector_load %arg15[%swap3A_74, %swap3A_75] {strides = array<i32>} : memref<64x128xf32, #tpu.memory_space<vmem>>, vector<16xf32>,
      tpu.vector_store %arg15[%swap3A_74, %swap3A_75], %gather3A {strides = array<i32>} : memref<64x128xf32, #tpu.memory_space<vmem>>, vector<16xf32>,
      %swap3A_77 = arith.index_cast %add3A_62 : i32 to index
      %swap3A_78 = arith.constant 80 : index
      %swap3A_79 = tpu.vector_load %arg15[%swap3A_77, %swap3A_78] {strides = array<i32>} : memref<64x128xf32, #tpu.memory_space<vmem>>, vector<16xf32>,
      tpu.vector_store %arg15[%swap3A_77, %swap3A_78], %gather3A {strides = array<i32>} : memref<64x128xf32, #tpu.memory_space<vmem>>, vector<16xf32>,
      %swap3A_80 = arith.index_cast %add3A_62 : i32 to index
      %swap3A_81 = arith.constant 96 : index
      %swap3A_82 = tpu.vector_load %arg15[%swap3A_80, %swap3A_81] {strides = array<i32>} : memref<64x128xf32, #tpu.memory_space<vmem>>, vector<16xf32>,
      tpu.vector_store %arg15[%swap3A_80, %swap3A_81], %gather3A {strides = array<i32>} : memref<64x128xf32, #tpu.memory_space<vmem>>, vector<16xf32>,
      %swap3A_83 = arith.index_cast %add3A_62 : i32 to index
      %swap3A_84 = arith.constant 112 : index
      %swap3A_85 = tpu.vector_load %arg15[%swap3A_83, %swap3A_84] {strides = array<i32>} : memref<64x128xf32, #tpu.memory_space<vmem>>, vector<16xf32>,
      tpu.vector_store %arg15[%swap3A_83, %swap3A_84], %gather3A {strides = array<i32>} : memref<64x128xf32, #tpu.memory_space<vmem>>, vector<16xf32>,
    }
    %scan3A_42 = arith.constant 64 : i32
    %dma_start3A_43 = arith.constant 0 : i32
    %dma_start3A_44 = arith.constant 0 : i32
    %dma_start3A_45 = tpu.memref_slice %arg8[%dma_start3A_43, %dma_start3A_44] : memref<5888x128xf32, #tpu.memory_space<hbm>> -> memref<5888x128xf32, #tpu.memory_space<hbm>>
    tpu.enqueue_indirect_dma source(%arg15 : memref<64x128xf32, #tpu.memory_space<vmem>>) target(%dma_start3A_45 : memref<5888x128xf32, #tpu.memory_space<hbm>>) offsets(%arg10 : memref<64xi32, #tpu.memory_space<vmem>>) semaphore(%arg24 : memref<!tpu.dma_semaphore, #tpu.memory_space<semaphore_mem>>)
    %dma_wait3A_46 = arith.constant 0 : i32
    %dma_wait3A_47 = arith.constant 0 : i32
    %dma_wait3A_48 = tpu.memref_slice %arg7[%dma_wait3A_46, %dma_wait3A_47] : memref<5888x1024xf32, #tpu.memory_space<hbm>> -> memref<5888x1024xf32, #tpu.memory_space<hbm>>
    tpu.wait_indirect_dma semaphore(%arg21 : memref<!tpu.dma_semaphore, #tpu.memory_space<semaphore_mem>>) src(%arg11 : memref<64x1024xf32, #tpu.memory_space<vmem>>) dst(%dma_wait3A_48 : memref<5888x1024xf32, #tpu.memory_space<hbm>>)
    %dma_wait3A_49 = arith.constant 0 : i32
    %dma_wait3A_50 = arith.constant 0 : i32
    %dma_wait3A_51 = tpu.memref_slice %arg7[%dma_wait3A_49, %dma_wait3A_50] : memref<5888x1024xf32, #tpu.memory_space<hbm>> -> memref<5888x1024xf32, #tpu.memory_space<hbm>>
    tpu.wait_indirect_dma semaphore(%arg22 : memref<!tpu.dma_semaphore, #tpu.memory_space<semaphore_mem>>) src(%arg11 : memref<64x1024xf32, #tpu.memory_space<vmem>>) dst(%dma_wait3A_51 : memref<5888x1024xf32, #tpu.memory_space<hbm>>)
    %dma_wait3A_52 = arith.constant 0 : i32
    %dma_wait3A_53 = arith.constant 0 : i32
    %dma_wait3A_54 = tpu.memref_slice %arg8[%dma_wait3A_52, %dma_wait3A_53] : memref<5888x128xf32, #tpu.memory_space<hbm>> -> memref<5888x128xf32, #tpu.memory_space<hbm>>
    tpu.wait_indirect_dma semaphore(%arg23 : memref<!tpu.dma_semaphore, #tpu.memory_space<semaphore_mem>>) src(%arg14 : memref<64x128xf32, #tpu.memory_space<vmem>>) dst(%dma_wait3A_54 : memref<5888x128xf32, #tpu.memory_space<hbm>>)
    %dma_wait3A_55 = arith.constant 0 : i32
    %dma_wait3A_56 = arith.constant 0 : i32
    %dma_wait3A_57 = tpu.memref_slice %arg8[%dma_wait3A_55, %dma_wait3A_56] : memref<5888x128xf32, #tpu.memory_space<hbm>> -> memref<5888x128xf32, #tpu.memory_space<hbm>>
    tpu.wait_indirect_dma semaphore(%arg24 : memref<!tpu.dma_semaphore, #tpu.memory_space<semaphore_mem>>) src(%arg15 : memref<64x128xf32, #tpu.memory_space<vmem>>) dst(%dma_wait3A_57 : memref<5888x128xf32, #tpu.memory_space<hbm>>)
    return
  }
}

#map = affine_map<(d0, d1) -> (0, 0)>
#map1 = affine_map<(d0, d1) -> (0)>
module attributes {stable_mosaic.version = 14 : i64} {
  func.func @k(%arg0: i32, %arg1: i32, %arg2: memref<5888x1024xf32, #tpu.memory_space<hbm>>, %arg3: memref<2048xi32, #tpu.memory_space<hbm>>, %arg4: memref<2048xi32, #tpu.memory_space<hbm>>, %arg5: memref<2048x1024xf32, #tpu.memory_space<hbm>>, %arg6: memref<32xi32, #tpu.memory_space<vmem>>, %arg7: memref<32xi32, #tpu.memory_space<vmem>>, %arg8: memref<32x1024xf32, #tpu.memory_space<vmem>>, %arg9: memref<32x1024xf32, #tpu.memory_space<vmem>>, %arg10: memref<!tpu.dma_semaphore, #tpu.memory_space<semaphore_mem>>, %arg11: memref<!tpu.dma_semaphore, #tpu.memory_space<semaphore_mem>>, %arg12: memref<!tpu.dma_semaphore, #tpu.memory_space<semaphore_mem>>, %arg13: memref<!tpu.dma_semaphore, #tpu.memory_space<semaphore_mem>>) attributes {dimension_semantics = [#tpu.dimension_semantics<core_parallel>, #tpu.dimension_semantics<subcore_parallel>], iteration_bounds = array<i64: 2, 16>, scalar_prefetch = 0 : i64, scratch_operands = 8 : i64, tpu.core_type = #tpu.core_type<sc_vector_subcore>, window_params = [{transform_indices = #map}, {transform_indices = #map1}, {transform_indices = #map1}, {transform_indices = #map}]} {
    %mul3A = arith.constant 2 : i32
    %mul3A_0 = arith.muli %arg1, %mul3A : i32
    %add3A = arith.addi %mul3A_0, %arg0 : i32
    %mul3A_1 = arith.constant 64 : i32
    %mul3A_2 = arith.muli %add3A, %mul3A_1 : i32
    %add3A_3 = arith.constant 0 : i32
    %add3A_4 = arith.addi %mul3A_2, %add3A_3 : i32
    %dma_start3A = tpu.memref_slice %arg3[%add3A_4] : memref<2048xi32, #tpu.memory_space<hbm>> -> memref<32xi32, #tpu.memory_space<hbm>>
    %dma_start3A_5 = tpu.memref_slice %arg3[%add3A_4] : memref<2048xi32, #tpu.memory_space<hbm>> -> memref<32xi32, #tpu.memory_space<hbm>>
    tpu.enqueue_dma source(%dma_start3A_5 : memref<32xi32, #tpu.memory_space<hbm>>) target(%arg6 : memref<32xi32, #tpu.memory_space<vmem>>) target_semaphore(%arg12 : memref<!tpu.dma_semaphore, #tpu.memory_space<semaphore_mem>>)
    %dma_start3A_6 = tpu.memref_slice %arg4[%add3A_4] : memref<2048xi32, #tpu.memory_space<hbm>> -> memref<32xi32, #tpu.memory_space<hbm>>
    %dma_start3A_7 = tpu.memref_slice %arg4[%add3A_4] : memref<2048xi32, #tpu.memory_space<hbm>> -> memref<32xi32, #tpu.memory_space<hbm>>
    tpu.enqueue_dma source(%dma_start3A_7 : memref<32xi32, #tpu.memory_space<hbm>>) target(%arg7 : memref<32xi32, #tpu.memory_space<vmem>>) target_semaphore(%arg13 : memref<!tpu.dma_semaphore, #tpu.memory_space<semaphore_mem>>)
    %dma_wait3A = tpu.memref_slice %arg3[%add3A_4] : memref<2048xi32, #tpu.memory_space<hbm>> -> memref<32xi32, #tpu.memory_space<hbm>>
    %dma_wait3A_8 = tpu.memref_slice %arg3[%add3A_4] : memref<2048xi32, #tpu.memory_space<hbm>> -> memref<32xi32, #tpu.memory_space<hbm>>
    tpu.wait_dma2 semaphore(%arg12 : memref<!tpu.dma_semaphore, #tpu.memory_space<semaphore_mem>>) src(%dma_wait3A_8 : memref<32xi32, #tpu.memory_space<hbm>>) dst(%arg6 : memref<32xi32, #tpu.memory_space<vmem>>)
    %dma_start3A_9 = arith.constant 0 : i32
    %dma_start3A_10 = arith.constant 0 : i32
    %dma_start3A_11 = tpu.memref_slice %arg2[%dma_start3A_9, %dma_start3A_10] : memref<5888x1024xf32, #tpu.memory_space<hbm>> -> memref<5888x1024xf32, #tpu.memory_space<hbm>>
    tpu.enqueue_indirect_dma source(%dma_start3A_11 : memref<5888x1024xf32, #tpu.memory_space<hbm>>) target(%arg8 : memref<32x1024xf32, #tpu.memory_space<vmem>>) offsets(%arg6 : memref<32xi32, #tpu.memory_space<vmem>>) semaphore(%arg10 : memref<!tpu.dma_semaphore, #tpu.memory_space<semaphore_mem>>)
    %dma_wait3A_12 = tpu.memref_slice %arg4[%add3A_4] : memref<2048xi32, #tpu.memory_space<hbm>> -> memref<32xi32, #tpu.memory_space<hbm>>
    %dma_wait3A_13 = tpu.memref_slice %arg4[%add3A_4] : memref<2048xi32, #tpu.memory_space<hbm>> -> memref<32xi32, #tpu.memory_space<hbm>>
    tpu.wait_dma2 semaphore(%arg13 : memref<!tpu.dma_semaphore, #tpu.memory_space<semaphore_mem>>) src(%dma_wait3A_13 : memref<32xi32, #tpu.memory_space<hbm>>) dst(%arg7 : memref<32xi32, #tpu.memory_space<vmem>>)
    %dma_start3A_14 = arith.constant 0 : i32
    %dma_start3A_15 = arith.constant 0 : i32
    %dma_start3A_16 = tpu.memref_slice %arg2[%dma_start3A_14, %dma_start3A_15] : memref<5888x1024xf32, #tpu.memory_space<hbm>> -> memref<5888x1024xf32, #tpu.memory_space<hbm>>
    tpu.enqueue_indirect_dma source(%dma_start3A_16 : memref<5888x1024xf32, #tpu.memory_space<hbm>>) target(%arg9 : memref<32x1024xf32, #tpu.memory_space<vmem>>) offsets(%arg7 : memref<32xi32, #tpu.memory_space<vmem>>) semaphore(%arg11 : memref<!tpu.dma_semaphore, #tpu.memory_space<semaphore_mem>>)
    %dma_wait3A_17 = arith.constant 0 : i32
    %dma_wait3A_18 = arith.constant 0 : i32
    %dma_wait3A_19 = tpu.memref_slice %arg2[%dma_wait3A_17, %dma_wait3A_18] : memref<5888x1024xf32, #tpu.memory_space<hbm>> -> memref<5888x1024xf32, #tpu.memory_space<hbm>>
    tpu.wait_indirect_dma semaphore(%arg10 : memref<!tpu.dma_semaphore, #tpu.memory_space<semaphore_mem>>) src(%dma_wait3A_19 : memref<5888x1024xf32, #tpu.memory_space<hbm>>) dst(%arg8 : memref<32x1024xf32, #tpu.memory_space<vmem>>)
    %dma_wait3A_20 = arith.constant 0 : i32
    %dma_wait3A_21 = arith.constant 0 : i32
    %dma_wait3A_22 = tpu.memref_slice %arg2[%dma_wait3A_20, %dma_wait3A_21] : memref<5888x1024xf32, #tpu.memory_space<hbm>> -> memref<5888x1024xf32, #tpu.memory_space<hbm>>
    tpu.wait_indirect_dma semaphore(%arg11 : memref<!tpu.dma_semaphore, #tpu.memory_space<semaphore_mem>>) src(%dma_wait3A_22 : memref<5888x1024xf32, #tpu.memory_space<hbm>>) dst(%arg9 : memref<32x1024xf32, #tpu.memory_space<vmem>>)
    %scan3A = arith.constant 0 : i32
    %scan3A_23 = arith.constant 32 : i32
    %scan3A_24 = arith.addi %scan3A, %scan3A_23 : i32
    %scan3A_25 = arith.constant 1 : i32
    scf.for %scan3A_56 = %scan3A to %scan3A_24 step %scan3A_25  : i32 {
      %mul3A_57 = arith.constant 1 : i32
      %mul3A_58 = arith.muli %scan3A_56, %mul3A_57 : i32
      %add3A_59 = arith.constant 0 : i32
      %add3A_60 = arith.addi %add3A_59, %mul3A_58 : i32
      %get3A = arith.index_cast %add3A_60 : i32 to index
      %get3A_61 = arith.constant 0 : index
      %get3A_62 = tpu.vector_load %arg8[%get3A, %get3A_61] {strides = array<i32>} : memref<32x1024xf32, #tpu.memory_space<vmem>>, vector<1x16xf32>,
      %get3A_63 = vector.shape_cast %get3A_62 : vector<1x16xf32> to vector<16xf32>
      %get3A_64 = arith.index_cast %add3A_60 : i32 to index
      %get3A_65 = arith.constant 0 : index
      %get3A_66 = tpu.vector_load %arg9[%get3A_64, %get3A_65] {strides = array<i32>} : memref<32x1024xf32, #tpu.memory_space<vmem>>, vector<1x16xf32>,
      %get3A_67 = vector.shape_cast %get3A_66 : vector<1x16xf32> to vector<16xf32>
      %add3A_68 = arith.addf %get3A_63, %get3A_67 : vector<16xf32>
      %swap3A = arith.index_cast %add3A_60 : i32 to index
      %swap3A_69 = arith.constant 0 : index
      %swap3A_70 = tpu.vector_load %arg8[%swap3A, %swap3A_69] {strides = array<i32>} : memref<32x1024xf32, #tpu.memory_space<vmem>>, vector<1x16xf32>,
      %swap3A_71 = vector.shape_cast %swap3A_70 : vector<1x16xf32> to vector<16xf32>
      %swap3A_72 = vector.shape_cast %add3A_68 : vector<16xf32> to vector<1x16xf32>
      tpu.vector_store %arg8[%swap3A, %swap3A_69], %swap3A_72 {strides = array<i32>} : memref<32x1024xf32, #tpu.memory_space<vmem>>, vector<1x16xf32>,
      %get3A_73 = arith.index_cast %add3A_60 : i32 to index
      %get3A_74 = arith.constant 16 : index
      %get3A_75 = tpu.vector_load %arg8[%get3A_73, %get3A_74] {strides = array<i32>} : memref<32x1024xf32, #tpu.memory_space<vmem>>, vector<1x16xf32>,
      %get3A_76 = vector.shape_cast %get3A_75 : vector<1x16xf32> to vector<16xf32>
      %get3A_77 = arith.index_cast %add3A_60 : i32 to index
      %get3A_78 = arith.constant 16 : index
      %get3A_79 = tpu.vector_load %arg9[%get3A_77, %get3A_78] {strides = array<i32>} : memref<32x1024xf32, #tpu.memory_space<vmem>>, vector<1x16xf32>,
      %get3A_80 = vector.shape_cast %get3A_79 : vector<1x16xf32> to vector<16xf32>
      %add3A_81 = arith.addf %get3A_76, %get3A_80 : vector<16xf32>
      %swap3A_82 = arith.index_cast %add3A_60 : i32 to index
      %swap3A_83 = arith.constant 16 : index
      %swap3A_84 = tpu.vector_load %arg8[%swap3A_82, %swap3A_83] {strides = array<i32>} : memref<32x1024xf32, #tpu.memory_space<vmem>>, vector<1x16xf32>,
      %swap3A_85 = vector.shape_cast %swap3A_84 : vector<1x16xf32> to vector<16xf32>
      %swap3A_86 = vector.shape_cast %add3A_81 : vector<16xf32> to vector<1x16xf32>
      tpu.vector_store %arg8[%swap3A_82, %swap3A_83], %swap3A_86 {strides = array<i32>} : memref<32x1024xf32, #tpu.memory_space<vmem>>, vector<1x16xf32>,
      %get3A_87 = arith.index_cast %add3A_60 : i32 to index
      %get3A_88 = arith.constant 32 : index
      %get3A_89 = tpu.vector_load %arg8[%get3A_87, %get3A_88] {strides = array<i32>} : memref<32x1024xf32, #tpu.memory_space<vmem>>, vector<1x16xf32>,
      %get3A_90 = vector.shape_cast %get3A_89 : vector<1x16xf32> to vector<16xf32>
      %get3A_91 = arith.index_cast %add3A_60 : i32 to index
      %get3A_92 = arith.constant 32 : index
      %get3A_93 = tpu.vector_load %arg9[%get3A_91, %get3A_92] {strides = array<i32>} : memref<32x1024xf32, #tpu.memory_space<vmem>>, vector<1x16xf32>,
      %get3A_94 = vector.shape_cast %get3A_93 : vector<1x16xf32> to vector<16xf32>
      %add3A_95 = arith.addf %get3A_90, %get3A_94 : vector<16xf32>
      %swap3A_96 = arith.index_cast %add3A_60 : i32 to index
      %swap3A_97 = arith.constant 32 : index
      %swap3A_98 = tpu.vector_load %arg8[%swap3A_96, %swap3A_97] {strides = array<i32>} : memref<32x1024xf32, #tpu.memory_space<vmem>>, vector<1x16xf32>,
      %swap3A_99 = vector.shape_cast %swap3A_98 : vector<1x16xf32> to vector<16xf32>
      %swap3A_100 = vector.shape_cast %add3A_95 : vector<16xf32> to vector<1x16xf32>
      tpu.vector_store %arg8[%swap3A_96, %swap3A_97], %swap3A_100 {strides = array<i32>} : memref<32x1024xf32, #tpu.memory_space<vmem>>, vector<1x16xf32>,
      %get3A_101 = arith.index_cast %add3A_60 : i32 to index
      %get3A_102 = arith.constant 48 : index
      %get3A_103 = tpu.vector_load %arg8[%get3A_101, %get3A_102] {strides = array<i32>} : memref<32x1024xf32, #tpu.memory_space<vmem>>, vector<1x16xf32>,
      %get3A_104 = vector.shape_cast %get3A_103 : vector<1x16xf32> to vector<16xf32>
      %get3A_105 = arith.index_cast %add3A_60 : i32 to index
      %get3A_106 = arith.constant 48 : index
      %get3A_107 = tpu.vector_load %arg9[%get3A_105, %get3A_106] {strides = array<i32>} : memref<32x1024xf32, #tpu.memory_space<vmem>>, vector<1x16xf32>,
      %get3A_108 = vector.shape_cast %get3A_107 : vector<1x16xf32> to vector<16xf32>
      %add3A_109 = arith.addf %get3A_104, %get3A_108 : vector<16xf32>
      %swap3A_110 = arith.index_cast %add3A_60 : i32 to index
      %swap3A_111 = arith.constant 48 : index
      %swap3A_112 = tpu.vector_load %arg8[%swap3A_110, %swap3A_111] {strides = array<i32>} : memref<32x1024xf32, #tpu.memory_space<vmem>>, vector<1x16xf32>,
      %swap3A_113 = vector.shape_cast %swap3A_112 : vector<1x16xf32> to vector<16xf32>
      %swap3A_114 = vector.shape_cast %add3A_109 : vector<16xf32> to vector<1x16xf32>
      tpu.vector_store %arg8[%swap3A_110, %swap3A_111], %swap3A_114 {strides = array<i32>} : memref<32x1024xf32, #tpu.memory_space<vmem>>, vector<1x16xf32>,
      %get3A_115 = arith.index_cast %add3A_60 : i32 to index
      %get3A_116 = arith.constant 64 : index
      %get3A_117 = tpu.vector_load %arg8[%get3A_115, %get3A_116] {strides = array<i32>} : memref<32x1024xf32, #tpu.memory_space<vmem>>, vector<1x16xf32>,
      %get3A_118 = vector.shape_cast %get3A_117 : vector<1x16xf32> to vector<16xf32>
      %get3A_119 = arith.index_cast %add3A_60 : i32 to index
      %get3A_120 = arith.constant 64 : index
      %get3A_121 = tpu.vector_load %arg9[%get3A_119, %get3A_120] {strides = array<i32>} : memref<32x1024xf32, #tpu.memory_space<vmem>>, vector<1x16xf32>,
      %get3A_122 = vector.shape_cast %get3A_121 : vector<1x16xf32> to vector<16xf32>
      %add3A_123 = arith.addf %get3A_118, %get3A_122 : vector<16xf32>
      %swap3A_124 = arith.index_cast %add3A_60 : i32 to index
      %swap3A_125 = arith.constant 64 : index
      %swap3A_126 = tpu.vector_load %arg8[%swap3A_124, %swap3A_125] {strides = array<i32>} : memref<32x1024xf32, #tpu.memory_space<vmem>>, vector<1x16xf32>,
      %swap3A_127 = vector.shape_cast %swap3A_126 : vector<1x16xf32> to vector<16xf32>
      %swap3A_128 = vector.shape_cast %add3A_123 : vector<16xf32> to vector<1x16xf32>
      tpu.vector_store %arg8[%swap3A_124, %swap3A_125], %swap3A_128 {strides = array<i32>} : memref<32x1024xf32, #tpu.memory_space<vmem>>, vector<1x16xf32>,
      %get3A_129 = arith.index_cast %add3A_60 : i32 to index
      %get3A_130 = arith.constant 80 : index
      %get3A_131 = tpu.vector_load %arg8[%get3A_129, %get3A_130] {strides = array<i32>} : memref<32x1024xf32, #tpu.memory_space<vmem>>, vector<1x16xf32>,
      %get3A_132 = vector.shape_cast %get3A_131 : vector<1x16xf32> to vector<16xf32>
      %get3A_133 = arith.index_cast %add3A_60 : i32 to index
      %get3A_134 = arith.constant 80 : index
      %get3A_135 = tpu.vector_load %arg9[%get3A_133, %get3A_134] {strides = array<i32>} : memref<32x1024xf32, #tpu.memory_space<vmem>>, vector<1x16xf32>,
      %get3A_136 = vector.shape_cast %get3A_135 : vector<1x16xf32> to vector<16xf32>
      %add3A_137 = arith.addf %get3A_132, %get3A_136 : vector<16xf32>
      %swap3A_138 = arith.index_cast %add3A_60 : i32 to index
      %swap3A_139 = arith.constant 80 : index
      %swap3A_140 = tpu.vector_load %arg8[%swap3A_138, %swap3A_139] {strides = array<i32>} : memref<32x1024xf32, #tpu.memory_space<vmem>>, vector<1x16xf32>,
      %swap3A_141 = vector.shape_cast %swap3A_140 : vector<1x16xf32> to vector<16xf32>
      %swap3A_142 = vector.shape_cast %add3A_137 : vector<16xf32> to vector<1x16xf32>
      tpu.vector_store %arg8[%swap3A_138, %swap3A_139], %swap3A_142 {strides = array<i32>} : memref<32x1024xf32, #tpu.memory_space<vmem>>, vector<1x16xf32>,
      %get3A_143 = arith.index_cast %add3A_60 : i32 to index
      %get3A_144 = arith.constant 96 : index
      %get3A_145 = tpu.vector_load %arg8[%get3A_143, %get3A_144] {strides = array<i32>} : memref<32x1024xf32, #tpu.memory_space<vmem>>, vector<1x16xf32>,
      %get3A_146 = vector.shape_cast %get3A_145 : vector<1x16xf32> to vector<16xf32>
      %get3A_147 = arith.index_cast %add3A_60 : i32 to index
      %get3A_148 = arith.constant 96 : index
      %get3A_149 = tpu.vector_load %arg9[%get3A_147, %get3A_148] {strides = array<i32>} : memref<32x1024xf32, #tpu.memory_space<vmem>>, vector<1x16xf32>,
      %get3A_150 = vector.shape_cast %get3A_149 : vector<1x16xf32> to vector<16xf32>
      %add3A_151 = arith.addf %get3A_146, %get3A_150 : vector<16xf32>
      %swap3A_152 = arith.index_cast %add3A_60 : i32 to index
      %swap3A_153 = arith.constant 96 : index
      %swap3A_154 = tpu.vector_load %arg8[%swap3A_152, %swap3A_153] {strides = array<i32>} : memref<32x1024xf32, #tpu.memory_space<vmem>>, vector<1x16xf32>,
      %swap3A_155 = vector.shape_cast %swap3A_154 : vector<1x16xf32> to vector<16xf32>
      %swap3A_156 = vector.shape_cast %add3A_151 : vector<16xf32> to vector<1x16xf32>
      tpu.vector_store %arg8[%swap3A_152, %swap3A_153], %swap3A_156 {strides = array<i32>} : memref<32x1024xf32, #tpu.memory_space<vmem>>, vector<1x16xf32>,
      %get3A_157 = arith.index_cast %add3A_60 : i32 to index
      %get3A_158 = arith.constant 112 : index
      %get3A_159 = tpu.vector_load %arg8[%get3A_157, %get3A_158] {strides = array<i32>} : memref<32x1024xf32, #tpu.memory_space<vmem>>, vector<1x16xf32>,
      %get3A_160 = vector.shape_cast %get3A_159 : vector<1x16xf32> to vector<16xf32>
      %get3A_161 = arith.index_cast %add3A_60 : i32 to index
      %get3A_162 = arith.constant 112 : index
      %get3A_163 = tpu.vector_load %arg9[%get3A_161, %get3A_162] {strides = array<i32>} : memref<32x1024xf32, #tpu.memory_space<vmem>>, vector<1x16xf32>,
      %get3A_164 = vector.shape_cast %get3A_163 : vector<1x16xf32> to vector<16xf32>
      %add3A_165 = arith.addf %get3A_160, %get3A_164 : vector<16xf32>
      %swap3A_166 = arith.index_cast %add3A_60 : i32 to index
      %swap3A_167 = arith.constant 112 : index
      %swap3A_168 = tpu.vector_load %arg8[%swap3A_166, %swap3A_167] {strides = array<i32>} : memref<32x1024xf32, #tpu.memory_space<vmem>>, vector<1x16xf32>,
      %swap3A_169 = vector.shape_cast %swap3A_168 : vector<1x16xf32> to vector<16xf32>
      %swap3A_170 = vector.shape_cast %add3A_165 : vector<16xf32> to vector<1x16xf32>
      tpu.vector_store %arg8[%swap3A_166, %swap3A_167], %swap3A_170 {strides = array<i32>} : memref<32x1024xf32, #tpu.memory_space<vmem>>, vector<1x16xf32>,
      %get3A_171 = arith.index_cast %add3A_60 : i32 to index
      %get3A_172 = arith.constant 128 : index
      %get3A_173 = tpu.vector_load %arg8[%get3A_171, %get3A_172] {strides = array<i32>} : memref<32x1024xf32, #tpu.memory_space<vmem>>, vector<1x16xf32>,
      %get3A_174 = vector.shape_cast %get3A_173 : vector<1x16xf32> to vector<16xf32>
      %get3A_175 = arith.index_cast %add3A_60 : i32 to index
      %get3A_176 = arith.constant 128 : index
      %get3A_177 = tpu.vector_load %arg9[%get3A_175, %get3A_176] {strides = array<i32>} : memref<32x1024xf32, #tpu.memory_space<vmem>>, vector<1x16xf32>,
      %get3A_178 = vector.shape_cast %get3A_177 : vector<1x16xf32> to vector<16xf32>
      %add3A_179 = arith.addf %get3A_174, %get3A_178 : vector<16xf32>
      %swap3A_180 = arith.index_cast %add3A_60 : i32 to index
      %swap3A_181 = arith.constant 128 : index
      %swap3A_182 = tpu.vector_load %arg8[%swap3A_180, %swap3A_181] {strides = array<i32>} : memref<32x1024xf32, #tpu.memory_space<vmem>>, vector<1x16xf32>,
      %swap3A_183 = vector.shape_cast %swap3A_182 : vector<1x16xf32> to vector<16xf32>
      %swap3A_184 = vector.shape_cast %add3A_179 : vector<16xf32> to vector<1x16xf32>
      tpu.vector_store %arg8[%swap3A_180, %swap3A_181], %swap3A_184 {strides = array<i32>} : memref<32x1024xf32, #tpu.memory_space<vmem>>, vector<1x16xf32>,
      %get3A_185 = arith.index_cast %add3A_60 : i32 to index
      %get3A_186 = arith.constant 144 : index
      %get3A_187 = tpu.vector_load %arg8[%get3A_185, %get3A_186] {strides = array<i32>} : memref<32x1024xf32, #tpu.memory_space<vmem>>, vector<1x16xf32>,
      %get3A_188 = vector.shape_cast %get3A_187 : vector<1x16xf32> to vector<16xf32>
      %get3A_189 = arith.index_cast %add3A_60 : i32 to index
      %get3A_190 = arith.constant 144 : index
      %get3A_191 = tpu.vector_load %arg9[%get3A_189, %get3A_190] {strides = array<i32>} : memref<32x1024xf32, #tpu.memory_space<vmem>>, vector<1x16xf32>,
      %get3A_192 = vector.shape_cast %get3A_191 : vector<1x16xf32> to vector<16xf32>
      %add3A_193 = arith.addf %get3A_188, %get3A_192 : vector<16xf32>
      %swap3A_194 = arith.index_cast %add3A_60 : i32 to index
      %swap3A_195 = arith.constant 144 : index
      %swap3A_196 = tpu.vector_load %arg8[%swap3A_194, %swap3A_195] {strides = array<i32>} : memref<32x1024xf32, #tpu.memory_space<vmem>>, vector<1x16xf32>,
      %swap3A_197 = vector.shape_cast %swap3A_196 : vector<1x16xf32> to vector<16xf32>
      %swap3A_198 = vector.shape_cast %add3A_193 : vector<16xf32> to vector<1x16xf32>
      tpu.vector_store %arg8[%swap3A_194, %swap3A_195], %swap3A_198 {strides = array<i32>} : memref<32x1024xf32, #tpu.memory_space<vmem>>, vector<1x16xf32>,
      %get3A_199 = arith.index_cast %add3A_60 : i32 to index
      %get3A_200 = arith.constant 160 : index
      %get3A_201 = tpu.vector_load %arg8[%get3A_199, %get3A_200] {strides = array<i32>} : memref<32x1024xf32, #tpu.memory_space<vmem>>, vector<1x16xf32>,
      %get3A_202 = vector.shape_cast %get3A_201 : vector<1x16xf32> to vector<16xf32>
      %get3A_203 = arith.index_cast %add3A_60 : i32 to index
      %get3A_204 = arith.constant 160 : index
      %get3A_205 = tpu.vector_load %arg9[%get3A_203, %get3A_204] {strides = array<i32>} : memref<32x1024xf32, #tpu.memory_space<vmem>>, vector<1x16xf32>,
      %get3A_206 = vector.shape_cast %get3A_205 : vector<1x16xf32> to vector<16xf32>
      %add3A_207 = arith.addf %get3A_202, %get3A_206 : vector<16xf32>
      %swap3A_208 = arith.index_cast %add3A_60 : i32 to index
      %swap3A_209 = arith.constant 160 : index
      %swap3A_210 = tpu.vector_load %arg8[%swap3A_208, %swap3A_209] {strides = array<i32>} : memref<32x1024xf32, #tpu.memory_space<vmem>>, vector<1x16xf32>,
      %swap3A_211 = vector.shape_cast %swap3A_210 : vector<1x16xf32> to vector<16xf32>
      %swap3A_212 = vector.shape_cast %add3A_207 : vector<16xf32> to vector<1x16xf32>
      tpu.vector_store %arg8[%swap3A_208, %swap3A_209], %swap3A_212 {strides = array<i32>} : memref<32x1024xf32, #tpu.memory_space<vmem>>, vector<1x16xf32>,
      %get3A_213 = arith.index_cast %add3A_60 : i32 to index
      %get3A_214 = arith.constant 176 : index
      %get3A_215 = tpu.vector_load %arg8[%get3A_213, %get3A_214] {strides = array<i32>} : memref<32x1024xf32, #tpu.memory_space<vmem>>, vector<1x16xf32>,
      %get3A_216 = vector.shape_cast %get3A_215 : vector<1x16xf32> to vector<16xf32>
      %get3A_217 = arith.index_cast %add3A_60 : i32 to index
      %get3A_218 = arith.constant 176 : index
      %get3A_219 = tpu.vector_load %arg9[%get3A_217, %get3A_218] {strides = array<i32>} : memref<32x1024xf32, #tpu.memory_space<vmem>>, vector<1x16xf32>,
      %get3A_220 = vector.shape_cast %get3A_219 : vector<1x16xf32> to vector<16xf32>
      %add3A_221 = arith.addf %get3A_216, %get3A_220 : vector<16xf32>
      %swap3A_222 = arith.index_cast %add3A_60 : i32 to index
      %swap3A_223 = arith.constant 176 : index
      %swap3A_224 = tpu.vector_load %arg8[%swap3A_222, %swap3A_223] {strides = array<i32>} : memref<32x1024xf32, #tpu.memory_space<vmem>>, vector<1x16xf32>,
      %swap3A_225 = vector.shape_cast %swap3A_224 : vector<1x16xf32> to vector<16xf32>
      %swap3A_226 = vector.shape_cast %add3A_221 : vector<16xf32> to vector<1x16xf32>
      tpu.vector_store %arg8[%swap3A_222, %swap3A_223], %swap3A_226 {strides = array<i32>} : memref<32x1024xf32, #tpu.memory_space<vmem>>, vector<1x16xf32>,
      %get3A_227 = arith.index_cast %add3A_60 : i32 to index
      %get3A_228 = arith.constant 192 : index
      %get3A_229 = tpu.vector_load %arg8[%get3A_227, %get3A_228] {strides = array<i32>} : memref<32x1024xf32, #tpu.memory_space<vmem>>, vector<1x16xf32>,
      %get3A_230 = vector.shape_cast %get3A_229 : vector<1x16xf32> to vector<16xf32>
      %get3A_231 = arith.index_cast %add3A_60 : i32 to index
      %get3A_232 = arith.constant 192 : index
      %get3A_233 = tpu.vector_load %arg9[%get3A_231, %get3A_232] {strides = array<i32>} : memref<32x1024xf32, #tpu.memory_space<vmem>>, vector<1x16xf32>,
      %get3A_234 = vector.shape_cast %get3A_233 : vector<1x16xf32> to vector<16xf32>
      %add3A_235 = arith.addf %get3A_230, %get3A_234 : vector<16xf32>
      %swap3A_236 = arith.index_cast %add3A_60 : i32 to index
      %swap3A_237 = arith.constant 192 : index
      %swap3A_238 = tpu.vector_load %arg8[%swap3A_236, %swap3A_237] {strides = array<i32>} : memref<32x1024xf32, #tpu.memory_space<vmem>>, vector<1x16xf32>,
      %swap3A_239 = vector.shape_cast %swap3A_238 : vector<1x16xf32> to vector<16xf32>
      %swap3A_240 = vector.shape_cast %add3A_235 : vector<16xf32> to vector<1x16xf32>
      tpu.vector_store %arg8[%swap3A_236, %swap3A_237], %swap3A_240 {strides = array<i32>} : memref<32x1024xf32, #tpu.memory_space<vmem>>, vector<1x16xf32>,
      %get3A_241 = arith.index_cast %add3A_60 : i32 to index
      %get3A_242 = arith.constant 208 : index
      %get3A_243 = tpu.vector_load %arg8[%get3A_241, %get3A_242] {strides = array<i32>} : memref<32x1024xf32, #tpu.memory_space<vmem>>, vector<1x16xf32>,
      %get3A_244 = vector.shape_cast %get3A_243 : vector<1x16xf32> to vector<16xf32>
      %get3A_245 = arith.index_cast %add3A_60 : i32 to index
      %get3A_246 = arith.constant 208 : index
      %get3A_247 = tpu.vector_load %arg9[%get3A_245, %get3A_246] {strides = array<i32>} : memref<32x1024xf32, #tpu.memory_space<vmem>>, vector<1x16xf32>,
      %get3A_248 = vector.shape_cast %get3A_247 : vector<1x16xf32> to vector<16xf32>
      %add3A_249 = arith.addf %get3A_244, %get3A_248 : vector<16xf32>
      %swap3A_250 = arith.index_cast %add3A_60 : i32 to index
      %swap3A_251 = arith.constant 208 : index
      %swap3A_252 = tpu.vector_load %arg8[%swap3A_250, %swap3A_251] {strides = array<i32>} : memref<32x1024xf32, #tpu.memory_space<vmem>>, vector<1x16xf32>,
      %swap3A_253 = vector.shape_cast %swap3A_252 : vector<1x16xf32> to vector<16xf32>
      %swap3A_254 = vector.shape_cast %add3A_249 : vector<16xf32> to vector<1x16xf32>
      tpu.vector_store %arg8[%swap3A_250, %swap3A_251], %swap3A_254 {strides = array<i32>} : memref<32x1024xf32, #tpu.memory_space<vmem>>, vector<1x16xf32>,
      %get3A_255 = arith.index_cast %add3A_60 : i32 to index
      %get3A_256 = arith.constant 224 : index
      %get3A_257 = tpu.vector_load %arg8[%get3A_255, %get3A_256] {strides = array<i32>} : memref<32x1024xf32, #tpu.memory_space<vmem>>, vector<1x16xf32>,
      %get3A_258 = vector.shape_cast %get3A_257 : vector<1x16xf32> to vector<16xf32>
      %get3A_259 = arith.index_cast %add3A_60 : i32 to index
      %get3A_260 = arith.constant 224 : index
      %get3A_261 = tpu.vector_load %arg9[%get3A_259, %get3A_260] {strides = array<i32>} : memref<32x1024xf32, #tpu.memory_space<vmem>>, vector<1x16xf32>,
      %get3A_262 = vector.shape_cast %get3A_261 : vector<1x16xf32> to vector<16xf32>
      %add3A_263 = arith.addf %get3A_258, %get3A_262 : vector<16xf32>
      %swap3A_264 = arith.index_cast %add3A_60 : i32 to index
      %swap3A_265 = arith.constant 224 : index
      %swap3A_266 = tpu.vector_load %arg8[%swap3A_264, %swap3A_265] {strides = array<i32>} : memref<32x1024xf32, #tpu.memory_space<vmem>>, vector<1x16xf32>,
      %swap3A_267 = vector.shape_cast %swap3A_266 : vector<1x16xf32> to vector<16xf32>
      %swap3A_268 = vector.shape_cast %add3A_263 : vector<16xf32> to vector<1x16xf32>
      tpu.vector_store %arg8[%swap3A_264, %swap3A_265], %swap3A_268 {strides = array<i32>} : memref<32x1024xf32, #tpu.memory_space<vmem>>, vector<1x16xf32>,
      %get3A_269 = arith.index_cast %add3A_60 : i32 to index
      %get3A_270 = arith.constant 240 : index
      %get3A_271 = tpu.vector_load %arg8[%get3A_269, %get3A_270] {strides = array<i32>} : memref<32x1024xf32, #tpu.memory_space<vmem>>, vector<1x16xf32>,
      %get3A_272 = vector.shape_cast %get3A_271 : vector<1x16xf32> to vector<16xf32>
      %get3A_273 = arith.index_cast %add3A_60 : i32 to index
      %get3A_274 = arith.constant 240 : index
      %get3A_275 = tpu.vector_load %arg9[%get3A_273, %get3A_274] {strides = array<i32>} : memref<32x1024xf32, #tpu.memory_space<vmem>>, vector<1x16xf32>,
      %get3A_276 = vector.shape_cast %get3A_275 : vector<1x16xf32> to vector<16xf32>
      %add3A_277 = arith.addf %get3A_272, %get3A_276 : vector<16xf32>
      %swap3A_278 = arith.index_cast %add3A_60 : i32 to index
      %swap3A_279 = arith.constant 240 : index
      %swap3A_280 = tpu.vector_load %arg8[%swap3A_278, %swap3A_279] {strides = array<i32>} : memref<32x1024xf32, #tpu.memory_space<vmem>>, vector<1x16xf32>,
      %swap3A_281 = vector.shape_cast %swap3A_280 : vector<1x16xf32> to vector<16xf32>
      %swap3A_282 = vector.shape_cast %add3A_277 : vector<16xf32> to vector<1x16xf32>
      tpu.vector_store %arg8[%swap3A_278, %swap3A_279], %swap3A_282 {strides = array<i32>} : memref<32x1024xf32, #tpu.memory_space<vmem>>, vector<1x16xf32>,
      %get3A_283 = arith.index_cast %add3A_60 : i32 to index
      %get3A_284 = arith.constant 256 : index
      %get3A_285 = tpu.vector_load %arg8[%get3A_283, %get3A_284] {strides = array<i32>} : memref<32x1024xf32, #tpu.memory_space<vmem>>, vector<1x16xf32>,
      %get3A_286 = vector.shape_cast %get3A_285 : vector<1x16xf32> to vector<16xf32>
      %get3A_287 = arith.index_cast %add3A_60 : i32 to index
      %get3A_288 = arith.constant 256 : index
      %get3A_289 = tpu.vector_load %arg9[%get3A_287, %get3A_288] {strides = array<i32>} : memref<32x1024xf32, #tpu.memory_space<vmem>>, vector<1x16xf32>,
      %get3A_290 = vector.shape_cast %get3A_289 : vector<1x16xf32> to vector<16xf32>
      %add3A_291 = arith.addf %get3A_286, %get3A_290 : vector<16xf32>
      %swap3A_292 = arith.index_cast %add3A_60 : i32 to index
      %swap3A_293 = arith.constant 256 : index
      %swap3A_294 = tpu.vector_load %arg8[%swap3A_292, %swap3A_293] {strides = array<i32>} : memref<32x1024xf32, #tpu.memory_space<vmem>>, vector<1x16xf32>,
      %swap3A_295 = vector.shape_cast %swap3A_294 : vector<1x16xf32> to vector<16xf32>
      %swap3A_296 = vector.shape_cast %add3A_291 : vector<16xf32> to vector<1x16xf32>
      tpu.vector_store %arg8[%swap3A_292, %swap3A_293], %swap3A_296 {strides = array<i32>} : memref<32x1024xf32, #tpu.memory_space<vmem>>, vector<1x16xf32>,
      %get3A_297 = arith.index_cast %add3A_60 : i32 to index
      %get3A_298 = arith.constant 272 : index
      %get3A_299 = tpu.vector_load %arg8[%get3A_297, %get3A_298] {strides = array<i32>} : memref<32x1024xf32, #tpu.memory_space<vmem>>, vector<1x16xf32>,
      %get3A_300 = vector.shape_cast %get3A_299 : vector<1x16xf32> to vector<16xf32>
      %get3A_301 = arith.index_cast %add3A_60 : i32 to index
      %get3A_302 = arith.constant 272 : index
      %get3A_303 = tpu.vector_load %arg9[%get3A_301, %get3A_302] {strides = array<i32>} : memref<32x1024xf32, #tpu.memory_space<vmem>>, vector<1x16xf32>,
      %get3A_304 = vector.shape_cast %get3A_303 : vector<1x16xf32> to vector<16xf32>
      %add3A_305 = arith.addf %get3A_300, %get3A_304 : vector<16xf32>
      %swap3A_306 = arith.index_cast %add3A_60 : i32 to index
      %swap3A_307 = arith.constant 272 : index
      %swap3A_308 = tpu.vector_load %arg8[%swap3A_306, %swap3A_307] {strides = array<i32>} : memref<32x1024xf32, #tpu.memory_space<vmem>>, vector<1x16xf32>,
      %swap3A_309 = vector.shape_cast %swap3A_308 : vector<1x16xf32> to vector<16xf32>
      %swap3A_310 = vector.shape_cast %add3A_305 : vector<16xf32> to vector<1x16xf32>
      tpu.vector_store %arg8[%swap3A_306, %swap3A_307], %swap3A_310 {strides = array<i32>} : memref<32x1024xf32, #tpu.memory_space<vmem>>, vector<1x16xf32>,
      %get3A_311 = arith.index_cast %add3A_60 : i32 to index
      %get3A_312 = arith.constant 288 : index
      %get3A_313 = tpu.vector_load %arg8[%get3A_311, %get3A_312] {strides = array<i32>} : memref<32x1024xf32, #tpu.memory_space<vmem>>, vector<1x16xf32>,
      %get3A_314 = vector.shape_cast %get3A_313 : vector<1x16xf32> to vector<16xf32>
      %get3A_315 = arith.index_cast %add3A_60 : i32 to index
      %get3A_316 = arith.constant 288 : index
      %get3A_317 = tpu.vector_load %arg9[%get3A_315, %get3A_316] {strides = array<i32>} : memref<32x1024xf32, #tpu.memory_space<vmem>>, vector<1x16xf32>,
      %get3A_318 = vector.shape_cast %get3A_317 : vector<1x16xf32> to vector<16xf32>
      %add3A_319 = arith.addf %get3A_314, %get3A_318 : vector<16xf32>
      %swap3A_320 = arith.index_cast %add3A_60 : i32 to index
      %swap3A_321 = arith.constant 288 : index
      %swap3A_322 = tpu.vector_load %arg8[%swap3A_320, %swap3A_321] {strides = array<i32>} : memref<32x1024xf32, #tpu.memory_space<vmem>>, vector<1x16xf32>,
      %swap3A_323 = vector.shape_cast %swap3A_322 : vector<1x16xf32> to vector<16xf32>
      %swap3A_324 = vector.shape_cast %add3A_319 : vector<16xf32> to vector<1x16xf32>
      tpu.vector_store %arg8[%swap3A_320, %swap3A_321], %swap3A_324 {strides = array<i32>} : memref<32x1024xf32, #tpu.memory_space<vmem>>, vector<1x16xf32>,
      %get3A_325 = arith.index_cast %add3A_60 : i32 to index
      %get3A_326 = arith.constant 304 : index
      %get3A_327 = tpu.vector_load %arg8[%get3A_325, %get3A_326] {strides = array<i32>} : memref<32x1024xf32, #tpu.memory_space<vmem>>, vector<1x16xf32>,
      %get3A_328 = vector.shape_cast %get3A_327 : vector<1x16xf32> to vector<16xf32>
      %get3A_329 = arith.index_cast %add3A_60 : i32 to index
      %get3A_330 = arith.constant 304 : index
      %get3A_331 = tpu.vector_load %arg9[%get3A_329, %get3A_330] {strides = array<i32>} : memref<32x1024xf32, #tpu.memory_space<vmem>>, vector<1x16xf32>,
      %get3A_332 = vector.shape_cast %get3A_331 : vector<1x16xf32> to vector<16xf32>
      %add3A_333 = arith.addf %get3A_328, %get3A_332 : vector<16xf32>
      %swap3A_334 = arith.index_cast %add3A_60 : i32 to index
      %swap3A_335 = arith.constant 304 : index
      %swap3A_336 = tpu.vector_load %arg8[%swap3A_334, %swap3A_335] {strides = array<i32>} : memref<32x1024xf32, #tpu.memory_space<vmem>>, vector<1x16xf32>,
      %swap3A_337 = vector.shape_cast %swap3A_336 : vector<1x16xf32> to vector<16xf32>
      %swap3A_338 = vector.shape_cast %add3A_333 : vector<16xf32> to vector<1x16xf32>
      tpu.vector_store %arg8[%swap3A_334, %swap3A_335], %swap3A_338 {strides = array<i32>} : memref<32x1024xf32, #tpu.memory_space<vmem>>, vector<1x16xf32>,
      %get3A_339 = arith.index_cast %add3A_60 : i32 to index
      %get3A_340 = arith.constant 320 : index
      %get3A_341 = tpu.vector_load %arg8[%get3A_339, %get3A_340] {strides = array<i32>} : memref<32x1024xf32, #tpu.memory_space<vmem>>, vector<1x16xf32>,
      %get3A_342 = vector.shape_cast %get3A_341 : vector<1x16xf32> to vector<16xf32>
      %get3A_343 = arith.index_cast %add3A_60 : i32 to index
      %get3A_344 = arith.constant 320 : index
      %get3A_345 = tpu.vector_load %arg9[%get3A_343, %get3A_344] {strides = array<i32>} : memref<32x1024xf32, #tpu.memory_space<vmem>>, vector<1x16xf32>,
      %get3A_346 = vector.shape_cast %get3A_345 : vector<1x16xf32> to vector<16xf32>
      %add3A_347 = arith.addf %get3A_342, %get3A_346 : vector<16xf32>
      %swap3A_348 = arith.index_cast %add3A_60 : i32 to index
      %swap3A_349 = arith.constant 320 : index
      %swap3A_350 = tpu.vector_load %arg8[%swap3A_348, %swap3A_349] {strides = array<i32>} : memref<32x1024xf32, #tpu.memory_space<vmem>>, vector<1x16xf32>,
      %swap3A_351 = vector.shape_cast %swap3A_350 : vector<1x16xf32> to vector<16xf32>
      %swap3A_352 = vector.shape_cast %add3A_347 : vector<16xf32> to vector<1x16xf32>
      tpu.vector_store %arg8[%swap3A_348, %swap3A_349], %swap3A_352 {strides = array<i32>} : memref<32x1024xf32, #tpu.memory_space<vmem>>, vector<1x16xf32>,
      %get3A_353 = arith.index_cast %add3A_60 : i32 to index
      %get3A_354 = arith.constant 336 : index
      %get3A_355 = tpu.vector_load %arg8[%get3A_353, %get3A_354] {strides = array<i32>} : memref<32x1024xf32, #tpu.memory_space<vmem>>, vector<1x16xf32>,
      %get3A_356 = vector.shape_cast %get3A_355 : vector<1x16xf32> to vector<16xf32>
      %get3A_357 = arith.index_cast %add3A_60 : i32 to index
      %get3A_358 = arith.constant 336 : index
      %get3A_359 = tpu.vector_load %arg9[%get3A_357, %get3A_358] {strides = array<i32>} : memref<32x1024xf32, #tpu.memory_space<vmem>>, vector<1x16xf32>,
      %get3A_360 = vector.shape_cast %get3A_359 : vector<1x16xf32> to vector<16xf32>
      %add3A_361 = arith.addf %get3A_356, %get3A_360 : vector<16xf32>
      %swap3A_362 = arith.index_cast %add3A_60 : i32 to index
      %swap3A_363 = arith.constant 336 : index
      %swap3A_364 = tpu.vector_load %arg8[%swap3A_362, %swap3A_363] {strides = array<i32>} : memref<32x1024xf32, #tpu.memory_space<vmem>>, vector<1x16xf32>,
      %swap3A_365 = vector.shape_cast %swap3A_364 : vector<1x16xf32> to vector<16xf32>
      %swap3A_366 = vector.shape_cast %add3A_361 : vector<16xf32> to vector<1x16xf32>
      tpu.vector_store %arg8[%swap3A_362, %swap3A_363], %swap3A_366 {strides = array<i32>} : memref<32x1024xf32, #tpu.memory_space<vmem>>, vector<1x16xf32>,
      %get3A_367 = arith.index_cast %add3A_60 : i32 to index
      %get3A_368 = arith.constant 352 : index
      %get3A_369 = tpu.vector_load %arg8[%get3A_367, %get3A_368] {strides = array<i32>} : memref<32x1024xf32, #tpu.memory_space<vmem>>, vector<1x16xf32>,
      %get3A_370 = vector.shape_cast %get3A_369 : vector<1x16xf32> to vector<16xf32>
      %get3A_371 = arith.index_cast %add3A_60 : i32 to index
      %get3A_372 = arith.constant 352 : index
      %get3A_373 = tpu.vector_load %arg9[%get3A_371, %get3A_372] {strides = array<i32>} : memref<32x1024xf32, #tpu.memory_space<vmem>>, vector<1x16xf32>,
      %get3A_374 = vector.shape_cast %get3A_373 : vector<1x16xf32> to vector<16xf32>
      %add3A_375 = arith.addf %get3A_370, %get3A_374 : vector<16xf32>
      %swap3A_376 = arith.index_cast %add3A_60 : i32 to index
      %swap3A_377 = arith.constant 352 : index
      %swap3A_378 = tpu.vector_load %arg8[%swap3A_376, %swap3A_377] {strides = array<i32>} : memref<32x1024xf32, #tpu.memory_space<vmem>>, vector<1x16xf32>,
      %swap3A_379 = vector.shape_cast %swap3A_378 : vector<1x16xf32> to vector<16xf32>
      %swap3A_380 = vector.shape_cast %add3A_375 : vector<16xf32> to vector<1x16xf32>
      tpu.vector_store %arg8[%swap3A_376, %swap3A_377], %swap3A_380 {strides = array<i32>} : memref<32x1024xf32, #tpu.memory_space<vmem>>, vector<1x16xf32>,
      %get3A_381 = arith.index_cast %add3A_60 : i32 to index
      %get3A_382 = arith.constant 368 : index
      %get3A_383 = tpu.vector_load %arg8[%get3A_381, %get3A_382] {strides = array<i32>} : memref<32x1024xf32, #tpu.memory_space<vmem>>, vector<1x16xf32>,
      %get3A_384 = vector.shape_cast %get3A_383 : vector<1x16xf32> to vector<16xf32>
      %get3A_385 = arith.index_cast %add3A_60 : i32 to index
      %get3A_386 = arith.constant 368 : index
      %get3A_387 = tpu.vector_load %arg9[%get3A_385, %get3A_386] {strides = array<i32>} : memref<32x1024xf32, #tpu.memory_space<vmem>>, vector<1x16xf32>,
      %get3A_388 = vector.shape_cast %get3A_387 : vector<1x16xf32> to vector<16xf32>
      %add3A_389 = arith.addf %get3A_384, %get3A_388 : vector<16xf32>
      %swap3A_390 = arith.index_cast %add3A_60 : i32 to index
      %swap3A_391 = arith.constant 368 : index
      %swap3A_392 = tpu.vector_load %arg8[%swap3A_390, %swap3A_391] {strides = array<i32>} : memref<32x1024xf32, #tpu.memory_space<vmem>>, vector<1x16xf32>,
      %swap3A_393 = vector.shape_cast %swap3A_392 : vector<1x16xf32> to vector<16xf32>
      %swap3A_394 = vector.shape_cast %add3A_389 : vector<16xf32> to vector<1x16xf32>
      tpu.vector_store %arg8[%swap3A_390, %swap3A_391], %swap3A_394 {strides = array<i32>} : memref<32x1024xf32, #tpu.memory_space<vmem>>, vector<1x16xf32>,
      %get3A_395 = arith.index_cast %add3A_60 : i32 to index
      %get3A_396 = arith.constant 384 : index
      %get3A_397 = tpu.vector_load %arg8[%get3A_395, %get3A_396] {strides = array<i32>} : memref<32x1024xf32, #tpu.memory_space<vmem>>, vector<1x16xf32>,
      %get3A_398 = vector.shape_cast %get3A_397 : vector<1x16xf32> to vector<16xf32>
      %get3A_399 = arith.index_cast %add3A_60 : i32 to index
      %get3A_400 = arith.constant 384 : index
      %get3A_401 = tpu.vector_load %arg9[%get3A_399, %get3A_400] {strides = array<i32>} : memref<32x1024xf32, #tpu.memory_space<vmem>>, vector<1x16xf32>,
      %get3A_402 = vector.shape_cast %get3A_401 : vector<1x16xf32> to vector<16xf32>
      %add3A_403 = arith.addf %get3A_398, %get3A_402 : vector<16xf32>
      %swap3A_404 = arith.index_cast %add3A_60 : i32 to index
      %swap3A_405 = arith.constant 384 : index
      %swap3A_406 = tpu.vector_load %arg8[%swap3A_404, %swap3A_405] {strides = array<i32>} : memref<32x1024xf32, #tpu.memory_space<vmem>>, vector<1x16xf32>,
      %swap3A_407 = vector.shape_cast %swap3A_406 : vector<1x16xf32> to vector<16xf32>
      %swap3A_408 = vector.shape_cast %add3A_403 : vector<16xf32> to vector<1x16xf32>
      tpu.vector_store %arg8[%swap3A_404, %swap3A_405], %swap3A_408 {strides = array<i32>} : memref<32x1024xf32, #tpu.memory_space<vmem>>, vector<1x16xf32>,
      %get3A_409 = arith.index_cast %add3A_60 : i32 to index
      %get3A_410 = arith.constant 400 : index
      %get3A_411 = tpu.vector_load %arg8[%get3A_409, %get3A_410] {strides = array<i32>} : memref<32x1024xf32, #tpu.memory_space<vmem>>, vector<1x16xf32>,
      %get3A_412 = vector.shape_cast %get3A_411 : vector<1x16xf32> to vector<16xf32>
      %get3A_413 = arith.index_cast %add3A_60 : i32 to index
      %get3A_414 = arith.constant 400 : index
      %get3A_415 = tpu.vector_load %arg9[%get3A_413, %get3A_414] {strides = array<i32>} : memref<32x1024xf32, #tpu.memory_space<vmem>>, vector<1x16xf32>,
      %get3A_416 = vector.shape_cast %get3A_415 : vector<1x16xf32> to vector<16xf32>
      %add3A_417 = arith.addf %get3A_412, %get3A_416 : vector<16xf32>
      %swap3A_418 = arith.index_cast %add3A_60 : i32 to index
      %swap3A_419 = arith.constant 400 : index
      %swap3A_420 = tpu.vector_load %arg8[%swap3A_418, %swap3A_419] {strides = array<i32>} : memref<32x1024xf32, #tpu.memory_space<vmem>>, vector<1x16xf32>,
      %swap3A_421 = vector.shape_cast %swap3A_420 : vector<1x16xf32> to vector<16xf32>
      %swap3A_422 = vector.shape_cast %add3A_417 : vector<16xf32> to vector<1x16xf32>
      tpu.vector_store %arg8[%swap3A_418, %swap3A_419], %swap3A_422 {strides = array<i32>} : memref<32x1024xf32, #tpu.memory_space<vmem>>, vector<1x16xf32>,
      %get3A_423 = arith.index_cast %add3A_60 : i32 to index
      %get3A_424 = arith.constant 416 : index
      %get3A_425 = tpu.vector_load %arg8[%get3A_423, %get3A_424] {strides = array<i32>} : memref<32x1024xf32, #tpu.memory_space<vmem>>, vector<1x16xf32>,
      %get3A_426 = vector.shape_cast %get3A_425 : vector<1x16xf32> to vector<16xf32>
      %get3A_427 = arith.index_cast %add3A_60 : i32 to index
      %get3A_428 = arith.constant 416 : index
      %get3A_429 = tpu.vector_load %arg9[%get3A_427, %get3A_428] {strides = array<i32>} : memref<32x1024xf32, #tpu.memory_space<vmem>>, vector<1x16xf32>,
      %get3A_430 = vector.shape_cast %get3A_429 : vector<1x16xf32> to vector<16xf32>
      %add3A_431 = arith.addf %get3A_426, %get3A_430 : vector<16xf32>
      %swap3A_432 = arith.index_cast %add3A_60 : i32 to index
      %swap3A_433 = arith.constant 416 : index
      %swap3A_434 = tpu.vector_load %arg8[%swap3A_432, %swap3A_433] {strides = array<i32>} : memref<32x1024xf32, #tpu.memory_space<vmem>>, vector<1x16xf32>,
      %swap3A_435 = vector.shape_cast %swap3A_434 : vector<1x16xf32> to vector<16xf32>
      %swap3A_436 = vector.shape_cast %add3A_431 : vector<16xf32> to vector<1x16xf32>
      tpu.vector_store %arg8[%swap3A_432, %swap3A_433], %swap3A_436 {strides = array<i32>} : memref<32x1024xf32, #tpu.memory_space<vmem>>, vector<1x16xf32>,
      %get3A_437 = arith.index_cast %add3A_60 : i32 to index
      %get3A_438 = arith.constant 432 : index
      %get3A_439 = tpu.vector_load %arg8[%get3A_437, %get3A_438] {strides = array<i32>} : memref<32x1024xf32, #tpu.memory_space<vmem>>, vector<1x16xf32>,
      %get3A_440 = vector.shape_cast %get3A_439 : vector<1x16xf32> to vector<16xf32>
      %get3A_441 = arith.index_cast %add3A_60 : i32 to index
      %get3A_442 = arith.constant 432 : index
      %get3A_443 = tpu.vector_load %arg9[%get3A_441, %get3A_442] {strides = array<i32>} : memref<32x1024xf32, #tpu.memory_space<vmem>>, vector<1x16xf32>,
      %get3A_444 = vector.shape_cast %get3A_443 : vector<1x16xf32> to vector<16xf32>
      %add3A_445 = arith.addf %get3A_440, %get3A_444 : vector<16xf32>
      %swap3A_446 = arith.index_cast %add3A_60 : i32 to index
      %swap3A_447 = arith.constant 432 : index
      %swap3A_448 = tpu.vector_load %arg8[%swap3A_446, %swap3A_447] {strides = array<i32>} : memref<32x1024xf32, #tpu.memory_space<vmem>>, vector<1x16xf32>,
      %swap3A_449 = vector.shape_cast %swap3A_448 : vector<1x16xf32> to vector<16xf32>
      %swap3A_450 = vector.shape_cast %add3A_445 : vector<16xf32> to vector<1x16xf32>
      tpu.vector_store %arg8[%swap3A_446, %swap3A_447], %swap3A_450 {strides = array<i32>} : memref<32x1024xf32, #tpu.memory_space<vmem>>, vector<1x16xf32>,
      %get3A_451 = arith.index_cast %add3A_60 : i32 to index
      %get3A_452 = arith.constant 448 : index
      %get3A_453 = tpu.vector_load %arg8[%get3A_451, %get3A_452] {strides = array<i32>} : memref<32x1024xf32, #tpu.memory_space<vmem>>, vector<1x16xf32>,
      %get3A_454 = vector.shape_cast %get3A_453 : vector<1x16xf32> to vector<16xf32>
      %get3A_455 = arith.index_cast %add3A_60 : i32 to index
      %get3A_456 = arith.constant 448 : index
      %get3A_457 = tpu.vector_load %arg9[%get3A_455, %get3A_456] {strides = array<i32>} : memref<32x1024xf32, #tpu.memory_space<vmem>>, vector<1x16xf32>,
      %get3A_458 = vector.shape_cast %get3A_457 : vector<1x16xf32> to vector<16xf32>
      %add3A_459 = arith.addf %get3A_454, %get3A_458 : vector<16xf32>
      %swap3A_460 = arith.index_cast %add3A_60 : i32 to index
      %swap3A_461 = arith.constant 448 : index
      %swap3A_462 = tpu.vector_load %arg8[%swap3A_460, %swap3A_461] {strides = array<i32>} : memref<32x1024xf32, #tpu.memory_space<vmem>>, vector<1x16xf32>,
      %swap3A_463 = vector.shape_cast %swap3A_462 : vector<1x16xf32> to vector<16xf32>
      %swap3A_464 = vector.shape_cast %add3A_459 : vector<16xf32> to vector<1x16xf32>
      tpu.vector_store %arg8[%swap3A_460, %swap3A_461], %swap3A_464 {strides = array<i32>} : memref<32x1024xf32, #tpu.memory_space<vmem>>, vector<1x16xf32>,
      %get3A_465 = arith.index_cast %add3A_60 : i32 to index
      %get3A_466 = arith.constant 464 : index
      %get3A_467 = tpu.vector_load %arg8[%get3A_465, %get3A_466] {strides = array<i32>} : memref<32x1024xf32, #tpu.memory_space<vmem>>, vector<1x16xf32>,
      %get3A_468 = vector.shape_cast %get3A_467 : vector<1x16xf32> to vector<16xf32>
      %get3A_469 = arith.index_cast %add3A_60 : i32 to index
      %get3A_470 = arith.constant 464 : index
      %get3A_471 = tpu.vector_load %arg9[%get3A_469, %get3A_470] {strides = array<i32>} : memref<32x1024xf32, #tpu.memory_space<vmem>>, vector<1x16xf32>,
      %get3A_472 = vector.shape_cast %get3A_471 : vector<1x16xf32> to vector<16xf32>
      %add3A_473 = arith.addf %get3A_468, %get3A_472 : vector<16xf32>
      %swap3A_474 = arith.index_cast %add3A_60 : i32 to index
      %swap3A_475 = arith.constant 464 : index
      %swap3A_476 = tpu.vector_load %arg8[%swap3A_474, %swap3A_475] {strides = array<i32>} : memref<32x1024xf32, #tpu.memory_space<vmem>>, vector<1x16xf32>,
      %swap3A_477 = vector.shape_cast %swap3A_476 : vector<1x16xf32> to vector<16xf32>
      %swap3A_478 = vector.shape_cast %add3A_473 : vector<16xf32> to vector<1x16xf32>
      tpu.vector_store %arg8[%swap3A_474, %swap3A_475], %swap3A_478 {strides = array<i32>} : memref<32x1024xf32, #tpu.memory_space<vmem>>, vector<1x16xf32>,
      %get3A_479 = arith.index_cast %add3A_60 : i32 to index
      %get3A_480 = arith.constant 480 : index
      %get3A_481 = tpu.vector_load %arg8[%get3A_479, %get3A_480] {strides = array<i32>} : memref<32x1024xf32, #tpu.memory_space<vmem>>, vector<1x16xf32>,
      %get3A_482 = vector.shape_cast %get3A_481 : vector<1x16xf32> to vector<16xf32>
      %get3A_483 = arith.index_cast %add3A_60 : i32 to index
      %get3A_484 = arith.constant 480 : index
      %get3A_485 = tpu.vector_load %arg9[%get3A_483, %get3A_484] {strides = array<i32>} : memref<32x1024xf32, #tpu.memory_space<vmem>>, vector<1x16xf32>,
      %get3A_486 = vector.shape_cast %get3A_485 : vector<1x16xf32> to vector<16xf32>
      %add3A_487 = arith.addf %get3A_482, %get3A_486 : vector<16xf32>
      %swap3A_488 = arith.index_cast %add3A_60 : i32 to index
      %swap3A_489 = arith.constant 480 : index
      %swap3A_490 = tpu.vector_load %arg8[%swap3A_488, %swap3A_489] {strides = array<i32>} : memref<32x1024xf32, #tpu.memory_space<vmem>>, vector<1x16xf32>,
      %swap3A_491 = vector.shape_cast %swap3A_490 : vector<1x16xf32> to vector<16xf32>
      %swap3A_492 = vector.shape_cast %add3A_487 : vector<16xf32> to vector<1x16xf32>
      tpu.vector_store %arg8[%swap3A_488, %swap3A_489], %swap3A_492 {strides = array<i32>} : memref<32x1024xf32, #tpu.memory_space<vmem>>, vector<1x16xf32>,
      %get3A_493 = arith.index_cast %add3A_60 : i32 to index
      %get3A_494 = arith.constant 496 : index
      %get3A_495 = tpu.vector_load %arg8[%get3A_493, %get3A_494] {strides = array<i32>} : memref<32x1024xf32, #tpu.memory_space<vmem>>, vector<1x16xf32>,
      %get3A_496 = vector.shape_cast %get3A_495 : vector<1x16xf32> to vector<16xf32>
      %get3A_497 = arith.index_cast %add3A_60 : i32 to index
      %get3A_498 = arith.constant 496 : index
      %get3A_499 = tpu.vector_load %arg9[%get3A_497, %get3A_498] {strides = array<i32>} : memref<32x1024xf32, #tpu.memory_space<vmem>>, vector<1x16xf32>,
      %get3A_500 = vector.shape_cast %get3A_499 : vector<1x16xf32> to vector<16xf32>
      %add3A_501 = arith.addf %get3A_496, %get3A_500 : vector<16xf32>
      %swap3A_502 = arith.index_cast %add3A_60 : i32 to index
      %swap3A_503 = arith.constant 496 : index
      %swap3A_504 = tpu.vector_load %arg8[%swap3A_502, %swap3A_503] {strides = array<i32>} : memref<32x1024xf32, #tpu.memory_space<vmem>>, vector<1x16xf32>,
      %swap3A_505 = vector.shape_cast %swap3A_504 : vector<1x16xf32> to vector<16xf32>
      %swap3A_506 = vector.shape_cast %add3A_501 : vector<16xf32> to vector<1x16xf32>
      tpu.vector_store %arg8[%swap3A_502, %swap3A_503], %swap3A_506 {strides = array<i32>} : memref<32x1024xf32, #tpu.memory_space<vmem>>, vector<1x16xf32>,
      %get3A_507 = arith.index_cast %add3A_60 : i32 to index
      %get3A_508 = arith.constant 512 : index
      %get3A_509 = tpu.vector_load %arg8[%get3A_507, %get3A_508] {strides = array<i32>} : memref<32x1024xf32, #tpu.memory_space<vmem>>, vector<1x16xf32>,
      %get3A_510 = vector.shape_cast %get3A_509 : vector<1x16xf32> to vector<16xf32>
      %get3A_511 = arith.index_cast %add3A_60 : i32 to index
      %get3A_512 = arith.constant 512 : index
      %get3A_513 = tpu.vector_load %arg9[%get3A_511, %get3A_512] {strides = array<i32>} : memref<32x1024xf32, #tpu.memory_space<vmem>>, vector<1x16xf32>,
      %get3A_514 = vector.shape_cast %get3A_513 : vector<1x16xf32> to vector<16xf32>
      %add3A_515 = arith.addf %get3A_510, %get3A_514 : vector<16xf32>
      %swap3A_516 = arith.index_cast %add3A_60 : i32 to index
      %swap3A_517 = arith.constant 512 : index
      %swap3A_518 = tpu.vector_load %arg8[%swap3A_516, %swap3A_517] {strides = array<i32>} : memref<32x1024xf32, #tpu.memory_space<vmem>>, vector<1x16xf32>,
      %swap3A_519 = vector.shape_cast %swap3A_518 : vector<1x16xf32> to vector<16xf32>
      %swap3A_520 = vector.shape_cast %add3A_515 : vector<16xf32> to vector<1x16xf32>
      tpu.vector_store %arg8[%swap3A_516, %swap3A_517], %swap3A_520 {strides = array<i32>} : memref<32x1024xf32, #tpu.memory_space<vmem>>, vector<1x16xf32>,
      %get3A_521 = arith.index_cast %add3A_60 : i32 to index
      %get3A_522 = arith.constant 528 : index
      %get3A_523 = tpu.vector_load %arg8[%get3A_521, %get3A_522] {strides = array<i32>} : memref<32x1024xf32, #tpu.memory_space<vmem>>, vector<1x16xf32>,
      %get3A_524 = vector.shape_cast %get3A_523 : vector<1x16xf32> to vector<16xf32>
      %get3A_525 = arith.index_cast %add3A_60 : i32 to index
      %get3A_526 = arith.constant 528 : index
      %get3A_527 = tpu.vector_load %arg9[%get3A_525, %get3A_526] {strides = array<i32>} : memref<32x1024xf32, #tpu.memory_space<vmem>>, vector<1x16xf32>,
      %get3A_528 = vector.shape_cast %get3A_527 : vector<1x16xf32> to vector<16xf32>
      %add3A_529 = arith.addf %get3A_524, %get3A_528 : vector<16xf32>
      %swap3A_530 = arith.index_cast %add3A_60 : i32 to index
      %swap3A_531 = arith.constant 528 : index
      %swap3A_532 = tpu.vector_load %arg8[%swap3A_530, %swap3A_531] {strides = array<i32>} : memref<32x1024xf32, #tpu.memory_space<vmem>>, vector<1x16xf32>,
      %swap3A_533 = vector.shape_cast %swap3A_532 : vector<1x16xf32> to vector<16xf32>
      %swap3A_534 = vector.shape_cast %add3A_529 : vector<16xf32> to vector<1x16xf32>
      tpu.vector_store %arg8[%swap3A_530, %swap3A_531], %swap3A_534 {strides = array<i32>} : memref<32x1024xf32, #tpu.memory_space<vmem>>, vector<1x16xf32>,
      %get3A_535 = arith.index_cast %add3A_60 : i32 to index
      %get3A_536 = arith.constant 544 : index
      %get3A_537 = tpu.vector_load %arg8[%get3A_535, %get3A_536] {strides = array<i32>} : memref<32x1024xf32, #tpu.memory_space<vmem>>, vector<1x16xf32>,
      %get3A_538 = vector.shape_cast %get3A_537 : vector<1x16xf32> to vector<16xf32>
      %get3A_539 = arith.index_cast %add3A_60 : i32 to index
      %get3A_540 = arith.constant 544 : index
      %get3A_541 = tpu.vector_load %arg9[%get3A_539, %get3A_540] {strides = array<i32>} : memref<32x1024xf32, #tpu.memory_space<vmem>>, vector<1x16xf32>,
      %get3A_542 = vector.shape_cast %get3A_541 : vector<1x16xf32> to vector<16xf32>
      %add3A_543 = arith.addf %get3A_538, %get3A_542 : vector<16xf32>
      %swap3A_544 = arith.index_cast %add3A_60 : i32 to index
      %swap3A_545 = arith.constant 544 : index
      %swap3A_546 = tpu.vector_load %arg8[%swap3A_544, %swap3A_545] {strides = array<i32>} : memref<32x1024xf32, #tpu.memory_space<vmem>>, vector<1x16xf32>,
      %swap3A_547 = vector.shape_cast %swap3A_546 : vector<1x16xf32> to vector<16xf32>
      %swap3A_548 = vector.shape_cast %add3A_543 : vector<16xf32> to vector<1x16xf32>
      tpu.vector_store %arg8[%swap3A_544, %swap3A_545], %swap3A_548 {strides = array<i32>} : memref<32x1024xf32, #tpu.memory_space<vmem>>, vector<1x16xf32>,
      %get3A_549 = arith.index_cast %add3A_60 : i32 to index
      %get3A_550 = arith.constant 560 : index
      %get3A_551 = tpu.vector_load %arg8[%get3A_549, %get3A_550] {strides = array<i32>} : memref<32x1024xf32, #tpu.memory_space<vmem>>, vector<1x16xf32>,
      %get3A_552 = vector.shape_cast %get3A_551 : vector<1x16xf32> to vector<16xf32>
      %get3A_553 = arith.index_cast %add3A_60 : i32 to index
      %get3A_554 = arith.constant 560 : index
      %get3A_555 = tpu.vector_load %arg9[%get3A_553, %get3A_554] {strides = array<i32>} : memref<32x1024xf32, #tpu.memory_space<vmem>>, vector<1x16xf32>,
      %get3A_556 = vector.shape_cast %get3A_555 : vector<1x16xf32> to vector<16xf32>
      %add3A_557 = arith.addf %get3A_552, %get3A_556 : vector<16xf32>
      %swap3A_558 = arith.index_cast %add3A_60 : i32 to index
      %swap3A_559 = arith.constant 560 : index
      %swap3A_560 = tpu.vector_load %arg8[%swap3A_558, %swap3A_559] {strides = array<i32>} : memref<32x1024xf32, #tpu.memory_space<vmem>>, vector<1x16xf32>,
      %swap3A_561 = vector.shape_cast %swap3A_560 : vector<1x16xf32> to vector<16xf32>
      %swap3A_562 = vector.shape_cast %add3A_557 : vector<16xf32> to vector<1x16xf32>
      tpu.vector_store %arg8[%swap3A_558, %swap3A_559], %swap3A_562 {strides = array<i32>} : memref<32x1024xf32, #tpu.memory_space<vmem>>, vector<1x16xf32>,
      %get3A_563 = arith.index_cast %add3A_60 : i32 to index
      %get3A_564 = arith.constant 576 : index
      %get3A_565 = tpu.vector_load %arg8[%get3A_563, %get3A_564] {strides = array<i32>} : memref<32x1024xf32, #tpu.memory_space<vmem>>, vector<1x16xf32>,
      %get3A_566 = vector.shape_cast %get3A_565 : vector<1x16xf32> to vector<16xf32>
      %get3A_567 = arith.index_cast %add3A_60 : i32 to index
      %get3A_568 = arith.constant 576 : index
      %get3A_569 = tpu.vector_load %arg9[%get3A_567, %get3A_568] {strides = array<i32>} : memref<32x1024xf32, #tpu.memory_space<vmem>>, vector<1x16xf32>,
      %get3A_570 = vector.shape_cast %get3A_569 : vector<1x16xf32> to vector<16xf32>
      %add3A_571 = arith.addf %get3A_566, %get3A_570 : vector<16xf32>
      %swap3A_572 = arith.index_cast %add3A_60 : i32 to index
      %swap3A_573 = arith.constant 576 : index
      %swap3A_574 = tpu.vector_load %arg8[%swap3A_572, %swap3A_573] {strides = array<i32>} : memref<32x1024xf32, #tpu.memory_space<vmem>>, vector<1x16xf32>,
      %swap3A_575 = vector.shape_cast %swap3A_574 : vector<1x16xf32> to vector<16xf32>
      %swap3A_576 = vector.shape_cast %add3A_571 : vector<16xf32> to vector<1x16xf32>
      tpu.vector_store %arg8[%swap3A_572, %swap3A_573], %swap3A_576 {strides = array<i32>} : memref<32x1024xf32, #tpu.memory_space<vmem>>, vector<1x16xf32>,
      %get3A_577 = arith.index_cast %add3A_60 : i32 to index
      %get3A_578 = arith.constant 592 : index
      %get3A_579 = tpu.vector_load %arg8[%get3A_577, %get3A_578] {strides = array<i32>} : memref<32x1024xf32, #tpu.memory_space<vmem>>, vector<1x16xf32>,
      %get3A_580 = vector.shape_cast %get3A_579 : vector<1x16xf32> to vector<16xf32>
      %get3A_581 = arith.index_cast %add3A_60 : i32 to index
      %get3A_582 = arith.constant 592 : index
      %get3A_583 = tpu.vector_load %arg9[%get3A_581, %get3A_582] {strides = array<i32>} : memref<32x1024xf32, #tpu.memory_space<vmem>>, vector<1x16xf32>,
      %get3A_584 = vector.shape_cast %get3A_583 : vector<1x16xf32> to vector<16xf32>
      %add3A_585 = arith.addf %get3A_580, %get3A_584 : vector<16xf32>
      %swap3A_586 = arith.index_cast %add3A_60 : i32 to index
      %swap3A_587 = arith.constant 592 : index
      %swap3A_588 = tpu.vector_load %arg8[%swap3A_586, %swap3A_587] {strides = array<i32>} : memref<32x1024xf32, #tpu.memory_space<vmem>>, vector<1x16xf32>,
      %swap3A_589 = vector.shape_cast %swap3A_588 : vector<1x16xf32> to vector<16xf32>
      %swap3A_590 = vector.shape_cast %add3A_585 : vector<16xf32> to vector<1x16xf32>
      tpu.vector_store %arg8[%swap3A_586, %swap3A_587], %swap3A_590 {strides = array<i32>} : memref<32x1024xf32, #tpu.memory_space<vmem>>, vector<1x16xf32>,
      %get3A_591 = arith.index_cast %add3A_60 : i32 to index
      %get3A_592 = arith.constant 608 : index
      %get3A_593 = tpu.vector_load %arg8[%get3A_591, %get3A_592] {strides = array<i32>} : memref<32x1024xf32, #tpu.memory_space<vmem>>, vector<1x16xf32>,
      %get3A_594 = vector.shape_cast %get3A_593 : vector<1x16xf32> to vector<16xf32>
      %get3A_595 = arith.index_cast %add3A_60 : i32 to index
      %get3A_596 = arith.constant 608 : index
      %get3A_597 = tpu.vector_load %arg9[%get3A_595, %get3A_596] {strides = array<i32>} : memref<32x1024xf32, #tpu.memory_space<vmem>>, vector<1x16xf32>,
      %get3A_598 = vector.shape_cast %get3A_597 : vector<1x16xf32> to vector<16xf32>
      %add3A_599 = arith.addf %get3A_594, %get3A_598 : vector<16xf32>
      %swap3A_600 = arith.index_cast %add3A_60 : i32 to index
      %swap3A_601 = arith.constant 608 : index
      %swap3A_602 = tpu.vector_load %arg8[%swap3A_600, %swap3A_601] {strides = array<i32>} : memref<32x1024xf32, #tpu.memory_space<vmem>>, vector<1x16xf32>,
      %swap3A_603 = vector.shape_cast %swap3A_602 : vector<1x16xf32> to vector<16xf32>
      %swap3A_604 = vector.shape_cast %add3A_599 : vector<16xf32> to vector<1x16xf32>
      tpu.vector_store %arg8[%swap3A_600, %swap3A_601], %swap3A_604 {strides = array<i32>} : memref<32x1024xf32, #tpu.memory_space<vmem>>, vector<1x16xf32>,
      %get3A_605 = arith.index_cast %add3A_60 : i32 to index
      %get3A_606 = arith.constant 624 : index
      %get3A_607 = tpu.vector_load %arg8[%get3A_605, %get3A_606] {strides = array<i32>} : memref<32x1024xf32, #tpu.memory_space<vmem>>, vector<1x16xf32>,
      %get3A_608 = vector.shape_cast %get3A_607 : vector<1x16xf32> to vector<16xf32>
      %get3A_609 = arith.index_cast %add3A_60 : i32 to index
      %get3A_610 = arith.constant 624 : index
      %get3A_611 = tpu.vector_load %arg9[%get3A_609, %get3A_610] {strides = array<i32>} : memref<32x1024xf32, #tpu.memory_space<vmem>>, vector<1x16xf32>,
      %get3A_612 = vector.shape_cast %get3A_611 : vector<1x16xf32> to vector<16xf32>
      %add3A_613 = arith.addf %get3A_608, %get3A_612 : vector<16xf32>
      %swap3A_614 = arith.index_cast %add3A_60 : i32 to index
      %swap3A_615 = arith.constant 624 : index
      %swap3A_616 = tpu.vector_load %arg8[%swap3A_614, %swap3A_615] {strides = array<i32>} : memref<32x1024xf32, #tpu.memory_space<vmem>>, vector<1x16xf32>,
      %swap3A_617 = vector.shape_cast %swap3A_616 : vector<1x16xf32> to vector<16xf32>
      %swap3A_618 = vector.shape_cast %add3A_613 : vector<16xf32> to vector<1x16xf32>
      tpu.vector_store %arg8[%swap3A_614, %swap3A_615], %swap3A_618 {strides = array<i32>} : memref<32x1024xf32, #tpu.memory_space<vmem>>, vector<1x16xf32>,
      %get3A_619 = arith.index_cast %add3A_60 : i32 to index
      %get3A_620 = arith.constant 640 : index
      %get3A_621 = tpu.vector_load %arg8[%get3A_619, %get3A_620] {strides = array<i32>} : memref<32x1024xf32, #tpu.memory_space<vmem>>, vector<1x16xf32>,
      %get3A_622 = vector.shape_cast %get3A_621 : vector<1x16xf32> to vector<16xf32>
      %get3A_623 = arith.index_cast %add3A_60 : i32 to index
      %get3A_624 = arith.constant 640 : index
      %get3A_625 = tpu.vector_load %arg9[%get3A_623, %get3A_624] {strides = array<i32>} : memref<32x1024xf32, #tpu.memory_space<vmem>>, vector<1x16xf32>,
      %get3A_626 = vector.shape_cast %get3A_625 : vector<1x16xf32> to vector<16xf32>
      %add3A_627 = arith.addf %get3A_622, %get3A_626 : vector<16xf32>
      %swap3A_628 = arith.index_cast %add3A_60 : i32 to index
      %swap3A_629 = arith.constant 640 : index
      %swap3A_630 = tpu.vector_load %arg8[%swap3A_628, %swap3A_629] {strides = array<i32>} : memref<32x1024xf32, #tpu.memory_space<vmem>>, vector<1x16xf32>,
      %swap3A_631 = vector.shape_cast %swap3A_630 : vector<1x16xf32> to vector<16xf32>
      %swap3A_632 = vector.shape_cast %add3A_627 : vector<16xf32> to vector<1x16xf32>
      tpu.vector_store %arg8[%swap3A_628, %swap3A_629], %swap3A_632 {strides = array<i32>} : memref<32x1024xf32, #tpu.memory_space<vmem>>, vector<1x16xf32>,
      %get3A_633 = arith.index_cast %add3A_60 : i32 to index
      %get3A_634 = arith.constant 656 : index
      %get3A_635 = tpu.vector_load %arg8[%get3A_633, %get3A_634] {strides = array<i32>} : memref<32x1024xf32, #tpu.memory_space<vmem>>, vector<1x16xf32>,
      %get3A_636 = vector.shape_cast %get3A_635 : vector<1x16xf32> to vector<16xf32>
      %get3A_637 = arith.index_cast %add3A_60 : i32 to index
      %get3A_638 = arith.constant 656 : index
      %get3A_639 = tpu.vector_load %arg9[%get3A_637, %get3A_638] {strides = array<i32>} : memref<32x1024xf32, #tpu.memory_space<vmem>>, vector<1x16xf32>,
      %get3A_640 = vector.shape_cast %get3A_639 : vector<1x16xf32> to vector<16xf32>
      %add3A_641 = arith.addf %get3A_636, %get3A_640 : vector<16xf32>
      %swap3A_642 = arith.index_cast %add3A_60 : i32 to index
      %swap3A_643 = arith.constant 656 : index
      %swap3A_644 = tpu.vector_load %arg8[%swap3A_642, %swap3A_643] {strides = array<i32>} : memref<32x1024xf32, #tpu.memory_space<vmem>>, vector<1x16xf32>,
      %swap3A_645 = vector.shape_cast %swap3A_644 : vector<1x16xf32> to vector<16xf32>
      %swap3A_646 = vector.shape_cast %add3A_641 : vector<16xf32> to vector<1x16xf32>
      tpu.vector_store %arg8[%swap3A_642, %swap3A_643], %swap3A_646 {strides = array<i32>} : memref<32x1024xf32, #tpu.memory_space<vmem>>, vector<1x16xf32>,
      %get3A_647 = arith.index_cast %add3A_60 : i32 to index
      %get3A_648 = arith.constant 672 : index
      %get3A_649 = tpu.vector_load %arg8[%get3A_647, %get3A_648] {strides = array<i32>} : memref<32x1024xf32, #tpu.memory_space<vmem>>, vector<1x16xf32>,
      %get3A_650 = vector.shape_cast %get3A_649 : vector<1x16xf32> to vector<16xf32>
      %get3A_651 = arith.index_cast %add3A_60 : i32 to index
      %get3A_652 = arith.constant 672 : index
      %get3A_653 = tpu.vector_load %arg9[%get3A_651, %get3A_652] {strides = array<i32>} : memref<32x1024xf32, #tpu.memory_space<vmem>>, vector<1x16xf32>,
      %get3A_654 = vector.shape_cast %get3A_653 : vector<1x16xf32> to vector<16xf32>
      %add3A_655 = arith.addf %get3A_650, %get3A_654 : vector<16xf32>
      %swap3A_656 = arith.index_cast %add3A_60 : i32 to index
      %swap3A_657 = arith.constant 672 : index
      %swap3A_658 = tpu.vector_load %arg8[%swap3A_656, %swap3A_657] {strides = array<i32>} : memref<32x1024xf32, #tpu.memory_space<vmem>>, vector<1x16xf32>,
      %swap3A_659 = vector.shape_cast %swap3A_658 : vector<1x16xf32> to vector<16xf32>
      %swap3A_660 = vector.shape_cast %add3A_655 : vector<16xf32> to vector<1x16xf32>
      tpu.vector_store %arg8[%swap3A_656, %swap3A_657], %swap3A_660 {strides = array<i32>} : memref<32x1024xf32, #tpu.memory_space<vmem>>, vector<1x16xf32>,
      %get3A_661 = arith.index_cast %add3A_60 : i32 to index
      %get3A_662 = arith.constant 688 : index
      %get3A_663 = tpu.vector_load %arg8[%get3A_661, %get3A_662] {strides = array<i32>} : memref<32x1024xf32, #tpu.memory_space<vmem>>, vector<1x16xf32>,
      %get3A_664 = vector.shape_cast %get3A_663 : vector<1x16xf32> to vector<16xf32>
      %get3A_665 = arith.index_cast %add3A_60 : i32 to index
      %get3A_666 = arith.constant 688 : index
      %get3A_667 = tpu.vector_load %arg9[%get3A_665, %get3A_666] {strides = array<i32>} : memref<32x1024xf32, #tpu.memory_space<vmem>>, vector<1x16xf32>,
      %get3A_668 = vector.shape_cast %get3A_667 : vector<1x16xf32> to vector<16xf32>
      %add3A_669 = arith.addf %get3A_664, %get3A_668 : vector<16xf32>
      %swap3A_670 = arith.index_cast %add3A_60 : i32 to index
      %swap3A_671 = arith.constant 688 : index
      %swap3A_672 = tpu.vector_load %arg8[%swap3A_670, %swap3A_671] {strides = array<i32>} : memref<32x1024xf32, #tpu.memory_space<vmem>>, vector<1x16xf32>,
      %swap3A_673 = vector.shape_cast %swap3A_672 : vector<1x16xf32> to vector<16xf32>
      %swap3A_674 = vector.shape_cast %add3A_669 : vector<16xf32> to vector<1x16xf32>
      tpu.vector_store %arg8[%swap3A_670, %swap3A_671], %swap3A_674 {strides = array<i32>} : memref<32x1024xf32, #tpu.memory_space<vmem>>, vector<1x16xf32>,
      %get3A_675 = arith.index_cast %add3A_60 : i32 to index
      %get3A_676 = arith.constant 704 : index
      %get3A_677 = tpu.vector_load %arg8[%get3A_675, %get3A_676] {strides = array<i32>} : memref<32x1024xf32, #tpu.memory_space<vmem>>, vector<1x16xf32>,
      %get3A_678 = vector.shape_cast %get3A_677 : vector<1x16xf32> to vector<16xf32>
      %get3A_679 = arith.index_cast %add3A_60 : i32 to index
      %get3A_680 = arith.constant 704 : index
      %get3A_681 = tpu.vector_load %arg9[%get3A_679, %get3A_680] {strides = array<i32>} : memref<32x1024xf32, #tpu.memory_space<vmem>>, vector<1x16xf32>,
      %get3A_682 = vector.shape_cast %get3A_681 : vector<1x16xf32> to vector<16xf32>
      %add3A_683 = arith.addf %get3A_678, %get3A_682 : vector<16xf32>
      %swap3A_684 = arith.index_cast %add3A_60 : i32 to index
      %swap3A_685 = arith.constant 704 : index
      %swap3A_686 = tpu.vector_load %arg8[%swap3A_684, %swap3A_685] {strides = array<i32>} : memref<32x1024xf32, #tpu.memory_space<vmem>>, vector<1x16xf32>,
      %swap3A_687 = vector.shape_cast %swap3A_686 : vector<1x16xf32> to vector<16xf32>
      %swap3A_688 = vector.shape_cast %add3A_683 : vector<16xf32> to vector<1x16xf32>
      tpu.vector_store %arg8[%swap3A_684, %swap3A_685], %swap3A_688 {strides = array<i32>} : memref<32x1024xf32, #tpu.memory_space<vmem>>, vector<1x16xf32>,
      %get3A_689 = arith.index_cast %add3A_60 : i32 to index
      %get3A_690 = arith.constant 720 : index
      %get3A_691 = tpu.vector_load %arg8[%get3A_689, %get3A_690] {strides = array<i32>} : memref<32x1024xf32, #tpu.memory_space<vmem>>, vector<1x16xf32>,
      %get3A_692 = vector.shape_cast %get3A_691 : vector<1x16xf32> to vector<16xf32>
      %get3A_693 = arith.index_cast %add3A_60 : i32 to index
      %get3A_694 = arith.constant 720 : index
      %get3A_695 = tpu.vector_load %arg9[%get3A_693, %get3A_694] {strides = array<i32>} : memref<32x1024xf32, #tpu.memory_space<vmem>>, vector<1x16xf32>,
      %get3A_696 = vector.shape_cast %get3A_695 : vector<1x16xf32> to vector<16xf32>
      %add3A_697 = arith.addf %get3A_692, %get3A_696 : vector<16xf32>
      %swap3A_698 = arith.index_cast %add3A_60 : i32 to index
      %swap3A_699 = arith.constant 720 : index
      %swap3A_700 = tpu.vector_load %arg8[%swap3A_698, %swap3A_699] {strides = array<i32>} : memref<32x1024xf32, #tpu.memory_space<vmem>>, vector<1x16xf32>,
      %swap3A_701 = vector.shape_cast %swap3A_700 : vector<1x16xf32> to vector<16xf32>
      %swap3A_702 = vector.shape_cast %add3A_697 : vector<16xf32> to vector<1x16xf32>
      tpu.vector_store %arg8[%swap3A_698, %swap3A_699], %swap3A_702 {strides = array<i32>} : memref<32x1024xf32, #tpu.memory_space<vmem>>, vector<1x16xf32>,
      %get3A_703 = arith.index_cast %add3A_60 : i32 to index
      %get3A_704 = arith.constant 736 : index
      %get3A_705 = tpu.vector_load %arg8[%get3A_703, %get3A_704] {strides = array<i32>} : memref<32x1024xf32, #tpu.memory_space<vmem>>, vector<1x16xf32>,
      %get3A_706 = vector.shape_cast %get3A_705 : vector<1x16xf32> to vector<16xf32>
      %get3A_707 = arith.index_cast %add3A_60 : i32 to index
      %get3A_708 = arith.constant 736 : index
      %get3A_709 = tpu.vector_load %arg9[%get3A_707, %get3A_708] {strides = array<i32>} : memref<32x1024xf32, #tpu.memory_space<vmem>>, vector<1x16xf32>,
      %get3A_710 = vector.shape_cast %get3A_709 : vector<1x16xf32> to vector<16xf32>
      %add3A_711 = arith.addf %get3A_706, %get3A_710 : vector<16xf32>
      %swap3A_712 = arith.index_cast %add3A_60 : i32 to index
      %swap3A_713 = arith.constant 736 : index
      %swap3A_714 = tpu.vector_load %arg8[%swap3A_712, %swap3A_713] {strides = array<i32>} : memref<32x1024xf32, #tpu.memory_space<vmem>>, vector<1x16xf32>,
      %swap3A_715 = vector.shape_cast %swap3A_714 : vector<1x16xf32> to vector<16xf32>
      %swap3A_716 = vector.shape_cast %add3A_711 : vector<16xf32> to vector<1x16xf32>
      tpu.vector_store %arg8[%swap3A_712, %swap3A_713], %swap3A_716 {strides = array<i32>} : memref<32x1024xf32, #tpu.memory_space<vmem>>, vector<1x16xf32>,
      %get3A_717 = arith.index_cast %add3A_60 : i32 to index
      %get3A_718 = arith.constant 752 : index
      %get3A_719 = tpu.vector_load %arg8[%get3A_717, %get3A_718] {strides = array<i32>} : memref<32x1024xf32, #tpu.memory_space<vmem>>, vector<1x16xf32>,
      %get3A_720 = vector.shape_cast %get3A_719 : vector<1x16xf32> to vector<16xf32>
      %get3A_721 = arith.index_cast %add3A_60 : i32 to index
      %get3A_722 = arith.constant 752 : index
      %get3A_723 = tpu.vector_load %arg9[%get3A_721, %get3A_722] {strides = array<i32>} : memref<32x1024xf32, #tpu.memory_space<vmem>>, vector<1x16xf32>,
      %get3A_724 = vector.shape_cast %get3A_723 : vector<1x16xf32> to vector<16xf32>
      %add3A_725 = arith.addf %get3A_720, %get3A_724 : vector<16xf32>
      %swap3A_726 = arith.index_cast %add3A_60 : i32 to index
      %swap3A_727 = arith.constant 752 : index
      %swap3A_728 = tpu.vector_load %arg8[%swap3A_726, %swap3A_727] {strides = array<i32>} : memref<32x1024xf32, #tpu.memory_space<vmem>>, vector<1x16xf32>,
      %swap3A_729 = vector.shape_cast %swap3A_728 : vector<1x16xf32> to vector<16xf32>
      %swap3A_730 = vector.shape_cast %add3A_725 : vector<16xf32> to vector<1x16xf32>
      tpu.vector_store %arg8[%swap3A_726, %swap3A_727], %swap3A_730 {strides = array<i32>} : memref<32x1024xf32, #tpu.memory_space<vmem>>, vector<1x16xf32>,
      %get3A_731 = arith.index_cast %add3A_60 : i32 to index
      %get3A_732 = arith.constant 768 : index
      %get3A_733 = tpu.vector_load %arg8[%get3A_731, %get3A_732] {strides = array<i32>} : memref<32x1024xf32, #tpu.memory_space<vmem>>, vector<1x16xf32>,
      %get3A_734 = vector.shape_cast %get3A_733 : vector<1x16xf32> to vector<16xf32>
      %get3A_735 = arith.index_cast %add3A_60 : i32 to index
      %get3A_736 = arith.constant 768 : index
      %get3A_737 = tpu.vector_load %arg9[%get3A_735, %get3A_736] {strides = array<i32>} : memref<32x1024xf32, #tpu.memory_space<vmem>>, vector<1x16xf32>,
      %get3A_738 = vector.shape_cast %get3A_737 : vector<1x16xf32> to vector<16xf32>
      %add3A_739 = arith.addf %get3A_734, %get3A_738 : vector<16xf32>
      %swap3A_740 = arith.index_cast %add3A_60 : i32 to index
      %swap3A_741 = arith.constant 768 : index
      %swap3A_742 = tpu.vector_load %arg8[%swap3A_740, %swap3A_741] {strides = array<i32>} : memref<32x1024xf32, #tpu.memory_space<vmem>>, vector<1x16xf32>,
      %swap3A_743 = vector.shape_cast %swap3A_742 : vector<1x16xf32> to vector<16xf32>
      %swap3A_744 = vector.shape_cast %add3A_739 : vector<16xf32> to vector<1x16xf32>
      tpu.vector_store %arg8[%swap3A_740, %swap3A_741], %swap3A_744 {strides = array<i32>} : memref<32x1024xf32, #tpu.memory_space<vmem>>, vector<1x16xf32>,
      %get3A_745 = arith.index_cast %add3A_60 : i32 to index
      %get3A_746 = arith.constant 784 : index
      %get3A_747 = tpu.vector_load %arg8[%get3A_745, %get3A_746] {strides = array<i32>} : memref<32x1024xf32, #tpu.memory_space<vmem>>, vector<1x16xf32>,
      %get3A_748 = vector.shape_cast %get3A_747 : vector<1x16xf32> to vector<16xf32>
      %get3A_749 = arith.index_cast %add3A_60 : i32 to index
      %get3A_750 = arith.constant 784 : index
      %get3A_751 = tpu.vector_load %arg9[%get3A_749, %get3A_750] {strides = array<i32>} : memref<32x1024xf32, #tpu.memory_space<vmem>>, vector<1x16xf32>,
      %get3A_752 = vector.shape_cast %get3A_751 : vector<1x16xf32> to vector<16xf32>
      %add3A_753 = arith.addf %get3A_748, %get3A_752 : vector<16xf32>
      %swap3A_754 = arith.index_cast %add3A_60 : i32 to index
      %swap3A_755 = arith.constant 784 : index
      %swap3A_756 = tpu.vector_load %arg8[%swap3A_754, %swap3A_755] {strides = array<i32>} : memref<32x1024xf32, #tpu.memory_space<vmem>>, vector<1x16xf32>,
      %swap3A_757 = vector.shape_cast %swap3A_756 : vector<1x16xf32> to vector<16xf32>
      %swap3A_758 = vector.shape_cast %add3A_753 : vector<16xf32> to vector<1x16xf32>
      tpu.vector_store %arg8[%swap3A_754, %swap3A_755], %swap3A_758 {strides = array<i32>} : memref<32x1024xf32, #tpu.memory_space<vmem>>, vector<1x16xf32>,
      %get3A_759 = arith.index_cast %add3A_60 : i32 to index
      %get3A_760 = arith.constant 800 : index
      %get3A_761 = tpu.vector_load %arg8[%get3A_759, %get3A_760] {strides = array<i32>} : memref<32x1024xf32, #tpu.memory_space<vmem>>, vector<1x16xf32>,
      %get3A_762 = vector.shape_cast %get3A_761 : vector<1x16xf32> to vector<16xf32>
      %get3A_763 = arith.index_cast %add3A_60 : i32 to index
      %get3A_764 = arith.constant 800 : index
      %get3A_765 = tpu.vector_load %arg9[%get3A_763, %get3A_764] {strides = array<i32>} : memref<32x1024xf32, #tpu.memory_space<vmem>>, vector<1x16xf32>,
      %get3A_766 = vector.shape_cast %get3A_765 : vector<1x16xf32> to vector<16xf32>
      %add3A_767 = arith.addf %get3A_762, %get3A_766 : vector<16xf32>
      %swap3A_768 = arith.index_cast %add3A_60 : i32 to index
      %swap3A_769 = arith.constant 800 : index
      %swap3A_770 = tpu.vector_load %arg8[%swap3A_768, %swap3A_769] {strides = array<i32>} : memref<32x1024xf32, #tpu.memory_space<vmem>>, vector<1x16xf32>,
      %swap3A_771 = vector.shape_cast %swap3A_770 : vector<1x16xf32> to vector<16xf32>
      %swap3A_772 = vector.shape_cast %add3A_767 : vector<16xf32> to vector<1x16xf32>
      tpu.vector_store %arg8[%swap3A_768, %swap3A_769], %swap3A_772 {strides = array<i32>} : memref<32x1024xf32, #tpu.memory_space<vmem>>, vector<1x16xf32>,
      %get3A_773 = arith.index_cast %add3A_60 : i32 to index
      %get3A_774 = arith.constant 816 : index
      %get3A_775 = tpu.vector_load %arg8[%get3A_773, %get3A_774] {strides = array<i32>} : memref<32x1024xf32, #tpu.memory_space<vmem>>, vector<1x16xf32>,
      %get3A_776 = vector.shape_cast %get3A_775 : vector<1x16xf32> to vector<16xf32>
      %get3A_777 = arith.index_cast %add3A_60 : i32 to index
      %get3A_778 = arith.constant 816 : index
      %get3A_779 = tpu.vector_load %arg9[%get3A_777, %get3A_778] {strides = array<i32>} : memref<32x1024xf32, #tpu.memory_space<vmem>>, vector<1x16xf32>,
      %get3A_780 = vector.shape_cast %get3A_779 : vector<1x16xf32> to vector<16xf32>
      %add3A_781 = arith.addf %get3A_776, %get3A_780 : vector<16xf32>
      %swap3A_782 = arith.index_cast %add3A_60 : i32 to index
      %swap3A_783 = arith.constant 816 : index
      %swap3A_784 = tpu.vector_load %arg8[%swap3A_782, %swap3A_783] {strides = array<i32>} : memref<32x1024xf32, #tpu.memory_space<vmem>>, vector<1x16xf32>,
      %swap3A_785 = vector.shape_cast %swap3A_784 : vector<1x16xf32> to vector<16xf32>
      %swap3A_786 = vector.shape_cast %add3A_781 : vector<16xf32> to vector<1x16xf32>
      tpu.vector_store %arg8[%swap3A_782, %swap3A_783], %swap3A_786 {strides = array<i32>} : memref<32x1024xf32, #tpu.memory_space<vmem>>, vector<1x16xf32>,
      %get3A_787 = arith.index_cast %add3A_60 : i32 to index
      %get3A_788 = arith.constant 832 : index
      %get3A_789 = tpu.vector_load %arg8[%get3A_787, %get3A_788] {strides = array<i32>} : memref<32x1024xf32, #tpu.memory_space<vmem>>, vector<1x16xf32>,
      %get3A_790 = vector.shape_cast %get3A_789 : vector<1x16xf32> to vector<16xf32>
      %get3A_791 = arith.index_cast %add3A_60 : i32 to index
      %get3A_792 = arith.constant 832 : index
      %get3A_793 = tpu.vector_load %arg9[%get3A_791, %get3A_792] {strides = array<i32>} : memref<32x1024xf32, #tpu.memory_space<vmem>>, vector<1x16xf32>,
      %get3A_794 = vector.shape_cast %get3A_793 : vector<1x16xf32> to vector<16xf32>
      %add3A_795 = arith.addf %get3A_790, %get3A_794 : vector<16xf32>
      %swap3A_796 = arith.index_cast %add3A_60 : i32 to index
      %swap3A_797 = arith.constant 832 : index
      %swap3A_798 = tpu.vector_load %arg8[%swap3A_796, %swap3A_797] {strides = array<i32>} : memref<32x1024xf32, #tpu.memory_space<vmem>>, vector<1x16xf32>,
      %swap3A_799 = vector.shape_cast %swap3A_798 : vector<1x16xf32> to vector<16xf32>
      %swap3A_800 = vector.shape_cast %add3A_795 : vector<16xf32> to vector<1x16xf32>
      tpu.vector_store %arg8[%swap3A_796, %swap3A_797], %swap3A_800 {strides = array<i32>} : memref<32x1024xf32, #tpu.memory_space<vmem>>, vector<1x16xf32>,
      %get3A_801 = arith.index_cast %add3A_60 : i32 to index
      %get3A_802 = arith.constant 848 : index
      %get3A_803 = tpu.vector_load %arg8[%get3A_801, %get3A_802] {strides = array<i32>} : memref<32x1024xf32, #tpu.memory_space<vmem>>, vector<1x16xf32>,
      %get3A_804 = vector.shape_cast %get3A_803 : vector<1x16xf32> to vector<16xf32>
      %get3A_805 = arith.index_cast %add3A_60 : i32 to index
      %get3A_806 = arith.constant 848 : index
      %get3A_807 = tpu.vector_load %arg9[%get3A_805, %get3A_806] {strides = array<i32>} : memref<32x1024xf32, #tpu.memory_space<vmem>>, vector<1x16xf32>,
      %get3A_808 = vector.shape_cast %get3A_807 : vector<1x16xf32> to vector<16xf32>
      %add3A_809 = arith.addf %get3A_804, %get3A_808 : vector<16xf32>
      %swap3A_810 = arith.index_cast %add3A_60 : i32 to index
      %swap3A_811 = arith.constant 848 : index
      %swap3A_812 = tpu.vector_load %arg8[%swap3A_810, %swap3A_811] {strides = array<i32>} : memref<32x1024xf32, #tpu.memory_space<vmem>>, vector<1x16xf32>,
      %swap3A_813 = vector.shape_cast %swap3A_812 : vector<1x16xf32> to vector<16xf32>
      %swap3A_814 = vector.shape_cast %add3A_809 : vector<16xf32> to vector<1x16xf32>
      tpu.vector_store %arg8[%swap3A_810, %swap3A_811], %swap3A_814 {strides = array<i32>} : memref<32x1024xf32, #tpu.memory_space<vmem>>, vector<1x16xf32>,
      %get3A_815 = arith.index_cast %add3A_60 : i32 to index
      %get3A_816 = arith.constant 864 : index
      %get3A_817 = tpu.vector_load %arg8[%get3A_815, %get3A_816] {strides = array<i32>} : memref<32x1024xf32, #tpu.memory_space<vmem>>, vector<1x16xf32>,
      %get3A_818 = vector.shape_cast %get3A_817 : vector<1x16xf32> to vector<16xf32>
      %get3A_819 = arith.index_cast %add3A_60 : i32 to index
      %get3A_820 = arith.constant 864 : index
      %get3A_821 = tpu.vector_load %arg9[%get3A_819, %get3A_820] {strides = array<i32>} : memref<32x1024xf32, #tpu.memory_space<vmem>>, vector<1x16xf32>,
      %get3A_822 = vector.shape_cast %get3A_821 : vector<1x16xf32> to vector<16xf32>
      %add3A_823 = arith.addf %get3A_818, %get3A_822 : vector<16xf32>
      %swap3A_824 = arith.index_cast %add3A_60 : i32 to index
      %swap3A_825 = arith.constant 864 : index
      %swap3A_826 = tpu.vector_load %arg8[%swap3A_824, %swap3A_825] {strides = array<i32>} : memref<32x1024xf32, #tpu.memory_space<vmem>>, vector<1x16xf32>,
      %swap3A_827 = vector.shape_cast %swap3A_826 : vector<1x16xf32> to vector<16xf32>
      %swap3A_828 = vector.shape_cast %add3A_823 : vector<16xf32> to vector<1x16xf32>
      tpu.vector_store %arg8[%swap3A_824, %swap3A_825], %swap3A_828 {strides = array<i32>} : memref<32x1024xf32, #tpu.memory_space<vmem>>, vector<1x16xf32>,
      %get3A_829 = arith.index_cast %add3A_60 : i32 to index
      %get3A_830 = arith.constant 880 : index
      %get3A_831 = tpu.vector_load %arg8[%get3A_829, %get3A_830] {strides = array<i32>} : memref<32x1024xf32, #tpu.memory_space<vmem>>, vector<1x16xf32>,
      %get3A_832 = vector.shape_cast %get3A_831 : vector<1x16xf32> to vector<16xf32>
      %get3A_833 = arith.index_cast %add3A_60 : i32 to index
      %get3A_834 = arith.constant 880 : index
      %get3A_835 = tpu.vector_load %arg9[%get3A_833, %get3A_834] {strides = array<i32>} : memref<32x1024xf32, #tpu.memory_space<vmem>>, vector<1x16xf32>,
      %get3A_836 = vector.shape_cast %get3A_835 : vector<1x16xf32> to vector<16xf32>
      %add3A_837 = arith.addf %get3A_832, %get3A_836 : vector<16xf32>
      %swap3A_838 = arith.index_cast %add3A_60 : i32 to index
      %swap3A_839 = arith.constant 880 : index
      %swap3A_840 = tpu.vector_load %arg8[%swap3A_838, %swap3A_839] {strides = array<i32>} : memref<32x1024xf32, #tpu.memory_space<vmem>>, vector<1x16xf32>,
      %swap3A_841 = vector.shape_cast %swap3A_840 : vector<1x16xf32> to vector<16xf32>
      %swap3A_842 = vector.shape_cast %add3A_837 : vector<16xf32> to vector<1x16xf32>
      tpu.vector_store %arg8[%swap3A_838, %swap3A_839], %swap3A_842 {strides = array<i32>} : memref<32x1024xf32, #tpu.memory_space<vmem>>, vector<1x16xf32>,
      %get3A_843 = arith.index_cast %add3A_60 : i32 to index
      %get3A_844 = arith.constant 896 : index
      %get3A_845 = tpu.vector_load %arg8[%get3A_843, %get3A_844] {strides = array<i32>} : memref<32x1024xf32, #tpu.memory_space<vmem>>, vector<1x16xf32>,
      %get3A_846 = vector.shape_cast %get3A_845 : vector<1x16xf32> to vector<16xf32>
      %get3A_847 = arith.index_cast %add3A_60 : i32 to index
      %get3A_848 = arith.constant 896 : index
      %get3A_849 = tpu.vector_load %arg9[%get3A_847, %get3A_848] {strides = array<i32>} : memref<32x1024xf32, #tpu.memory_space<vmem>>, vector<1x16xf32>,
      %get3A_850 = vector.shape_cast %get3A_849 : vector<1x16xf32> to vector<16xf32>
      %add3A_851 = arith.addf %get3A_846, %get3A_850 : vector<16xf32>
      %swap3A_852 = arith.index_cast %add3A_60 : i32 to index
      %swap3A_853 = arith.constant 896 : index
      %swap3A_854 = tpu.vector_load %arg8[%swap3A_852, %swap3A_853] {strides = array<i32>} : memref<32x1024xf32, #tpu.memory_space<vmem>>, vector<1x16xf32>,
      %swap3A_855 = vector.shape_cast %swap3A_854 : vector<1x16xf32> to vector<16xf32>
      %swap3A_856 = vector.shape_cast %add3A_851 : vector<16xf32> to vector<1x16xf32>
      tpu.vector_store %arg8[%swap3A_852, %swap3A_853], %swap3A_856 {strides = array<i32>} : memref<32x1024xf32, #tpu.memory_space<vmem>>, vector<1x16xf32>,
      %get3A_857 = arith.index_cast %add3A_60 : i32 to index
      %get3A_858 = arith.constant 912 : index
      %get3A_859 = tpu.vector_load %arg8[%get3A_857, %get3A_858] {strides = array<i32>} : memref<32x1024xf32, #tpu.memory_space<vmem>>, vector<1x16xf32>,
      %get3A_860 = vector.shape_cast %get3A_859 : vector<1x16xf32> to vector<16xf32>
      %get3A_861 = arith.index_cast %add3A_60 : i32 to index
      %get3A_862 = arith.constant 912 : index
      %get3A_863 = tpu.vector_load %arg9[%get3A_861, %get3A_862] {strides = array<i32>} : memref<32x1024xf32, #tpu.memory_space<vmem>>, vector<1x16xf32>,
      %get3A_864 = vector.shape_cast %get3A_863 : vector<1x16xf32> to vector<16xf32>
      %add3A_865 = arith.addf %get3A_860, %get3A_864 : vector<16xf32>
      %swap3A_866 = arith.index_cast %add3A_60 : i32 to index
      %swap3A_867 = arith.constant 912 : index
      %swap3A_868 = tpu.vector_load %arg8[%swap3A_866, %swap3A_867] {strides = array<i32>} : memref<32x1024xf32, #tpu.memory_space<vmem>>, vector<1x16xf32>,
      %swap3A_869 = vector.shape_cast %swap3A_868 : vector<1x16xf32> to vector<16xf32>
      %swap3A_870 = vector.shape_cast %add3A_865 : vector<16xf32> to vector<1x16xf32>
      tpu.vector_store %arg8[%swap3A_866, %swap3A_867], %swap3A_870 {strides = array<i32>} : memref<32x1024xf32, #tpu.memory_space<vmem>>, vector<1x16xf32>,
      %get3A_871 = arith.index_cast %add3A_60 : i32 to index
      %get3A_872 = arith.constant 928 : index
      %get3A_873 = tpu.vector_load %arg8[%get3A_871, %get3A_872] {strides = array<i32>} : memref<32x1024xf32, #tpu.memory_space<vmem>>, vector<1x16xf32>,
      %get3A_874 = vector.shape_cast %get3A_873 : vector<1x16xf32> to vector<16xf32>
      %get3A_875 = arith.index_cast %add3A_60 : i32 to index
      %get3A_876 = arith.constant 928 : index
      %get3A_877 = tpu.vector_load %arg9[%get3A_875, %get3A_876] {strides = array<i32>} : memref<32x1024xf32, #tpu.memory_space<vmem>>, vector<1x16xf32>,
      %get3A_878 = vector.shape_cast %get3A_877 : vector<1x16xf32> to vector<16xf32>
      %add3A_879 = arith.addf %get3A_874, %get3A_878 : vector<16xf32>
      %swap3A_880 = arith.index_cast %add3A_60 : i32 to index
      %swap3A_881 = arith.constant 928 : index
      %swap3A_882 = tpu.vector_load %arg8[%swap3A_880, %swap3A_881] {strides = array<i32>} : memref<32x1024xf32, #tpu.memory_space<vmem>>, vector<1x16xf32>,
      %swap3A_883 = vector.shape_cast %swap3A_882 : vector<1x16xf32> to vector<16xf32>
      %swap3A_884 = vector.shape_cast %add3A_879 : vector<16xf32> to vector<1x16xf32>
      tpu.vector_store %arg8[%swap3A_880, %swap3A_881], %swap3A_884 {strides = array<i32>} : memref<32x1024xf32, #tpu.memory_space<vmem>>, vector<1x16xf32>,
      %get3A_885 = arith.index_cast %add3A_60 : i32 to index
      %get3A_886 = arith.constant 944 : index
      %get3A_887 = tpu.vector_load %arg8[%get3A_885, %get3A_886] {strides = array<i32>} : memref<32x1024xf32, #tpu.memory_space<vmem>>, vector<1x16xf32>,
      %get3A_888 = vector.shape_cast %get3A_887 : vector<1x16xf32> to vector<16xf32>
      %get3A_889 = arith.index_cast %add3A_60 : i32 to index
      %get3A_890 = arith.constant 944 : index
      %get3A_891 = tpu.vector_load %arg9[%get3A_889, %get3A_890] {strides = array<i32>} : memref<32x1024xf32, #tpu.memory_space<vmem>>, vector<1x16xf32>,
      %get3A_892 = vector.shape_cast %get3A_891 : vector<1x16xf32> to vector<16xf32>
      %add3A_893 = arith.addf %get3A_888, %get3A_892 : vector<16xf32>
      %swap3A_894 = arith.index_cast %add3A_60 : i32 to index
      %swap3A_895 = arith.constant 944 : index
      %swap3A_896 = tpu.vector_load %arg8[%swap3A_894, %swap3A_895] {strides = array<i32>} : memref<32x1024xf32, #tpu.memory_space<vmem>>, vector<1x16xf32>,
      %swap3A_897 = vector.shape_cast %swap3A_896 : vector<1x16xf32> to vector<16xf32>
      %swap3A_898 = vector.shape_cast %add3A_893 : vector<16xf32> to vector<1x16xf32>
      tpu.vector_store %arg8[%swap3A_894, %swap3A_895], %swap3A_898 {strides = array<i32>} : memref<32x1024xf32, #tpu.memory_space<vmem>>, vector<1x16xf32>,
      %get3A_899 = arith.index_cast %add3A_60 : i32 to index
      %get3A_900 = arith.constant 960 : index
      %get3A_901 = tpu.vector_load %arg8[%get3A_899, %get3A_900] {strides = array<i32>} : memref<32x1024xf32, #tpu.memory_space<vmem>>, vector<1x16xf32>,
      %get3A_902 = vector.shape_cast %get3A_901 : vector<1x16xf32> to vector<16xf32>
      %get3A_903 = arith.index_cast %add3A_60 : i32 to index
      %get3A_904 = arith.constant 960 : index
      %get3A_905 = tpu.vector_load %arg9[%get3A_903, %get3A_904] {strides = array<i32>} : memref<32x1024xf32, #tpu.memory_space<vmem>>, vector<1x16xf32>,
      %get3A_906 = vector.shape_cast %get3A_905 : vector<1x16xf32> to vector<16xf32>
      %add3A_907 = arith.addf %get3A_902, %get3A_906 : vector<16xf32>
      %swap3A_908 = arith.index_cast %add3A_60 : i32 to index
      %swap3A_909 = arith.constant 960 : index
      %swap3A_910 = tpu.vector_load %arg8[%swap3A_908, %swap3A_909] {strides = array<i32>} : memref<32x1024xf32, #tpu.memory_space<vmem>>, vector<1x16xf32>,
      %swap3A_911 = vector.shape_cast %swap3A_910 : vector<1x16xf32> to vector<16xf32>
      %swap3A_912 = vector.shape_cast %add3A_907 : vector<16xf32> to vector<1x16xf32>
      tpu.vector_store %arg8[%swap3A_908, %swap3A_909], %swap3A_912 {strides = array<i32>} : memref<32x1024xf32, #tpu.memory_space<vmem>>, vector<1x16xf32>,
      %get3A_913 = arith.index_cast %add3A_60 : i32 to index
      %get3A_914 = arith.constant 976 : index
      %get3A_915 = tpu.vector_load %arg8[%get3A_913, %get3A_914] {strides = array<i32>} : memref<32x1024xf32, #tpu.memory_space<vmem>>, vector<1x16xf32>,
      %get3A_916 = vector.shape_cast %get3A_915 : vector<1x16xf32> to vector<16xf32>
      %get3A_917 = arith.index_cast %add3A_60 : i32 to index
      %get3A_918 = arith.constant 976 : index
      %get3A_919 = tpu.vector_load %arg9[%get3A_917, %get3A_918] {strides = array<i32>} : memref<32x1024xf32, #tpu.memory_space<vmem>>, vector<1x16xf32>,
      %get3A_920 = vector.shape_cast %get3A_919 : vector<1x16xf32> to vector<16xf32>
      %add3A_921 = arith.addf %get3A_916, %get3A_920 : vector<16xf32>
      %swap3A_922 = arith.index_cast %add3A_60 : i32 to index
      %swap3A_923 = arith.constant 976 : index
      %swap3A_924 = tpu.vector_load %arg8[%swap3A_922, %swap3A_923] {strides = array<i32>} : memref<32x1024xf32, #tpu.memory_space<vmem>>, vector<1x16xf32>,
      %swap3A_925 = vector.shape_cast %swap3A_924 : vector<1x16xf32> to vector<16xf32>
      %swap3A_926 = vector.shape_cast %add3A_921 : vector<16xf32> to vector<1x16xf32>
      tpu.vector_store %arg8[%swap3A_922, %swap3A_923], %swap3A_926 {strides = array<i32>} : memref<32x1024xf32, #tpu.memory_space<vmem>>, vector<1x16xf32>,
      %get3A_927 = arith.index_cast %add3A_60 : i32 to index
      %get3A_928 = arith.constant 992 : index
      %get3A_929 = tpu.vector_load %arg8[%get3A_927, %get3A_928] {strides = array<i32>} : memref<32x1024xf32, #tpu.memory_space<vmem>>, vector<1x16xf32>,
      %get3A_930 = vector.shape_cast %get3A_929 : vector<1x16xf32> to vector<16xf32>
      %get3A_931 = arith.index_cast %add3A_60 : i32 to index
      %get3A_932 = arith.constant 992 : index
      %get3A_933 = tpu.vector_load %arg9[%get3A_931, %get3A_932] {strides = array<i32>} : memref<32x1024xf32, #tpu.memory_space<vmem>>, vector<1x16xf32>,
      %get3A_934 = vector.shape_cast %get3A_933 : vector<1x16xf32> to vector<16xf32>
      %add3A_935 = arith.addf %get3A_930, %get3A_934 : vector<16xf32>
      %swap3A_936 = arith.index_cast %add3A_60 : i32 to index
      %swap3A_937 = arith.constant 992 : index
      %swap3A_938 = tpu.vector_load %arg8[%swap3A_936, %swap3A_937] {strides = array<i32>} : memref<32x1024xf32, #tpu.memory_space<vmem>>, vector<1x16xf32>,
      %swap3A_939 = vector.shape_cast %swap3A_938 : vector<1x16xf32> to vector<16xf32>
      %swap3A_940 = vector.shape_cast %add3A_935 : vector<16xf32> to vector<1x16xf32>
      tpu.vector_store %arg8[%swap3A_936, %swap3A_937], %swap3A_940 {strides = array<i32>} : memref<32x1024xf32, #tpu.memory_space<vmem>>, vector<1x16xf32>,
      %get3A_941 = arith.index_cast %add3A_60 : i32 to index
      %get3A_942 = arith.constant 1008 : index
      %get3A_943 = tpu.vector_load %arg8[%get3A_941, %get3A_942] {strides = array<i32>} : memref<32x1024xf32, #tpu.memory_space<vmem>>, vector<1x16xf32>,
      %get3A_944 = vector.shape_cast %get3A_943 : vector<1x16xf32> to vector<16xf32>
      %get3A_945 = arith.index_cast %add3A_60 : i32 to index
      %get3A_946 = arith.constant 1008 : index
      %get3A_947 = tpu.vector_load %arg9[%get3A_945, %get3A_946] {strides = array<i32>} : memref<32x1024xf32, #tpu.memory_space<vmem>>, vector<1x16xf32>,
      %get3A_948 = vector.shape_cast %get3A_947 : vector<1x16xf32> to vector<16xf32>
      %add3A_949 = arith.addf %get3A_944, %get3A_948 : vector<16xf32>
      %swap3A_950 = arith.index_cast %add3A_60 : i32 to index
      %swap3A_951 = arith.constant 1008 : index
      %swap3A_952 = tpu.vector_load %arg8[%swap3A_950, %swap3A_951] {strides = array<i32>} : memref<32x1024xf32, #tpu.memory_space<vmem>>, vector<1x16xf32>,
      %swap3A_953 = vector.shape_cast %swap3A_952 : vector<1x16xf32> to vector<16xf32>
      %swap3A_954 = vector.shape_cast %add3A_949 : vector<16xf32> to vector<1x16xf32>
      tpu.vector_store %arg8[%swap3A_950, %swap3A_951], %swap3A_954 {strides = array<i32>} : memref<32x1024xf32, #tpu.memory_space<vmem>>, vector<1x16xf32>,
    }
    %scan3A_26 = arith.constant 32 : i32
    "tpu.region"() ({
      %run_scoped3A = tpu.sem_alloc : memref<!tpu.dma_semaphore, #tpu.memory_space<semaphore_mem>>
      %dma_start3A_56 = arith.constant 0 : i32
      %dma_start3A_57 = tpu.memref_slice %arg5[%add3A_4, %dma_start3A_56] : memref<2048x1024xf32, #tpu.memory_space<hbm>> -> memref<32x1024xf32, #tpu.memory_space<hbm>>
      %dma_start3A_58 = arith.constant 0 : i32
      %dma_start3A_59 = tpu.memref_slice %arg5[%add3A_4, %dma_start3A_58] : memref<2048x1024xf32, #tpu.memory_space<hbm>> -> memref<32x1024xf32, #tpu.memory_space<hbm>>
      tpu.enqueue_dma source(%arg8 : memref<32x1024xf32, #tpu.memory_space<vmem>>) target(%dma_start3A_59 : memref<32x1024xf32, #tpu.memory_space<hbm>>) target_semaphore(%run_scoped3A : memref<!tpu.dma_semaphore, #tpu.memory_space<semaphore_mem>>)
      %dma_wait3A_60 = arith.constant 0 : i32
      %dma_wait3A_61 = tpu.memref_slice %arg5[%add3A_4, %dma_wait3A_60] : memref<2048x1024xf32, #tpu.memory_space<hbm>> -> memref<32x1024xf32, #tpu.memory_space<hbm>>
      %dma_wait3A_62 = arith.constant 0 : i32
      %dma_wait3A_63 = tpu.memref_slice %arg5[%add3A_4, %dma_wait3A_62] : memref<2048x1024xf32, #tpu.memory_space<hbm>> -> memref<32x1024xf32, #tpu.memory_space<hbm>>
      tpu.wait_dma2 semaphore(%run_scoped3A : memref<!tpu.dma_semaphore, #tpu.memory_space<semaphore_mem>>) src(%arg8 : memref<32x1024xf32, #tpu.memory_space<vmem>>) dst(%dma_wait3A_63 : memref<32x1024xf32, #tpu.memory_space<hbm>>)
      tpu.yield
    }) : () -> ()
    %mul3A_27 = arith.constant 64 : i32
    %mul3A_28 = arith.muli %add3A, %mul3A_27 : i32
    %add3A_29 = arith.constant 32 : i32
    %add3A_30 = arith.addi %mul3A_28, %add3A_29 : i32
    %dma_start3A_31 = tpu.memref_slice %arg3[%add3A_30] : memref<2048xi32, #tpu.memory_space<hbm>> -> memref<32xi32, #tpu.memory_space<hbm>>
    %dma_start3A_32 = tpu.memref_slice %arg3[%add3A_30] : memref<2048xi32, #tpu.memory_space<hbm>> -> memref<32xi32, #tpu.memory_space<hbm>>
    tpu.enqueue_dma source(%dma_start3A_32 : memref<32xi32, #tpu.memory_space<hbm>>) target(%arg6 : memref<32xi32, #tpu.memory_space<vmem>>) target_semaphore(%arg12 : memref<!tpu.dma_semaphore, #tpu.memory_space<semaphore_mem>>)
    %dma_start3A_33 = tpu.memref_slice %arg4[%add3A_30] : memref<2048xi32, #tpu.memory_space<hbm>> -> memref<32xi32, #tpu.memory_space<hbm>>
    %dma_start3A_34 = tpu.memref_slice %arg4[%add3A_30] : memref<2048xi32, #tpu.memory_space<hbm>> -> memref<32xi32, #tpu.memory_space<hbm>>
    tpu.enqueue_dma source(%dma_start3A_34 : memref<32xi32, #tpu.memory_space<hbm>>) target(%arg7 : memref<32xi32, #tpu.memory_space<vmem>>) target_semaphore(%arg13 : memref<!tpu.dma_semaphore, #tpu.memory_space<semaphore_mem>>)
    %dma_wait3A_35 = tpu.memref_slice %arg3[%add3A_30] : memref<2048xi32, #tpu.memory_space<hbm>> -> memref<32xi32, #tpu.memory_space<hbm>>
    %dma_wait3A_36 = tpu.memref_slice %arg3[%add3A_30] : memref<2048xi32, #tpu.memory_space<hbm>> -> memref<32xi32, #tpu.memory_space<hbm>>
    tpu.wait_dma2 semaphore(%arg12 : memref<!tpu.dma_semaphore, #tpu.memory_space<semaphore_mem>>) src(%dma_wait3A_36 : memref<32xi32, #tpu.memory_space<hbm>>) dst(%arg6 : memref<32xi32, #tpu.memory_space<vmem>>)
    %dma_start3A_37 = arith.constant 0 : i32
    %dma_start3A_38 = arith.constant 0 : i32
    %dma_start3A_39 = tpu.memref_slice %arg2[%dma_start3A_37, %dma_start3A_38] : memref<5888x1024xf32, #tpu.memory_space<hbm>> -> memref<5888x1024xf32, #tpu.memory_space<hbm>>
    tpu.enqueue_indirect_dma source(%dma_start3A_39 : memref<5888x1024xf32, #tpu.memory_space<hbm>>) target(%arg8 : memref<32x1024xf32, #tpu.memory_space<vmem>>) offsets(%arg6 : memref<32xi32, #tpu.memory_space<vmem>>) semaphore(%arg10 : memref<!tpu.dma_semaphore, #tpu.memory_space<semaphore_mem>>)
    %dma_wait3A_40 = tpu.memref_slice %arg4[%add3A_30] : memref<2048xi32, #tpu.memory_space<hbm>> -> memref<32xi32, #tpu.memory_space<hbm>>
    %dma_wait3A_41 = tpu.memref_slice %arg4[%add3A_30] : memref<2048xi32, #tpu.memory_space<hbm>> -> memref<32xi32, #tpu.memory_space<hbm>>
    tpu.wait_dma2 semaphore(%arg13 : memref<!tpu.dma_semaphore, #tpu.memory_space<semaphore_mem>>) src(%dma_wait3A_41 : memref<32xi32, #tpu.memory_space<hbm>>) dst(%arg7 : memref<32xi32, #tpu.memory_space<vmem>>)
    %dma_start3A_42 = arith.constant 0 : i32
    %dma_start3A_43 = arith.constant 0 : i32
    %dma_start3A_44 = tpu.memref_slice %arg2[%dma_start3A_42, %dma_start3A_43] : memref<5888x1024xf32, #tpu.memory_space<hbm>> -> memref<5888x1024xf32, #tpu.memory_space<hbm>>
    tpu.enqueue_indirect_dma source(%dma_start3A_44 : memref<5888x1024xf32, #tpu.memory_space<hbm>>) target(%arg9 : memref<32x1024xf32, #tpu.memory_space<vmem>>) offsets(%arg7 : memref<32xi32, #tpu.memory_space<vmem>>) semaphore(%arg11 : memref<!tpu.dma_semaphore, #tpu.memory_space<semaphore_mem>>)
    %dma_wait3A_45 = arith.constant 0 : i32
    %dma_wait3A_46 = arith.constant 0 : i32
    %dma_wait3A_47 = tpu.memref_slice %arg2[%dma_wait3A_45, %dma_wait3A_46] : memref<5888x1024xf32, #tpu.memory_space<hbm>> -> memref<5888x1024xf32, #tpu.memory_space<hbm>>
    tpu.wait_indirect_dma semaphore(%arg10 : memref<!tpu.dma_semaphore, #tpu.memory_space<semaphore_mem>>) src(%dma_wait3A_47 : memref<5888x1024xf32, #tpu.memory_space<hbm>>) dst(%arg8 : memref<32x1024xf32, #tpu.memory_space<vmem>>)
    %dma_wait3A_48 = arith.constant 0 : i32
    %dma_wait3A_49 = arith.constant 0 : i32
    %dma_wait3A_50 = tpu.memref_slice %arg2[%dma_wait3A_48, %dma_wait3A_49] : memref<5888x1024xf32, #tpu.memory_space<hbm>> -> memref<5888x1024xf32, #tpu.memory_space<hbm>>
    tpu.wait_indirect_dma semaphore(%arg11 : memref<!tpu.dma_semaphore, #tpu.memory_space<semaphore_mem>>) src(%dma_wait3A_50 : memref<5888x1024xf32, #tpu.memory_space<hbm>>) dst(%arg9 : memref<32x1024xf32, #tpu.memory_space<vmem>>)
    %scan3A_51 = arith.constant 0 : i32
    %scan3A_52 = arith.constant 32 : i32
    %scan3A_53 = arith.addi %scan3A_51, %scan3A_52 : i32
    %scan3A_54 = arith.constant 1 : i32
    scf.for %scan3A_56 = %scan3A_51 to %scan3A_53 step %scan3A_54  : i32 {
      %mul3A_57 = arith.constant 1 : i32
      %mul3A_58 = arith.muli %scan3A_56, %mul3A_57 : i32
      %add3A_59 = arith.constant 0 : i32
      %add3A_60 = arith.addi %add3A_59, %mul3A_58 : i32
      %get3A = arith.index_cast %add3A_60 : i32 to index
      %get3A_61 = arith.constant 0 : index
      %get3A_62 = tpu.vector_load %arg8[%get3A, %get3A_61] {strides = array<i32>} : memref<32x1024xf32, #tpu.memory_space<vmem>>, vector<1x16xf32>,
      %get3A_63 = vector.shape_cast %get3A_62 : vector<1x16xf32> to vector<16xf32>
      %get3A_64 = arith.index_cast %add3A_60 : i32 to index
      %get3A_65 = arith.constant 0 : index
      %get3A_66 = tpu.vector_load %arg9[%get3A_64, %get3A_65] {strides = array<i32>} : memref<32x1024xf32, #tpu.memory_space<vmem>>, vector<1x16xf32>,
      %get3A_67 = vector.shape_cast %get3A_66 : vector<1x16xf32> to vector<16xf32>
      %add3A_68 = arith.addf %get3A_63, %get3A_67 : vector<16xf32>
      %swap3A = arith.index_cast %add3A_60 : i32 to index
      %swap3A_69 = arith.constant 0 : index
      %swap3A_70 = tpu.vector_load %arg8[%swap3A, %swap3A_69] {strides = array<i32>} : memref<32x1024xf32, #tpu.memory_space<vmem>>, vector<1x16xf32>,
      %swap3A_71 = vector.shape_cast %swap3A_70 : vector<1x16xf32> to vector<16xf32>
      %swap3A_72 = vector.shape_cast %add3A_68 : vector<16xf32> to vector<1x16xf32>
      tpu.vector_store %arg8[%swap3A, %swap3A_69], %swap3A_72 {strides = array<i32>} : memref<32x1024xf32, #tpu.memory_space<vmem>>, vector<1x16xf32>,
      %get3A_73 = arith.index_cast %add3A_60 : i32 to index
      %get3A_74 = arith.constant 16 : index
      %get3A_75 = tpu.vector_load %arg8[%get3A_73, %get3A_74] {strides = array<i32>} : memref<32x1024xf32, #tpu.memory_space<vmem>>, vector<1x16xf32>,
      %get3A_76 = vector.shape_cast %get3A_75 : vector<1x16xf32> to vector<16xf32>
      %get3A_77 = arith.index_cast %add3A_60 : i32 to index
      %get3A_78 = arith.constant 16 : index
      %get3A_79 = tpu.vector_load %arg9[%get3A_77, %get3A_78] {strides = array<i32>} : memref<32x1024xf32, #tpu.memory_space<vmem>>, vector<1x16xf32>,
      %get3A_80 = vector.shape_cast %get3A_79 : vector<1x16xf32> to vector<16xf32>
      %add3A_81 = arith.addf %get3A_76, %get3A_80 : vector<16xf32>
      %swap3A_82 = arith.index_cast %add3A_60 : i32 to index
      %swap3A_83 = arith.constant 16 : index
      %swap3A_84 = tpu.vector_load %arg8[%swap3A_82, %swap3A_83] {strides = array<i32>} : memref<32x1024xf32, #tpu.memory_space<vmem>>, vector<1x16xf32>,
      %swap3A_85 = vector.shape_cast %swap3A_84 : vector<1x16xf32> to vector<16xf32>
      %swap3A_86 = vector.shape_cast %add3A_81 : vector<16xf32> to vector<1x16xf32>
      tpu.vector_store %arg8[%swap3A_82, %swap3A_83], %swap3A_86 {strides = array<i32>} : memref<32x1024xf32, #tpu.memory_space<vmem>>, vector<1x16xf32>,
      %get3A_87 = arith.index_cast %add3A_60 : i32 to index
      %get3A_88 = arith.constant 32 : index
      %get3A_89 = tpu.vector_load %arg8[%get3A_87, %get3A_88] {strides = array<i32>} : memref<32x1024xf32, #tpu.memory_space<vmem>>, vector<1x16xf32>,
      %get3A_90 = vector.shape_cast %get3A_89 : vector<1x16xf32> to vector<16xf32>
      %get3A_91 = arith.index_cast %add3A_60 : i32 to index
      %get3A_92 = arith.constant 32 : index
      %get3A_93 = tpu.vector_load %arg9[%get3A_91, %get3A_92] {strides = array<i32>} : memref<32x1024xf32, #tpu.memory_space<vmem>>, vector<1x16xf32>,
      %get3A_94 = vector.shape_cast %get3A_93 : vector<1x16xf32> to vector<16xf32>
      %add3A_95 = arith.addf %get3A_90, %get3A_94 : vector<16xf32>
      %swap3A_96 = arith.index_cast %add3A_60 : i32 to index
      %swap3A_97 = arith.constant 32 : index
      %swap3A_98 = tpu.vector_load %arg8[%swap3A_96, %swap3A_97] {strides = array<i32>} : memref<32x1024xf32, #tpu.memory_space<vmem>>, vector<1x16xf32>,
      %swap3A_99 = vector.shape_cast %swap3A_98 : vector<1x16xf32> to vector<16xf32>
      %swap3A_100 = vector.shape_cast %add3A_95 : vector<16xf32> to vector<1x16xf32>
      tpu.vector_store %arg8[%swap3A_96, %swap3A_97], %swap3A_100 {strides = array<i32>} : memref<32x1024xf32, #tpu.memory_space<vmem>>, vector<1x16xf32>,
      %get3A_101 = arith.index_cast %add3A_60 : i32 to index
      %get3A_102 = arith.constant 48 : index
      %get3A_103 = tpu.vector_load %arg8[%get3A_101, %get3A_102] {strides = array<i32>} : memref<32x1024xf32, #tpu.memory_space<vmem>>, vector<1x16xf32>,
      %get3A_104 = vector.shape_cast %get3A_103 : vector<1x16xf32> to vector<16xf32>
      %get3A_105 = arith.index_cast %add3A_60 : i32 to index
      %get3A_106 = arith.constant 48 : index
      %get3A_107 = tpu.vector_load %arg9[%get3A_105, %get3A_106] {strides = array<i32>} : memref<32x1024xf32, #tpu.memory_space<vmem>>, vector<1x16xf32>,
      %get3A_108 = vector.shape_cast %get3A_107 : vector<1x16xf32> to vector<16xf32>
      %add3A_109 = arith.addf %get3A_104, %get3A_108 : vector<16xf32>
      %swap3A_110 = arith.index_cast %add3A_60 : i32 to index
      %swap3A_111 = arith.constant 48 : index
      %swap3A_112 = tpu.vector_load %arg8[%swap3A_110, %swap3A_111] {strides = array<i32>} : memref<32x1024xf32, #tpu.memory_space<vmem>>, vector<1x16xf32>,
      %swap3A_113 = vector.shape_cast %swap3A_112 : vector<1x16xf32> to vector<16xf32>
      %swap3A_114 = vector.shape_cast %add3A_109 : vector<16xf32> to vector<1x16xf32>
      tpu.vector_store %arg8[%swap3A_110, %swap3A_111], %swap3A_114 {strides = array<i32>} : memref<32x1024xf32, #tpu.memory_space<vmem>>, vector<1x16xf32>,
      %get3A_115 = arith.index_cast %add3A_60 : i32 to index
      %get3A_116 = arith.constant 64 : index
      %get3A_117 = tpu.vector_load %arg8[%get3A_115, %get3A_116] {strides = array<i32>} : memref<32x1024xf32, #tpu.memory_space<vmem>>, vector<1x16xf32>,
      %get3A_118 = vector.shape_cast %get3A_117 : vector<1x16xf32> to vector<16xf32>
      %get3A_119 = arith.index_cast %add3A_60 : i32 to index
      %get3A_120 = arith.constant 64 : index
      %get3A_121 = tpu.vector_load %arg9[%get3A_119, %get3A_120] {strides = array<i32>} : memref<32x1024xf32, #tpu.memory_space<vmem>>, vector<1x16xf32>,
      %get3A_122 = vector.shape_cast %get3A_121 : vector<1x16xf32> to vector<16xf32>
      %add3A_123 = arith.addf %get3A_118, %get3A_122 : vector<16xf32>
      %swap3A_124 = arith.index_cast %add3A_60 : i32 to index
      %swap3A_125 = arith.constant 64 : index
      %swap3A_126 = tpu.vector_load %arg8[%swap3A_124, %swap3A_125] {strides = array<i32>} : memref<32x1024xf32, #tpu.memory_space<vmem>>, vector<1x16xf32>,
      %swap3A_127 = vector.shape_cast %swap3A_126 : vector<1x16xf32> to vector<16xf32>
      %swap3A_128 = vector.shape_cast %add3A_123 : vector<16xf32> to vector<1x16xf32>
      tpu.vector_store %arg8[%swap3A_124, %swap3A_125], %swap3A_128 {strides = array<i32>} : memref<32x1024xf32, #tpu.memory_space<vmem>>, vector<1x16xf32>,
      %get3A_129 = arith.index_cast %add3A_60 : i32 to index
      %get3A_130 = arith.constant 80 : index
      %get3A_131 = tpu.vector_load %arg8[%get3A_129, %get3A_130] {strides = array<i32>} : memref<32x1024xf32, #tpu.memory_space<vmem>>, vector<1x16xf32>,
      %get3A_132 = vector.shape_cast %get3A_131 : vector<1x16xf32> to vector<16xf32>
      %get3A_133 = arith.index_cast %add3A_60 : i32 to index
      %get3A_134 = arith.constant 80 : index
      %get3A_135 = tpu.vector_load %arg9[%get3A_133, %get3A_134] {strides = array<i32>} : memref<32x1024xf32, #tpu.memory_space<vmem>>, vector<1x16xf32>,
      %get3A_136 = vector.shape_cast %get3A_135 : vector<1x16xf32> to vector<16xf32>
      %add3A_137 = arith.addf %get3A_132, %get3A_136 : vector<16xf32>
      %swap3A_138 = arith.index_cast %add3A_60 : i32 to index
      %swap3A_139 = arith.constant 80 : index
      %swap3A_140 = tpu.vector_load %arg8[%swap3A_138, %swap3A_139] {strides = array<i32>} : memref<32x1024xf32, #tpu.memory_space<vmem>>, vector<1x16xf32>,
      %swap3A_141 = vector.shape_cast %swap3A_140 : vector<1x16xf32> to vector<16xf32>
      %swap3A_142 = vector.shape_cast %add3A_137 : vector<16xf32> to vector<1x16xf32>
      tpu.vector_store %arg8[%swap3A_138, %swap3A_139], %swap3A_142 {strides = array<i32>} : memref<32x1024xf32, #tpu.memory_space<vmem>>, vector<1x16xf32>,
      %get3A_143 = arith.index_cast %add3A_60 : i32 to index
      %get3A_144 = arith.constant 96 : index
      %get3A_145 = tpu.vector_load %arg8[%get3A_143, %get3A_144] {strides = array<i32>} : memref<32x1024xf32, #tpu.memory_space<vmem>>, vector<1x16xf32>,
      %get3A_146 = vector.shape_cast %get3A_145 : vector<1x16xf32> to vector<16xf32>
      %get3A_147 = arith.index_cast %add3A_60 : i32 to index
      %get3A_148 = arith.constant 96 : index
      %get3A_149 = tpu.vector_load %arg9[%get3A_147, %get3A_148] {strides = array<i32>} : memref<32x1024xf32, #tpu.memory_space<vmem>>, vector<1x16xf32>,
      %get3A_150 = vector.shape_cast %get3A_149 : vector<1x16xf32> to vector<16xf32>
      %add3A_151 = arith.addf %get3A_146, %get3A_150 : vector<16xf32>
      %swap3A_152 = arith.index_cast %add3A_60 : i32 to index
      %swap3A_153 = arith.constant 96 : index
      %swap3A_154 = tpu.vector_load %arg8[%swap3A_152, %swap3A_153] {strides = array<i32>} : memref<32x1024xf32, #tpu.memory_space<vmem>>, vector<1x16xf32>,
      %swap3A_155 = vector.shape_cast %swap3A_154 : vector<1x16xf32> to vector<16xf32>
      %swap3A_156 = vector.shape_cast %add3A_151 : vector<16xf32> to vector<1x16xf32>
      tpu.vector_store %arg8[%swap3A_152, %swap3A_153], %swap3A_156 {strides = array<i32>} : memref<32x1024xf32, #tpu.memory_space<vmem>>, vector<1x16xf32>,
      %get3A_157 = arith.index_cast %add3A_60 : i32 to index
      %get3A_158 = arith.constant 112 : index
      %get3A_159 = tpu.vector_load %arg8[%get3A_157, %get3A_158] {strides = array<i32>} : memref<32x1024xf32, #tpu.memory_space<vmem>>, vector<1x16xf32>,
      %get3A_160 = vector.shape_cast %get3A_159 : vector<1x16xf32> to vector<16xf32>
      %get3A_161 = arith.index_cast %add3A_60 : i32 to index
      %get3A_162 = arith.constant 112 : index
      %get3A_163 = tpu.vector_load %arg9[%get3A_161, %get3A_162] {strides = array<i32>} : memref<32x1024xf32, #tpu.memory_space<vmem>>, vector<1x16xf32>,
      %get3A_164 = vector.shape_cast %get3A_163 : vector<1x16xf32> to vector<16xf32>
      %add3A_165 = arith.addf %get3A_160, %get3A_164 : vector<16xf32>
      %swap3A_166 = arith.index_cast %add3A_60 : i32 to index
      %swap3A_167 = arith.constant 112 : index
      %swap3A_168 = tpu.vector_load %arg8[%swap3A_166, %swap3A_167] {strides = array<i32>} : memref<32x1024xf32, #tpu.memory_space<vmem>>, vector<1x16xf32>,
      %swap3A_169 = vector.shape_cast %swap3A_168 : vector<1x16xf32> to vector<16xf32>
      %swap3A_170 = vector.shape_cast %add3A_165 : vector<16xf32> to vector<1x16xf32>
      tpu.vector_store %arg8[%swap3A_166, %swap3A_167], %swap3A_170 {strides = array<i32>} : memref<32x1024xf32, #tpu.memory_space<vmem>>, vector<1x16xf32>,
      %get3A_171 = arith.index_cast %add3A_60 : i32 to index
      %get3A_172 = arith.constant 128 : index
      %get3A_173 = tpu.vector_load %arg8[%get3A_171, %get3A_172] {strides = array<i32>} : memref<32x1024xf32, #tpu.memory_space<vmem>>, vector<1x16xf32>,
      %get3A_174 = vector.shape_cast %get3A_173 : vector<1x16xf32> to vector<16xf32>
      %get3A_175 = arith.index_cast %add3A_60 : i32 to index
      %get3A_176 = arith.constant 128 : index
      %get3A_177 = tpu.vector_load %arg9[%get3A_175, %get3A_176] {strides = array<i32>} : memref<32x1024xf32, #tpu.memory_space<vmem>>, vector<1x16xf32>,
      %get3A_178 = vector.shape_cast %get3A_177 : vector<1x16xf32> to vector<16xf32>
      %add3A_179 = arith.addf %get3A_174, %get3A_178 : vector<16xf32>
      %swap3A_180 = arith.index_cast %add3A_60 : i32 to index
      %swap3A_181 = arith.constant 128 : index
      %swap3A_182 = tpu.vector_load %arg8[%swap3A_180, %swap3A_181] {strides = array<i32>} : memref<32x1024xf32, #tpu.memory_space<vmem>>, vector<1x16xf32>,
      %swap3A_183 = vector.shape_cast %swap3A_182 : vector<1x16xf32> to vector<16xf32>
      %swap3A_184 = vector.shape_cast %add3A_179 : vector<16xf32> to vector<1x16xf32>
      tpu.vector_store %arg8[%swap3A_180, %swap3A_181], %swap3A_184 {strides = array<i32>} : memref<32x1024xf32, #tpu.memory_space<vmem>>, vector<1x16xf32>,
      %get3A_185 = arith.index_cast %add3A_60 : i32 to index
      %get3A_186 = arith.constant 144 : index
      %get3A_187 = tpu.vector_load %arg8[%get3A_185, %get3A_186] {strides = array<i32>} : memref<32x1024xf32, #tpu.memory_space<vmem>>, vector<1x16xf32>,
      %get3A_188 = vector.shape_cast %get3A_187 : vector<1x16xf32> to vector<16xf32>
      %get3A_189 = arith.index_cast %add3A_60 : i32 to index
      %get3A_190 = arith.constant 144 : index
      %get3A_191 = tpu.vector_load %arg9[%get3A_189, %get3A_190] {strides = array<i32>} : memref<32x1024xf32, #tpu.memory_space<vmem>>, vector<1x16xf32>,
      %get3A_192 = vector.shape_cast %get3A_191 : vector<1x16xf32> to vector<16xf32>
      %add3A_193 = arith.addf %get3A_188, %get3A_192 : vector<16xf32>
      %swap3A_194 = arith.index_cast %add3A_60 : i32 to index
      %swap3A_195 = arith.constant 144 : index
      %swap3A_196 = tpu.vector_load %arg8[%swap3A_194, %swap3A_195] {strides = array<i32>} : memref<32x1024xf32, #tpu.memory_space<vmem>>, vector<1x16xf32>,
      %swap3A_197 = vector.shape_cast %swap3A_196 : vector<1x16xf32> to vector<16xf32>
      %swap3A_198 = vector.shape_cast %add3A_193 : vector<16xf32> to vector<1x16xf32>
      tpu.vector_store %arg8[%swap3A_194, %swap3A_195], %swap3A_198 {strides = array<i32>} : memref<32x1024xf32, #tpu.memory_space<vmem>>, vector<1x16xf32>,
      %get3A_199 = arith.index_cast %add3A_60 : i32 to index
      %get3A_200 = arith.constant 160 : index
      %get3A_201 = tpu.vector_load %arg8[%get3A_199, %get3A_200] {strides = array<i32>} : memref<32x1024xf32, #tpu.memory_space<vmem>>, vector<1x16xf32>,
      %get3A_202 = vector.shape_cast %get3A_201 : vector<1x16xf32> to vector<16xf32>
      %get3A_203 = arith.index_cast %add3A_60 : i32 to index
      %get3A_204 = arith.constant 160 : index
      %get3A_205 = tpu.vector_load %arg9[%get3A_203, %get3A_204] {strides = array<i32>} : memref<32x1024xf32, #tpu.memory_space<vmem>>, vector<1x16xf32>,
      %get3A_206 = vector.shape_cast %get3A_205 : vector<1x16xf32> to vector<16xf32>
      %add3A_207 = arith.addf %get3A_202, %get3A_206 : vector<16xf32>
      %swap3A_208 = arith.index_cast %add3A_60 : i32 to index
      %swap3A_209 = arith.constant 160 : index
      %swap3A_210 = tpu.vector_load %arg8[%swap3A_208, %swap3A_209] {strides = array<i32>} : memref<32x1024xf32, #tpu.memory_space<vmem>>, vector<1x16xf32>,
      %swap3A_211 = vector.shape_cast %swap3A_210 : vector<1x16xf32> to vector<16xf32>
      %swap3A_212 = vector.shape_cast %add3A_207 : vector<16xf32> to vector<1x16xf32>
      tpu.vector_store %arg8[%swap3A_208, %swap3A_209], %swap3A_212 {strides = array<i32>} : memref<32x1024xf32, #tpu.memory_space<vmem>>, vector<1x16xf32>,
      %get3A_213 = arith.index_cast %add3A_60 : i32 to index
      %get3A_214 = arith.constant 176 : index
      %get3A_215 = tpu.vector_load %arg8[%get3A_213, %get3A_214] {strides = array<i32>} : memref<32x1024xf32, #tpu.memory_space<vmem>>, vector<1x16xf32>,
      %get3A_216 = vector.shape_cast %get3A_215 : vector<1x16xf32> to vector<16xf32>
      %get3A_217 = arith.index_cast %add3A_60 : i32 to index
      %get3A_218 = arith.constant 176 : index
      %get3A_219 = tpu.vector_load %arg9[%get3A_217, %get3A_218] {strides = array<i32>} : memref<32x1024xf32, #tpu.memory_space<vmem>>, vector<1x16xf32>,
      %get3A_220 = vector.shape_cast %get3A_219 : vector<1x16xf32> to vector<16xf32>
      %add3A_221 = arith.addf %get3A_216, %get3A_220 : vector<16xf32>
      %swap3A_222 = arith.index_cast %add3A_60 : i32 to index
      %swap3A_223 = arith.constant 176 : index
      %swap3A_224 = tpu.vector_load %arg8[%swap3A_222, %swap3A_223] {strides = array<i32>} : memref<32x1024xf32, #tpu.memory_space<vmem>>, vector<1x16xf32>,
      %swap3A_225 = vector.shape_cast %swap3A_224 : vector<1x16xf32> to vector<16xf32>
      %swap3A_226 = vector.shape_cast %add3A_221 : vector<16xf32> to vector<1x16xf32>
      tpu.vector_store %arg8[%swap3A_222, %swap3A_223], %swap3A_226 {strides = array<i32>} : memref<32x1024xf32, #tpu.memory_space<vmem>>, vector<1x16xf32>,
      %get3A_227 = arith.index_cast %add3A_60 : i32 to index
      %get3A_228 = arith.constant 192 : index
      %get3A_229 = tpu.vector_load %arg8[%get3A_227, %get3A_228] {strides = array<i32>} : memref<32x1024xf32, #tpu.memory_space<vmem>>, vector<1x16xf32>,
      %get3A_230 = vector.shape_cast %get3A_229 : vector<1x16xf32> to vector<16xf32>
      %get3A_231 = arith.index_cast %add3A_60 : i32 to index
      %get3A_232 = arith.constant 192 : index
      %get3A_233 = tpu.vector_load %arg9[%get3A_231, %get3A_232] {strides = array<i32>} : memref<32x1024xf32, #tpu.memory_space<vmem>>, vector<1x16xf32>,
      %get3A_234 = vector.shape_cast %get3A_233 : vector<1x16xf32> to vector<16xf32>
      %add3A_235 = arith.addf %get3A_230, %get3A_234 : vector<16xf32>
      %swap3A_236 = arith.index_cast %add3A_60 : i32 to index
      %swap3A_237 = arith.constant 192 : index
      %swap3A_238 = tpu.vector_load %arg8[%swap3A_236, %swap3A_237] {strides = array<i32>} : memref<32x1024xf32, #tpu.memory_space<vmem>>, vector<1x16xf32>,
      %swap3A_239 = vector.shape_cast %swap3A_238 : vector<1x16xf32> to vector<16xf32>
      %swap3A_240 = vector.shape_cast %add3A_235 : vector<16xf32> to vector<1x16xf32>
      tpu.vector_store %arg8[%swap3A_236, %swap3A_237], %swap3A_240 {strides = array<i32>} : memref<32x1024xf32, #tpu.memory_space<vmem>>, vector<1x16xf32>,
      %get3A_241 = arith.index_cast %add3A_60 : i32 to index
      %get3A_242 = arith.constant 208 : index
      %get3A_243 = tpu.vector_load %arg8[%get3A_241, %get3A_242] {strides = array<i32>} : memref<32x1024xf32, #tpu.memory_space<vmem>>, vector<1x16xf32>,
      %get3A_244 = vector.shape_cast %get3A_243 : vector<1x16xf32> to vector<16xf32>
      %get3A_245 = arith.index_cast %add3A_60 : i32 to index
      %get3A_246 = arith.constant 208 : index
      %get3A_247 = tpu.vector_load %arg9[%get3A_245, %get3A_246] {strides = array<i32>} : memref<32x1024xf32, #tpu.memory_space<vmem>>, vector<1x16xf32>,
      %get3A_248 = vector.shape_cast %get3A_247 : vector<1x16xf32> to vector<16xf32>
      %add3A_249 = arith.addf %get3A_244, %get3A_248 : vector<16xf32>
      %swap3A_250 = arith.index_cast %add3A_60 : i32 to index
      %swap3A_251 = arith.constant 208 : index
      %swap3A_252 = tpu.vector_load %arg8[%swap3A_250, %swap3A_251] {strides = array<i32>} : memref<32x1024xf32, #tpu.memory_space<vmem>>, vector<1x16xf32>,
      %swap3A_253 = vector.shape_cast %swap3A_252 : vector<1x16xf32> to vector<16xf32>
      %swap3A_254 = vector.shape_cast %add3A_249 : vector<16xf32> to vector<1x16xf32>
      tpu.vector_store %arg8[%swap3A_250, %swap3A_251], %swap3A_254 {strides = array<i32>} : memref<32x1024xf32, #tpu.memory_space<vmem>>, vector<1x16xf32>,
      %get3A_255 = arith.index_cast %add3A_60 : i32 to index
      %get3A_256 = arith.constant 224 : index
      %get3A_257 = tpu.vector_load %arg8[%get3A_255, %get3A_256] {strides = array<i32>} : memref<32x1024xf32, #tpu.memory_space<vmem>>, vector<1x16xf32>,
      %get3A_258 = vector.shape_cast %get3A_257 : vector<1x16xf32> to vector<16xf32>
      %get3A_259 = arith.index_cast %add3A_60 : i32 to index
      %get3A_260 = arith.constant 224 : index
      %get3A_261 = tpu.vector_load %arg9[%get3A_259, %get3A_260] {strides = array<i32>} : memref<32x1024xf32, #tpu.memory_space<vmem>>, vector<1x16xf32>,
      %get3A_262 = vector.shape_cast %get3A_261 : vector<1x16xf32> to vector<16xf32>
      %add3A_263 = arith.addf %get3A_258, %get3A_262 : vector<16xf32>
      %swap3A_264 = arith.index_cast %add3A_60 : i32 to index
      %swap3A_265 = arith.constant 224 : index
      %swap3A_266 = tpu.vector_load %arg8[%swap3A_264, %swap3A_265] {strides = array<i32>} : memref<32x1024xf32, #tpu.memory_space<vmem>>, vector<1x16xf32>,
      %swap3A_267 = vector.shape_cast %swap3A_266 : vector<1x16xf32> to vector<16xf32>
      %swap3A_268 = vector.shape_cast %add3A_263 : vector<16xf32> to vector<1x16xf32>
      tpu.vector_store %arg8[%swap3A_264, %swap3A_265], %swap3A_268 {strides = array<i32>} : memref<32x1024xf32, #tpu.memory_space<vmem>>, vector<1x16xf32>,
      %get3A_269 = arith.index_cast %add3A_60 : i32 to index
      %get3A_270 = arith.constant 240 : index
      %get3A_271 = tpu.vector_load %arg8[%get3A_269, %get3A_270] {strides = array<i32>} : memref<32x1024xf32, #tpu.memory_space<vmem>>, vector<1x16xf32>,
      %get3A_272 = vector.shape_cast %get3A_271 : vector<1x16xf32> to vector<16xf32>
      %get3A_273 = arith.index_cast %add3A_60 : i32 to index
      %get3A_274 = arith.constant 240 : index
      %get3A_275 = tpu.vector_load %arg9[%get3A_273, %get3A_274] {strides = array<i32>} : memref<32x1024xf32, #tpu.memory_space<vmem>>, vector<1x16xf32>,
      %get3A_276 = vector.shape_cast %get3A_275 : vector<1x16xf32> to vector<16xf32>
      %add3A_277 = arith.addf %get3A_272, %get3A_276 : vector<16xf32>
      %swap3A_278 = arith.index_cast %add3A_60 : i32 to index
      %swap3A_279 = arith.constant 240 : index
      %swap3A_280 = tpu.vector_load %arg8[%swap3A_278, %swap3A_279] {strides = array<i32>} : memref<32x1024xf32, #tpu.memory_space<vmem>>, vector<1x16xf32>,
      %swap3A_281 = vector.shape_cast %swap3A_280 : vector<1x16xf32> to vector<16xf32>
      %swap3A_282 = vector.shape_cast %add3A_277 : vector<16xf32> to vector<1x16xf32>
      tpu.vector_store %arg8[%swap3A_278, %swap3A_279], %swap3A_282 {strides = array<i32>} : memref<32x1024xf32, #tpu.memory_space<vmem>>, vector<1x16xf32>,
      %get3A_283 = arith.index_cast %add3A_60 : i32 to index
      %get3A_284 = arith.constant 256 : index
      %get3A_285 = tpu.vector_load %arg8[%get3A_283, %get3A_284] {strides = array<i32>} : memref<32x1024xf32, #tpu.memory_space<vmem>>, vector<1x16xf32>,
      %get3A_286 = vector.shape_cast %get3A_285 : vector<1x16xf32> to vector<16xf32>
      %get3A_287 = arith.index_cast %add3A_60 : i32 to index
      %get3A_288 = arith.constant 256 : index
      %get3A_289 = tpu.vector_load %arg9[%get3A_287, %get3A_288] {strides = array<i32>} : memref<32x1024xf32, #tpu.memory_space<vmem>>, vector<1x16xf32>,
      %get3A_290 = vector.shape_cast %get3A_289 : vector<1x16xf32> to vector<16xf32>
      %add3A_291 = arith.addf %get3A_286, %get3A_290 : vector<16xf32>
      %swap3A_292 = arith.index_cast %add3A_60 : i32 to index
      %swap3A_293 = arith.constant 256 : index
      %swap3A_294 = tpu.vector_load %arg8[%swap3A_292, %swap3A_293] {strides = array<i32>} : memref<32x1024xf32, #tpu.memory_space<vmem>>, vector<1x16xf32>,
      %swap3A_295 = vector.shape_cast %swap3A_294 : vector<1x16xf32> to vector<16xf32>
      %swap3A_296 = vector.shape_cast %add3A_291 : vector<16xf32> to vector<1x16xf32>
      tpu.vector_store %arg8[%swap3A_292, %swap3A_293], %swap3A_296 {strides = array<i32>} : memref<32x1024xf32, #tpu.memory_space<vmem>>, vector<1x16xf32>,
      %get3A_297 = arith.index_cast %add3A_60 : i32 to index
      %get3A_298 = arith.constant 272 : index
      %get3A_299 = tpu.vector_load %arg8[%get3A_297, %get3A_298] {strides = array<i32>} : memref<32x1024xf32, #tpu.memory_space<vmem>>, vector<1x16xf32>,
      %get3A_300 = vector.shape_cast %get3A_299 : vector<1x16xf32> to vector<16xf32>
      %get3A_301 = arith.index_cast %add3A_60 : i32 to index
      %get3A_302 = arith.constant 272 : index
      %get3A_303 = tpu.vector_load %arg9[%get3A_301, %get3A_302] {strides = array<i32>} : memref<32x1024xf32, #tpu.memory_space<vmem>>, vector<1x16xf32>,
      %get3A_304 = vector.shape_cast %get3A_303 : vector<1x16xf32> to vector<16xf32>
      %add3A_305 = arith.addf %get3A_300, %get3A_304 : vector<16xf32>
      %swap3A_306 = arith.index_cast %add3A_60 : i32 to index
      %swap3A_307 = arith.constant 272 : index
      %swap3A_308 = tpu.vector_load %arg8[%swap3A_306, %swap3A_307] {strides = array<i32>} : memref<32x1024xf32, #tpu.memory_space<vmem>>, vector<1x16xf32>,
      %swap3A_309 = vector.shape_cast %swap3A_308 : vector<1x16xf32> to vector<16xf32>
      %swap3A_310 = vector.shape_cast %add3A_305 : vector<16xf32> to vector<1x16xf32>
      tpu.vector_store %arg8[%swap3A_306, %swap3A_307], %swap3A_310 {strides = array<i32>} : memref<32x1024xf32, #tpu.memory_space<vmem>>, vector<1x16xf32>,
      %get3A_311 = arith.index_cast %add3A_60 : i32 to index
      %get3A_312 = arith.constant 288 : index
      %get3A_313 = tpu.vector_load %arg8[%get3A_311, %get3A_312] {strides = array<i32>} : memref<32x1024xf32, #tpu.memory_space<vmem>>, vector<1x16xf32>,
      %get3A_314 = vector.shape_cast %get3A_313 : vector<1x16xf32> to vector<16xf32>
      %get3A_315 = arith.index_cast %add3A_60 : i32 to index
      %get3A_316 = arith.constant 288 : index
      %get3A_317 = tpu.vector_load %arg9[%get3A_315, %get3A_316] {strides = array<i32>} : memref<32x1024xf32, #tpu.memory_space<vmem>>, vector<1x16xf32>,
      %get3A_318 = vector.shape_cast %get3A_317 : vector<1x16xf32> to vector<16xf32>
      %add3A_319 = arith.addf %get3A_314, %get3A_318 : vector<16xf32>
      %swap3A_320 = arith.index_cast %add3A_60 : i32 to index
      %swap3A_321 = arith.constant 288 : index
      %swap3A_322 = tpu.vector_load %arg8[%swap3A_320, %swap3A_321] {strides = array<i32>} : memref<32x1024xf32, #tpu.memory_space<vmem>>, vector<1x16xf32>,
      %swap3A_323 = vector.shape_cast %swap3A_322 : vector<1x16xf32> to vector<16xf32>
      %swap3A_324 = vector.shape_cast %add3A_319 : vector<16xf32> to vector<1x16xf32>
      tpu.vector_store %arg8[%swap3A_320, %swap3A_321], %swap3A_324 {strides = array<i32>} : memref<32x1024xf32, #tpu.memory_space<vmem>>, vector<1x16xf32>,
      %get3A_325 = arith.index_cast %add3A_60 : i32 to index
      %get3A_326 = arith.constant 304 : index
      %get3A_327 = tpu.vector_load %arg8[%get3A_325, %get3A_326] {strides = array<i32>} : memref<32x1024xf32, #tpu.memory_space<vmem>>, vector<1x16xf32>,
      %get3A_328 = vector.shape_cast %get3A_327 : vector<1x16xf32> to vector<16xf32>
      %get3A_329 = arith.index_cast %add3A_60 : i32 to index
      %get3A_330 = arith.constant 304 : index
      %get3A_331 = tpu.vector_load %arg9[%get3A_329, %get3A_330] {strides = array<i32>} : memref<32x1024xf32, #tpu.memory_space<vmem>>, vector<1x16xf32>,
      %get3A_332 = vector.shape_cast %get3A_331 : vector<1x16xf32> to vector<16xf32>
      %add3A_333 = arith.addf %get3A_328, %get3A_332 : vector<16xf32>
      %swap3A_334 = arith.index_cast %add3A_60 : i32 to index
      %swap3A_335 = arith.constant 304 : index
      %swap3A_336 = tpu.vector_load %arg8[%swap3A_334, %swap3A_335] {strides = array<i32>} : memref<32x1024xf32, #tpu.memory_space<vmem>>, vector<1x16xf32>,
      %swap3A_337 = vector.shape_cast %swap3A_336 : vector<1x16xf32> to vector<16xf32>
      %swap3A_338 = vector.shape_cast %add3A_333 : vector<16xf32> to vector<1x16xf32>
      tpu.vector_store %arg8[%swap3A_334, %swap3A_335], %swap3A_338 {strides = array<i32>} : memref<32x1024xf32, #tpu.memory_space<vmem>>, vector<1x16xf32>,
      %get3A_339 = arith.index_cast %add3A_60 : i32 to index
      %get3A_340 = arith.constant 320 : index
      %get3A_341 = tpu.vector_load %arg8[%get3A_339, %get3A_340] {strides = array<i32>} : memref<32x1024xf32, #tpu.memory_space<vmem>>, vector<1x16xf32>,
      %get3A_342 = vector.shape_cast %get3A_341 : vector<1x16xf32> to vector<16xf32>
      %get3A_343 = arith.index_cast %add3A_60 : i32 to index
      %get3A_344 = arith.constant 320 : index
      %get3A_345 = tpu.vector_load %arg9[%get3A_343, %get3A_344] {strides = array<i32>} : memref<32x1024xf32, #tpu.memory_space<vmem>>, vector<1x16xf32>,
      %get3A_346 = vector.shape_cast %get3A_345 : vector<1x16xf32> to vector<16xf32>
      %add3A_347 = arith.addf %get3A_342, %get3A_346 : vector<16xf32>
      %swap3A_348 = arith.index_cast %add3A_60 : i32 to index
      %swap3A_349 = arith.constant 320 : index
      %swap3A_350 = tpu.vector_load %arg8[%swap3A_348, %swap3A_349] {strides = array<i32>} : memref<32x1024xf32, #tpu.memory_space<vmem>>, vector<1x16xf32>,
      %swap3A_351 = vector.shape_cast %swap3A_350 : vector<1x16xf32> to vector<16xf32>
      %swap3A_352 = vector.shape_cast %add3A_347 : vector<16xf32> to vector<1x16xf32>
      tpu.vector_store %arg8[%swap3A_348, %swap3A_349], %swap3A_352 {strides = array<i32>} : memref<32x1024xf32, #tpu.memory_space<vmem>>, vector<1x16xf32>,
      %get3A_353 = arith.index_cast %add3A_60 : i32 to index
      %get3A_354 = arith.constant 336 : index
      %get3A_355 = tpu.vector_load %arg8[%get3A_353, %get3A_354] {strides = array<i32>} : memref<32x1024xf32, #tpu.memory_space<vmem>>, vector<1x16xf32>,
      %get3A_356 = vector.shape_cast %get3A_355 : vector<1x16xf32> to vector<16xf32>
      %get3A_357 = arith.index_cast %add3A_60 : i32 to index
      %get3A_358 = arith.constant 336 : index
      %get3A_359 = tpu.vector_load %arg9[%get3A_357, %get3A_358] {strides = array<i32>} : memref<32x1024xf32, #tpu.memory_space<vmem>>, vector<1x16xf32>,
      %get3A_360 = vector.shape_cast %get3A_359 : vector<1x16xf32> to vector<16xf32>
      %add3A_361 = arith.addf %get3A_356, %get3A_360 : vector<16xf32>
      %swap3A_362 = arith.index_cast %add3A_60 : i32 to index
      %swap3A_363 = arith.constant 336 : index
      %swap3A_364 = tpu.vector_load %arg8[%swap3A_362, %swap3A_363] {strides = array<i32>} : memref<32x1024xf32, #tpu.memory_space<vmem>>, vector<1x16xf32>,
      %swap3A_365 = vector.shape_cast %swap3A_364 : vector<1x16xf32> to vector<16xf32>
      %swap3A_366 = vector.shape_cast %add3A_361 : vector<16xf32> to vector<1x16xf32>
      tpu.vector_store %arg8[%swap3A_362, %swap3A_363], %swap3A_366 {strides = array<i32>} : memref<32x1024xf32, #tpu.memory_space<vmem>>, vector<1x16xf32>,
      %get3A_367 = arith.index_cast %add3A_60 : i32 to index
      %get3A_368 = arith.constant 352 : index
      %get3A_369 = tpu.vector_load %arg8[%get3A_367, %get3A_368] {strides = array<i32>} : memref<32x1024xf32, #tpu.memory_space<vmem>>, vector<1x16xf32>,
      %get3A_370 = vector.shape_cast %get3A_369 : vector<1x16xf32> to vector<16xf32>
      %get3A_371 = arith.index_cast %add3A_60 : i32 to index
      %get3A_372 = arith.constant 352 : index
      %get3A_373 = tpu.vector_load %arg9[%get3A_371, %get3A_372] {strides = array<i32>} : memref<32x1024xf32, #tpu.memory_space<vmem>>, vector<1x16xf32>,
      %get3A_374 = vector.shape_cast %get3A_373 : vector<1x16xf32> to vector<16xf32>
      %add3A_375 = arith.addf %get3A_370, %get3A_374 : vector<16xf32>
      %swap3A_376 = arith.index_cast %add3A_60 : i32 to index
      %swap3A_377 = arith.constant 352 : index
      %swap3A_378 = tpu.vector_load %arg8[%swap3A_376, %swap3A_377] {strides = array<i32>} : memref<32x1024xf32, #tpu.memory_space<vmem>>, vector<1x16xf32>,
      %swap3A_379 = vector.shape_cast %swap3A_378 : vector<1x16xf32> to vector<16xf32>
      %swap3A_380 = vector.shape_cast %add3A_375 : vector<16xf32> to vector<1x16xf32>
      tpu.vector_store %arg8[%swap3A_376, %swap3A_377], %swap3A_380 {strides = array<i32>} : memref<32x1024xf32, #tpu.memory_space<vmem>>, vector<1x16xf32>,
      %get3A_381 = arith.index_cast %add3A_60 : i32 to index
      %get3A_382 = arith.constant 368 : index
      %get3A_383 = tpu.vector_load %arg8[%get3A_381, %get3A_382] {strides = array<i32>} : memref<32x1024xf32, #tpu.memory_space<vmem>>, vector<1x16xf32>,
      %get3A_384 = vector.shape_cast %get3A_383 : vector<1x16xf32> to vector<16xf32>
      %get3A_385 = arith.index_cast %add3A_60 : i32 to index
      %get3A_386 = arith.constant 368 : index
      %get3A_387 = tpu.vector_load %arg9[%get3A_385, %get3A_386] {strides = array<i32>} : memref<32x1024xf32, #tpu.memory_space<vmem>>, vector<1x16xf32>,
      %get3A_388 = vector.shape_cast %get3A_387 : vector<1x16xf32> to vector<16xf32>
      %add3A_389 = arith.addf %get3A_384, %get3A_388 : vector<16xf32>
      %swap3A_390 = arith.index_cast %add3A_60 : i32 to index
      %swap3A_391 = arith.constant 368 : index
      %swap3A_392 = tpu.vector_load %arg8[%swap3A_390, %swap3A_391] {strides = array<i32>} : memref<32x1024xf32, #tpu.memory_space<vmem>>, vector<1x16xf32>,
      %swap3A_393 = vector.shape_cast %swap3A_392 : vector<1x16xf32> to vector<16xf32>
      %swap3A_394 = vector.shape_cast %add3A_389 : vector<16xf32> to vector<1x16xf32>
      tpu.vector_store %arg8[%swap3A_390, %swap3A_391], %swap3A_394 {strides = array<i32>} : memref<32x1024xf32, #tpu.memory_space<vmem>>, vector<1x16xf32>,
      %get3A_395 = arith.index_cast %add3A_60 : i32 to index
      %get3A_396 = arith.constant 384 : index
      %get3A_397 = tpu.vector_load %arg8[%get3A_395, %get3A_396] {strides = array<i32>} : memref<32x1024xf32, #tpu.memory_space<vmem>>, vector<1x16xf32>,
      %get3A_398 = vector.shape_cast %get3A_397 : vector<1x16xf32> to vector<16xf32>
      %get3A_399 = arith.index_cast %add3A_60 : i32 to index
      %get3A_400 = arith.constant 384 : index
      %get3A_401 = tpu.vector_load %arg9[%get3A_399, %get3A_400] {strides = array<i32>} : memref<32x1024xf32, #tpu.memory_space<vmem>>, vector<1x16xf32>,
      %get3A_402 = vector.shape_cast %get3A_401 : vector<1x16xf32> to vector<16xf32>
      %add3A_403 = arith.addf %get3A_398, %get3A_402 : vector<16xf32>
      %swap3A_404 = arith.index_cast %add3A_60 : i32 to index
      %swap3A_405 = arith.constant 384 : index
      %swap3A_406 = tpu.vector_load %arg8[%swap3A_404, %swap3A_405] {strides = array<i32>} : memref<32x1024xf32, #tpu.memory_space<vmem>>, vector<1x16xf32>,
      %swap3A_407 = vector.shape_cast %swap3A_406 : vector<1x16xf32> to vector<16xf32>
      %swap3A_408 = vector.shape_cast %add3A_403 : vector<16xf32> to vector<1x16xf32>
      tpu.vector_store %arg8[%swap3A_404, %swap3A_405], %swap3A_408 {strides = array<i32>} : memref<32x1024xf32, #tpu.memory_space<vmem>>, vector<1x16xf32>,
      %get3A_409 = arith.index_cast %add3A_60 : i32 to index
      %get3A_410 = arith.constant 400 : index
      %get3A_411 = tpu.vector_load %arg8[%get3A_409, %get3A_410] {strides = array<i32>} : memref<32x1024xf32, #tpu.memory_space<vmem>>, vector<1x16xf32>,
      %get3A_412 = vector.shape_cast %get3A_411 : vector<1x16xf32> to vector<16xf32>
      %get3A_413 = arith.index_cast %add3A_60 : i32 to index
      %get3A_414 = arith.constant 400 : index
      %get3A_415 = tpu.vector_load %arg9[%get3A_413, %get3A_414] {strides = array<i32>} : memref<32x1024xf32, #tpu.memory_space<vmem>>, vector<1x16xf32>,
      %get3A_416 = vector.shape_cast %get3A_415 : vector<1x16xf32> to vector<16xf32>
      %add3A_417 = arith.addf %get3A_412, %get3A_416 : vector<16xf32>
      %swap3A_418 = arith.index_cast %add3A_60 : i32 to index
      %swap3A_419 = arith.constant 400 : index
      %swap3A_420 = tpu.vector_load %arg8[%swap3A_418, %swap3A_419] {strides = array<i32>} : memref<32x1024xf32, #tpu.memory_space<vmem>>, vector<1x16xf32>,
      %swap3A_421 = vector.shape_cast %swap3A_420 : vector<1x16xf32> to vector<16xf32>
      %swap3A_422 = vector.shape_cast %add3A_417 : vector<16xf32> to vector<1x16xf32>
      tpu.vector_store %arg8[%swap3A_418, %swap3A_419], %swap3A_422 {strides = array<i32>} : memref<32x1024xf32, #tpu.memory_space<vmem>>, vector<1x16xf32>,
      %get3A_423 = arith.index_cast %add3A_60 : i32 to index
      %get3A_424 = arith.constant 416 : index
      %get3A_425 = tpu.vector_load %arg8[%get3A_423, %get3A_424] {strides = array<i32>} : memref<32x1024xf32, #tpu.memory_space<vmem>>, vector<1x16xf32>,
      %get3A_426 = vector.shape_cast %get3A_425 : vector<1x16xf32> to vector<16xf32>
      %get3A_427 = arith.index_cast %add3A_60 : i32 to index
      %get3A_428 = arith.constant 416 : index
      %get3A_429 = tpu.vector_load %arg9[%get3A_427, %get3A_428] {strides = array<i32>} : memref<32x1024xf32, #tpu.memory_space<vmem>>, vector<1x16xf32>,
      %get3A_430 = vector.shape_cast %get3A_429 : vector<1x16xf32> to vector<16xf32>
      %add3A_431 = arith.addf %get3A_426, %get3A_430 : vector<16xf32>
      %swap3A_432 = arith.index_cast %add3A_60 : i32 to index
      %swap3A_433 = arith.constant 416 : index
      %swap3A_434 = tpu.vector_load %arg8[%swap3A_432, %swap3A_433] {strides = array<i32>} : memref<32x1024xf32, #tpu.memory_space<vmem>>, vector<1x16xf32>,
      %swap3A_435 = vector.shape_cast %swap3A_434 : vector<1x16xf32> to vector<16xf32>
      %swap3A_436 = vector.shape_cast %add3A_431 : vector<16xf32> to vector<1x16xf32>
      tpu.vector_store %arg8[%swap3A_432, %swap3A_433], %swap3A_436 {strides = array<i32>} : memref<32x1024xf32, #tpu.memory_space<vmem>>, vector<1x16xf32>,
      %get3A_437 = arith.index_cast %add3A_60 : i32 to index
      %get3A_438 = arith.constant 432 : index
      %get3A_439 = tpu.vector_load %arg8[%get3A_437, %get3A_438] {strides = array<i32>} : memref<32x1024xf32, #tpu.memory_space<vmem>>, vector<1x16xf32>,
      %get3A_440 = vector.shape_cast %get3A_439 : vector<1x16xf32> to vector<16xf32>
      %get3A_441 = arith.index_cast %add3A_60 : i32 to index
      %get3A_442 = arith.constant 432 : index
      %get3A_443 = tpu.vector_load %arg9[%get3A_441, %get3A_442] {strides = array<i32>} : memref<32x1024xf32, #tpu.memory_space<vmem>>, vector<1x16xf32>,
      %get3A_444 = vector.shape_cast %get3A_443 : vector<1x16xf32> to vector<16xf32>
      %add3A_445 = arith.addf %get3A_440, %get3A_444 : vector<16xf32>
      %swap3A_446 = arith.index_cast %add3A_60 : i32 to index
      %swap3A_447 = arith.constant 432 : index
      %swap3A_448 = tpu.vector_load %arg8[%swap3A_446, %swap3A_447] {strides = array<i32>} : memref<32x1024xf32, #tpu.memory_space<vmem>>, vector<1x16xf32>,
      %swap3A_449 = vector.shape_cast %swap3A_448 : vector<1x16xf32> to vector<16xf32>
      %swap3A_450 = vector.shape_cast %add3A_445 : vector<16xf32> to vector<1x16xf32>
      tpu.vector_store %arg8[%swap3A_446, %swap3A_447], %swap3A_450 {strides = array<i32>} : memref<32x1024xf32, #tpu.memory_space<vmem>>, vector<1x16xf32>,
      %get3A_451 = arith.index_cast %add3A_60 : i32 to index
      %get3A_452 = arith.constant 448 : index
      %get3A_453 = tpu.vector_load %arg8[%get3A_451, %get3A_452] {strides = array<i32>} : memref<32x1024xf32, #tpu.memory_space<vmem>>, vector<1x16xf32>,
      %get3A_454 = vector.shape_cast %get3A_453 : vector<1x16xf32> to vector<16xf32>
      %get3A_455 = arith.index_cast %add3A_60 : i32 to index
      %get3A_456 = arith.constant 448 : index
      %get3A_457 = tpu.vector_load %arg9[%get3A_455, %get3A_456] {strides = array<i32>} : memref<32x1024xf32, #tpu.memory_space<vmem>>, vector<1x16xf32>,
      %get3A_458 = vector.shape_cast %get3A_457 : vector<1x16xf32> to vector<16xf32>
      %add3A_459 = arith.addf %get3A_454, %get3A_458 : vector<16xf32>
      %swap3A_460 = arith.index_cast %add3A_60 : i32 to index
      %swap3A_461 = arith.constant 448 : index
      %swap3A_462 = tpu.vector_load %arg8[%swap3A_460, %swap3A_461] {strides = array<i32>} : memref<32x1024xf32, #tpu.memory_space<vmem>>, vector<1x16xf32>,
      %swap3A_463 = vector.shape_cast %swap3A_462 : vector<1x16xf32> to vector<16xf32>
      %swap3A_464 = vector.shape_cast %add3A_459 : vector<16xf32> to vector<1x16xf32>
      tpu.vector_store %arg8[%swap3A_460, %swap3A_461], %swap3A_464 {strides = array<i32>} : memref<32x1024xf32, #tpu.memory_space<vmem>>, vector<1x16xf32>,
      %get3A_465 = arith.index_cast %add3A_60 : i32 to index
      %get3A_466 = arith.constant 464 : index
      %get3A_467 = tpu.vector_load %arg8[%get3A_465, %get3A_466] {strides = array<i32>} : memref<32x1024xf32, #tpu.memory_space<vmem>>, vector<1x16xf32>,
      %get3A_468 = vector.shape_cast %get3A_467 : vector<1x16xf32> to vector<16xf32>
      %get3A_469 = arith.index_cast %add3A_60 : i32 to index
      %get3A_470 = arith.constant 464 : index
      %get3A_471 = tpu.vector_load %arg9[%get3A_469, %get3A_470] {strides = array<i32>} : memref<32x1024xf32, #tpu.memory_space<vmem>>, vector<1x16xf32>,
      %get3A_472 = vector.shape_cast %get3A_471 : vector<1x16xf32> to vector<16xf32>
      %add3A_473 = arith.addf %get3A_468, %get3A_472 : vector<16xf32>
      %swap3A_474 = arith.index_cast %add3A_60 : i32 to index
      %swap3A_475 = arith.constant 464 : index
      %swap3A_476 = tpu.vector_load %arg8[%swap3A_474, %swap3A_475] {strides = array<i32>} : memref<32x1024xf32, #tpu.memory_space<vmem>>, vector<1x16xf32>,
      %swap3A_477 = vector.shape_cast %swap3A_476 : vector<1x16xf32> to vector<16xf32>
      %swap3A_478 = vector.shape_cast %add3A_473 : vector<16xf32> to vector<1x16xf32>
      tpu.vector_store %arg8[%swap3A_474, %swap3A_475], %swap3A_478 {strides = array<i32>} : memref<32x1024xf32, #tpu.memory_space<vmem>>, vector<1x16xf32>,
      %get3A_479 = arith.index_cast %add3A_60 : i32 to index
      %get3A_480 = arith.constant 480 : index
      %get3A_481 = tpu.vector_load %arg8[%get3A_479, %get3A_480] {strides = array<i32>} : memref<32x1024xf32, #tpu.memory_space<vmem>>, vector<1x16xf32>,
      %get3A_482 = vector.shape_cast %get3A_481 : vector<1x16xf32> to vector<16xf32>
      %get3A_483 = arith.index_cast %add3A_60 : i32 to index
      %get3A_484 = arith.constant 480 : index
      %get3A_485 = tpu.vector_load %arg9[%get3A_483, %get3A_484] {strides = array<i32>} : memref<32x1024xf32, #tpu.memory_space<vmem>>, vector<1x16xf32>,
      %get3A_486 = vector.shape_cast %get3A_485 : vector<1x16xf32> to vector<16xf32>
      %add3A_487 = arith.addf %get3A_482, %get3A_486 : vector<16xf32>
      %swap3A_488 = arith.index_cast %add3A_60 : i32 to index
      %swap3A_489 = arith.constant 480 : index
      %swap3A_490 = tpu.vector_load %arg8[%swap3A_488, %swap3A_489] {strides = array<i32>} : memref<32x1024xf32, #tpu.memory_space<vmem>>, vector<1x16xf32>,
      %swap3A_491 = vector.shape_cast %swap3A_490 : vector<1x16xf32> to vector<16xf32>
      %swap3A_492 = vector.shape_cast %add3A_487 : vector<16xf32> to vector<1x16xf32>
      tpu.vector_store %arg8[%swap3A_488, %swap3A_489], %swap3A_492 {strides = array<i32>} : memref<32x1024xf32, #tpu.memory_space<vmem>>, vector<1x16xf32>,
      %get3A_493 = arith.index_cast %add3A_60 : i32 to index
      %get3A_494 = arith.constant 496 : index
      %get3A_495 = tpu.vector_load %arg8[%get3A_493, %get3A_494] {strides = array<i32>} : memref<32x1024xf32, #tpu.memory_space<vmem>>, vector<1x16xf32>,
      %get3A_496 = vector.shape_cast %get3A_495 : vector<1x16xf32> to vector<16xf32>
      %get3A_497 = arith.index_cast %add3A_60 : i32 to index
      %get3A_498 = arith.constant 496 : index
      %get3A_499 = tpu.vector_load %arg9[%get3A_497, %get3A_498] {strides = array<i32>} : memref<32x1024xf32, #tpu.memory_space<vmem>>, vector<1x16xf32>,
      %get3A_500 = vector.shape_cast %get3A_499 : vector<1x16xf32> to vector<16xf32>
      %add3A_501 = arith.addf %get3A_496, %get3A_500 : vector<16xf32>
      %swap3A_502 = arith.index_cast %add3A_60 : i32 to index
      %swap3A_503 = arith.constant 496 : index
      %swap3A_504 = tpu.vector_load %arg8[%swap3A_502, %swap3A_503] {strides = array<i32>} : memref<32x1024xf32, #tpu.memory_space<vmem>>, vector<1x16xf32>,
      %swap3A_505 = vector.shape_cast %swap3A_504 : vector<1x16xf32> to vector<16xf32>
      %swap3A_506 = vector.shape_cast %add3A_501 : vector<16xf32> to vector<1x16xf32>
      tpu.vector_store %arg8[%swap3A_502, %swap3A_503], %swap3A_506 {strides = array<i32>} : memref<32x1024xf32, #tpu.memory_space<vmem>>, vector<1x16xf32>,
      %get3A_507 = arith.index_cast %add3A_60 : i32 to index
      %get3A_508 = arith.constant 512 : index
      %get3A_509 = tpu.vector_load %arg8[%get3A_507, %get3A_508] {strides = array<i32>} : memref<32x1024xf32, #tpu.memory_space<vmem>>, vector<1x16xf32>,
      %get3A_510 = vector.shape_cast %get3A_509 : vector<1x16xf32> to vector<16xf32>
      %get3A_511 = arith.index_cast %add3A_60 : i32 to index
      %get3A_512 = arith.constant 512 : index
      %get3A_513 = tpu.vector_load %arg9[%get3A_511, %get3A_512] {strides = array<i32>} : memref<32x1024xf32, #tpu.memory_space<vmem>>, vector<1x16xf32>,
      %get3A_514 = vector.shape_cast %get3A_513 : vector<1x16xf32> to vector<16xf32>
      %add3A_515 = arith.addf %get3A_510, %get3A_514 : vector<16xf32>
      %swap3A_516 = arith.index_cast %add3A_60 : i32 to index
      %swap3A_517 = arith.constant 512 : index
      %swap3A_518 = tpu.vector_load %arg8[%swap3A_516, %swap3A_517] {strides = array<i32>} : memref<32x1024xf32, #tpu.memory_space<vmem>>, vector<1x16xf32>,
      %swap3A_519 = vector.shape_cast %swap3A_518 : vector<1x16xf32> to vector<16xf32>
      %swap3A_520 = vector.shape_cast %add3A_515 : vector<16xf32> to vector<1x16xf32>
      tpu.vector_store %arg8[%swap3A_516, %swap3A_517], %swap3A_520 {strides = array<i32>} : memref<32x1024xf32, #tpu.memory_space<vmem>>, vector<1x16xf32>,
      %get3A_521 = arith.index_cast %add3A_60 : i32 to index
      %get3A_522 = arith.constant 528 : index
      %get3A_523 = tpu.vector_load %arg8[%get3A_521, %get3A_522] {strides = array<i32>} : memref<32x1024xf32, #tpu.memory_space<vmem>>, vector<1x16xf32>,
      %get3A_524 = vector.shape_cast %get3A_523 : vector<1x16xf32> to vector<16xf32>
      %get3A_525 = arith.index_cast %add3A_60 : i32 to index
      %get3A_526 = arith.constant 528 : index
      %get3A_527 = tpu.vector_load %arg9[%get3A_525, %get3A_526] {strides = array<i32>} : memref<32x1024xf32, #tpu.memory_space<vmem>>, vector<1x16xf32>,
      %get3A_528 = vector.shape_cast %get3A_527 : vector<1x16xf32> to vector<16xf32>
      %add3A_529 = arith.addf %get3A_524, %get3A_528 : vector<16xf32>
      %swap3A_530 = arith.index_cast %add3A_60 : i32 to index
      %swap3A_531 = arith.constant 528 : index
      %swap3A_532 = tpu.vector_load %arg8[%swap3A_530, %swap3A_531] {strides = array<i32>} : memref<32x1024xf32, #tpu.memory_space<vmem>>, vector<1x16xf32>,
      %swap3A_533 = vector.shape_cast %swap3A_532 : vector<1x16xf32> to vector<16xf32>
      %swap3A_534 = vector.shape_cast %add3A_529 : vector<16xf32> to vector<1x16xf32>
      tpu.vector_store %arg8[%swap3A_530, %swap3A_531], %swap3A_534 {strides = array<i32>} : memref<32x1024xf32, #tpu.memory_space<vmem>>, vector<1x16xf32>,
      %get3A_535 = arith.index_cast %add3A_60 : i32 to index
      %get3A_536 = arith.constant 544 : index
      %get3A_537 = tpu.vector_load %arg8[%get3A_535, %get3A_536] {strides = array<i32>} : memref<32x1024xf32, #tpu.memory_space<vmem>>, vector<1x16xf32>,
      %get3A_538 = vector.shape_cast %get3A_537 : vector<1x16xf32> to vector<16xf32>
      %get3A_539 = arith.index_cast %add3A_60 : i32 to index
      %get3A_540 = arith.constant 544 : index
      %get3A_541 = tpu.vector_load %arg9[%get3A_539, %get3A_540] {strides = array<i32>} : memref<32x1024xf32, #tpu.memory_space<vmem>>, vector<1x16xf32>,
      %get3A_542 = vector.shape_cast %get3A_541 : vector<1x16xf32> to vector<16xf32>
      %add3A_543 = arith.addf %get3A_538, %get3A_542 : vector<16xf32>
      %swap3A_544 = arith.index_cast %add3A_60 : i32 to index
      %swap3A_545 = arith.constant 544 : index
      %swap3A_546 = tpu.vector_load %arg8[%swap3A_544, %swap3A_545] {strides = array<i32>} : memref<32x1024xf32, #tpu.memory_space<vmem>>, vector<1x16xf32>,
      %swap3A_547 = vector.shape_cast %swap3A_546 : vector<1x16xf32> to vector<16xf32>
      %swap3A_548 = vector.shape_cast %add3A_543 : vector<16xf32> to vector<1x16xf32>
      tpu.vector_store %arg8[%swap3A_544, %swap3A_545], %swap3A_548 {strides = array<i32>} : memref<32x1024xf32, #tpu.memory_space<vmem>>, vector<1x16xf32>,
      %get3A_549 = arith.index_cast %add3A_60 : i32 to index
      %get3A_550 = arith.constant 560 : index
      %get3A_551 = tpu.vector_load %arg8[%get3A_549, %get3A_550] {strides = array<i32>} : memref<32x1024xf32, #tpu.memory_space<vmem>>, vector<1x16xf32>,
      %get3A_552 = vector.shape_cast %get3A_551 : vector<1x16xf32> to vector<16xf32>
      %get3A_553 = arith.index_cast %add3A_60 : i32 to index
      %get3A_554 = arith.constant 560 : index
      %get3A_555 = tpu.vector_load %arg9[%get3A_553, %get3A_554] {strides = array<i32>} : memref<32x1024xf32, #tpu.memory_space<vmem>>, vector<1x16xf32>,
      %get3A_556 = vector.shape_cast %get3A_555 : vector<1x16xf32> to vector<16xf32>
      %add3A_557 = arith.addf %get3A_552, %get3A_556 : vector<16xf32>
      %swap3A_558 = arith.index_cast %add3A_60 : i32 to index
      %swap3A_559 = arith.constant 560 : index
      %swap3A_560 = tpu.vector_load %arg8[%swap3A_558, %swap3A_559] {strides = array<i32>} : memref<32x1024xf32, #tpu.memory_space<vmem>>, vector<1x16xf32>,
      %swap3A_561 = vector.shape_cast %swap3A_560 : vector<1x16xf32> to vector<16xf32>
      %swap3A_562 = vector.shape_cast %add3A_557 : vector<16xf32> to vector<1x16xf32>
      tpu.vector_store %arg8[%swap3A_558, %swap3A_559], %swap3A_562 {strides = array<i32>} : memref<32x1024xf32, #tpu.memory_space<vmem>>, vector<1x16xf32>,
      %get3A_563 = arith.index_cast %add3A_60 : i32 to index
      %get3A_564 = arith.constant 576 : index
      %get3A_565 = tpu.vector_load %arg8[%get3A_563, %get3A_564] {strides = array<i32>} : memref<32x1024xf32, #tpu.memory_space<vmem>>, vector<1x16xf32>,
      %get3A_566 = vector.shape_cast %get3A_565 : vector<1x16xf32> to vector<16xf32>
      %get3A_567 = arith.index_cast %add3A_60 : i32 to index
      %get3A_568 = arith.constant 576 : index
      %get3A_569 = tpu.vector_load %arg9[%get3A_567, %get3A_568] {strides = array<i32>} : memref<32x1024xf32, #tpu.memory_space<vmem>>, vector<1x16xf32>,
      %get3A_570 = vector.shape_cast %get3A_569 : vector<1x16xf32> to vector<16xf32>
      %add3A_571 = arith.addf %get3A_566, %get3A_570 : vector<16xf32>
      %swap3A_572 = arith.index_cast %add3A_60 : i32 to index
      %swap3A_573 = arith.constant 576 : index
      %swap3A_574 = tpu.vector_load %arg8[%swap3A_572, %swap3A_573] {strides = array<i32>} : memref<32x1024xf32, #tpu.memory_space<vmem>>, vector<1x16xf32>,
      %swap3A_575 = vector.shape_cast %swap3A_574 : vector<1x16xf32> to vector<16xf32>
      %swap3A_576 = vector.shape_cast %add3A_571 : vector<16xf32> to vector<1x16xf32>
      tpu.vector_store %arg8[%swap3A_572, %swap3A_573], %swap3A_576 {strides = array<i32>} : memref<32x1024xf32, #tpu.memory_space<vmem>>, vector<1x16xf32>,
      %get3A_577 = arith.index_cast %add3A_60 : i32 to index
      %get3A_578 = arith.constant 592 : index
      %get3A_579 = tpu.vector_load %arg8[%get3A_577, %get3A_578] {strides = array<i32>} : memref<32x1024xf32, #tpu.memory_space<vmem>>, vector<1x16xf32>,
      %get3A_580 = vector.shape_cast %get3A_579 : vector<1x16xf32> to vector<16xf32>
      %get3A_581 = arith.index_cast %add3A_60 : i32 to index
      %get3A_582 = arith.constant 592 : index
      %get3A_583 = tpu.vector_load %arg9[%get3A_581, %get3A_582] {strides = array<i32>} : memref<32x1024xf32, #tpu.memory_space<vmem>>, vector<1x16xf32>,
      %get3A_584 = vector.shape_cast %get3A_583 : vector<1x16xf32> to vector<16xf32>
      %add3A_585 = arith.addf %get3A_580, %get3A_584 : vector<16xf32>
      %swap3A_586 = arith.index_cast %add3A_60 : i32 to index
      %swap3A_587 = arith.constant 592 : index
      %swap3A_588 = tpu.vector_load %arg8[%swap3A_586, %swap3A_587] {strides = array<i32>} : memref<32x1024xf32, #tpu.memory_space<vmem>>, vector<1x16xf32>,
      %swap3A_589 = vector.shape_cast %swap3A_588 : vector<1x16xf32> to vector<16xf32>
      %swap3A_590 = vector.shape_cast %add3A_585 : vector<16xf32> to vector<1x16xf32>
      tpu.vector_store %arg8[%swap3A_586, %swap3A_587], %swap3A_590 {strides = array<i32>} : memref<32x1024xf32, #tpu.memory_space<vmem>>, vector<1x16xf32>,
      %get3A_591 = arith.index_cast %add3A_60 : i32 to index
      %get3A_592 = arith.constant 608 : index
      %get3A_593 = tpu.vector_load %arg8[%get3A_591, %get3A_592] {strides = array<i32>} : memref<32x1024xf32, #tpu.memory_space<vmem>>, vector<1x16xf32>,
      %get3A_594 = vector.shape_cast %get3A_593 : vector<1x16xf32> to vector<16xf32>
      %get3A_595 = arith.index_cast %add3A_60 : i32 to index
      %get3A_596 = arith.constant 608 : index
      %get3A_597 = tpu.vector_load %arg9[%get3A_595, %get3A_596] {strides = array<i32>} : memref<32x1024xf32, #tpu.memory_space<vmem>>, vector<1x16xf32>,
      %get3A_598 = vector.shape_cast %get3A_597 : vector<1x16xf32> to vector<16xf32>
      %add3A_599 = arith.addf %get3A_594, %get3A_598 : vector<16xf32>
      %swap3A_600 = arith.index_cast %add3A_60 : i32 to index
      %swap3A_601 = arith.constant 608 : index
      %swap3A_602 = tpu.vector_load %arg8[%swap3A_600, %swap3A_601] {strides = array<i32>} : memref<32x1024xf32, #tpu.memory_space<vmem>>, vector<1x16xf32>,
      %swap3A_603 = vector.shape_cast %swap3A_602 : vector<1x16xf32> to vector<16xf32>
      %swap3A_604 = vector.shape_cast %add3A_599 : vector<16xf32> to vector<1x16xf32>
      tpu.vector_store %arg8[%swap3A_600, %swap3A_601], %swap3A_604 {strides = array<i32>} : memref<32x1024xf32, #tpu.memory_space<vmem>>, vector<1x16xf32>,
      %get3A_605 = arith.index_cast %add3A_60 : i32 to index
      %get3A_606 = arith.constant 624 : index
      %get3A_607 = tpu.vector_load %arg8[%get3A_605, %get3A_606] {strides = array<i32>} : memref<32x1024xf32, #tpu.memory_space<vmem>>, vector<1x16xf32>,
      %get3A_608 = vector.shape_cast %get3A_607 : vector<1x16xf32> to vector<16xf32>
      %get3A_609 = arith.index_cast %add3A_60 : i32 to index
      %get3A_610 = arith.constant 624 : index
      %get3A_611 = tpu.vector_load %arg9[%get3A_609, %get3A_610] {strides = array<i32>} : memref<32x1024xf32, #tpu.memory_space<vmem>>, vector<1x16xf32>,
      %get3A_612 = vector.shape_cast %get3A_611 : vector<1x16xf32> to vector<16xf32>
      %add3A_613 = arith.addf %get3A_608, %get3A_612 : vector<16xf32>
      %swap3A_614 = arith.index_cast %add3A_60 : i32 to index
      %swap3A_615 = arith.constant 624 : index
      %swap3A_616 = tpu.vector_load %arg8[%swap3A_614, %swap3A_615] {strides = array<i32>} : memref<32x1024xf32, #tpu.memory_space<vmem>>, vector<1x16xf32>,
      %swap3A_617 = vector.shape_cast %swap3A_616 : vector<1x16xf32> to vector<16xf32>
      %swap3A_618 = vector.shape_cast %add3A_613 : vector<16xf32> to vector<1x16xf32>
      tpu.vector_store %arg8[%swap3A_614, %swap3A_615], %swap3A_618 {strides = array<i32>} : memref<32x1024xf32, #tpu.memory_space<vmem>>, vector<1x16xf32>,
      %get3A_619 = arith.index_cast %add3A_60 : i32 to index
      %get3A_620 = arith.constant 640 : index
      %get3A_621 = tpu.vector_load %arg8[%get3A_619, %get3A_620] {strides = array<i32>} : memref<32x1024xf32, #tpu.memory_space<vmem>>, vector<1x16xf32>,
      %get3A_622 = vector.shape_cast %get3A_621 : vector<1x16xf32> to vector<16xf32>
      %get3A_623 = arith.index_cast %add3A_60 : i32 to index
      %get3A_624 = arith.constant 640 : index
      %get3A_625 = tpu.vector_load %arg9[%get3A_623, %get3A_624] {strides = array<i32>} : memref<32x1024xf32, #tpu.memory_space<vmem>>, vector<1x16xf32>,
      %get3A_626 = vector.shape_cast %get3A_625 : vector<1x16xf32> to vector<16xf32>
      %add3A_627 = arith.addf %get3A_622, %get3A_626 : vector<16xf32>
      %swap3A_628 = arith.index_cast %add3A_60 : i32 to index
      %swap3A_629 = arith.constant 640 : index
      %swap3A_630 = tpu.vector_load %arg8[%swap3A_628, %swap3A_629] {strides = array<i32>} : memref<32x1024xf32, #tpu.memory_space<vmem>>, vector<1x16xf32>,
      %swap3A_631 = vector.shape_cast %swap3A_630 : vector<1x16xf32> to vector<16xf32>
      %swap3A_632 = vector.shape_cast %add3A_627 : vector<16xf32> to vector<1x16xf32>
      tpu.vector_store %arg8[%swap3A_628, %swap3A_629], %swap3A_632 {strides = array<i32>} : memref<32x1024xf32, #tpu.memory_space<vmem>>, vector<1x16xf32>,
      %get3A_633 = arith.index_cast %add3A_60 : i32 to index
      %get3A_634 = arith.constant 656 : index
      %get3A_635 = tpu.vector_load %arg8[%get3A_633, %get3A_634] {strides = array<i32>} : memref<32x1024xf32, #tpu.memory_space<vmem>>, vector<1x16xf32>,
      %get3A_636 = vector.shape_cast %get3A_635 : vector<1x16xf32> to vector<16xf32>
      %get3A_637 = arith.index_cast %add3A_60 : i32 to index
      %get3A_638 = arith.constant 656 : index
      %get3A_639 = tpu.vector_load %arg9[%get3A_637, %get3A_638] {strides = array<i32>} : memref<32x1024xf32, #tpu.memory_space<vmem>>, vector<1x16xf32>,
      %get3A_640 = vector.shape_cast %get3A_639 : vector<1x16xf32> to vector<16xf32>
      %add3A_641 = arith.addf %get3A_636, %get3A_640 : vector<16xf32>
      %swap3A_642 = arith.index_cast %add3A_60 : i32 to index
      %swap3A_643 = arith.constant 656 : index
      %swap3A_644 = tpu.vector_load %arg8[%swap3A_642, %swap3A_643] {strides = array<i32>} : memref<32x1024xf32, #tpu.memory_space<vmem>>, vector<1x16xf32>,
      %swap3A_645 = vector.shape_cast %swap3A_644 : vector<1x16xf32> to vector<16xf32>
      %swap3A_646 = vector.shape_cast %add3A_641 : vector<16xf32> to vector<1x16xf32>
      tpu.vector_store %arg8[%swap3A_642, %swap3A_643], %swap3A_646 {strides = array<i32>} : memref<32x1024xf32, #tpu.memory_space<vmem>>, vector<1x16xf32>,
      %get3A_647 = arith.index_cast %add3A_60 : i32 to index
      %get3A_648 = arith.constant 672 : index
      %get3A_649 = tpu.vector_load %arg8[%get3A_647, %get3A_648] {strides = array<i32>} : memref<32x1024xf32, #tpu.memory_space<vmem>>, vector<1x16xf32>,
      %get3A_650 = vector.shape_cast %get3A_649 : vector<1x16xf32> to vector<16xf32>
      %get3A_651 = arith.index_cast %add3A_60 : i32 to index
      %get3A_652 = arith.constant 672 : index
      %get3A_653 = tpu.vector_load %arg9[%get3A_651, %get3A_652] {strides = array<i32>} : memref<32x1024xf32, #tpu.memory_space<vmem>>, vector<1x16xf32>,
      %get3A_654 = vector.shape_cast %get3A_653 : vector<1x16xf32> to vector<16xf32>
      %add3A_655 = arith.addf %get3A_650, %get3A_654 : vector<16xf32>
      %swap3A_656 = arith.index_cast %add3A_60 : i32 to index
      %swap3A_657 = arith.constant 672 : index
      %swap3A_658 = tpu.vector_load %arg8[%swap3A_656, %swap3A_657] {strides = array<i32>} : memref<32x1024xf32, #tpu.memory_space<vmem>>, vector<1x16xf32>,
      %swap3A_659 = vector.shape_cast %swap3A_658 : vector<1x16xf32> to vector<16xf32>
      %swap3A_660 = vector.shape_cast %add3A_655 : vector<16xf32> to vector<1x16xf32>
      tpu.vector_store %arg8[%swap3A_656, %swap3A_657], %swap3A_660 {strides = array<i32>} : memref<32x1024xf32, #tpu.memory_space<vmem>>, vector<1x16xf32>,
      %get3A_661 = arith.index_cast %add3A_60 : i32 to index
      %get3A_662 = arith.constant 688 : index
      %get3A_663 = tpu.vector_load %arg8[%get3A_661, %get3A_662] {strides = array<i32>} : memref<32x1024xf32, #tpu.memory_space<vmem>>, vector<1x16xf32>,
      %get3A_664 = vector.shape_cast %get3A_663 : vector<1x16xf32> to vector<16xf32>
      %get3A_665 = arith.index_cast %add3A_60 : i32 to index
      %get3A_666 = arith.constant 688 : index
      %get3A_667 = tpu.vector_load %arg9[%get3A_665, %get3A_666] {strides = array<i32>} : memref<32x1024xf32, #tpu.memory_space<vmem>>, vector<1x16xf32>,
      %get3A_668 = vector.shape_cast %get3A_667 : vector<1x16xf32> to vector<16xf32>
      %add3A_669 = arith.addf %get3A_664, %get3A_668 : vector<16xf32>
      %swap3A_670 = arith.index_cast %add3A_60 : i32 to index
      %swap3A_671 = arith.constant 688 : index
      %swap3A_672 = tpu.vector_load %arg8[%swap3A_670, %swap3A_671] {strides = array<i32>} : memref<32x1024xf32, #tpu.memory_space<vmem>>, vector<1x16xf32>,
      %swap3A_673 = vector.shape_cast %swap3A_672 : vector<1x16xf32> to vector<16xf32>
      %swap3A_674 = vector.shape_cast %add3A_669 : vector<16xf32> to vector<1x16xf32>
      tpu.vector_store %arg8[%swap3A_670, %swap3A_671], %swap3A_674 {strides = array<i32>} : memref<32x1024xf32, #tpu.memory_space<vmem>>, vector<1x16xf32>,
      %get3A_675 = arith.index_cast %add3A_60 : i32 to index
      %get3A_676 = arith.constant 704 : index
      %get3A_677 = tpu.vector_load %arg8[%get3A_675, %get3A_676] {strides = array<i32>} : memref<32x1024xf32, #tpu.memory_space<vmem>>, vector<1x16xf32>,
      %get3A_678 = vector.shape_cast %get3A_677 : vector<1x16xf32> to vector<16xf32>
      %get3A_679 = arith.index_cast %add3A_60 : i32 to index
      %get3A_680 = arith.constant 704 : index
      %get3A_681 = tpu.vector_load %arg9[%get3A_679, %get3A_680] {strides = array<i32>} : memref<32x1024xf32, #tpu.memory_space<vmem>>, vector<1x16xf32>,
      %get3A_682 = vector.shape_cast %get3A_681 : vector<1x16xf32> to vector<16xf32>
      %add3A_683 = arith.addf %get3A_678, %get3A_682 : vector<16xf32>
      %swap3A_684 = arith.index_cast %add3A_60 : i32 to index
      %swap3A_685 = arith.constant 704 : index
      %swap3A_686 = tpu.vector_load %arg8[%swap3A_684, %swap3A_685] {strides = array<i32>} : memref<32x1024xf32, #tpu.memory_space<vmem>>, vector<1x16xf32>,
      %swap3A_687 = vector.shape_cast %swap3A_686 : vector<1x16xf32> to vector<16xf32>
      %swap3A_688 = vector.shape_cast %add3A_683 : vector<16xf32> to vector<1x16xf32>
      tpu.vector_store %arg8[%swap3A_684, %swap3A_685], %swap3A_688 {strides = array<i32>} : memref<32x1024xf32, #tpu.memory_space<vmem>>, vector<1x16xf32>,
      %get3A_689 = arith.index_cast %add3A_60 : i32 to index
      %get3A_690 = arith.constant 720 : index
      %get3A_691 = tpu.vector_load %arg8[%get3A_689, %get3A_690] {strides = array<i32>} : memref<32x1024xf32, #tpu.memory_space<vmem>>, vector<1x16xf32>,
      %get3A_692 = vector.shape_cast %get3A_691 : vector<1x16xf32> to vector<16xf32>
      %get3A_693 = arith.index_cast %add3A_60 : i32 to index
      %get3A_694 = arith.constant 720 : index
      %get3A_695 = tpu.vector_load %arg9[%get3A_693, %get3A_694] {strides = array<i32>} : memref<32x1024xf32, #tpu.memory_space<vmem>>, vector<1x16xf32>,
      %get3A_696 = vector.shape_cast %get3A_695 : vector<1x16xf32> to vector<16xf32>
      %add3A_697 = arith.addf %get3A_692, %get3A_696 : vector<16xf32>
      %swap3A_698 = arith.index_cast %add3A_60 : i32 to index
      %swap3A_699 = arith.constant 720 : index
      %swap3A_700 = tpu.vector_load %arg8[%swap3A_698, %swap3A_699] {strides = array<i32>} : memref<32x1024xf32, #tpu.memory_space<vmem>>, vector<1x16xf32>,
      %swap3A_701 = vector.shape_cast %swap3A_700 : vector<1x16xf32> to vector<16xf32>
      %swap3A_702 = vector.shape_cast %add3A_697 : vector<16xf32> to vector<1x16xf32>
      tpu.vector_store %arg8[%swap3A_698, %swap3A_699], %swap3A_702 {strides = array<i32>} : memref<32x1024xf32, #tpu.memory_space<vmem>>, vector<1x16xf32>,
      %get3A_703 = arith.index_cast %add3A_60 : i32 to index
      %get3A_704 = arith.constant 736 : index
      %get3A_705 = tpu.vector_load %arg8[%get3A_703, %get3A_704] {strides = array<i32>} : memref<32x1024xf32, #tpu.memory_space<vmem>>, vector<1x16xf32>,
      %get3A_706 = vector.shape_cast %get3A_705 : vector<1x16xf32> to vector<16xf32>
      %get3A_707 = arith.index_cast %add3A_60 : i32 to index
      %get3A_708 = arith.constant 736 : index
      %get3A_709 = tpu.vector_load %arg9[%get3A_707, %get3A_708] {strides = array<i32>} : memref<32x1024xf32, #tpu.memory_space<vmem>>, vector<1x16xf32>,
      %get3A_710 = vector.shape_cast %get3A_709 : vector<1x16xf32> to vector<16xf32>
      %add3A_711 = arith.addf %get3A_706, %get3A_710 : vector<16xf32>
      %swap3A_712 = arith.index_cast %add3A_60 : i32 to index
      %swap3A_713 = arith.constant 736 : index
      %swap3A_714 = tpu.vector_load %arg8[%swap3A_712, %swap3A_713] {strides = array<i32>} : memref<32x1024xf32, #tpu.memory_space<vmem>>, vector<1x16xf32>,
      %swap3A_715 = vector.shape_cast %swap3A_714 : vector<1x16xf32> to vector<16xf32>
      %swap3A_716 = vector.shape_cast %add3A_711 : vector<16xf32> to vector<1x16xf32>
      tpu.vector_store %arg8[%swap3A_712, %swap3A_713], %swap3A_716 {strides = array<i32>} : memref<32x1024xf32, #tpu.memory_space<vmem>>, vector<1x16xf32>,
      %get3A_717 = arith.index_cast %add3A_60 : i32 to index
      %get3A_718 = arith.constant 752 : index
      %get3A_719 = tpu.vector_load %arg8[%get3A_717, %get3A_718] {strides = array<i32>} : memref<32x1024xf32, #tpu.memory_space<vmem>>, vector<1x16xf32>,
      %get3A_720 = vector.shape_cast %get3A_719 : vector<1x16xf32> to vector<16xf32>
      %get3A_721 = arith.index_cast %add3A_60 : i32 to index
      %get3A_722 = arith.constant 752 : index
      %get3A_723 = tpu.vector_load %arg9[%get3A_721, %get3A_722] {strides = array<i32>} : memref<32x1024xf32, #tpu.memory_space<vmem>>, vector<1x16xf32>,
      %get3A_724 = vector.shape_cast %get3A_723 : vector<1x16xf32> to vector<16xf32>
      %add3A_725 = arith.addf %get3A_720, %get3A_724 : vector<16xf32>
      %swap3A_726 = arith.index_cast %add3A_60 : i32 to index
      %swap3A_727 = arith.constant 752 : index
      %swap3A_728 = tpu.vector_load %arg8[%swap3A_726, %swap3A_727] {strides = array<i32>} : memref<32x1024xf32, #tpu.memory_space<vmem>>, vector<1x16xf32>,
      %swap3A_729 = vector.shape_cast %swap3A_728 : vector<1x16xf32> to vector<16xf32>
      %swap3A_730 = vector.shape_cast %add3A_725 : vector<16xf32> to vector<1x16xf32>
      tpu.vector_store %arg8[%swap3A_726, %swap3A_727], %swap3A_730 {strides = array<i32>} : memref<32x1024xf32, #tpu.memory_space<vmem>>, vector<1x16xf32>,
      %get3A_731 = arith.index_cast %add3A_60 : i32 to index
      %get3A_732 = arith.constant 768 : index
      %get3A_733 = tpu.vector_load %arg8[%get3A_731, %get3A_732] {strides = array<i32>} : memref<32x1024xf32, #tpu.memory_space<vmem>>, vector<1x16xf32>,
      %get3A_734 = vector.shape_cast %get3A_733 : vector<1x16xf32> to vector<16xf32>
      %get3A_735 = arith.index_cast %add3A_60 : i32 to index
      %get3A_736 = arith.constant 768 : index
      %get3A_737 = tpu.vector_load %arg9[%get3A_735, %get3A_736] {strides = array<i32>} : memref<32x1024xf32, #tpu.memory_space<vmem>>, vector<1x16xf32>,
      %get3A_738 = vector.shape_cast %get3A_737 : vector<1x16xf32> to vector<16xf32>
      %add3A_739 = arith.addf %get3A_734, %get3A_738 : vector<16xf32>
      %swap3A_740 = arith.index_cast %add3A_60 : i32 to index
      %swap3A_741 = arith.constant 768 : index
      %swap3A_742 = tpu.vector_load %arg8[%swap3A_740, %swap3A_741] {strides = array<i32>} : memref<32x1024xf32, #tpu.memory_space<vmem>>, vector<1x16xf32>,
      %swap3A_743 = vector.shape_cast %swap3A_742 : vector<1x16xf32> to vector<16xf32>
      %swap3A_744 = vector.shape_cast %add3A_739 : vector<16xf32> to vector<1x16xf32>
      tpu.vector_store %arg8[%swap3A_740, %swap3A_741], %swap3A_744 {strides = array<i32>} : memref<32x1024xf32, #tpu.memory_space<vmem>>, vector<1x16xf32>,
      %get3A_745 = arith.index_cast %add3A_60 : i32 to index
      %get3A_746 = arith.constant 784 : index
      %get3A_747 = tpu.vector_load %arg8[%get3A_745, %get3A_746] {strides = array<i32>} : memref<32x1024xf32, #tpu.memory_space<vmem>>, vector<1x16xf32>,
      %get3A_748 = vector.shape_cast %get3A_747 : vector<1x16xf32> to vector<16xf32>
      %get3A_749 = arith.index_cast %add3A_60 : i32 to index
      %get3A_750 = arith.constant 784 : index
      %get3A_751 = tpu.vector_load %arg9[%get3A_749, %get3A_750] {strides = array<i32>} : memref<32x1024xf32, #tpu.memory_space<vmem>>, vector<1x16xf32>,
      %get3A_752 = vector.shape_cast %get3A_751 : vector<1x16xf32> to vector<16xf32>
      %add3A_753 = arith.addf %get3A_748, %get3A_752 : vector<16xf32>
      %swap3A_754 = arith.index_cast %add3A_60 : i32 to index
      %swap3A_755 = arith.constant 784 : index
      %swap3A_756 = tpu.vector_load %arg8[%swap3A_754, %swap3A_755] {strides = array<i32>} : memref<32x1024xf32, #tpu.memory_space<vmem>>, vector<1x16xf32>,
      %swap3A_757 = vector.shape_cast %swap3A_756 : vector<1x16xf32> to vector<16xf32>
      %swap3A_758 = vector.shape_cast %add3A_753 : vector<16xf32> to vector<1x16xf32>
      tpu.vector_store %arg8[%swap3A_754, %swap3A_755], %swap3A_758 {strides = array<i32>} : memref<32x1024xf32, #tpu.memory_space<vmem>>, vector<1x16xf32>,
      %get3A_759 = arith.index_cast %add3A_60 : i32 to index
      %get3A_760 = arith.constant 800 : index
      %get3A_761 = tpu.vector_load %arg8[%get3A_759, %get3A_760] {strides = array<i32>} : memref<32x1024xf32, #tpu.memory_space<vmem>>, vector<1x16xf32>,
      %get3A_762 = vector.shape_cast %get3A_761 : vector<1x16xf32> to vector<16xf32>
      %get3A_763 = arith.index_cast %add3A_60 : i32 to index
      %get3A_764 = arith.constant 800 : index
      %get3A_765 = tpu.vector_load %arg9[%get3A_763, %get3A_764] {strides = array<i32>} : memref<32x1024xf32, #tpu.memory_space<vmem>>, vector<1x16xf32>,
      %get3A_766 = vector.shape_cast %get3A_765 : vector<1x16xf32> to vector<16xf32>
      %add3A_767 = arith.addf %get3A_762, %get3A_766 : vector<16xf32>
      %swap3A_768 = arith.index_cast %add3A_60 : i32 to index
      %swap3A_769 = arith.constant 800 : index
      %swap3A_770 = tpu.vector_load %arg8[%swap3A_768, %swap3A_769] {strides = array<i32>} : memref<32x1024xf32, #tpu.memory_space<vmem>>, vector<1x16xf32>,
      %swap3A_771 = vector.shape_cast %swap3A_770 : vector<1x16xf32> to vector<16xf32>
      %swap3A_772 = vector.shape_cast %add3A_767 : vector<16xf32> to vector<1x16xf32>
      tpu.vector_store %arg8[%swap3A_768, %swap3A_769], %swap3A_772 {strides = array<i32>} : memref<32x1024xf32, #tpu.memory_space<vmem>>, vector<1x16xf32>,
      %get3A_773 = arith.index_cast %add3A_60 : i32 to index
      %get3A_774 = arith.constant 816 : index
      %get3A_775 = tpu.vector_load %arg8[%get3A_773, %get3A_774] {strides = array<i32>} : memref<32x1024xf32, #tpu.memory_space<vmem>>, vector<1x16xf32>,
      %get3A_776 = vector.shape_cast %get3A_775 : vector<1x16xf32> to vector<16xf32>
      %get3A_777 = arith.index_cast %add3A_60 : i32 to index
      %get3A_778 = arith.constant 816 : index
      %get3A_779 = tpu.vector_load %arg9[%get3A_777, %get3A_778] {strides = array<i32>} : memref<32x1024xf32, #tpu.memory_space<vmem>>, vector<1x16xf32>,
      %get3A_780 = vector.shape_cast %get3A_779 : vector<1x16xf32> to vector<16xf32>
      %add3A_781 = arith.addf %get3A_776, %get3A_780 : vector<16xf32>
      %swap3A_782 = arith.index_cast %add3A_60 : i32 to index
      %swap3A_783 = arith.constant 816 : index
      %swap3A_784 = tpu.vector_load %arg8[%swap3A_782, %swap3A_783] {strides = array<i32>} : memref<32x1024xf32, #tpu.memory_space<vmem>>, vector<1x16xf32>,
      %swap3A_785 = vector.shape_cast %swap3A_784 : vector<1x16xf32> to vector<16xf32>
      %swap3A_786 = vector.shape_cast %add3A_781 : vector<16xf32> to vector<1x16xf32>
      tpu.vector_store %arg8[%swap3A_782, %swap3A_783], %swap3A_786 {strides = array<i32>} : memref<32x1024xf32, #tpu.memory_space<vmem>>, vector<1x16xf32>,
      %get3A_787 = arith.index_cast %add3A_60 : i32 to index
      %get3A_788 = arith.constant 832 : index
      %get3A_789 = tpu.vector_load %arg8[%get3A_787, %get3A_788] {strides = array<i32>} : memref<32x1024xf32, #tpu.memory_space<vmem>>, vector<1x16xf32>,
      %get3A_790 = vector.shape_cast %get3A_789 : vector<1x16xf32> to vector<16xf32>
      %get3A_791 = arith.index_cast %add3A_60 : i32 to index
      %get3A_792 = arith.constant 832 : index
      %get3A_793 = tpu.vector_load %arg9[%get3A_791, %get3A_792] {strides = array<i32>} : memref<32x1024xf32, #tpu.memory_space<vmem>>, vector<1x16xf32>,
      %get3A_794 = vector.shape_cast %get3A_793 : vector<1x16xf32> to vector<16xf32>
      %add3A_795 = arith.addf %get3A_790, %get3A_794 : vector<16xf32>
      %swap3A_796 = arith.index_cast %add3A_60 : i32 to index
      %swap3A_797 = arith.constant 832 : index
      %swap3A_798 = tpu.vector_load %arg8[%swap3A_796, %swap3A_797] {strides = array<i32>} : memref<32x1024xf32, #tpu.memory_space<vmem>>, vector<1x16xf32>,
      %swap3A_799 = vector.shape_cast %swap3A_798 : vector<1x16xf32> to vector<16xf32>
      %swap3A_800 = vector.shape_cast %add3A_795 : vector<16xf32> to vector<1x16xf32>
      tpu.vector_store %arg8[%swap3A_796, %swap3A_797], %swap3A_800 {strides = array<i32>} : memref<32x1024xf32, #tpu.memory_space<vmem>>, vector<1x16xf32>,
      %get3A_801 = arith.index_cast %add3A_60 : i32 to index
      %get3A_802 = arith.constant 848 : index
      %get3A_803 = tpu.vector_load %arg8[%get3A_801, %get3A_802] {strides = array<i32>} : memref<32x1024xf32, #tpu.memory_space<vmem>>, vector<1x16xf32>,
      %get3A_804 = vector.shape_cast %get3A_803 : vector<1x16xf32> to vector<16xf32>
      %get3A_805 = arith.index_cast %add3A_60 : i32 to index
      %get3A_806 = arith.constant 848 : index
      %get3A_807 = tpu.vector_load %arg9[%get3A_805, %get3A_806] {strides = array<i32>} : memref<32x1024xf32, #tpu.memory_space<vmem>>, vector<1x16xf32>,
      %get3A_808 = vector.shape_cast %get3A_807 : vector<1x16xf32> to vector<16xf32>
      %add3A_809 = arith.addf %get3A_804, %get3A_808 : vector<16xf32>
      %swap3A_810 = arith.index_cast %add3A_60 : i32 to index
      %swap3A_811 = arith.constant 848 : index
      %swap3A_812 = tpu.vector_load %arg8[%swap3A_810, %swap3A_811] {strides = array<i32>} : memref<32x1024xf32, #tpu.memory_space<vmem>>, vector<1x16xf32>,
      %swap3A_813 = vector.shape_cast %swap3A_812 : vector<1x16xf32> to vector<16xf32>
      %swap3A_814 = vector.shape_cast %add3A_809 : vector<16xf32> to vector<1x16xf32>
      tpu.vector_store %arg8[%swap3A_810, %swap3A_811], %swap3A_814 {strides = array<i32>} : memref<32x1024xf32, #tpu.memory_space<vmem>>, vector<1x16xf32>,
      %get3A_815 = arith.index_cast %add3A_60 : i32 to index
      %get3A_816 = arith.constant 864 : index
      %get3A_817 = tpu.vector_load %arg8[%get3A_815, %get3A_816] {strides = array<i32>} : memref<32x1024xf32, #tpu.memory_space<vmem>>, vector<1x16xf32>,
      %get3A_818 = vector.shape_cast %get3A_817 : vector<1x16xf32> to vector<16xf32>
      %get3A_819 = arith.index_cast %add3A_60 : i32 to index
      %get3A_820 = arith.constant 864 : index
      %get3A_821 = tpu.vector_load %arg9[%get3A_819, %get3A_820] {strides = array<i32>} : memref<32x1024xf32, #tpu.memory_space<vmem>>, vector<1x16xf32>,
      %get3A_822 = vector.shape_cast %get3A_821 : vector<1x16xf32> to vector<16xf32>
      %add3A_823 = arith.addf %get3A_818, %get3A_822 : vector<16xf32>
      %swap3A_824 = arith.index_cast %add3A_60 : i32 to index
      %swap3A_825 = arith.constant 864 : index
      %swap3A_826 = tpu.vector_load %arg8[%swap3A_824, %swap3A_825] {strides = array<i32>} : memref<32x1024xf32, #tpu.memory_space<vmem>>, vector<1x16xf32>,
      %swap3A_827 = vector.shape_cast %swap3A_826 : vector<1x16xf32> to vector<16xf32>
      %swap3A_828 = vector.shape_cast %add3A_823 : vector<16xf32> to vector<1x16xf32>
      tpu.vector_store %arg8[%swap3A_824, %swap3A_825], %swap3A_828 {strides = array<i32>} : memref<32x1024xf32, #tpu.memory_space<vmem>>, vector<1x16xf32>,
      %get3A_829 = arith.index_cast %add3A_60 : i32 to index
      %get3A_830 = arith.constant 880 : index
      %get3A_831 = tpu.vector_load %arg8[%get3A_829, %get3A_830] {strides = array<i32>} : memref<32x1024xf32, #tpu.memory_space<vmem>>, vector<1x16xf32>,
      %get3A_832 = vector.shape_cast %get3A_831 : vector<1x16xf32> to vector<16xf32>
      %get3A_833 = arith.index_cast %add3A_60 : i32 to index
      %get3A_834 = arith.constant 880 : index
      %get3A_835 = tpu.vector_load %arg9[%get3A_833, %get3A_834] {strides = array<i32>} : memref<32x1024xf32, #tpu.memory_space<vmem>>, vector<1x16xf32>,
      %get3A_836 = vector.shape_cast %get3A_835 : vector<1x16xf32> to vector<16xf32>
      %add3A_837 = arith.addf %get3A_832, %get3A_836 : vector<16xf32>
      %swap3A_838 = arith.index_cast %add3A_60 : i32 to index
      %swap3A_839 = arith.constant 880 : index
      %swap3A_840 = tpu.vector_load %arg8[%swap3A_838, %swap3A_839] {strides = array<i32>} : memref<32x1024xf32, #tpu.memory_space<vmem>>, vector<1x16xf32>,
      %swap3A_841 = vector.shape_cast %swap3A_840 : vector<1x16xf32> to vector<16xf32>
      %swap3A_842 = vector.shape_cast %add3A_837 : vector<16xf32> to vector<1x16xf32>
      tpu.vector_store %arg8[%swap3A_838, %swap3A_839], %swap3A_842 {strides = array<i32>} : memref<32x1024xf32, #tpu.memory_space<vmem>>, vector<1x16xf32>,
      %get3A_843 = arith.index_cast %add3A_60 : i32 to index
      %get3A_844 = arith.constant 896 : index
      %get3A_845 = tpu.vector_load %arg8[%get3A_843, %get3A_844] {strides = array<i32>} : memref<32x1024xf32, #tpu.memory_space<vmem>>, vector<1x16xf32>,
      %get3A_846 = vector.shape_cast %get3A_845 : vector<1x16xf32> to vector<16xf32>
      %get3A_847 = arith.index_cast %add3A_60 : i32 to index
      %get3A_848 = arith.constant 896 : index
      %get3A_849 = tpu.vector_load %arg9[%get3A_847, %get3A_848] {strides = array<i32>} : memref<32x1024xf32, #tpu.memory_space<vmem>>, vector<1x16xf32>,
      %get3A_850 = vector.shape_cast %get3A_849 : vector<1x16xf32> to vector<16xf32>
      %add3A_851 = arith.addf %get3A_846, %get3A_850 : vector<16xf32>
      %swap3A_852 = arith.index_cast %add3A_60 : i32 to index
      %swap3A_853 = arith.constant 896 : index
      %swap3A_854 = tpu.vector_load %arg8[%swap3A_852, %swap3A_853] {strides = array<i32>} : memref<32x1024xf32, #tpu.memory_space<vmem>>, vector<1x16xf32>,
      %swap3A_855 = vector.shape_cast %swap3A_854 : vector<1x16xf32> to vector<16xf32>
      %swap3A_856 = vector.shape_cast %add3A_851 : vector<16xf32> to vector<1x16xf32>
      tpu.vector_store %arg8[%swap3A_852, %swap3A_853], %swap3A_856 {strides = array<i32>} : memref<32x1024xf32, #tpu.memory_space<vmem>>, vector<1x16xf32>,
      %get3A_857 = arith.index_cast %add3A_60 : i32 to index
      %get3A_858 = arith.constant 912 : index
      %get3A_859 = tpu.vector_load %arg8[%get3A_857, %get3A_858] {strides = array<i32>} : memref<32x1024xf32, #tpu.memory_space<vmem>>, vector<1x16xf32>,
      %get3A_860 = vector.shape_cast %get3A_859 : vector<1x16xf32> to vector<16xf32>
      %get3A_861 = arith.index_cast %add3A_60 : i32 to index
      %get3A_862 = arith.constant 912 : index
      %get3A_863 = tpu.vector_load %arg9[%get3A_861, %get3A_862] {strides = array<i32>} : memref<32x1024xf32, #tpu.memory_space<vmem>>, vector<1x16xf32>,
      %get3A_864 = vector.shape_cast %get3A_863 : vector<1x16xf32> to vector<16xf32>
      %add3A_865 = arith.addf %get3A_860, %get3A_864 : vector<16xf32>
      %swap3A_866 = arith.index_cast %add3A_60 : i32 to index
      %swap3A_867 = arith.constant 912 : index
      %swap3A_868 = tpu.vector_load %arg8[%swap3A_866, %swap3A_867] {strides = array<i32>} : memref<32x1024xf32, #tpu.memory_space<vmem>>, vector<1x16xf32>,
      %swap3A_869 = vector.shape_cast %swap3A_868 : vector<1x16xf32> to vector<16xf32>
      %swap3A_870 = vector.shape_cast %add3A_865 : vector<16xf32> to vector<1x16xf32>
      tpu.vector_store %arg8[%swap3A_866, %swap3A_867], %swap3A_870 {strides = array<i32>} : memref<32x1024xf32, #tpu.memory_space<vmem>>, vector<1x16xf32>,
      %get3A_871 = arith.index_cast %add3A_60 : i32 to index
      %get3A_872 = arith.constant 928 : index
      %get3A_873 = tpu.vector_load %arg8[%get3A_871, %get3A_872] {strides = array<i32>} : memref<32x1024xf32, #tpu.memory_space<vmem>>, vector<1x16xf32>,
      %get3A_874 = vector.shape_cast %get3A_873 : vector<1x16xf32> to vector<16xf32>
      %get3A_875 = arith.index_cast %add3A_60 : i32 to index
      %get3A_876 = arith.constant 928 : index
      %get3A_877 = tpu.vector_load %arg9[%get3A_875, %get3A_876] {strides = array<i32>} : memref<32x1024xf32, #tpu.memory_space<vmem>>, vector<1x16xf32>,
      %get3A_878 = vector.shape_cast %get3A_877 : vector<1x16xf32> to vector<16xf32>
      %add3A_879 = arith.addf %get3A_874, %get3A_878 : vector<16xf32>
      %swap3A_880 = arith.index_cast %add3A_60 : i32 to index
      %swap3A_881 = arith.constant 928 : index
      %swap3A_882 = tpu.vector_load %arg8[%swap3A_880, %swap3A_881] {strides = array<i32>} : memref<32x1024xf32, #tpu.memory_space<vmem>>, vector<1x16xf32>,
      %swap3A_883 = vector.shape_cast %swap3A_882 : vector<1x16xf32> to vector<16xf32>
      %swap3A_884 = vector.shape_cast %add3A_879 : vector<16xf32> to vector<1x16xf32>
      tpu.vector_store %arg8[%swap3A_880, %swap3A_881], %swap3A_884 {strides = array<i32>} : memref<32x1024xf32, #tpu.memory_space<vmem>>, vector<1x16xf32>,
      %get3A_885 = arith.index_cast %add3A_60 : i32 to index
      %get3A_886 = arith.constant 944 : index
      %get3A_887 = tpu.vector_load %arg8[%get3A_885, %get3A_886] {strides = array<i32>} : memref<32x1024xf32, #tpu.memory_space<vmem>>, vector<1x16xf32>,
      %get3A_888 = vector.shape_cast %get3A_887 : vector<1x16xf32> to vector<16xf32>
      %get3A_889 = arith.index_cast %add3A_60 : i32 to index
      %get3A_890 = arith.constant 944 : index
      %get3A_891 = tpu.vector_load %arg9[%get3A_889, %get3A_890] {strides = array<i32>} : memref<32x1024xf32, #tpu.memory_space<vmem>>, vector<1x16xf32>,
      %get3A_892 = vector.shape_cast %get3A_891 : vector<1x16xf32> to vector<16xf32>
      %add3A_893 = arith.addf %get3A_888, %get3A_892 : vector<16xf32>
      %swap3A_894 = arith.index_cast %add3A_60 : i32 to index
      %swap3A_895 = arith.constant 944 : index
      %swap3A_896 = tpu.vector_load %arg8[%swap3A_894, %swap3A_895] {strides = array<i32>} : memref<32x1024xf32, #tpu.memory_space<vmem>>, vector<1x16xf32>,
      %swap3A_897 = vector.shape_cast %swap3A_896 : vector<1x16xf32> to vector<16xf32>
      %swap3A_898 = vector.shape_cast %add3A_893 : vector<16xf32> to vector<1x16xf32>
      tpu.vector_store %arg8[%swap3A_894, %swap3A_895], %swap3A_898 {strides = array<i32>} : memref<32x1024xf32, #tpu.memory_space<vmem>>, vector<1x16xf32>,
      %get3A_899 = arith.index_cast %add3A_60 : i32 to index
      %get3A_900 = arith.constant 960 : index
      %get3A_901 = tpu.vector_load %arg8[%get3A_899, %get3A_900] {strides = array<i32>} : memref<32x1024xf32, #tpu.memory_space<vmem>>, vector<1x16xf32>,
      %get3A_902 = vector.shape_cast %get3A_901 : vector<1x16xf32> to vector<16xf32>
      %get3A_903 = arith.index_cast %add3A_60 : i32 to index
      %get3A_904 = arith.constant 960 : index
      %get3A_905 = tpu.vector_load %arg9[%get3A_903, %get3A_904] {strides = array<i32>} : memref<32x1024xf32, #tpu.memory_space<vmem>>, vector<1x16xf32>,
      %get3A_906 = vector.shape_cast %get3A_905 : vector<1x16xf32> to vector<16xf32>
      %add3A_907 = arith.addf %get3A_902, %get3A_906 : vector<16xf32>
      %swap3A_908 = arith.index_cast %add3A_60 : i32 to index
      %swap3A_909 = arith.constant 960 : index
      %swap3A_910 = tpu.vector_load %arg8[%swap3A_908, %swap3A_909] {strides = array<i32>} : memref<32x1024xf32, #tpu.memory_space<vmem>>, vector<1x16xf32>,
      %swap3A_911 = vector.shape_cast %swap3A_910 : vector<1x16xf32> to vector<16xf32>
      %swap3A_912 = vector.shape_cast %add3A_907 : vector<16xf32> to vector<1x16xf32>
      tpu.vector_store %arg8[%swap3A_908, %swap3A_909], %swap3A_912 {strides = array<i32>} : memref<32x1024xf32, #tpu.memory_space<vmem>>, vector<1x16xf32>,
      %get3A_913 = arith.index_cast %add3A_60 : i32 to index
      %get3A_914 = arith.constant 976 : index
      %get3A_915 = tpu.vector_load %arg8[%get3A_913, %get3A_914] {strides = array<i32>} : memref<32x1024xf32, #tpu.memory_space<vmem>>, vector<1x16xf32>,
      %get3A_916 = vector.shape_cast %get3A_915 : vector<1x16xf32> to vector<16xf32>
      %get3A_917 = arith.index_cast %add3A_60 : i32 to index
      %get3A_918 = arith.constant 976 : index
      %get3A_919 = tpu.vector_load %arg9[%get3A_917, %get3A_918] {strides = array<i32>} : memref<32x1024xf32, #tpu.memory_space<vmem>>, vector<1x16xf32>,
      %get3A_920 = vector.shape_cast %get3A_919 : vector<1x16xf32> to vector<16xf32>
      %add3A_921 = arith.addf %get3A_916, %get3A_920 : vector<16xf32>
      %swap3A_922 = arith.index_cast %add3A_60 : i32 to index
      %swap3A_923 = arith.constant 976 : index
      %swap3A_924 = tpu.vector_load %arg8[%swap3A_922, %swap3A_923] {strides = array<i32>} : memref<32x1024xf32, #tpu.memory_space<vmem>>, vector<1x16xf32>,
      %swap3A_925 = vector.shape_cast %swap3A_924 : vector<1x16xf32> to vector<16xf32>
      %swap3A_926 = vector.shape_cast %add3A_921 : vector<16xf32> to vector<1x16xf32>
      tpu.vector_store %arg8[%swap3A_922, %swap3A_923], %swap3A_926 {strides = array<i32>} : memref<32x1024xf32, #tpu.memory_space<vmem>>, vector<1x16xf32>,
      %get3A_927 = arith.index_cast %add3A_60 : i32 to index
      %get3A_928 = arith.constant 992 : index
      %get3A_929 = tpu.vector_load %arg8[%get3A_927, %get3A_928] {strides = array<i32>} : memref<32x1024xf32, #tpu.memory_space<vmem>>, vector<1x16xf32>,
      %get3A_930 = vector.shape_cast %get3A_929 : vector<1x16xf32> to vector<16xf32>
      %get3A_931 = arith.index_cast %add3A_60 : i32 to index
      %get3A_932 = arith.constant 992 : index
      %get3A_933 = tpu.vector_load %arg9[%get3A_931, %get3A_932] {strides = array<i32>} : memref<32x1024xf32, #tpu.memory_space<vmem>>, vector<1x16xf32>,
      %get3A_934 = vector.shape_cast %get3A_933 : vector<1x16xf32> to vector<16xf32>
      %add3A_935 = arith.addf %get3A_930, %get3A_934 : vector<16xf32>
      %swap3A_936 = arith.index_cast %add3A_60 : i32 to index
      %swap3A_937 = arith.constant 992 : index
      %swap3A_938 = tpu.vector_load %arg8[%swap3A_936, %swap3A_937] {strides = array<i32>} : memref<32x1024xf32, #tpu.memory_space<vmem>>, vector<1x16xf32>,
      %swap3A_939 = vector.shape_cast %swap3A_938 : vector<1x16xf32> to vector<16xf32>
      %swap3A_940 = vector.shape_cast %add3A_935 : vector<16xf32> to vector<1x16xf32>
      tpu.vector_store %arg8[%swap3A_936, %swap3A_937], %swap3A_940 {strides = array<i32>} : memref<32x1024xf32, #tpu.memory_space<vmem>>, vector<1x16xf32>,
      %get3A_941 = arith.index_cast %add3A_60 : i32 to index
      %get3A_942 = arith.constant 1008 : index
      %get3A_943 = tpu.vector_load %arg8[%get3A_941, %get3A_942] {strides = array<i32>} : memref<32x1024xf32, #tpu.memory_space<vmem>>, vector<1x16xf32>,
      %get3A_944 = vector.shape_cast %get3A_943 : vector<1x16xf32> to vector<16xf32>
      %get3A_945 = arith.index_cast %add3A_60 : i32 to index
      %get3A_946 = arith.constant 1008 : index
      %get3A_947 = tpu.vector_load %arg9[%get3A_945, %get3A_946] {strides = array<i32>} : memref<32x1024xf32, #tpu.memory_space<vmem>>, vector<1x16xf32>,
      %get3A_948 = vector.shape_cast %get3A_947 : vector<1x16xf32> to vector<16xf32>
      %add3A_949 = arith.addf %get3A_944, %get3A_948 : vector<16xf32>
      %swap3A_950 = arith.index_cast %add3A_60 : i32 to index
      %swap3A_951 = arith.constant 1008 : index
      %swap3A_952 = tpu.vector_load %arg8[%swap3A_950, %swap3A_951] {strides = array<i32>} : memref<32x1024xf32, #tpu.memory_space<vmem>>, vector<1x16xf32>,
      %swap3A_953 = vector.shape_cast %swap3A_952 : vector<1x16xf32> to vector<16xf32>
      %swap3A_954 = vector.shape_cast %add3A_949 : vector<16xf32> to vector<1x16xf32>
      tpu.vector_store %arg8[%swap3A_950, %swap3A_951], %swap3A_954 {strides = array<i32>} : memref<32x1024xf32, #tpu.memory_space<vmem>>, vector<1x16xf32>,
    }
    %scan3A_55 = arith.constant 32 : i32
    "tpu.region"() ({
      %run_scoped3A = tpu.sem_alloc : memref<!tpu.dma_semaphore, #tpu.memory_space<semaphore_mem>>
      %dma_start3A_56 = arith.constant 0 : i32
      %dma_start3A_57 = tpu.memref_slice %arg5[%add3A_30, %dma_start3A_56] : memref<2048x1024xf32, #tpu.memory_space<hbm>> -> memref<32x1024xf32, #tpu.memory_space<hbm>>
      %dma_start3A_58 = arith.constant 0 : i32
      %dma_start3A_59 = tpu.memref_slice %arg5[%add3A_30, %dma_start3A_58] : memref<2048x1024xf32, #tpu.memory_space<hbm>> -> memref<32x1024xf32, #tpu.memory_space<hbm>>
      tpu.enqueue_dma source(%arg8 : memref<32x1024xf32, #tpu.memory_space<vmem>>) target(%dma_start3A_59 : memref<32x1024xf32, #tpu.memory_space<hbm>>) target_semaphore(%run_scoped3A : memref<!tpu.dma_semaphore, #tpu.memory_space<semaphore_mem>>)
      %dma_wait3A_60 = arith.constant 0 : i32
      %dma_wait3A_61 = tpu.memref_slice %arg5[%add3A_30, %dma_wait3A_60] : memref<2048x1024xf32, #tpu.memory_space<hbm>> -> memref<32x1024xf32, #tpu.memory_space<hbm>>
      %dma_wait3A_62 = arith.constant 0 : i32
      %dma_wait3A_63 = tpu.memref_slice %arg5[%add3A_30, %dma_wait3A_62] : memref<2048x1024xf32, #tpu.memory_space<hbm>> -> memref<32x1024xf32, #tpu.memory_space<hbm>>
      tpu.wait_dma2 semaphore(%run_scoped3A : memref<!tpu.dma_semaphore, #tpu.memory_space<semaphore_mem>>) src(%arg8 : memref<32x1024xf32, #tpu.memory_space<vmem>>) dst(%dma_wait3A_63 : memref<32x1024xf32, #tpu.memory_space<hbm>>)
      tpu.yield
    }) : () -> ()
    return
  }
}

module attributes {stable_mosaic.version = 14 : i64} {
  func.func @_router_body(%arg0: i32, %arg1: memref<2048x1024xf32, #tpu.memory_space<vmem>>, %arg2: memref<8x1024xf32, #tpu.memory_space<vmem>>, %arg3: memref<8x1xf32, #tpu.memory_space<vmem>>, %arg4: memref<1x2048xi32, #tpu.memory_space<vmem>>, %arg5: memref<1x2048xi32, #tpu.memory_space<vmem>>, %arg6: memref<1x2048xf32, #tpu.memory_space<vmem>>, %arg7: memref<1x2048xf32, #tpu.memory_space<vmem>>, %arg8: memref<1x23xi32, #tpu.memory_space<vmem>>, %arg9: memref<1x1xi32, #tpu.memory_space<vmem>>) attributes {dimension_semantics = [#tpu.dimension_semantics<arbitrary>], iteration_bounds = array<i64: 1>, scalar_prefetch = 0 : i64, scratch_operands = 0 : i64, tpu.core_type = #tpu.core_type<tc>, window_params = [{pipeline_mode = #tpu.pipeline_mode<synchronous>, transform_indices = @transform_0, window_bounds = array<i64: 2048, 1024>}, {pipeline_mode = #tpu.pipeline_mode<synchronous>, transform_indices = @transform_1, window_bounds = array<i64: 8, 1024>}, {pipeline_mode = #tpu.pipeline_mode<synchronous>, transform_indices = @transform_2, window_bounds = array<i64: 8, 1>}, {pipeline_mode = #tpu.pipeline_mode<synchronous>, transform_indices = @transform_3, window_bounds = array<i64: 1, 2048>}, {pipeline_mode = #tpu.pipeline_mode<synchronous>, transform_indices = @transform_4, window_bounds = array<i64: 1, 2048>}, {pipeline_mode = #tpu.pipeline_mode<synchronous>, transform_indices = @transform_5, window_bounds = array<i64: 1, 2048>}, {pipeline_mode = #tpu.pipeline_mode<synchronous>, transform_indices = @transform_6, window_bounds = array<i64: 1, 2048>}, {pipeline_mode = #tpu.pipeline_mode<synchronous>, transform_indices = @transform_7, window_bounds = array<i64: 1, 23>}, {pipeline_mode = #tpu.pipeline_mode<synchronous>, transform_indices = @transform_8, window_bounds = array<i64: 1, 1>}]} {
    %get3A = arith.constant 0 : index
    %get3A_0 = arith.constant 0 : index
    %get3A_1 = vector.load %arg2[%get3A, %get3A_0] : memref<8x1024xf32, #tpu.memory_space<vmem>>, vector<8x1024xf32>
    %get3A_2 = arith.constant 0 : index
    %get3A_3 = arith.constant 0 : index
    %get3A_4 = vector.load %arg1[%get3A_2, %get3A_3] : memref<2048x1024xf32, #tpu.memory_space<vmem>>, vector<2048x1024xf32>
    %dot_general3A = arith.constant dense<0.000000e+00> : vector<8x2048xf32>
    %dot_general3A_5 = tpu.matmul %get3A_1, %get3A_4, %dot_general3A {dimension_numbers = #tpu.dot_dimension_numbers<[1], [1], [0], [0], [0, 0, 1, 0], [], []>, transpose_lhs_hint = false} : vector<8x1024xf32>, vector<2048x1024xf32>, vector<8x2048xf32> -> vector<8x2048xf32>
    %get3A_6 = arith.constant 0 : index
    %get3A_7 = arith.constant 0 : index
    %get3A_8 = vector.load %arg3[%get3A_6, %get3A_7] : memref<8x1xf32, #tpu.memory_space<vmem>>, vector<8x1xf32>
    %add3A = vector.broadcast %get3A_8 : vector<8x1xf32> to vector<8x2048xf32>
    %add3A_9 = arith.addf %dot_general3A_5, %add3A : vector<8x2048xf32>
    %iota3A = tpu.iota {dimensions = array<i32: 0>} : vector<8x2048xi32>
    %reduce_max3A = arith.constant dense<0xFF800000> : vector<2048xf32>
    %reduce_max3A_10 = vector.multi_reduction <maximumf>, %add3A_9, %reduce_max3A [0] : vector<8x2048xf32> to vector<2048xf32>
    %broadcast_in_dim3A = vector.shape_cast %reduce_max3A_10 : vector<2048xf32> to vector<1x2048xf32>
    %eq3A = vector.broadcast %broadcast_in_dim3A : vector<1x2048xf32> to vector<8x2048xf32>
    %eq3A_11 = arith.cmpf oeq, %add3A_9, %eq3A : vector<8x2048xf32>
    %jit3A = arith.constant 8 : i32
    %broadcast_in_dim3A_12 = vector.broadcast %jit3A : i32 to vector<8x2048xi32>
    %select_n3A = arith.select %eq3A_11, %iota3A, %broadcast_in_dim3A_12 : vector<8x2048xi1>, vector<8x2048xi32>
    %reduce_min3A = arith.constant dense<2147483647> : vector<2048xi32>
    %reduce_min3A_13 = vector.multi_reduction <minsi>, %select_n3A, %reduce_min3A [0] : vector<8x2048xi32> to vector<2048xi32>
    %broadcast_in_dim3A_14 = vector.shape_cast %reduce_min3A_13 : vector<2048xi32> to vector<1x2048xi32>
    %eq3A_15 = vector.broadcast %broadcast_in_dim3A_14 : vector<1x2048xi32> to vector<8x2048xi32>
    %eq3A_16 = arith.cmpi eq, %iota3A, %eq3A_15 : vector<8x2048xi32>
    %jit3A_17 = arith.constant 0xFF800000 : f32
    %broadcast_in_dim3A_18 = vector.broadcast %jit3A_17 : f32 to vector<8x2048xf32>
    %select_n3A_19 = arith.select %eq3A_16, %broadcast_in_dim3A_18, %add3A_9 : vector<8x2048xi1>, vector<8x2048xf32>
    %reduce_max3A_20 = arith.constant dense<0xFF800000> : vector<2048xf32>
    %reduce_max3A_21 = vector.multi_reduction <maximumf>, %select_n3A_19, %reduce_max3A_20 [0] : vector<8x2048xf32> to vector<2048xf32>
    %broadcast_in_dim3A_22 = vector.shape_cast %reduce_max3A_21 : vector<2048xf32> to vector<1x2048xf32>
    %eq3A_23 = vector.broadcast %broadcast_in_dim3A_22 : vector<1x2048xf32> to vector<8x2048xf32>
    %eq3A_24 = arith.cmpf oeq, %select_n3A_19, %eq3A_23 : vector<8x2048xf32>
    %jit3A_25 = arith.constant 8 : i32
    %broadcast_in_dim3A_26 = vector.broadcast %jit3A_25 : i32 to vector<8x2048xi32>
    %select_n3A_27 = arith.select %eq3A_24, %iota3A, %broadcast_in_dim3A_26 : vector<8x2048xi1>, vector<8x2048xi32>
    %reduce_min3A_28 = arith.constant dense<2147483647> : vector<2048xi32>
    %reduce_min3A_29 = vector.multi_reduction <minsi>, %select_n3A_27, %reduce_min3A_28 [0] : vector<8x2048xi32> to vector<2048xi32>
    %broadcast_in_dim3A_30 = vector.shape_cast %reduce_min3A_29 : vector<2048xi32> to vector<1x2048xi32>
    %sub3A = arith.subf %broadcast_in_dim3A_22, %broadcast_in_dim3A : vector<1x2048xf32>
    %exp3A = math.exp %sub3A : vector<1x2048xf32>
    %add3A_31 = arith.constant 1.000000e+00 : f32
    %add3A_32 = vector.broadcast %add3A_31 : f32 to vector<1x2048xf32>
    %add3A_33 = arith.addf %add3A_32, %exp3A : vector<1x2048xf32>
    %div3A = arith.constant 1.000000e+00 : f32
    %div3A_34 = vector.broadcast %div3A : f32 to vector<1x2048xf32>
    %div3A_35 = arith.divf %div3A_34, %add3A_33 : vector<1x2048xf32>
    %swap3A = arith.constant 0 : index
    %swap3A_36 = arith.constant 0 : index
    %swap3A_37 = vector.load %arg6[%swap3A, %swap3A_36] : memref<1x2048xf32, #tpu.memory_space<vmem>>, vector<1x2048xf32>
    tpu.vector_store %arg6[%swap3A, %swap3A_36], %div3A_35 {strides = array<i32>} : memref<1x2048xf32, #tpu.memory_space<vmem>>, vector<1x2048xf32>,
    %add3A_38 = arith.constant 1.000000e+00 : f32
    %add3A_39 = vector.broadcast %add3A_38 : f32 to vector<1x2048xf32>
    %add3A_40 = arith.addf %add3A_39, %exp3A : vector<1x2048xf32>
    %div3A_41 = arith.divf %exp3A, %add3A_40 : vector<1x2048xf32>
    %swap3A_42 = arith.constant 0 : index
    %swap3A_43 = arith.constant 0 : index
    %swap3A_44 = vector.load %arg7[%swap3A_42, %swap3A_43] : memref<1x2048xf32, #tpu.memory_space<vmem>>, vector<1x2048xf32>
    tpu.vector_store %arg7[%swap3A_42, %swap3A_43], %div3A_41 {strides = array<i32>} : memref<1x2048xf32, #tpu.memory_space<vmem>>, vector<1x2048xf32>,
    %eq3A_45 = vector.broadcast %broadcast_in_dim3A_14 : vector<1x2048xi32> to vector<8x2048xi32>
    %eq3A_46 = arith.cmpi eq, %iota3A, %eq3A_45 : vector<8x2048xi32>
    %eq3A_47 = vector.broadcast %broadcast_in_dim3A_30 : vector<1x2048xi32> to vector<8x2048xi32>
    %eq3A_48 = arith.cmpi eq, %iota3A, %eq3A_47 : vector<8x2048xi32>
    %or3A = arith.ori %eq3A_46, %eq3A_48 : vector<8x2048xi1>
    %convert_element_type3A = arith.extui %or3A : vector<8x2048xi1> to vector<8x2048xi32>
    %broadcast_in_dim3A_49 = arith.constant 0 : i32
    %broadcast_in_dim3A_50 = vector.broadcast %broadcast_in_dim3A_49 : i32 to vector<8x1xi32>
    %slice3A = vector.extract_strided_slice %convert_element_type3A {offsets = [0, 0], sizes = [8, 2047], strides = [1, 1]} : vector<8x2048xi32> to vector<8x2047xi32>
    %concatenate3A = tpu.concatenate %broadcast_in_dim3A_50, %slice3A in 1 : vector<8x1xi32>, vector<8x2047xi32> -> vector<8x2048xi32>
    %add3A_51 = arith.addi %convert_element_type3A, %concatenate3A : vector<8x2048xi32>
    %broadcast_in_dim3A_52 = arith.constant 0 : i32
    %broadcast_in_dim3A_53 = vector.broadcast %broadcast_in_dim3A_52 : i32 to vector<8x2xi32>
    %slice3A_54 = vector.extract_strided_slice %add3A_51 {offsets = [0, 0], sizes = [8, 2046], strides = [1, 1]} : vector<8x2048xi32> to vector<8x2046xi32>
    %concatenate3A_55 = tpu.concatenate %broadcast_in_dim3A_53, %slice3A_54 in 1 : vector<8x2xi32>, vector<8x2046xi32> -> vector<8x2048xi32>
    %add3A_56 = arith.addi %add3A_51, %concatenate3A_55 : vector<8x2048xi32>
    %broadcast_in_dim3A_57 = arith.constant 0 : i32
    %broadcast_in_dim3A_58 = vector.broadcast %broadcast_in_dim3A_57 : i32 to vector<8x4xi32>
    %slice3A_59 = vector.extract_strided_slice %add3A_56 {offsets = [0, 0], sizes = [8, 2044], strides = [1, 1]} : vector<8x2048xi32> to vector<8x2044xi32>
    %concatenate3A_60 = tpu.concatenate %broadcast_in_dim3A_58, %slice3A_59 in 1 : vector<8x4xi32>, vector<8x2044xi32> -> vector<8x2048xi32>
    %add3A_61 = arith.addi %add3A_56, %concatenate3A_60 : vector<8x2048xi32>
    %broadcast_in_dim3A_62 = arith.constant 0 : i32
    %broadcast_in_dim3A_63 = vector.broadcast %broadcast_in_dim3A_62 : i32 to vector<8x8xi32>
    %slice3A_64 = vector.extract_strided_slice %add3A_61 {offsets = [0, 0], sizes = [8, 2040], strides = [1, 1]} : vector<8x2048xi32> to vector<8x2040xi32>
    %concatenate3A_65 = tpu.concatenate %broadcast_in_dim3A_63, %slice3A_64 in 1 : vector<8x8xi32>, vector<8x2040xi32> -> vector<8x2048xi32>
    %add3A_66 = arith.addi %add3A_61, %concatenate3A_65 : vector<8x2048xi32>
    %broadcast_in_dim3A_67 = arith.constant 0 : i32
    %broadcast_in_dim3A_68 = vector.broadcast %broadcast_in_dim3A_67 : i32 to vector<8x16xi32>
    %slice3A_69 = vector.extract_strided_slice %add3A_66 {offsets = [0, 0], sizes = [8, 2032], strides = [1, 1]} : vector<8x2048xi32> to vector<8x2032xi32>
    %concatenate3A_70 = tpu.concatenate %broadcast_in_dim3A_68, %slice3A_69 in 1 : vector<8x16xi32>, vector<8x2032xi32> -> vector<8x2048xi32>
    %add3A_71 = arith.addi %add3A_66, %concatenate3A_70 : vector<8x2048xi32>
    %broadcast_in_dim3A_72 = arith.constant 0 : i32
    %broadcast_in_dim3A_73 = vector.broadcast %broadcast_in_dim3A_72 : i32 to vector<8x32xi32>
    %slice3A_74 = vector.extract_strided_slice %add3A_71 {offsets = [0, 0], sizes = [8, 2016], strides = [1, 1]} : vector<8x2048xi32> to vector<8x2016xi32>
    %concatenate3A_75 = tpu.concatenate %broadcast_in_dim3A_73, %slice3A_74 in 1 : vector<8x32xi32>, vector<8x2016xi32> -> vector<8x2048xi32>
    %add3A_76 = arith.addi %add3A_71, %concatenate3A_75 : vector<8x2048xi32>
    %broadcast_in_dim3A_77 = arith.constant 0 : i32
    %broadcast_in_dim3A_78 = vector.broadcast %broadcast_in_dim3A_77 : i32 to vector<8x64xi32>
    %slice3A_79 = vector.extract_strided_slice %add3A_76 {offsets = [0, 0], sizes = [8, 1984], strides = [1, 1]} : vector<8x2048xi32> to vector<8x1984xi32>
    %concatenate3A_80 = tpu.concatenate %broadcast_in_dim3A_78, %slice3A_79 in 1 : vector<8x64xi32>, vector<8x1984xi32> -> vector<8x2048xi32>
    %add3A_81 = arith.addi %add3A_76, %concatenate3A_80 : vector<8x2048xi32>
    %broadcast_in_dim3A_82 = arith.constant 0 : i32
    %broadcast_in_dim3A_83 = vector.broadcast %broadcast_in_dim3A_82 : i32 to vector<8x128xi32>
    %slice3A_84 = vector.extract_strided_slice %add3A_81 {offsets = [0, 0], sizes = [8, 1920], strides = [1, 1]} : vector<8x2048xi32> to vector<8x1920xi32>
    %concatenate3A_85 = tpu.concatenate %broadcast_in_dim3A_83, %slice3A_84 in 1 : vector<8x128xi32>, vector<8x1920xi32> -> vector<8x2048xi32>
    %add3A_86 = arith.addi %add3A_81, %concatenate3A_85 : vector<8x2048xi32>
    %broadcast_in_dim3A_87 = arith.constant 0 : i32
    %broadcast_in_dim3A_88 = vector.broadcast %broadcast_in_dim3A_87 : i32 to vector<8x256xi32>
    %slice3A_89 = vector.extract_strided_slice %add3A_86 {offsets = [0, 0], sizes = [8, 1792], strides = [1, 1]} : vector<8x2048xi32> to vector<8x1792xi32>
    %concatenate3A_90 = tpu.concatenate %broadcast_in_dim3A_88, %slice3A_89 in 1 : vector<8x256xi32>, vector<8x1792xi32> -> vector<8x2048xi32>
    %add3A_91 = arith.addi %add3A_86, %concatenate3A_90 : vector<8x2048xi32>
    %broadcast_in_dim3A_92 = arith.constant 0 : i32
    %broadcast_in_dim3A_93 = vector.broadcast %broadcast_in_dim3A_92 : i32 to vector<8x512xi32>
    %slice3A_94 = vector.extract_strided_slice %add3A_91 {offsets = [0, 0], sizes = [8, 1536], strides = [1, 1]} : vector<8x2048xi32> to vector<8x1536xi32>
    %concatenate3A_95 = tpu.concatenate %broadcast_in_dim3A_93, %slice3A_94 in 1 : vector<8x512xi32>, vector<8x1536xi32> -> vector<8x2048xi32>
    %add3A_96 = arith.addi %add3A_91, %concatenate3A_95 : vector<8x2048xi32>
    %broadcast_in_dim3A_97 = arith.constant 0 : i32
    %broadcast_in_dim3A_98 = vector.broadcast %broadcast_in_dim3A_97 : i32 to vector<8x1024xi32>
    %slice3A_99 = vector.extract_strided_slice %add3A_96 {offsets = [0, 0], sizes = [8, 1024], strides = [1, 1]} : vector<8x2048xi32> to vector<8x1024xi32>
    %concatenate3A_100 = tpu.concatenate %broadcast_in_dim3A_98, %slice3A_99 in 1 : vector<8x1024xi32>, vector<8x1024xi32> -> vector<8x2048xi32>
    %add3A_101 = arith.addi %add3A_96, %concatenate3A_100 : vector<8x2048xi32>
    %sub3A_102 = arith.subi %add3A_101, %convert_element_type3A : vector<8x2048xi32>
    %slice3A_103 = vector.extract_strided_slice %add3A_101 {offsets = [0, 2047], sizes = [8, 1], strides = [1, 1]} : vector<8x2048xi32> to vector<8x1xi32>
    %add3A_104 = arith.constant 255 : i32
    %add3A_105 = vector.broadcast %add3A_104 : i32 to vector<8x1xi32>
    %add3A_106 = arith.addi %slice3A_103, %add3A_105 : vector<8x1xi32>
    %jit3A_107 = arith.constant 256 : i32
    %div3A_108 = vector.broadcast %jit3A_107 : i32 to vector<8x1xi32>
    %div3A_109 = arith.divsi %add3A_106, %div3A_108 : vector<8x1xi32>
    %sign3A = arith.constant 0 : i32
    %sign3A_110 = vector.broadcast %sign3A : i32 to vector<8x1xi32>
    %sign3A_111 = arith.cmpi sgt, %add3A_106, %sign3A_110 : vector<8x1xi32>
    %sign3A_112 = arith.extui %sign3A_111 : vector<8x1xi1> to vector<8x1xi32>
    %sign3A_113 = arith.constant 0 : i32
    %sign3A_114 = vector.broadcast %sign3A_113 : i32 to vector<8x1xi32>
    %sign3A_115 = arith.cmpi slt, %add3A_106, %sign3A_114 : vector<8x1xi32>
    %sign3A_116 = arith.extui %sign3A_115 : vector<8x1xi1> to vector<8x1xi32>
    %sign3A_117 = arith.subi %sign3A_112, %sign3A_116 : vector<8x1xi32>
    %sign3A_118 = arith.constant 0 : i32
    %sign3A_119 = arith.cmpi sgt, %jit3A_107, %sign3A_118 : i32
    %sign3A_120 = arith.extui %sign3A_119 : i1 to i32
    %sign3A_121 = arith.constant 0 : i32
    %sign3A_122 = arith.cmpi slt, %jit3A_107, %sign3A_121 : i32
    %sign3A_123 = arith.extui %sign3A_122 : i1 to i32
    %sign3A_124 = arith.subi %sign3A_120, %sign3A_123 : i32
    %ne3A = vector.broadcast %sign3A_124 : i32 to vector<8x1xi32>
    %ne3A_125 = arith.cmpi ne, %sign3A_117, %ne3A : vector<8x1xi32>
    %rem3A = vector.broadcast %jit3A_107 : i32 to vector<8x1xi32>
    %rem3A_126 = arith.remsi %add3A_106, %rem3A : vector<8x1xi32>
    %ne3A_127 = arith.constant 0 : i32
    %ne3A_128 = vector.broadcast %ne3A_127 : i32 to vector<8x1xi32>
    %ne3A_129 = arith.cmpi ne, %rem3A_126, %ne3A_128 : vector<8x1xi32>
    %and3A = arith.andi %ne3A_125, %ne3A_129 : vector<8x1xi1>
    %sub3A_130 = arith.constant 1 : i32
    %sub3A_131 = vector.broadcast %sub3A_130 : i32 to vector<8x1xi32>
    %sub3A_132 = arith.subi %div3A_109, %sub3A_131 : vector<8x1xi32>
    %select_n3A_133 = arith.select %and3A, %sub3A_132, %div3A_109 : vector<8x1xi1>, vector<8x1xi32>
    %mul3A = arith.constant 256 : i32
    %mul3A_134 = vector.broadcast %mul3A : i32 to vector<8x1xi32>
    %mul3A_135 = arith.muli %select_n3A_133, %mul3A_134 : vector<8x1xi32>
    %iota3A_136 = tpu.iota {dimensions = array<i32: 0>} : vector<8x8xi32>
    %iota3A_137 = tpu.iota {dimensions = array<i32: 1>} : vector<8x8xi32>
    %gt3A = arith.cmpi sgt, %iota3A_136, %iota3A_137 : vector<8x8xi32>
    %convert_element_type3A_138 = arith.extui %gt3A : vector<8x8xi1> to vector<8x8xi32>
    %convert_element_type3A_139 = arith.sitofp %convert_element_type3A_138 : vector<8x8xi32> to vector<8x8xf32>
    %convert_element_type3A_140 = arith.sitofp %mul3A_135 : vector<8x1xi32> to vector<8x1xf32>
    %dot_general3A_141 = arith.constant dense<0.000000e+00> : vector<8x1xf32>
    %dot_general3A_142 = tpu.matmul %convert_element_type3A_139, %convert_element_type3A_140, %dot_general3A_141 {dimension_numbers = #tpu.dot_dimension_numbers<[1], [0], [0], [1], [0, 0, 1, 1], [], []>, transpose_lhs_hint = false} : vector<8x8xf32>, vector<8x1xf32>, vector<8x1xf32> -> vector<8x1xf32>
    %convert_element_type3A_143 = arith.fptosi %dot_general3A_142 : vector<8x1xf32> to vector<8x1xi32>
    %add3A_144 = vector.broadcast %convert_element_type3A_143 : vector<8x1xi32> to vector<8x2048xi32>
    %add3A_145 = arith.addi %add3A_144, %sub3A_102 : vector<8x2048xi32>
    %eq3A_146 = vector.broadcast %broadcast_in_dim3A_14 : vector<1x2048xi32> to vector<8x2048xi32>
    %eq3A_147 = arith.cmpi eq, %iota3A, %eq3A_146 : vector<8x2048xi32>
    %jit3A_148 = arith.constant 0 : i32
    %broadcast_in_dim3A_149 = vector.broadcast %jit3A_148 : i32 to vector<8x2048xi32>
    %select_n3A_150 = arith.select %eq3A_147, %add3A_145, %broadcast_in_dim3A_149 : vector<8x2048xi1>, vector<8x2048xi32>
    %reduce_sum3A = arith.constant dense<0> : vector<2048xi32>
    %reduce_sum3A_151 = vector.multi_reduction <add>, %select_n3A_150, %reduce_sum3A [0] : vector<8x2048xi32> to vector<2048xi32>
    %broadcast_in_dim3A_152 = vector.shape_cast %reduce_sum3A_151 : vector<2048xi32> to vector<1x2048xi32>
    %swap3A_153 = arith.constant 0 : index
    %swap3A_154 = arith.constant 0 : index
    %swap3A_155 = vector.load %arg4[%swap3A_153, %swap3A_154] : memref<1x2048xi32, #tpu.memory_space<vmem>>, vector<1x2048xi32>
    tpu.vector_store %arg4[%swap3A_153, %swap3A_154], %broadcast_in_dim3A_152 {strides = array<i32>} : memref<1x2048xi32, #tpu.memory_space<vmem>>, vector<1x2048xi32>,
    %eq3A_156 = vector.broadcast %broadcast_in_dim3A_30 : vector<1x2048xi32> to vector<8x2048xi32>
    %eq3A_157 = arith.cmpi eq, %iota3A, %eq3A_156 : vector<8x2048xi32>
    %jit3A_158 = arith.constant 0 : i32
    %broadcast_in_dim3A_159 = vector.broadcast %jit3A_158 : i32 to vector<8x2048xi32>
    %select_n3A_160 = arith.select %eq3A_157, %add3A_145, %broadcast_in_dim3A_159 : vector<8x2048xi1>, vector<8x2048xi32>
    %reduce_sum3A_161 = arith.constant dense<0> : vector<2048xi32>
    %reduce_sum3A_162 = vector.multi_reduction <add>, %select_n3A_160, %reduce_sum3A_161 [0] : vector<8x2048xi32> to vector<2048xi32>
    %broadcast_in_dim3A_163 = vector.shape_cast %reduce_sum3A_162 : vector<2048xi32> to vector<1x2048xi32>
    %swap3A_164 = arith.constant 0 : index
    %swap3A_165 = arith.constant 0 : index
    %swap3A_166 = vector.load %arg5[%swap3A_164, %swap3A_165] : memref<1x2048xi32, #tpu.memory_space<vmem>>, vector<1x2048xi32>
    tpu.vector_store %arg5[%swap3A_164, %swap3A_165], %broadcast_in_dim3A_163 {strides = array<i32>} : memref<1x2048xi32, #tpu.memory_space<vmem>>, vector<1x2048xi32>,
    %jit3A_167 = arith.constant 256 : i32
    %div3A_168 = vector.broadcast %jit3A_167 : i32 to vector<8x1xi32>
    %div3A_169 = arith.divsi %convert_element_type3A_143, %div3A_168 : vector<8x1xi32>
    %sign3A_170 = arith.constant 0 : i32
    %sign3A_171 = vector.broadcast %sign3A_170 : i32 to vector<8x1xi32>
    %sign3A_172 = arith.cmpi sgt, %convert_element_type3A_143, %sign3A_171 : vector<8x1xi32>
    %sign3A_173 = arith.extui %sign3A_172 : vector<8x1xi1> to vector<8x1xi32>
    %sign3A_174 = arith.constant 0 : i32
    %sign3A_175 = vector.broadcast %sign3A_174 : i32 to vector<8x1xi32>
    %sign3A_176 = arith.cmpi slt, %convert_element_type3A_143, %sign3A_175 : vector<8x1xi32>
    %sign3A_177 = arith.extui %sign3A_176 : vector<8x1xi1> to vector<8x1xi32>
    %sign3A_178 = arith.subi %sign3A_173, %sign3A_177 : vector<8x1xi32>
    %sign3A_179 = arith.constant 0 : i32
    %sign3A_180 = arith.cmpi sgt, %jit3A_167, %sign3A_179 : i32
    %sign3A_181 = arith.extui %sign3A_180 : i1 to i32
    %sign3A_182 = arith.constant 0 : i32
    %sign3A_183 = arith.cmpi slt, %jit3A_167, %sign3A_182 : i32
    %sign3A_184 = arith.extui %sign3A_183 : i1 to i32
    %sign3A_185 = arith.subi %sign3A_181, %sign3A_184 : i32
    %ne3A_186 = vector.broadcast %sign3A_185 : i32 to vector<8x1xi32>
    %ne3A_187 = arith.cmpi ne, %sign3A_178, %ne3A_186 : vector<8x1xi32>
    %rem3A_188 = vector.broadcast %jit3A_167 : i32 to vector<8x1xi32>
    %rem3A_189 = arith.remsi %convert_element_type3A_143, %rem3A_188 : vector<8x1xi32>
    %ne3A_190 = arith.constant 0 : i32
    %ne3A_191 = vector.broadcast %ne3A_190 : i32 to vector<8x1xi32>
    %ne3A_192 = arith.cmpi ne, %rem3A_189, %ne3A_191 : vector<8x1xi32>
    %and3A_193 = arith.andi %ne3A_187, %ne3A_192 : vector<8x1xi1>
    %sub3A_194 = arith.constant 1 : i32
    %sub3A_195 = vector.broadcast %sub3A_194 : i32 to vector<8x1xi32>
    %sub3A_196 = arith.subi %div3A_169, %sub3A_195 : vector<8x1xi32>
    %select_n3A_197 = arith.select %and3A_193, %sub3A_196, %div3A_169 : vector<8x1xi1>, vector<8x1xi32>
    %iota3A_198 = tpu.iota {dimensions = array<i32: 1>} : vector<8x23xi32>
    %ge3A = vector.broadcast %select_n3A_197 : vector<8x1xi32> to vector<8x23xi32>
    %ge3A_199 = arith.cmpi sge, %iota3A_198, %ge3A : vector<8x23xi32>
    %convert_element_type3A_200 = arith.extui %ge3A_199 : vector<8x23xi1> to vector<8x23xi32>
    %reduce_sum3A_201 = arith.constant dense<0> : vector<23xi32>
    %reduce_sum3A_202 = vector.multi_reduction <add>, %convert_element_type3A_200, %reduce_sum3A_201 [0] : vector<8x23xi32> to vector<23xi32>
    %broadcast_in_dim3A_203 = vector.shape_cast %reduce_sum3A_202 : vector<23xi32> to vector<1x23xi32>
    %sub3A_204 = arith.constant 1 : i32
    %sub3A_205 = vector.broadcast %sub3A_204 : i32 to vector<1x23xi32>
    %sub3A_206 = arith.subi %broadcast_in_dim3A_203, %sub3A_205 : vector<1x23xi32>
    %swap3A_207 = arith.constant 0 : index
    %swap3A_208 = arith.constant 0 : index
    %swap3A_209 = vector.load %arg8[%swap3A_207, %swap3A_208] : memref<1x23xi32, #tpu.memory_space<vmem>>, vector<1x23xi32>
    tpu.vector_store %arg8[%swap3A_207, %swap3A_208], %sub3A_206 {strides = array<i32>} : memref<1x23xi32, #tpu.memory_space<vmem>>, vector<1x23xi32>,
    %reduce_sum3A_210 = arith.constant dense<0> : vector<1xi32>
    %reduce_sum3A_211 = vector.multi_reduction <add>, %select_n3A_133, %reduce_sum3A_210 [0] : vector<8x1xi32> to vector<1xi32>
    %broadcast_in_dim3A_212 = vector.shape_cast %reduce_sum3A_211 : vector<1xi32> to vector<1x1xi32>
    %swap3A_213 = arith.constant 0 : index
    %swap3A_214 = arith.constant 0 : index
    %swap3A_215 = vector.load %arg9[%swap3A_213, %swap3A_214] : memref<1x1xi32, #tpu.memory_space<vmem>>, vector<1x1xi32>
    tpu.vector_store %arg9[%swap3A_213, %swap3A_214], %broadcast_in_dim3A_212 {strides = array<i32>} : memref<1x1xi32, #tpu.memory_space<vmem>>, vector<1x1xi32>,
    return
  }
  func.func @transform_0(%arg0: i32) -> (i32, i32) {
    %c0_i32 = arith.constant 0 : i32
    %c0_i32_0 = arith.constant 0 : i32
    %c0_i32_1 = arith.constant 0 : i32
    return %c0_i32, %c0_i32_0 : i32, i32
  }
  func.func @transform_1(%arg0: i32) -> (i32, i32) {
    %c0_i32 = arith.constant 0 : i32
    %c0_i32_0 = arith.constant 0 : i32
    %c0_i32_1 = arith.constant 0 : i32
    return %c0_i32, %c0_i32_0 : i32, i32
  }
  func.func @transform_2(%arg0: i32) -> (i32, i32) {
    %c0_i32 = arith.constant 0 : i32
    %c0_i32_0 = arith.constant 0 : i32
    %c0_i32_1 = arith.constant 0 : i32
    return %c0_i32, %c0_i32_0 : i32, i32
  }
  func.func @transform_3(%arg0: i32) -> (i32, i32) {
    %c0_i32 = arith.constant 0 : i32
    %c0_i32_0 = arith.constant 0 : i32
    %c0_i32_1 = arith.constant 0 : i32
    return %c0_i32, %c0_i32_0 : i32, i32
  }
  func.func @transform_4(%arg0: i32) -> (i32, i32) {
    %c0_i32 = arith.constant 0 : i32
    %c0_i32_0 = arith.constant 0 : i32
    %c0_i32_1 = arith.constant 0 : i32
    return %c0_i32, %c0_i32_0 : i32, i32
  }
  func.func @transform_5(%arg0: i32) -> (i32, i32) {
    %c0_i32 = arith.constant 0 : i32
    %c0_i32_0 = arith.constant 0 : i32
    %c0_i32_1 = arith.constant 0 : i32
    return %c0_i32, %c0_i32_0 : i32, i32
  }
  func.func @transform_6(%arg0: i32) -> (i32, i32) {
    %c0_i32 = arith.constant 0 : i32
    %c0_i32_0 = arith.constant 0 : i32
    %c0_i32_1 = arith.constant 0 : i32
    return %c0_i32, %c0_i32_0 : i32, i32
  }
  func.func @transform_7(%arg0: i32) -> (i32, i32) {
    %c0_i32 = arith.constant 0 : i32
    %c0_i32_0 = arith.constant 0 : i32
    %c0_i32_1 = arith.constant 0 : i32
    return %c0_i32, %c0_i32_0 : i32, i32
  }
  func.func @transform_8(%arg0: i32) -> (i32, i32) {
    %c0_i32 = arith.constant 0 : i32
    %c0_i32_0 = arith.constant 0 : i32
    %c0_i32_1 = arith.constant 0 : i32
    return %c0_i32, %c0_i32_0 : i32, i32
  }
}

module attributes {stable_mosaic.version = 14 : i64} {
  func.func @_grouped_body(%arg0: i32, %arg1: memref<23xi32, #tpu.memory_space<smem>>, %arg2: memref<1xi32, #tpu.memory_space<smem>>, %arg3: memref<256x1024xf32, #tpu.memory_space<vmem>>, %arg4: memref<1x1024x1024xf32, #tpu.memory_space<vmem>>, %arg5: memref<1x1x1024xf32, #tpu.memory_space<vmem>>, %arg6: memref<1x1024x1024xf32, #tpu.memory_space<vmem>>, %arg7: memref<1x1x1024xf32, #tpu.memory_space<vmem>>, %arg8: memref<256x128xf32, #tpu.memory_space<vmem>>, %arg9: memref<256x1024xf32, #tpu.memory_space<vmem>>, %arg10: memref<1024x1024xbf16, #tpu.memory_space<vmem>>, %arg11: memref<1024x1024xbf16, #tpu.memory_space<vmem>>) attributes {dimension_semantics = [#tpu.dimension_semantics<arbitrary>], iteration_bounds = array<i64: 23>, scalar_prefetch = 2 : i64, scratch_operands = 2 : i64, tpu.core_type = #tpu.core_type<tc>, window_params = [{transform_indices = @transform_0, window_bounds = array<i64: 256, 1024>}, {transform_indices = @transform_1, window_bounds = array<i64: 1, 1024, 1024>}, {transform_indices = @transform_2, window_bounds = array<i64: 1, 1, 1024>}, {transform_indices = @transform_3, window_bounds = array<i64: 1, 1024, 1024>}, {transform_indices = @transform_4, window_bounds = array<i64: 1, 1, 1024>}, {transform_indices = @transform_5, window_bounds = array<i64: 256, 128>}, {transform_indices = @transform_6, window_bounds = array<i64: 256, 1024>}]} {
    %get3A = arith.constant 0 : index
    %get3A_0 = memref.load %arg2[%get3A] : memref<1xi32, #tpu.memory_space<smem>>
    %lt3A = arith.cmpi slt, %arg0, %get3A_0 : i32
    %convert_element_type3A = arith.extui %lt3A : i1 to i32
    %cond3A = arith.constant 0 : i32
    %cond3A_1 = arith.cmpi ne, %convert_element_type3A, %cond3A : i32
    scf.if %cond3A_1 {
      %sub3A = arith.constant 1 : i32
      %sub3A_2 = arith.subi %arg0, %sub3A : i32
      %max3A = arith.constant 0 : i32
      %max3A_3 = arith.maxsi %sub3A_2, %max3A : i32
      %get3A_4 = arith.index_cast %max3A_3 : i32 to index
      %get3A_5 = memref.load %arg1[%get3A_4] : memref<23xi32, #tpu.memory_space<smem>>
      %eq3A = arith.constant 0 : i32
      %eq3A_6 = arith.cmpi eq, %arg0, %eq3A : i32
      %get3A_7 = arith.index_cast %arg0 : i32 to index
      %get3A_8 = memref.load %arg1[%get3A_7] : memref<23xi32, #tpu.memory_space<smem>>
      %ne3A = arith.cmpi ne, %get3A_8, %get3A_5 : i32
      %or3A = arith.ori %eq3A_6, %ne3A : i1
      %convert_element_type3A_9 = arith.extui %or3A : i1 to i32
      %cond3A_10 = arith.constant 0 : i32
      %cond3A_11 = arith.cmpi ne, %convert_element_type3A_9, %cond3A_10 : i32
      scf.if %cond3A_11 {
        %get3A_48 = arith.constant 0 : index
        %get3A_49 = arith.constant 0 : index
        %get3A_50 = arith.constant 0 : index
        %get3A_51 = vector.load %arg4[%get3A_48, %get3A_49, %get3A_50] : memref<1x1024x1024xf32, #tpu.memory_space<vmem>>, vector<1x1024x1024xf32>
        %get3A_52 = vector.shape_cast %get3A_51 : vector<1x1024x1024xf32> to vector<1024x1024xf32>
        %convert_element_type3A_53 = arith.truncf %get3A_52 : vector<1024x1024xf32> to vector<1024x1024xbf16>
        %swap3A_54 = arith.constant 0 : index
        %swap3A_55 = arith.constant 0 : index
        %swap3A_56 = vector.load %arg10[%swap3A_54, %swap3A_55] : memref<1024x1024xbf16, #tpu.memory_space<vmem>>, vector<1024x1024xbf16>
        tpu.vector_store %arg10[%swap3A_54, %swap3A_55], %convert_element_type3A_53 {strides = array<i32>} : memref<1024x1024xbf16, #tpu.memory_space<vmem>>, vector<1024x1024xbf16>,
        %get3A_57 = arith.constant 0 : index
        %get3A_58 = arith.constant 0 : index
        %get3A_59 = arith.constant 0 : index
        %get3A_60 = vector.load %arg6[%get3A_57, %get3A_58, %get3A_59] : memref<1x1024x1024xf32, #tpu.memory_space<vmem>>, vector<1x1024x1024xf32>
        %get3A_61 = vector.shape_cast %get3A_60 : vector<1x1024x1024xf32> to vector<1024x1024xf32>
        %convert_element_type3A_62 = arith.truncf %get3A_61 : vector<1024x1024xf32> to vector<1024x1024xbf16>
        %swap3A_63 = arith.constant 0 : index
        %swap3A_64 = arith.constant 0 : index
        %swap3A_65 = vector.load %arg11[%swap3A_63, %swap3A_64] : memref<1024x1024xbf16, #tpu.memory_space<vmem>>, vector<1024x1024xbf16>
        tpu.vector_store %arg11[%swap3A_63, %swap3A_64], %convert_element_type3A_62 {strides = array<i32>} : memref<1024x1024xbf16, #tpu.memory_space<vmem>>, vector<1024x1024xbf16>,
      } else {
      }
      %get3A_12 = arith.constant 0 : index
      %get3A_13 = arith.constant 0 : index
      %get3A_14 = vector.load %arg3[%get3A_12, %get3A_13] : memref<256x1024xf32, #tpu.memory_space<vmem>>, vector<256x1024xf32>
      %convert_element_type3A_15 = arith.truncf %get3A_14 : vector<256x1024xf32> to vector<256x1024xbf16>
      %get3A_16 = arith.constant 0 : index
      %get3A_17 = arith.constant 0 : index
      %get3A_18 = vector.load %arg10[%get3A_16, %get3A_17] : memref<1024x1024xbf16, #tpu.memory_space<vmem>>, vector<1024x1024xbf16>
      %dot_general3A = arith.constant dense<0.000000e+00> : vector<256x1024xf32>
      %dot_general3A_19 = tpu.matmul %convert_element_type3A_15, %get3A_18, %dot_general3A {dimension_numbers = #tpu.dot_dimension_numbers<[1], [0], [0], [1], [0, 0, 1, 1], [], []>, transpose_lhs_hint = false} : vector<256x1024xbf16>, vector<1024x1024xbf16>, vector<256x1024xf32> -> vector<256x1024xf32>
      %get3A_20 = arith.constant 0 : index
      %get3A_21 = arith.constant 0 : index
      %get3A_22 = arith.constant 0 : index
      %get3A_23 = vector.load %arg5[%get3A_20, %get3A_21, %get3A_22] : memref<1x1x1024xf32, #tpu.memory_space<vmem>>, vector<1x1x1024xf32>
      %get3A_24 = vector.shape_cast %get3A_23 : vector<1x1x1024xf32> to vector<1x1024xf32>
      %add3A = vector.broadcast %get3A_24 : vector<1x1024xf32> to vector<256x1024xf32>
      %add3A_25 = arith.addf %dot_general3A_19, %add3A : vector<256x1024xf32>
      %max3A_26 = arith.constant 0.000000e+00 : f32
      %max3A_27 = vector.broadcast %max3A_26 : f32 to vector<256x1024xf32>
      %max3A_28 = arith.maximumf %add3A_25, %max3A_27 : vector<256x1024xf32>
      %convert_element_type3A_29 = arith.truncf %max3A_28 : vector<256x1024xf32> to vector<256x1024xbf16>
      %get3A_30 = arith.constant 0 : index
      %get3A_31 = arith.constant 0 : index
      %get3A_32 = vector.load %arg11[%get3A_30, %get3A_31] : memref<1024x1024xbf16, #tpu.memory_space<vmem>>, vector<1024x1024xbf16>
      %dot_general3A_33 = arith.constant dense<0.000000e+00> : vector<256x1024xf32>
      %dot_general3A_34 = tpu.matmul %convert_element_type3A_29, %get3A_32, %dot_general3A_33 {dimension_numbers = #tpu.dot_dimension_numbers<[1], [0], [0], [1], [0, 0, 1, 1], [], []>, transpose_lhs_hint = false} : vector<256x1024xbf16>, vector<1024x1024xbf16>, vector<256x1024xf32> -> vector<256x1024xf32>
      %get3A_35 = arith.constant 0 : index
      %get3A_36 = arith.constant 0 : index
      %get3A_37 = arith.constant 0 : index
      %get3A_38 = vector.load %arg7[%get3A_35, %get3A_36, %get3A_37] : memref<1x1x1024xf32, #tpu.memory_space<vmem>>, vector<1x1x1024xf32>
      %get3A_39 = vector.shape_cast %get3A_38 : vector<1x1x1024xf32> to vector<1x1024xf32>
      %add3A_40 = vector.broadcast %get3A_39 : vector<1x1024xf32> to vector<256x1024xf32>
      %add3A_41 = arith.addf %dot_general3A_34, %add3A_40 : vector<256x1024xf32>
      %get3A_42 = arith.constant 0 : index
      %get3A_43 = arith.constant 0 : index
      %get3A_44 = vector.load %arg8[%get3A_42, %get3A_43] : memref<256x128xf32, #tpu.memory_space<vmem>>, vector<256x1xf32>
      %mul3A = vector.broadcast %get3A_44 : vector<256x1xf32> to vector<256x1024xf32>
      %mul3A_45 = arith.mulf %add3A_41, %mul3A : vector<256x1024xf32>
      %swap3A = arith.constant 0 : index
      %swap3A_46 = arith.constant 0 : index
      %swap3A_47 = vector.load %arg9[%swap3A, %swap3A_46] : memref<256x1024xf32, #tpu.memory_space<vmem>>, vector<256x1024xf32>
      tpu.vector_store %arg9[%swap3A, %swap3A_46], %mul3A_45 {strides = array<i32>} : memref<256x1024xf32, #tpu.memory_space<vmem>>, vector<256x1024xf32>,
    } else {
    }
    return
  }
  func.func @transform_0(%arg0: i32, %arg1: memref<23xi32, #tpu.memory_space<smem>>, %arg2: memref<1xi32, #tpu.memory_space<smem>>) -> (i32, i32) {
    %get3A = arith.constant 0 : index
    %get3A_0 = memref.load %arg2[%get3A] : memref<1xi32, #tpu.memory_space<smem>>
    %sub3A = arith.constant 1 : i32
    %sub3A_1 = arith.subi %get3A_0, %sub3A : i32
    %min3A = arith.minsi %arg0, %sub3A_1 : i32
    %c0_i32 = arith.constant 0 : i32
    %c0_i32_2 = arith.constant 0 : i32
    return %min3A, %c0_i32 : i32, i32
  }
  func.func @transform_1(%arg0: i32, %arg1: memref<23xi32, #tpu.memory_space<smem>>, %arg2: memref<1xi32, #tpu.memory_space<smem>>) -> (i32, i32, i32) {
    %get3A = arith.constant 0 : index
    %get3A_0 = memref.load %arg2[%get3A] : memref<1xi32, #tpu.memory_space<smem>>
    %sub3A = arith.constant 1 : i32
    %sub3A_1 = arith.subi %get3A_0, %sub3A : i32
    %min3A = arith.minsi %arg0, %sub3A_1 : i32
    %get3A_2 = arith.index_cast %min3A : i32 to index
    %get3A_3 = memref.load %arg1[%get3A_2] : memref<23xi32, #tpu.memory_space<smem>>
    %c0_i32 = arith.constant 0 : i32
    %c0_i32_4 = arith.constant 0 : i32
    %c0_i32_5 = arith.constant 0 : i32
    return %get3A_3, %c0_i32, %c0_i32_4 : i32, i32, i32
  }
  func.func @transform_2(%arg0: i32, %arg1: memref<23xi32, #tpu.memory_space<smem>>, %arg2: memref<1xi32, #tpu.memory_space<smem>>) -> (i32, i32, i32) {
    %get3A = arith.constant 0 : index
    %get3A_0 = memref.load %arg2[%get3A] : memref<1xi32, #tpu.memory_space<smem>>
    %sub3A = arith.constant 1 : i32
    %sub3A_1 = arith.subi %get3A_0, %sub3A : i32
    %min3A = arith.minsi %arg0, %sub3A_1 : i32
    %get3A_2 = arith.index_cast %min3A : i32 to index
    %get3A_3 = memref.load %arg1[%get3A_2] : memref<23xi32, #tpu.memory_space<smem>>
    %c0_i32 = arith.constant 0 : i32
    %c0_i32_4 = arith.constant 0 : i32
    %c0_i32_5 = arith.constant 0 : i32
    return %get3A_3, %c0_i32, %c0_i32_4 : i32, i32, i32
  }
  func.func @transform_3(%arg0: i32, %arg1: memref<23xi32, #tpu.memory_space<smem>>, %arg2: memref<1xi32, #tpu.memory_space<smem>>) -> (i32, i32, i32) {
    %get3A = arith.constant 0 : index
    %get3A_0 = memref.load %arg2[%get3A] : memref<1xi32, #tpu.memory_space<smem>>
    %sub3A = arith.constant 1 : i32
    %sub3A_1 = arith.subi %get3A_0, %sub3A : i32
    %min3A = arith.minsi %arg0, %sub3A_1 : i32
    %get3A_2 = arith.index_cast %min3A : i32 to index
    %get3A_3 = memref.load %arg1[%get3A_2] : memref<23xi32, #tpu.memory_space<smem>>
    %c0_i32 = arith.constant 0 : i32
    %c0_i32_4 = arith.constant 0 : i32
    %c0_i32_5 = arith.constant 0 : i32
    return %get3A_3, %c0_i32, %c0_i32_4 : i32, i32, i32
  }
  func.func @transform_4(%arg0: i32, %arg1: memref<23xi32, #tpu.memory_space<smem>>, %arg2: memref<1xi32, #tpu.memory_space<smem>>) -> (i32, i32, i32) {
    %get3A = arith.constant 0 : index
    %get3A_0 = memref.load %arg2[%get3A] : memref<1xi32, #tpu.memory_space<smem>>
    %sub3A = arith.constant 1 : i32
    %sub3A_1 = arith.subi %get3A_0, %sub3A : i32
    %min3A = arith.minsi %arg0, %sub3A_1 : i32
    %get3A_2 = arith.index_cast %min3A : i32 to index
    %get3A_3 = memref.load %arg1[%get3A_2] : memref<23xi32, #tpu.memory_space<smem>>
    %c0_i32 = arith.constant 0 : i32
    %c0_i32_4 = arith.constant 0 : i32
    %c0_i32_5 = arith.constant 0 : i32
    return %get3A_3, %c0_i32, %c0_i32_4 : i32, i32, i32
  }
  func.func @transform_5(%arg0: i32, %arg1: memref<23xi32, #tpu.memory_space<smem>>, %arg2: memref<1xi32, #tpu.memory_space<smem>>) -> (i32, i32) {
    %get3A = arith.constant 0 : index
    %get3A_0 = memref.load %arg2[%get3A] : memref<1xi32, #tpu.memory_space<smem>>
    %sub3A = arith.constant 1 : i32
    %sub3A_1 = arith.subi %get3A_0, %sub3A : i32
    %min3A = arith.minsi %arg0, %sub3A_1 : i32
    %c0_i32 = arith.constant 0 : i32
    %c0_i32_2 = arith.constant 0 : i32
    return %min3A, %c0_i32 : i32, i32
  }
  func.func @transform_6(%arg0: i32, %arg1: memref<23xi32, #tpu.memory_space<smem>>, %arg2: memref<1xi32, #tpu.memory_space<smem>>) -> (i32, i32) {
    %get3A = arith.constant 0 : index
    %get3A_0 = memref.load %arg2[%get3A] : memref<1xi32, #tpu.memory_space<smem>>
    %sub3A = arith.constant 1 : i32
    %sub3A_1 = arith.subi %get3A_0, %sub3A : i32
    %min3A = arith.minsi %arg0, %sub3A_1 : i32
    %c0_i32 = arith.constant 0 : i32
    %c0_i32_2 = arith.constant 0 : i32
    return %min3A, %c0_i32 : i32, i32
  }
}

</mosaic_0001>

<sc_bundles>
// kernel: kernel.6.cloned.1.call-start
scs
__scs_entry_jumppad:
0x0: {  	(pc) =	sbr.rel $0x88, $3  }
0x1: {  	(tag) =	ssettag $0x0;
	lr =	simm.s32 $0x1  }
0x2: {  	[smem:$0x3F9A] =	sst lr;
	_ =	strace $0xD0000000  }
0x3: {  	_ = 	snop  }
0x4: {  	_ = 	snop  }
0x5: {  	_ = 	snop  }
0x6: {  	_ = 	snop  }
0x7: {  	_ = 	snop  }
__scs_overlays_trampoline_lowered:
0x8: {  	[smem:$0x3FA9] =	sst s0  }
0x9: {  	[smem:$0x3FAA] =	sst s1  }
0xa: {  	[smem:$0x3FAB] =	sst s2  }
0xb: {  	[smem:$0x3FAC] =	sst s3  }
0xc: {  	[smem:$0x3FAD] =	sst s4  }
0xd: {  	[smem:$0x3FAE] =	sst s5  }
0xe: {  	[smem:$0x3FAF] =	sst s6  }
0xf: {  	[smem:$0x3FB0] =	sst s7  }
0x10: {  	[smem:$0x3FB1] =	sst s8  }
0x11: {  	[smem:$0x3FB2] =	sst s9;
	s0 =	simm.s32 @!p0 $0x0  }
0x12: {  	s1 =	sld [smem:$0x3F98];
	s0 =	simm.s32 @p0 $0x1  }
0x13: {  	[smem:$0x3FB3] =	sst s0;
	s0 =	simm.s32 @!p1 $0x0  }
0x14: {  	s2 =	sld [smem:$0x3F97];
	s0 =	simm.s32 @p1 $0x1  }
0x15: {  	[smem:$0x3FB4] =	sst s0;
	s0 =	simm.s32 @!p2 $0x0  }
0x16: {  	s3 =	sld [smem:$0x3FDB];
	s0 =	simm.s32 @p2 $0x1  }
0x17: {  	s4 =	simm.s32 $0x1BF5;
	[smem:$0x3FB6] =	sst s0  }
0x18: {  	s0 =	sld [smem:$0x3F99];
	_ =	swait.ge [sflag:s4], $0x0  }
0x19: {  	s7 =	sld [smem:$0x3F9A]  }
0x1a: {  	s8 =	sadd.s32 $0xFFFFE003, lr  }
0x1b: {  	s9 =	sadd.s32 $0xFFFFFEF7, lr;
	s5 =	simm.s32 $0xFFFFFFFF;
	p2 =	slt.u32 s8, $0xFFFFF086  }
0x1c: {  	p1 =	slt.u32 s9, $0xF7A;
	s5 =	simm.s32 @!p2 $0x0  }
0x1d: {  	s5 =	simm.s32 @p1 $0x1;
	p0 =	seq.s32 s7, s2  }
0x1e: {  	s7 =	smul.u32 @!p0 $0xF7A, s2;
	p2 =	seq.s32 @!p0 s5, $0x0  }
0x1f: {  	s9 =	smul.u32 $0xF7A, s1;
	s8 =	simm.s32 @!p0 $0x1BF5;
	p2 =	por !p2, p0  }
0x20: {  	[sflag:s8] =	ssyncset.s32 @!p0 $0xFFFFF086;
	s6 =	sadd.s32 @!p0 s3, s7;
	s7 =	simm.s32 @!p0 $0x108  }
0x21: {  	s3 =	sadd.s32 s3, s9;
	s6 =	sadd.s32 @!p0 $0x88, s6;
	s7 =	simm.s32 @p2 $0x1082  }
0x22: {  	[simem:s7], [sflag:s8] =	dma.local @!p0 [hbm:s6], $0xF7A  }
0x23: {  	s9 =	sor.u32 $0xD0000000, s2;
	s6 =	simm.s32 $0x108;
	_ =	swait.ge @!p0 [sflag:s8], $0x0  }
0x24: {  	s3 =	sadd.s32 $0x88, s3;
	s6 =	simm.s32 @!p1 $0x1082;
	[sflag:s4] =	ssyncset.s32 $0xFFFFF086  }
0x25: {  	[simem:s6], [sflag:s4] =	dma.local [hbm:s3], $0xF7A  }
0x26: {  	[smem:$0x3F9A] =	sst s1;
	(tag) =	ssettag s2;
	_ =	strace s9  }
0x27: {  	s1 =	sld [smem:$0x3FAA]  }
0x28: {  	s2 =	sld [smem:$0x3FAB]  }
0x29: {  	s4 =	sld [smem:$0x3FAD]  }
0x2a: {  	p0 =	seq.s32 s5, $0x0;
	s5 =	sld [smem:$0x3FAE]  }
0x2b: {  	s6 =	sld [smem:$0x3FAF]  }
0x2c: {  	s7 =	sld [smem:$0x3FB0]  }
0x2d: {  	s3 =	simm.s32 $0x108;
	s8 =	sld [smem:$0x3FB1]  }
0x2e: {  	s3 =	simm.s32 @!p0 $0x1082;
	s9 =	sld [smem:$0x3FB2]  }
0x2f: {  	lr =	sadd.s32 s0, s3;
	s0 =	sld [smem:$0x3FA9]  }
0x30: {  	s3 =	sld [smem:$0x3FAC]  }
0x31: {  	[smem:$0x3FB5] =	sst s10  }
0x32: {  	s10 =	sld [smem:$0x3FB3];
	_ =	sdelay $0x3  }
0x33: {  	p0 =	seq.s32 s10, $0x1;
	s10 =	sld [smem:$0x3FB5];
	_ =	sdelay $0x3  }
0x34: {  	[smem:$0x3FB5] =	sst s10  }
0x35: {  	s10 =	sld [smem:$0x3FB4];
	_ =	sdelay $0x3  }
0x36: {  	p1 =	seq.s32 s10, $0x1;
	s10 =	sld [smem:$0x3FB5];
	_ =	sdelay $0x3  }
0x37: {  	[smem:$0x3FB5] =	sst s10  }
0x38: {  	s10 =	sld [smem:$0x3FB6]  }
0x39: {  	_ = 	snop;
	(pc) =	sbr.ind lr, $3  }
0x3a: {  	_ = 	snop  }
0x3b: {  	_ = 	snop  }
0x3c: {  	p2 =	seq.s32 s10, $0x1;
	s10 =	sld [smem:$0x3FB5]  }
0x3d: {  	_ =	shalt  }
0x3e: {  	_ =	shalt  }
0x3f: {  	_ =	shalt  }
0x40: {  	_ =	shalt  }
0x41: {  	_ =	shalt  }
0x42: {  	_ =	shalt  }
0x43: {  	_ =	shalt  }
0x44: {  	_ =	shalt  }
0x45: {  	_ =	shalt  }
0x46: {  	_ =	shalt  }
0x47: {  	_ =	shalt  }
0x48: {  	_ =	shalt  }
0x49: {  	_ =	shalt  }
0x4a: {  	_ =	shalt  }
0x4b: {  	_ =	shalt  }
0x4c: {  	_ =	shalt  }
0x4d: {  	_ =	shalt  }
0x4e: {  	_ =	shalt  }
0x4f: {  	_ =	shalt  }
0x50: {  	_ =	shalt  }
0x51: {  	_ =	shalt  }
0x52: {  	_ =	shalt  }
0x53: {  	_ =	shalt  }
0x54: {  	_ =	shalt  }
0x55: {  	_ =	shalt  }
0x56: {  	_ =	shalt  }
0x57: {  	_ =	shalt  }
0x58: {  	_ =	shalt  }
0x59: {  	_ =	shalt  }
0x5a: {  	_ =	shalt  }
0x5b: {  	_ =	shalt  }
0x5c: {  	_ =	shalt  }
0x5d: {  	_ =	shalt  }
0x5e: {  	_ =	shalt  }
0x5f: {  	_ =	shalt  }
0x60: {  	_ =	shalt  }
0x61: {  	_ =	shalt  }
0x62: {  	_ =	shalt  }
0x63: {  	_ =	shalt  }
0x64: {  	_ =	shalt  }
0x65: {  	_ =	shalt  }
0x66: {  	_ =	shalt  }
0x67: {  	_ =	shalt  }
0x68: {  	_ =	shalt  }
0x69: {  	_ =	shalt  }
0x6a: {  	_ =	shalt  }
0x6b: {  	_ =	shalt  }
0x6c: {  	_ =	shalt  }
0x6d: {  	_ =	shalt  }
0x6e: {  	_ =	shalt  }
0x6f: {  	_ =	shalt  }
0x70: {  	_ =	shalt  }
0x71: {  	_ =	shalt  }
0x72: {  	_ =	shalt  }
0x73: {  	_ =	shalt  }
0x74: {  	_ =	shalt  }
0x75: {  	_ =	shalt  }
0x76: {  	_ =	shalt  }
0x77: {  	_ =	shalt  }
0x78: {  	_ =	shalt  }
0x79: {  	_ =	shalt  }
0x7a: {  	_ =	shalt  }
0x7b: {  	_ =	shalt  }
0x7c: {  	_ =	shalt  }
0x7d: {  	_ =	shalt  }
0x7e: {  	_ =	shalt  }
0x7f: {  	_ =	shalt  }
0x80: {  	_ =	shalt  }
0x81: {  	_ =	shalt  }
0x82: {  	_ =	shalt  }
0x83: {  	_ =	shalt  }
0x84: {  	_ =	shalt  }
0x85: {  	_ =	shalt  }
0x86: {  	_ =	shalt  }
0x87: {  	_ =	shalt  }
.Lfunc_end0:
.L_simem_size_0:
called_computation_lowered:
.L_overlay_start_0:
0x88: {  	s2 =	sld [smem:$0x3FD9]  }
0x89: {  	s3 =	sld [smem:$0x3FFE];
	_ =	sdelay $0x1  }
0x8a: {  	s1 =	srdreg.scid  }
0x8b: {  	s0 =	sand.u32 $0x1, s1  }
0x8c: {  	s17 =	sshll.u32 s0, $0xA;
	s2 =	sadd.s32 s3, s2  }
0x8d: {  	s2 =	sadd.s32 s2, s17  }
0x8e: {  	[smem:$0x3FC1] =	sst s2  }
0x8f: {  	_ = 	snop  }
0x90: {  	s2 =	sld [smem:$0x3FC9]  }
0x91: {  	s18 =	sld [smem:$0x3FD0];
	(tm) =	ssettm $0x1  }
0x92: {  	s4 =	sld [smem:$0x3FFB];
	_ =	sdelay $0x3  }
0x93: {  	_ =	strace s4  }
0x94: {  	s4 =	sld [smem:$0x3FFC];
	_ =	sdelay $0x3  }
0x95: {  	_ =	strace s4  }
0x96: {  	s4 =	sld [smem:$0x3FFD];
	_ =	sdelay $0x3  }
0x97: {  	_ =	strace s4  }
0x98: {  	_ =	strace $0x8FFFFFFF  }
0x99: {  	s19 =	sld [smem:$0x3FDB];
	_ =	sdelay $0x1  }
0x9a: {  	s5 =	simm.s32 $_scs_section_size  }
0x9b: {  	s6 =	simm.s32 $_size__tile_overlayer_lowered;
	s7 =	simm.s32 $_tile_overlayer_lowered  }
0x9c: {  	s22 =	simm.s32 $0x1BFF;
	s21 =	sshll.u32 s7, $0x1;
	s4 =	sadd.s32 s5, s19  }
0x9d: {  	s8 =	simm.s32 $0x0;
	s20 =	sshll.u32 s6, $0x1;
	s6 =	sadd.s32 s21, s4  }
0x9e: {  	[timem:s8], [sflag:s22] =	dma.local [hbm:s6], s20  }
0x9f: {  	_ =	swait.ge [sflag:s22], s20  }
0xa0: {  	s5 =	ssub.s32 $0x0, s20;
	[sflag:s22] =	ssyncset.done $0x0  }
0xa1: {  	[sflag:s22] =	ssyncadd.s32 s5;
	_ =	sdelay $0x1  }
0xa2: {  	s23 =	simm.s32 $0x1B8B  }
0xa3: {  	_ =	swait.ge [sflag:s23], $0x1  }
0xa4: {  	[sflag:s23] =	ssyncset.done $0x0  }
0xa5: {  	s25 =	simm.s32 $0x1B8E;
	s24 =	sld [smem:$0x3FFE];
	[sflag:s23] =	ssyncadd.s32 $0xFFFFFFFF  }
0xa6: {  	s26 =	simm.s32 $execute0_lowered;
	[smem:$0x3FD2] =	sst s25  }
0xa7: {  	s6 =	sshll.u32 s26, $0x1;
	_ =	strace $0x80000046;
	[dreg:$0x1] =	wrdreg $0xFFFFFFFF  }
0xa8: {  	s28 =	simm.s32 $_size_execute0_lowered;
	s4 =	sadd.s32 s4, s6;
	[dreg:$0x0] =	wrdreg $0x0  }
0xa9: {  	s6 =	sshll.u32 s28, $0x1;
	[dreg:$0x2] =	wrdreg s4  }
0xaa: {  	[dreg:$0x3] =	wrdreg s6  }
0xab: {  	[dreg:$0x4] =	wrdreg $0xC0  }
0xac: {  	_ =	task [dreg:s8], $0x5FFFF  }
0xad: {  	[dreg:$0x1] =	wrdreg $0xFFFFFFFF  }
0xae: {  	[dreg:$0x0] =	wrdreg $0x60  }
0xaf: {  	[dreg:$0x2] =	wrdreg s2  }
0xb0: {  	[dreg:$0x3] =	wrdreg s24  }
0xb1: {  	[dreg:$0x4] =	wrdreg s18  }
0xb2: {  	[dreg:$0x5] =	wrdreg $0x9  }
0xb3: {  	_ =	task.clear_ibuf [dreg:s8], $0x6FFFF;
	_ =	strace $0x90000046  }
0xb4: {  	s29 =	simm.s32 $0x9;
	_ =	strace $0x80000048  }
0xb5: {  	_ =	swait.ge [sflag:s29], $0x1  }
0xb6: {  	[sflag:s29] =	ssyncadd.s32 $0xFFFFFFFF  }
0xb7: {  	_ =	strace $0x90000048  }
0xb8: {  	_ =	sfence  }
0xb9: {  	s30 =	sld [smem:$0x0];
	_ =	sdelay $0x2  }
0xba: {  	s31 =	sshll.u32 s1, $0xD;
	s1 =	sshrl.u32 s1, $0x2  }
0xbb: {  	s3 =	sand.u32 $0x4000, s31;
	s1 =	sadd.s32 s1, s30  }
0xbc: {  	s0 =	sor.u32 s3, s0;
	s1 =	sshll.u32 s1, $0x11  }
0xbd: {  	s0 =	sor.u32 s1, s0  }
0xbe: {  	s0 =	sadd.s32 $0x8F2B, s0  }
0xbf: {  	[sflag:s0] =	ssyncadd.remote.s32 $0x1  }
0xc0: {  	_ =	sfence.sel $0xFFFF  }
0xc1: {  	[dreg:$0x0] =	wrdreg $0xFFFFFFFF;
	(pc) =	sbr.abs _section_cstart, $3  }
0xc2: {  	[dreg:$0x1] =	wrdreg $0xFFFFFFFF  }
0xc3: {  	_ =	task.clear_ibuf [dreg:s8], $0x2FFFF;
	_ =	strace $0x9FFFFFFF  }
0xc4: {  	(tm) =	ssettm $0x7FFFFFFF  }
0xc5: {  	_ =	shalt  }
tec
execute0_lowered:
.L_overlay_start_1:
0x0: {  	(tag) =	ssettag $0x1  }
0x1: {  	s0 =	rddreg [dreg:$0x0];
	s1 =	srdreg.scid  }
0x2: {  	s2 =	rddreg [dreg:$0x1];
	s3 =	stileid.u32;
	s13 =	simm.s32 $0x80  }
0x3: {  	s16 =	simm.s32 $0x10100;
	s17 =	simm.s32 $0x10180;
	s14 =	simm.s32 $0x0  }
0x4: {  	s18 =	simm.s32 $0x100;
	s20 =	simm.s32 $0x1900;
	s21 =	simm.s32 $0x2100  }
0x5: {  	s28 =	simm.s32 $0x5100;
	s29 =	simm.s32 $0x5900;
	s30 =	simm.s32 $0x6100  }
0x6: {  	s15 =	simm.s32 $0x7100;
	s19 =	simm.s32 $0x7900;
	s31 =	simm.s32 $0x8100  }
0x7: {  	s8 =	simm.s32 $0xB100;
	s1 =	sand.u32 $0x1, s1;
	s4 =	sshll.u32 s3, $0x7  }
0x8: {  	s3 =	simm.s32 $0x0;
	s10 =	sadd.s32 $0x2B00, s2;
	s11 =	sadd.s32 $0x2C00, s2  }
0x9: {  	s12 =	sadd.s32 $0x2D00, s2;
	s5 =	sshll.u32 s1, $0x6;
	[smem:$0x7FF] =	sst s3  }
0xa: {  	s1 =	ssub.s32 $0x2, s1;
	s5 =	sor.u32 s5, s4;
	_ =	strace $0x80000047  }
0xb: {  	s7 =	sshrl.u32 s1, $0x1;
	s4 =	sshrl.u32 s5, $0x3;
	s5 =	sshll.u32 s5, $0x7  }
0xc: {  	s1 =	ssub.s32 s1, s7;
	s7 =	simm.s32 $0xA900;
	s0 =	sadd.s32 s0, s5  }
0xd: {  	s6 =	sadd.s32 s4, s2;
	s26 =	smax.u32 s1, $0x1;
	[dreg:$0x6] =	wrdreg s0  }
0xe: {  	s4 =	sadd.s32 $0x2A00, s2;
	s22 =	sadd.s32 $0x2800, s6;
	[dreg:$0x9] =	wrdreg s26  }
0xf: {  	s2 =	simm.s32 $0x9100;
	s23 =	sadd.s32 $0x2200, s6;
	[dreg:$0x4] =	wrdreg s22  }
0x10: {  	s5 =	simm.s32 $0x9900;
	s24 =	sadd.s32 $0x2400, s6;
	[dreg:$0x5] =	wrdreg s23  }
0x11: {  	v2 =	vlaneseq.u32;
	s25 =	sadd.s32 $0x2600, s6;
	s26 =	simm.s32 $0x4900;
	[dreg:$0x7] =	wrdreg s24  }
0x12: {  	vm0 =	vmmov $0xffff;
	v1 =	vshrl.u32 v2, $0x3;
	s6 =	simm.s32 $0xA100;
	[dreg:$0x8] =	wrdreg s25;
	s22 =	simm.s32 $0x2900  }
0x13: {  	v0 =	vand.u32 $0x7, v2;
	v2 =	vor.u32 $0x8, v2;
	v1 =	vmul.u32 $0x8, v1;
	s23 =	simm.s32 $0x3100;
	s24 =	simm.s32 $0x3900;
	s25 =	simm.s32 $0x4100  }
.LBB2_1:
0x14: {  	s9 =	rddreg [dreg:$0x4]  }
0x15: {  	[tilespmem:s3], [sflag:$0x1] =	stream.linear.gather [hbm4b:s9+s3], $0x40, $0x38;
	[tilespmem:$0x14200] =	vst v63  }
0x16: {  	s1 =	rddreg [dreg:$0x5]  }
0x17: {  	[tilespmem:s13], [sflag:$0x2] =	stream.linear.gather [hbm4b:s1+s3], $0x40, $0x38;
	[tilespmem:$0x14200] =	vst v63  }
0x18: {  	s13 =	rddreg [dreg:$0x6]  }
0x19: {  	[tilespmem:s18], [sflag:$0x3] =	stream.linear.gather [hbm4b:s13+s3], $0x10000, $0x38;
	[tilespmem:$0x14200] =	vst v63  }
0x1a: {  	s0 =	rddreg [dreg:$0x7]  }
0x1b: {  	[tilespmem:s16], [sflag:$0x4] =	stream.linear.gather [hbm4b:s0+s3], $0x40, $0x38;
	[tilespmem:$0x14200] =	vst v63  }
0x1c: {  	s1 =	rddreg [dreg:$0x8];
	s0 =	simm.s32 $0x3  }
0x1d: {  	[tilespmem:s17], [sflag:$0x5] =	stream.linear.gather [hbm4b:s1+s3], $0x40, $0x38;
	[tilespmem:$0x14200] =	vst v63  }
0x1e: {  	_ =	swait.ge [sflag:s0], $0x10000  }
0x1f: {  	[sflag:s0] =	ssyncset.done $0x0  }
0x20: {  	s13 =	simm.s32 $0x1;
	[sflag:s0] =	ssyncadd.s32 $0xFFFF0000  }
0x21: {  	_ =	swait.ge [sflag:s13], $0x40  }
0x22: {  	[sflag:s13] =	ssyncset.done $0x0  }
0x23: {  	[sflag:s13] =	ssyncadd.s32 $0xFFFFFFC0  }
0x24: {  	v3 =	vld [tilespmem:$0x0];
	_ =	sdelay $0x4  }
0x25: {  	v4 =	vshll.u32 v3, $0x3  }
0x26: {  	v3 =	vand.u32 $0x7, v3;
	v4 =	vand.u32 $0xFFFFFFC0, v4  }
0x27: {  	v3 =	vor.u32 v3, v4  }
0x28: {  	v4 =	vperm.xlane v3, v0;
	_ =	sdelay $0x1  }
0x29: {  	v4 =	vadd.s32 v1, v4;
	_ =	sdelay $0x4  }
0x2a: {  	[hbm4b:s4+s3] =	stream.indirect_vreg.scatter [tilespmem:s18], [sflag:$0x6], $0x80, v4, vm0, $0xb8;
	[tilespmem:$0x14200] =	vst v63  }
0x2b: {  	s9 =	simm.s32 $0x900;
	v3 =	vperm.xlane v3, v2  }
0x2c: {  	[hbm4b:s10+s3] =	stream.indirect_vreg.scatter [tilespmem:s9], [sflag:$0x6], $0x80, v4, vm0, $0xb8;
	[tilespmem:$0x14200] =	vst v63  }
0x2d: {  	s13 =	simm.s32 $0x1100;
	v3 =	vadd.s32 v1, v3  }
0x2e: {  	[hbm4b:s11+s3] =	stream.indirect_vreg.scatter [tilespmem:s13], [sflag:$0x6], $0x80, v4, vm0, $0xb8;
	[tilespmem:$0x14200] =	vst v63  }
0x2f: {  	_ = 	snop  }
0x30: {  	[hbm4b:s12+s3] =	stream.indirect_vreg.scatter [tilespmem:s20], [sflag:$0x6], $0x80, v4, vm0, $0xb8;
	[tilespmem:$0x14200] =	vst v63  }
0x31: {  	_ = 	snop  }
0x32: {  	[hbm4b:s4+s3] =	stream.indirect_vreg.scatter [tilespmem:s21], [sflag:$0x6], $0x80, v3, vm0, $0xb8;
	[tilespmem:$0x14200] =	vst v63  }
0x33: {  	_ = 	snop  }
0x34: {  	[hbm4b:s10+s3] =	stream.indirect_vreg.scatter [tilespmem:s22], [sflag:$0x6], $0x80, v3, vm0, $0xb8;
	[tilespmem:$0x14200] =	vst v63  }
0x35: {  	_ = 	snop  }
0x36: {  	[hbm4b:s11+s3] =	stream.indirect_vreg.scatter [tilespmem:s23], [sflag:$0x6], $0x80, v3, vm0, $0xb8;
	[tilespmem:$0x14200] =	vst v63  }
0x37: {  	_ = 	snop  }
0x38: {  	[hbm4b:s12+s3] =	stream.indirect_vreg.scatter [tilespmem:s24], [sflag:$0x6], $0x80, v3, vm0, $0xb8;
	[tilespmem:$0x14200] =	vst v63  }
0x39: {  	v3 =	vld [tilespmem:$0x10];
	_ =	sdelay $0x4  }
0x3a: {  	v4 =	vshll.u32 v3, $0x3  }
0x3b: {  	v3 =	vand.u32 $0x7, v3;
	v4 =	vand.u32 $0xFFFFFFC0, v4  }
0x3c: {  	v3 =	vor.u32 v3, v4  }
0x3d: {  	v4 =	vperm.xlane v3, v0;
	_ =	sdelay $0x1  }
0x3e: {  	v4 =	vadd.s32 v1, v4;
	_ =	sdelay $0x4  }
0x3f: {  	[hbm4b:s4+s3] =	stream.indirect_vreg.scatter [tilespmem:s25], [sflag:$0x6], $0x80, v4, vm0, $0xb8;
	[tilespmem:$0x14200] =	vst v63  }
0x40: {  	v3 =	vperm.xlane v3, v2  }
0x41: {  	[hbm4b:s10+s3] =	stream.indirect_vreg.scatter [tilespmem:s26], [sflag:$0x6], $0x80, v4, vm0, $0xb8;
	[tilespmem:$0x14200] =	vst v63  }
0x42: {  	v3 =	vadd.s32 v1, v3  }
0x43: {  	[hbm4b:s11+s3] =	stream.indirect_vreg.scatter [tilespmem:s28], [sflag:$0x6], $0x80, v4, vm0, $0xb8;
	[tilespmem:$0x14200] =	vst v63  }
0x44: {  	_ = 	snop  }
0x45: {  	[hbm4b:s12+s3] =	stream.indirect_vreg.scatter [tilespmem:s29], [sflag:$0x6], $0x80, v4, vm0, $0xb8;
	[tilespmem:$0x14200] =	vst v63  }
0x46: {  	_ = 	snop  }
0x47: {  	[hbm4b:s4+s3] =	stream.indirect_vreg.scatter [tilespmem:s30], [sflag:$0x6], $0x80, v3, vm0, $0xb8;
	[tilespmem:$0x14200] =	vst v63  }
0x48: {  	s1 =	simm.s32 $0x6900  }
0x49: {  	[hbm4b:s10+s3] =	stream.indirect_vreg.scatter [tilespmem:s1], [sflag:$0x6], $0x80, v3, vm0, $0xb8;
	[tilespmem:$0x14200] =	vst v63  }
0x4a: {  	_ = 	snop  }
0x4b: {  	[hbm4b:s11+s3] =	stream.indirect_vreg.scatter [tilespmem:s15], [sflag:$0x6], $0x80, v3, vm0, $0xb8;
	[tilespmem:$0x14200] =	vst v63  }
0x4c: {  	_ = 	snop  }
0x4d: {  	[hbm4b:s12+s3] =	stream.indirect_vreg.scatter [tilespmem:s19], [sflag:$0x6], $0x80, v3, vm0, $0xb8;
	[tilespmem:$0x14200] =	vst v63  }
0x4e: {  	v3 =	vld [tilespmem:$0x20];
	_ =	sdelay $0x4  }
0x4f: {  	v4 =	vshll.u32 v3, $0x3  }
0x50: {  	v3 =	vand.u32 $0x7, v3;
	v4 =	vand.u32 $0xFFFFFFC0, v4  }
0x51: {  	v3 =	vor.u32 v3, v4  }
0x52: {  	v4 =	vperm.xlane v3, v0;
	_ =	sdelay $0x1  }
0x53: {  	v4 =	vadd.s32 v1, v4;
	_ =	sdelay $0x4  }
0x54: {  	[hbm4b:s4+s3] =	stream.indirect_vreg.scatter [tilespmem:s31], [sflag:$0x6], $0x80, v4, vm0, $0xb8;
	[tilespmem:$0x14200] =	vst v63  }
0x55: {  	s1 =	simm.s32 $0x8900;
	v3 =	vperm.xlane v3, v2  }
0x56: {  	[hbm4b:s10+s3] =	stream.indirect_vreg.scatter [tilespmem:s1], [sflag:$0x6], $0x80, v4, vm0, $0xb8;
	[tilespmem:$0x14200] =	vst v63  }
0x57: {  	v3 =	vadd.s32 v1, v3  }
0x58: {  	[hbm4b:s11+s3] =	stream.indirect_vreg.scatter [tilespmem:s2], [sflag:$0x6], $0x80, v4, vm0, $0xb8;
	[tilespmem:$0x14200] =	vst v63  }
0x59: {  	_ = 	snop  }
0x5a: {  	[hbm4b:s12+s3] =	stream.indirect_vreg.scatter [tilespmem:s5], [sflag:$0x6], $0x80, v4, vm0, $0xb8;
	[tilespmem:$0x14200] =	vst v63  }
0x5b: {  	_ = 	snop  }
0x5c: {  	[hbm4b:s4+s3] =	stream.indirect_vreg.scatter [tilespmem:s6], [sflag:$0x6], $0x80, v3, vm0, $0xb8;
	[tilespmem:$0x14200] =	vst v63  }
0x5d: {  	_ = 	snop  }
0x5e: {  	[hbm4b:s10+s3] =	stream.indirect_vreg.scatter [tilespmem:s7], [sflag:$0x6], $0x80, v3, vm0, $0xb8;
	[tilespmem:$0x14200] =	vst v63  }
0x5f: {  	_ = 	snop  }
0x60: {  	[hbm4b:s11+s3] =	stream.indirect_vreg.scatter [tilespmem:s8], [sflag:$0x6], $0x80, v3, vm0, $0xb8;
	[tilespmem:$0x14200] =	vst v63  }
0x61: {  	s0 =	simm.s32 $0xB900  }
0x62: {  	[hbm4b:s12+s3] =	stream.indirect_vreg.scatter [tilespmem:s0], [sflag:$0x6], $0x80, v3, vm0, $0xb8;
	[tilespmem:$0x14200] =	vst v63  }
0x63: {  	v3 =	vld [tilespmem:$0x30];
	_ =	sdelay $0x4  }
0x64: {  	v4 =	vshll.u32 v3, $0x3  }
0x65: {  	v3 =	vand.u32 $0x7, v3;
	v4 =	vand.u32 $0xFFFFFFC0, v4  }
0x66: {  	v3 =	vor.u32 v3, v4  }
0x67: {  	v4 =	vperm.xlane v3, v0;
	_ =	sdelay $0x1  }
0x68: {  	v4 =	vadd.s32 v1, v4;
	_ =	sdelay $0x3  }
0x69: {  	s0 =	simm.s32 $0xC100  }
0x6a: {  	[hbm4b:s4+s3] =	stream.indirect_vreg.scatter [tilespmem:s0], [sflag:$0x6], $0x80, v4, vm0, $0xb8;
	[tilespmem:$0x14200] =	vst v63  }
0x6b: {  	v3 =	vperm.xlane v3, v2;
	s0 =	simm.s32 $0xC900  }
0x6c: {  	[hbm4b:s10+s3] =	stream.indirect_vreg.scatter [tilespmem:s0], [sflag:$0x6], $0x80, v4, vm0, $0xb8;
	[tilespmem:$0x14200] =	vst v63  }
0x6d: {  	v3 =	vadd.s32 v1, v3;
	s0 =	simm.s32 $0xD100  }
0x6e: {  	[hbm4b:s11+s3] =	stream.indirect_vreg.scatter [tilespmem:s0], [sflag:$0x6], $0x80, v4, vm0, $0xb8;
	[tilespmem:$0x14200] =	vst v63  }
0x6f: {  	s0 =	simm.s32 $0xD900  }
0x70: {  	[hbm4b:s12+s3] =	stream.indirect_vreg.scatter [tilespmem:s0], [sflag:$0x6], $0x80, v4, vm0, $0xb8;
	[tilespmem:$0x14200] =	vst v63  }
0x71: {  	s0 =	simm.s32 $0xE100  }
0x72: {  	[hbm4b:s4+s3] =	stream.indirect_vreg.scatter [tilespmem:s0], [sflag:$0x6], $0x80, v3, vm0, $0xb8;
	[tilespmem:$0x14200] =	vst v63  }
0x73: {  	s0 =	simm.s32 $0xE900  }
0x74: {  	[hbm4b:s10+s3] =	stream.indirect_vreg.scatter [tilespmem:s0], [sflag:$0x6], $0x80, v3, vm0, $0xb8;
	[tilespmem:$0x14200] =	vst v63  }
0x75: {  	s0 =	simm.s32 $0xF100  }
0x76: {  	[hbm4b:s11+s3] =	stream.indirect_vreg.scatter [tilespmem:s0], [sflag:$0x6], $0x80, v3, vm0, $0xb8;
	[tilespmem:$0x14200] =	vst v63  }
0x77: {  	s0 =	simm.s32 $0xF900  }
0x78: {  	[hbm4b:s12+s3] =	stream.indirect_vreg.scatter [tilespmem:s0], [sflag:$0x6], $0x80, v3, vm0, $0xb8;
	[tilespmem:$0x14200] =	vst v63  }
0x79: {  	s0 =	simm.s32 $0x2  }
0x7a: {  	_ =	swait.ge [sflag:s0], $0x40  }
0x7b: {  	[sflag:s0] =	ssyncset.done $0x0  }
0x7c: {  	[sflag:s0] =	ssyncadd.s32 $0xFFFFFFC0  }
0x7d: {  	v3 =	vld [tilespmem:$0x80];
	_ =	sdelay $0x4  }
0x7e: {  	v4 =	vshll.u32 v3, $0x3  }
0x7f: {  	v3 =	vand.u32 $0x7, v3;
	v4 =	vand.u32 $0xFFFFFFC0, v4  }
0x80: {  	v3 =	vor.u32 v3, v4  }
0x81: {  	v4 =	vperm.xlane v3, v0;
	_ =	sdelay $0x1  }
0x82: {  	v4 =	vadd.s32 v1, v4;
	_ =	sdelay $0x4  }
0x83: {  	[hbm4b:s4+s3] =	stream.indirect_vreg.scatter [tilespmem:s18], [sflag:$0x7], $0x80, v4, vm0, $0xb8;
	[tilespmem:$0x14200] =	vst v63  }
0x84: {  	v3 =	vperm.xlane v3, v2  }
0x85: {  	[hbm4b:s10+s3] =	stream.indirect_vreg.scatter [tilespmem:s9], [sflag:$0x7], $0x80, v4, vm0, $0xb8;
	[tilespmem:$0x14200] =	vst v63  }
0x86: {  	v3 =	vadd.s32 v1, v3  }
0x87: {  	[hbm4b:s11+s3] =	stream.indirect_vreg.scatter [tilespmem:s13], [sflag:$0x7], $0x80, v4, vm0, $0xb8;
	[tilespmem:$0x14200] =	vst v63  }
0x88: {  	_ = 	snop  }
0x89: {  	[hbm4b:s12+s3] =	stream.indirect_vreg.scatter [tilespmem:s20], [sflag:$0x7], $0x80, v4, vm0, $0xb8;
	[tilespmem:$0x14200] =	vst v63  }
0x8a: {  	_ = 	snop  }
0x8b: {  	[hbm4b:s4+s3] =	stream.indirect_vreg.scatter [tilespmem:s21], [sflag:$0x7], $0x80, v3, vm0, $0xb8;
	[tilespmem:$0x14200] =	vst v63  }
0x8c: {  	_ = 	snop  }
0x8d: {  	[hbm4b:s10+s3] =	stream.indirect_vreg.scatter [tilespmem:s22], [sflag:$0x7], $0x80, v3, vm0, $0xb8;
	[tilespmem:$0x14200] =	vst v63  }
0x8e: {  	_ = 	snop  }
0x8f: {  	[hbm4b:s11+s3] =	stream.indirect_vreg.scatter [tilespmem:s23], [sflag:$0x7], $0x80, v3, vm0, $0xb8;
	[tilespmem:$0x14200] =	vst v63  }
0x90: {  	_ = 	snop  }
0x91: {  	[hbm4b:s12+s3] =	stream.indirect_vreg.scatter [tilespmem:s24], [sflag:$0x7], $0x80, v3, vm0, $0xb8;
	[tilespmem:$0x14200] =	vst v63  }
0x92: {  	v3 =	vld [tilespmem:$0x90];
	_ =	sdelay $0x4  }
0x93: {  	v4 =	vshll.u32 v3, $0x3  }
0x94: {  	v3 =	vand.u32 $0x7, v3;
	v4 =	vand.u32 $0xFFFFFFC0, v4  }
0x95: {  	v3 =	vor.u32 v3, v4  }
0x96: {  	v4 =	vperm.xlane v3, v0;
	_ =	sdelay $0x1  }
0x97: {  	v4 =	vadd.s32 v1, v4;
	_ =	sdelay $0x4  }
0x98: {  	[hbm4b:s4+s3] =	stream.indirect_vreg.scatter [tilespmem:s25], [sflag:$0x7], $0x80, v4, vm0, $0xb8;
	[tilespmem:$0x14200] =	vst v63  }
0x99: {  	v3 =	vperm.xlane v3, v2  }
0x9a: {  	[hbm4b:s10+s3] =	stream.indirect_vreg.scatter [tilespmem:s26], [sflag:$0x7], $0x80, v4, vm0, $0xb8;
	[tilespmem:$0x14200] =	vst v63  }
0x9b: {  	v3 =	vadd.s32 v1, v3  }
0x9c: {  	[hbm4b:s11+s3] =	stream.indirect_vreg.scatter [tilespmem:s28], [sflag:$0x7], $0x80, v4, vm0, $0xb8;
	[tilespmem:$0x14200] =	vst v63  }
0x9d: {  	_ = 	snop  }
0x9e: {  	[hbm4b:s12+s3] =	stream.indirect_vreg.scatter [tilespmem:s29], [sflag:$0x7], $0x80, v4, vm0, $0xb8;
	[tilespmem:$0x14200] =	vst v63  }
0x9f: {  	_ = 	snop  }
0xa0: {  	[hbm4b:s4+s3] =	stream.indirect_vreg.scatter [tilespmem:s30], [sflag:$0x7], $0x80, v3, vm0, $0xb8;
	[tilespmem:$0x14200] =	vst v63  }
0xa1: {  	s9 =	simm.s32 $0x6900  }
0xa2: {  	[hbm4b:s10+s3] =	stream.indirect_vreg.scatter [tilespmem:s9], [sflag:$0x7], $0x80, v3, vm0, $0xb8;
	[tilespmem:$0x14200] =	vst v63  }
0xa3: {  	_ = 	snop  }
0xa4: {  	[hbm4b:s11+s3] =	stream.indirect_vreg.scatter [tilespmem:s15], [sflag:$0x7], $0x80, v3, vm0, $0xb8;
	[tilespmem:$0x14200] =	vst v63  }
0xa5: {  	_ = 	snop  }
0xa6: {  	[hbm4b:s12+s3] =	stream.indirect_vreg.scatter [tilespmem:s19], [sflag:$0x7], $0x80, v3, vm0, $0xb8;
	[tilespmem:$0x14200] =	vst v63  }
0xa7: {  	v3 =	vld [tilespmem:$0xA0];
	_ =	sdelay $0x4  }
0xa8: {  	v4 =	vshll.u32 v3, $0x3  }
0xa9: {  	v3 =	vand.u32 $0x7, v3;
	v4 =	vand.u32 $0xFFFFFFC0, v4  }
0xaa: {  	v3 =	vor.u32 v3, v4  }
0xab: {  	v4 =	vperm.xlane v3, v0;
	_ =	sdelay $0x1  }
0xac: {  	v4 =	vadd.s32 v1, v4;
	_ =	sdelay $0x4  }
0xad: {  	[hbm4b:s4+s3] =	stream.indirect_vreg.scatter [tilespmem:s31], [sflag:$0x7], $0x80, v4, vm0, $0xb8;
	[tilespmem:$0x14200] =	vst v63  }
0xae: {  	v3 =	vperm.xlane v3, v2  }
0xaf: {  	[hbm4b:s10+s3] =	stream.indirect_vreg.scatter [tilespmem:s1], [sflag:$0x7], $0x80, v4, vm0, $0xb8;
	[tilespmem:$0x14200] =	vst v63  }
0xb0: {  	v3 =	vadd.s32 v1, v3  }
0xb1: {  	[hbm4b:s11+s3] =	stream.indirect_vreg.scatter [tilespmem:s2], [sflag:$0x7], $0x80, v4, vm0, $0xb8;
	[tilespmem:$0x14200] =	vst v63  }
0xb2: {  	_ = 	snop  }
0xb3: {  	[hbm4b:s12+s3] =	stream.indirect_vreg.scatter [tilespmem:s5], [sflag:$0x7], $0x80, v4, vm0, $0xb8;
	[tilespmem:$0x14200] =	vst v63  }
0xb4: {  	_ = 	snop  }
0xb5: {  	[hbm4b:s4+s3] =	stream.indirect_vreg.scatter [tilespmem:s6], [sflag:$0x7], $0x80, v3, vm0, $0xb8;
	[tilespmem:$0x14200] =	vst v63  }
0xb6: {  	_ = 	snop  }
0xb7: {  	[hbm4b:s10+s3] =	stream.indirect_vreg.scatter [tilespmem:s7], [sflag:$0x7], $0x80, v3, vm0, $0xb8;
	[tilespmem:$0x14200] =	vst v63  }
0xb8: {  	_ = 	snop  }
0xb9: {  	[hbm4b:s11+s3] =	stream.indirect_vreg.scatter [tilespmem:s8], [sflag:$0x7], $0x80, v3, vm0, $0xb8;
	[tilespmem:$0x14200] =	vst v63  }
0xba: {  	s13 =	simm.s32 $0xB900  }
0xbb: {  	[hbm4b:s12+s3] =	stream.indirect_vreg.scatter [tilespmem:s13], [sflag:$0x7], $0x80, v3, vm0, $0xb8;
	[tilespmem:$0x14200] =	vst v63  }
0xbc: {  	v3 =	vld [tilespmem:$0xB0];
	_ =	sdelay $0x4  }
0xbd: {  	v4 =	vshll.u32 v3, $0x3  }
0xbe: {  	v3 =	vand.u32 $0x7, v3;
	v4 =	vand.u32 $0xFFFFFFC0, v4  }
0xbf: {  	v3 =	vor.u32 v3, v4  }
0xc0: {  	v4 =	vperm.xlane v3, v0;
	_ =	sdelay $0x1  }
0xc1: {  	v4 =	vadd.s32 v1, v4;
	_ =	sdelay $0x3  }
0xc2: {  	s1 =	simm.s32 $0xC100  }
0xc3: {  	[hbm4b:s4+s3] =	stream.indirect_vreg.scatter [tilespmem:s1], [sflag:$0x7], $0x80, v4, vm0, $0xb8;
	[tilespmem:$0x14200] =	vst v63  }
0xc4: {  	s9 =	simm.s32 $0xC900;
	v3 =	vperm.xlane v3, v2  }
0xc5: {  	[hbm4b:s10+s3] =	stream.indirect_vreg.scatter [tilespmem:s9], [sflag:$0x7], $0x80, v4, vm0, $0xb8;
	[tilespmem:$0x14200] =	vst v63  }
0xc6: {  	s13 =	simm.s32 $0xD100;
	v3 =	vadd.s32 v1, v3  }
0xc7: {  	[hbm4b:s11+s3] =	stream.indirect_vreg.scatter [tilespmem:s13], [sflag:$0x7], $0x80, v4, vm0, $0xb8;
	[tilespmem:$0x14200] =	vst v63  }
0xc8: {  	s1 =	simm.s32 $0xD900  }
0xc9: {  	[hbm4b:s12+s3] =	stream.indirect_vreg.scatter [tilespmem:s1], [sflag:$0x7], $0x80, v4, vm0, $0xb8;
	[tilespmem:$0x14200] =	vst v63  }
0xca: {  	s9 =	simm.s32 $0xE100  }
0xcb: {  	[hbm4b:s4+s3] =	stream.indirect_vreg.scatter [tilespmem:s9], [sflag:$0x7], $0x80, v3, vm0, $0xb8;
	[tilespmem:$0x14200] =	vst v63  }
0xcc: {  	s13 =	simm.s32 $0xE900  }
0xcd: {  	[hbm4b:s10+s3] =	stream.indirect_vreg.scatter [tilespmem:s13], [sflag:$0x7], $0x80, v3, vm0, $0xb8;
	[tilespmem:$0x14200] =	vst v63  }
0xce: {  	s1 =	simm.s32 $0xF100  }
0xcf: {  	[hbm4b:s11+s3] =	stream.indirect_vreg.scatter [tilespmem:s1], [sflag:$0x7], $0x80, v3, vm0, $0xb8;
	[tilespmem:$0x14200] =	vst v63  }
0xd0: {  	v4 =	vmov s3;
	s9 =	simm.s32 $0xF900;
	s13 =	simm.s32 $0x4  }
0xd1: {  	[hbm4b:s12+s3] =	stream.indirect_vreg.scatter [tilespmem:s9], [sflag:$0x7], $0x80, v3, vm0, $0xb8;
	[tilespmem:$0x14200] =	vst v63  }
0xd2: {  	_ =	swait.ge [sflag:s13], $0x40  }
0xd3: {  	[sflag:s13] =	ssyncset.done $0x0  }
0xd4: {  	[sflag:s13] =	ssyncadd.s32 $0xFFFFFFC0  }
0xd5: {  	v3 =	vld.idx.msk [tilespmem:v4+s16+$0x0], $0xffff;
	_ =	sdelay $0x3  }
0xd6: {  	s9 =	simm.s32 $0x10240  }
0xd7: {  	[tilespmem:s9+$0xFFFFFFC0] =	vst v3  }
0xd8: {  	[tilespmem:s9+$0xFFFFFFD0] =	vst v3  }
0xd9: {  	s1 =	simm.s32 $0x1;
	[tilespmem:s9+$0xFFFFFFE0] =	vst v3  }
0xda: {  	s13 =	simm.s32 $0x2;
	v4 =	vmov s1;
	[tilespmem:s9+$0xFFFFFFF0] =	vst v3  }
.LBB2_2:
0xdb: {  	p0 =	sne.s32 s13, $0x3F;
	[tilespmem:s9+$0x0] =	vst v3  }
0xdc: {  	[tilespmem:s9+$0x10] =	vst v3  }
0xdd: {  	[tilespmem:s9+$0x20] =	vst v3  }
0xde: {  	[tilespmem:s9+$0x30] =	vst v3  }
0xdf: {  	v3 =	vld.idx.msk [tilespmem:v4+s16+$0x0], $0xffff;
	_ =	sdelay $0x4  }
.Ltmp0:
0xe0: {  	s9 =	sadd.s32 $0x80, s9;
	(pc) =	sbr.rel @p0 .LBB2_2-.Ltmp0, $4  }
0xe1: {  	[tilespmem:s9+$0xFFFFFFC0] =	vst v3  }
0xe2: {  	[tilespmem:s9+$0xFFFFFFD0] =	vst v3  }
0xe3: {  	[tilespmem:s9+$0xFFFFFFE0] =	vst v3  }
0xe4: {  	v4 =	vmov s13;
	s13 =	sadd.s32 $0x1, s13;
	[tilespmem:s9+$0xFFFFFFF0] =	vst v3  }
0xe5: {  	[tilespmem:s9+$0x0] =	vst v3  }
0xe6: {  	[tilespmem:s9+$0x10] =	vst v3  }
0xe7: {  	[tilespmem:s9+$0x20] =	vst v3  }
0xe8: {  	[tilespmem:s9+$0x30] =	vst v3  }
0xe9: {  	v3 =	vld.idx.msk [tilespmem:v4+s16+$0x0], $0xffff;
	_ =	sdelay $0x3  }
0xea: {  	s1 =	sadd.s32 $0x80, s9  }
0xeb: {  	[tilespmem:s1+$0xFFFFFFC0] =	vst v3  }
0xec: {  	[tilespmem:s1+$0xFFFFFFD0] =	vst v3  }
0xed: {  	[tilespmem:s1+$0xFFFFFFE0] =	vst v3  }
0xee: {  	[tilespmem:s1+$0xFFFFFFF0] =	vst v3  }
0xef: {  	[tilespmem:s1+$0x0] =	vst v3  }
0xf0: {  	[tilespmem:s1+$0x10] =	vst v3  }
0xf1: {  	s13 =	simm.s32 $0x0;
	[tilespmem:s1+$0x20] =	vst v3  }
0xf2: {  	s9 =	rddreg [dreg:$0x2];
	s0 =	simm.s32 $0x40;
	[tilespmem:s1+$0x30] =	vst v3;
	s1 =	simm.s32 $0x10200  }
0xf3: {  	v3 =	vmov s13;
	[hbm4b:s9+s0] =	stream.indirect.scatter [tilespmem:s1], [sflag:$0x8], $0x80, s13, s0, $0xb8;
	[tilespmem:$0x14200] =	vst v63  }
0xf4: {  	s13 =	simm.s32 $0x5  }
0xf5: {  	_ =	swait.ge [sflag:s13], $0x40  }
0xf6: {  	[sflag:s13] =	ssyncset.done $0x0  }
0xf7: {  	[sflag:s13] =	ssyncadd.s32 $0xFFFFFFC0  }
0xf8: {  	v3 =	vld.idx.msk [tilespmem:v3+s17+$0x0], $0xffff;
	_ =	sdelay $0x3  }
0xf9: {  	s9 =	simm.s32 $0x12240  }
0xfa: {  	[tilespmem:s9+$0xFFFFFFC0] =	vst v3  }
0xfb: {  	[tilespmem:s9+$0xFFFFFFD0] =	vst v3  }
0xfc: {  	s1 =	simm.s32 $0x1;
	[tilespmem:s9+$0xFFFFFFE0] =	vst v3  }
0xfd: {  	v4 =	vmov s1;
	s13 =	simm.s32 $0x2;
	[tilespmem:s9+$0xFFFFFFF0] =	vst v3  }
.LBB2_4:
0xfe: {  	p0 =	sne.s32 s13, $0x3F;
	[tilespmem:s9+$0x0] =	vst v3  }
0xff: {  	[tilespmem:s9+$0x10] =	vst v3  }
0x100: {  	[tilespmem:s9+$0x20] =	vst v3  }
0x101: {  	[tilespmem:s9+$0x30] =	vst v3  }
0x102: {  	v3 =	vld.idx.msk [tilespmem:v4+s17+$0x0], $0xffff;
	_ =	sdelay $0x4  }
.Ltmp1:
0x103: {  	s9 =	sadd.s32 $0x80, s9;
	(pc) =	sbr.rel @p0 .LBB2_4-.Ltmp1, $4  }
0x104: {  	[tilespmem:s9+$0xFFFFFFC0] =	vst v3  }
0x105: {  	[tilespmem:s9+$0xFFFFFFD0] =	vst v3  }
0x106: {  	[tilespmem:s9+$0xFFFFFFE0] =	vst v3  }
0x107: {  	v4 =	vmov s13;
	s13 =	sadd.s32 $0x1, s13;
	[tilespmem:s9+$0xFFFFFFF0] =	vst v3  }
0x108: {  	[tilespmem:s9+$0x0] =	vst v3  }
0x109: {  	[tilespmem:s9+$0x10] =	vst v3  }
0x10a: {  	[tilespmem:s9+$0x20] =	vst v3  }
0x10b: {  	[tilespmem:s9+$0x30] =	vst v3  }
0x10c: {  	v3 =	vld.idx.msk [tilespmem:v4+s17+$0x0], $0xffff;
	_ =	sdelay $0x3  }
0x10d: {  	s1 =	sadd.s32 $0x80, s9  }
0x10e: {  	[tilespmem:s1+$0xFFFFFFC0] =	vst v3  }
0x10f: {  	[tilespmem:s1+$0xFFFFFFD0] =	vst v3  }
0x110: {  	[tilespmem:s1+$0xFFFFFFE0] =	vst v3  }
0x111: {  	[tilespmem:s1+$0xFFFFFFF0] =	vst v3  }
0x112: {  	[tilespmem:s1+$0x0] =	vst v3  }
0x113: {  	[tilespmem:s1+$0x10] =	vst v3  }
0x114: {  	[tilespmem:s1+$0x20] =	vst v3  }
0x115: {  	s9 =	rddreg [dreg:$0x2];
	s13 =	simm.s32 $0x80;
	[tilespmem:s1+$0x30] =	vst v3;
	s1 =	simm.s32 $0x12200  }
0x116: {  	[hbm4b:s9+s0] =	stream.indirect.scatter [tilespmem:s1], [sflag:$0x9], $0x80, s13, s0, $0xb8;
	[tilespmem:$0x14200] =	vst v63  }
0x117: {  	s9 =	simm.s32 $0x6  }
0x118: {  	_ =	swait.ge [sflag:s9], $0x10000  }
0x119: {  	[sflag:s9] =	ssyncset.done $0x0  }
0x11a: {  	s1 =	simm.s32 $0x7;
	[sflag:s9] =	ssyncadd.s32 $0xFFFF0000  }
0x11b: {  	_ =	swait.ge [sflag:s1], $0x10000  }
0x11c: {  	[sflag:s1] =	ssyncset.done $0x0  }
0x11d: {  	s9 =	simm.s32 $0x8;
	[sflag:s1] =	ssyncadd.s32 $0xFFFF0000  }
0x11e: {  	_ =	swait.ge [sflag:s9], $0x2000  }
0x11f: {  	[sflag:s9] =	ssyncset.done $0x0  }
0x120: {  	s0 =	simm.s32 $0x9;
	[sflag:s9] =	ssyncadd.s32 $0xFFFFE000  }
0x121: {  	_ =	swait.ge [sflag:s0], $0x2000  }
0x122: {  	s14 =	sadd.s32 $0x1, s14;
	s1 =	rddreg [dreg:$0x9]  }
0x123: {  	p0 =	sne.s32 s14, s1  }
.Ltmp2:
0x124: {  	_ = 	snop;
	(pc) =	sbr.rel @p0 .LBB2_1-.Ltmp2, $3  }
0x125: {  	_ =	sdelay $0x1  }
0x126: {  	[sflag:s0] =	ssyncset.done $0x0  }
0x127: {  	[sflag:s0] =	ssyncadd.s32 $0xFFFFE000  }
0x128: {  	_ =	sfence.sel $0x180000  }
0x129: {  	[bflag:$0x0] =	sbarrier.arrive $0xFFFF  }
0x12a: {  	_ =	strace $0x90000047  }
0x12b: {  	s0 =	stileid.u32;
	[bflag:$0x2] =	sbarrier.arrive $0xFFFF  }
0x12c: {  	p0 =	sne.s32 s0, $0x0;
	s0 =	rddreg [dreg:$0x3]  }
0x12d: {  	s0 =	sadd.s32 @!p0 $0x100000, s0  }
0x12e: {  	[sflag:s0] =	ssyncadd.tile.s32 @!p0 $0x1;
	_ =	shalt  }
.Lfunc_end2:
_tile_overlayer_lowered:
.L_overlay_start_2:
0x12f: {  	(tag) =	ssettag $0x2  }
0x130: {  	s0 =	rddreg [dreg:$0x0];
	s2 =	stileid.u32  }
0x131: {  	s1 =	rddreg [dreg:$0x1];
	p0 =	sne.s32 s2, $0x0  }
0x132: {  	s3 =	rddreg [dreg:$0x2];
	[bflag:$0x3] =	sbarrier.arrive $0xFFFF;
	s2 =	simm.s32 @!p0 $0x1C0A  }
0x133: {  	[timem:s3], [sflag:s2] =	dma.local @!p0 [hbm:s0], s1  }
0x134: {  	s0 =	simm.s32 @!p0 $0xA  }
0x135: {  	_ =	swait.ge @!p0 [sflag:s0], s1  }
0x136: {  	s1 =	ssub.s32 @!p0 $0x0, s1;
	[sflag:s0] =	ssyncset.done @!p0 $0x0  }
0x137: {  	[sflag:s0] =	ssyncadd.s32 @!p0 s1  }
0x138: {  	[bflag:$0x3] =	sbarrier.arrive $0xFFFF  }
0x139: {  	_ =	shalt  }

// kernel: kernel.9.cloned.1.call-start
scs
__scs_entry_jumppad:
0x0: {  	(pc) =	sbr.rel $0x88, $3  }
0x1: {  	(tag) =	ssettag $0x0;
	lr =	simm.s32 $0x1  }
0x2: {  	[smem:$0x3F9A] =	sst lr;
	_ =	strace $0xD0000000  }
0x3: {  	_ = 	snop  }
0x4: {  	_ = 	snop  }
0x5: {  	_ = 	snop  }
0x6: {  	_ = 	snop  }
0x7: {  	_ = 	snop  }
__scs_overlays_trampoline_lowered:
0x8: {  	[smem:$0x3FA9] =	sst s0  }
0x9: {  	[smem:$0x3FAA] =	sst s1  }
0xa: {  	[smem:$0x3FAB] =	sst s2  }
0xb: {  	[smem:$0x3FAC] =	sst s3  }
0xc: {  	[smem:$0x3FAD] =	sst s4  }
0xd: {  	[smem:$0x3FAE] =	sst s5  }
0xe: {  	[smem:$0x3FAF] =	sst s6  }
0xf: {  	[smem:$0x3FB0] =	sst s7  }
0x10: {  	[smem:$0x3FB1] =	sst s8  }
0x11: {  	[smem:$0x3FB2] =	sst s9;
	s0 =	simm.s32 @!p0 $0x0  }
0x12: {  	s1 =	sld [smem:$0x3F98];
	s0 =	simm.s32 @p0 $0x1  }
0x13: {  	[smem:$0x3FB3] =	sst s0;
	s0 =	simm.s32 @!p1 $0x0  }
0x14: {  	s2 =	sld [smem:$0x3F97];
	s0 =	simm.s32 @p1 $0x1  }
0x15: {  	[smem:$0x3FB4] =	sst s0;
	s0 =	simm.s32 @!p2 $0x0  }
0x16: {  	s3 =	sld [smem:$0x3FDB];
	s0 =	simm.s32 @p2 $0x1  }
0x17: {  	s4 =	simm.s32 $0x1BF5;
	[smem:$0x3FB6] =	sst s0  }
0x18: {  	s0 =	sld [smem:$0x3F99];
	_ =	swait.ge [sflag:s4], $0x0  }
0x19: {  	s7 =	sld [smem:$0x3F9A]  }
0x1a: {  	s8 =	sadd.s32 $0xFFFFE003, lr  }
0x1b: {  	s9 =	sadd.s32 $0xFFFFFEF7, lr;
	s5 =	simm.s32 $0xFFFFFFFF;
	p2 =	slt.u32 s8, $0xFFFFF086  }
0x1c: {  	p1 =	slt.u32 s9, $0xF7A;
	s5 =	simm.s32 @!p2 $0x0  }
0x1d: {  	s5 =	simm.s32 @p1 $0x1;
	p0 =	seq.s32 s7, s2  }
0x1e: {  	s7 =	smul.u32 @!p0 $0xF7A, s2;
	p2 =	seq.s32 @!p0 s5, $0x0  }
0x1f: {  	s9 =	smul.u32 $0xF7A, s1;
	s8 =	simm.s32 @!p0 $0x1BF5;
	p2 =	por !p2, p0  }
0x20: {  	[sflag:s8] =	ssyncset.s32 @!p0 $0xFFFFF086;
	s6 =	sadd.s32 @!p0 s3, s7;
	s7 =	simm.s32 @!p0 $0x108  }
0x21: {  	s3 =	sadd.s32 s3, s9;
	s6 =	sadd.s32 @!p0 $0x88, s6;
	s7 =	simm.s32 @p2 $0x1082  }
0x22: {  	[simem:s7], [sflag:s8] =	dma.local @!p0 [hbm:s6], $0xF7A  }
0x23: {  	s9 =	sor.u32 $0xD0000000, s2;
	s6 =	simm.s32 $0x108;
	_ =	swait.ge @!p0 [sflag:s8], $0x0  }
0x24: {  	s3 =	sadd.s32 $0x88, s3;
	s6 =	simm.s32 @!p1 $0x1082;
	[sflag:s4] =	ssyncset.s32 $0xFFFFF086  }
0x25: {  	[simem:s6], [sflag:s4] =	dma.local [hbm:s3], $0xF7A  }
0x26: {  	[smem:$0x3F9A] =	sst s1;
	(tag) =	ssettag s2;
	_ =	strace s9  }
0x27: {  	s1 =	sld [smem:$0x3FAA]  }
0x28: {  	s2 =	sld [smem:$0x3FAB]  }
0x29: {  	s4 =	sld [smem:$0x3FAD]  }
0x2a: {  	p0 =	seq.s32 s5, $0x0;
	s5 =	sld [smem:$0x3FAE]  }
0x2b: {  	s6 =	sld [smem:$0x3FAF]  }
0x2c: {  	s7 =	sld [smem:$0x3FB0]  }
0x2d: {  	s3 =	simm.s32 $0x108;
	s8 =	sld [smem:$0x3FB1]  }
0x2e: {  	s3 =	simm.s32 @!p0 $0x1082;
	s9 =	sld [smem:$0x3FB2]  }
0x2f: {  	lr =	sadd.s32 s0, s3;
	s0 =	sld [smem:$0x3FA9]  }
0x30: {  	s3 =	sld [smem:$0x3FAC]  }
0x31: {  	[smem:$0x3FB5] =	sst s10  }
0x32: {  	s10 =	sld [smem:$0x3FB3];
	_ =	sdelay $0x3  }
0x33: {  	p0 =	seq.s32 s10, $0x1;
	s10 =	sld [smem:$0x3FB5];
	_ =	sdelay $0x3  }
0x34: {  	[smem:$0x3FB5] =	sst s10  }
0x35: {  	s10 =	sld [smem:$0x3FB4];
	_ =	sdelay $0x3  }
0x36: {  	p1 =	seq.s32 s10, $0x1;
	s10 =	sld [smem:$0x3FB5];
	_ =	sdelay $0x3  }
0x37: {  	[smem:$0x3FB5] =	sst s10  }
0x38: {  	s10 =	sld [smem:$0x3FB6]  }
0x39: {  	_ = 	snop;
	(pc) =	sbr.ind lr, $3  }
0x3a: {  	_ = 	snop  }
0x3b: {  	_ = 	snop  }
0x3c: {  	p2 =	seq.s32 s10, $0x1;
	s10 =	sld [smem:$0x3FB5]  }
0x3d: {  	_ =	shalt  }
0x3e: {  	_ =	shalt  }
0x3f: {  	_ =	shalt  }
0x40: {  	_ =	shalt  }
0x41: {  	_ =	shalt  }
0x42: {  	_ =	shalt  }
0x43: {  	_ =	shalt  }
0x44: {  	_ =	shalt  }
0x45: {  	_ =	shalt  }
0x46: {  	_ =	shalt  }
0x47: {  	_ =	shalt  }
0x48: {  	_ =	shalt  }
0x49: {  	_ =	shalt  }
0x4a: {  	_ =	shalt  }
0x4b: {  	_ =	shalt  }
0x4c: {  	_ =	shalt  }
0x4d: {  	_ =	shalt  }
0x4e: {  	_ =	shalt  }
0x4f: {  	_ =	shalt  }
0x50: {  	_ =	shalt  }
0x51: {  	_ =	shalt  }
0x52: {  	_ =	shalt  }
0x53: {  	_ =	shalt  }
0x54: {  	_ =	shalt  }
0x55: {  	_ =	shalt  }
0x56: {  	_ =	shalt  }
0x57: {  	_ =	shalt  }
0x58: {  	_ =	shalt  }
0x59: {  	_ =	shalt  }
0x5a: {  	_ =	shalt  }
0x5b: {  	_ =	shalt  }
0x5c: {  	_ =	shalt  }
0x5d: {  	_ =	shalt  }
0x5e: {  	_ =	shalt  }
0x5f: {  	_ =	shalt  }
0x60: {  	_ =	shalt  }
0x61: {  	_ =	shalt  }
0x62: {  	_ =	shalt  }
0x63: {  	_ =	shalt  }
0x64: {  	_ =	shalt  }
0x65: {  	_ =	shalt  }
0x66: {  	_ =	shalt  }
0x67: {  	_ =	shalt  }
0x68: {  	_ =	shalt  }
0x69: {  	_ =	shalt  }
0x6a: {  	_ =	shalt  }
0x6b: {  	_ =	shalt  }
0x6c: {  	_ =	shalt  }
0x6d: {  	_ =	shalt  }
0x6e: {  	_ =	shalt  }
0x6f: {  	_ =	shalt  }
0x70: {  	_ =	shalt  }
0x71: {  	_ =	shalt  }
0x72: {  	_ =	shalt  }
0x73: {  	_ =	shalt  }
0x74: {  	_ =	shalt  }
0x75: {  	_ =	shalt  }
0x76: {  	_ =	shalt  }
0x77: {  	_ =	shalt  }
0x78: {  	_ =	shalt  }
0x79: {  	_ =	shalt  }
0x7a: {  	_ =	shalt  }
0x7b: {  	_ =	shalt  }
0x7c: {  	_ =	shalt  }
0x7d: {  	_ =	shalt  }
0x7e: {  	_ =	shalt  }
0x7f: {  	_ =	shalt  }
0x80: {  	_ =	shalt  }
0x81: {  	_ =	shalt  }
0x82: {  	_ =	shalt  }
0x83: {  	_ =	shalt  }
0x84: {  	_ =	shalt  }
0x85: {  	_ =	shalt  }
0x86: {  	_ =	shalt  }
0x87: {  	_ =	shalt  }
.Lfunc_end0:
.L_simem_size_0:
called_computation.1_lowered:
.L_overlay_start_0:
0x88: {  	s2 =	sld [smem:$0x3FD9]  }
0x89: {  	s3 =	sld [smem:$0x3FFE];
	_ =	sdelay $0x1  }
0x8a: {  	s1 =	srdreg.scid  }
0x8b: {  	s0 =	sand.u32 $0x1, s1  }
0x8c: {  	s17 =	sshll.u32 s0, $0xA;
	s2 =	sadd.s32 s3, s2  }
0x8d: {  	s2 =	sadd.s32 s2, s17  }
0x8e: {  	[smem:$0x3FC1] =	sst s2  }
0x8f: {  	_ = 	snop  }
0x90: {  	s2 =	sld [smem:$0x3FD0];
	(tm) =	ssettm $0x1  }
0x91: {  	s18 =	sld [smem:$0x3FFB];
	_ =	sdelay $0x3  }
0x92: {  	_ =	strace s18  }
0x93: {  	s3 =	sld [smem:$0x3FFC];
	_ =	sdelay $0x3  }
0x94: {  	_ =	strace s3  }
0x95: {  	s3 =	sld [smem:$0x3FFD];
	_ =	sdelay $0x3  }
0x96: {  	_ =	strace s3  }
0x97: {  	_ =	strace $0x8FFFFFFF  }
0x98: {  	s19 =	sld [smem:$0x3FDB];
	_ =	sdelay $0x1  }
0x99: {  	s4 =	simm.s32 $_scs_section_size  }
0x9a: {  	s5 =	simm.s32 $_size__tile_overlayer_lowered;
	s6 =	simm.s32 $_tile_overlayer_lowered  }
0x9b: {  	s22 =	simm.s32 $0x1BFF;
	s21 =	sshll.u32 s6, $0x1;
	s3 =	sadd.s32 s4, s19  }
0x9c: {  	s7 =	simm.s32 $0x0;
	s20 =	sshll.u32 s5, $0x1;
	s5 =	sadd.s32 s21, s3  }
0x9d: {  	[timem:s7], [sflag:s22] =	dma.local [hbm:s5], s20  }
0x9e: {  	_ =	swait.ge [sflag:s22], s20  }
0x9f: {  	s4 =	ssub.s32 $0x0, s20;
	[sflag:s22] =	ssyncset.done $0x0  }
0xa0: {  	[sflag:s22] =	ssyncadd.s32 s4;
	_ =	sdelay $0x1  }
0xa1: {  	s23 =	simm.s32 $0x1B8B  }
0xa2: {  	_ =	swait.ge [sflag:s23], $0x1  }
0xa3: {  	[sflag:s23] =	ssyncset.done $0x0  }
0xa4: {  	s25 =	simm.s32 $0x1B8E;
	s24 =	sld [smem:$0x3FFE];
	[sflag:s23] =	ssyncadd.s32 $0xFFFFFFFF  }
0xa5: {  	s26 =	simm.s32 $execute0_lowered;
	[smem:$0x3FD2] =	sst s25  }
0xa6: {  	s5 =	sshll.u32 s26, $0x1;
	_ =	strace $0x80000049;
	[dreg:$0x1] =	wrdreg $0xFFFFFFFF  }
0xa7: {  	s28 =	simm.s32 $_size_execute0_lowered;
	s3 =	sadd.s32 s3, s5;
	[dreg:$0x0] =	wrdreg $0x0  }
0xa8: {  	s5 =	sshll.u32 s28, $0x1;
	[dreg:$0x2] =	wrdreg s3  }
0xa9: {  	[dreg:$0x3] =	wrdreg s5  }
0xaa: {  	[dreg:$0x4] =	wrdreg $0xC0  }
0xab: {  	_ =	task [dreg:s7], $0x5FFFF  }
0xac: {  	[dreg:$0x1] =	wrdreg $0xFFFFFFFF  }
0xad: {  	[dreg:$0x0] =	wrdreg $0x60  }
0xae: {  	[dreg:$0x2] =	wrdreg s24  }
0xaf: {  	[dreg:$0x3] =	wrdreg s2  }
0xb0: {  	[dreg:$0x4] =	wrdreg $0x9  }
0xb1: {  	_ =	task.clear_ibuf [dreg:s7], $0x5FFFF;
	_ =	strace $0x90000049  }
0xb2: {  	s29 =	simm.s32 $0x9;
	_ =	strace $0x8000004B  }
0xb3: {  	_ =	swait.ge [sflag:s29], $0x1  }
0xb4: {  	[sflag:s29] =	ssyncadd.s32 $0xFFFFFFFF  }
0xb5: {  	_ =	strace $0x9000004B  }
0xb6: {  	_ =	sfence  }
0xb7: {  	s30 =	sld [smem:$0x0];
	_ =	sdelay $0x2  }
0xb8: {  	s31 =	sshll.u32 s1, $0xD;
	s1 =	sshrl.u32 s1, $0x2  }
0xb9: {  	s3 =	sand.u32 $0x4000, s31;
	s1 =	sadd.s32 s1, s30  }
0xba: {  	s0 =	sor.u32 s3, s0;
	s1 =	sshll.u32 s1, $0x11  }
0xbb: {  	s0 =	sor.u32 s1, s0  }
0xbc: {  	s0 =	sadd.s32 $0x8F2B, s0  }
0xbd: {  	[sflag:s0] =	ssyncadd.remote.s32 $0x1  }
0xbe: {  	_ =	sfence.sel $0xFFFF  }
0xbf: {  	[dreg:$0x0] =	wrdreg $0xFFFFFFFF;
	(pc) =	sbr.abs _section_cstart, $3  }
0xc0: {  	[dreg:$0x1] =	wrdreg $0xFFFFFFFF  }
0xc1: {  	_ =	task.clear_ibuf [dreg:s7], $0x2FFFF;
	_ =	strace $0x9FFFFFFF  }
0xc2: {  	(tm) =	ssettm $0x7FFFFFFF  }
0xc3: {  	_ =	shalt  }
tec
execute0_lowered:
.L_overlay_start_1:
0x0: {  	(tag) =	ssettag $0x1  }
0x1: {  	s0 =	rddreg [dreg:$0x0]  }
0x2: {  	s1 =	rddreg [dreg:$0x1];
	s2 =	simm.s32 $0x0;
	s3 =	srdreg.scid  }
0x3: {  	s5 =	stileid.u32;
	s15 =	simm.s32 $0x3;
	s16 =	simm.s32 $0x100  }
0x4: {  	s18 =	simm.s32 $0xA100;
	s19 =	simm.s32 $0xA900;
	s20 =	simm.s32 $0xB100  }
0x5: {  	s12 =	simm.s32 $0xF100;
	s13 =	simm.s32 $0x1;
	s28 =	simm.s32 $0x5  }
0x6: {  	s29 =	simm.s32 $0x0;
	[smem:$0x7FF] =	sst s2;
	s4 =	sand.u32 $0x1, s3  }
0x7: {  	s3 =	sadd.s32 $0xBAA00, s0;
	s5 =	sshll.u32 s5, $0x7;
	s9 =	sadd.s32 $0x2800, s0  }
0x8: {  	s10 =	sadd.s32 $0x2200, s0;
	s8 =	sadd.s32 $0xBAD00, s0;
	s6 =	sshll.u32 s4, $0x6  }
0x9: {  	_ =	strace $0x8000004A;
	s4 =	ssub.s32 $0x2, s4;
	s5 =	sor.u32 s6, s5  }
0xa: {  	s21 =	sshrl.u32 s4, $0x1;
	s6 =	sadd.s32 $0xBAB00, s0;
	s7 =	sshrl.u32 s5, $0x3  }
0xb: {  	s4 =	ssub.s32 s4, s21;
	s11 =	sor.u32 $0x20, s5;
	s24 =	sshll.u32 s5, $0x7  }
0xc: {  	s21 =	simm.s32 $0xC100;
	s22 =	sadd.s32 s9, s7;
	s23 =	sadd.s32 s10, s7  }
0xd: {  	s7 =	sadd.s32 $0xBAC00, s0;
	s25 =	sshrl.u32 s11, $0x3;
	s0 =	sadd.s32 s1, s24  }
0xe: {  	s30 =	sshll.u32 s11, $0x7;
	s31 =	smax.u32 s4, $0x1;
	[dreg:$0x3] =	wrdreg s22  }
0xf: {  	s11 =	simm.s32 $0xE100;
	s24 =	simm.s32 $0xE900;
	[dreg:$0x4] =	wrdreg s23  }
0x10: {  	[dreg:$0x5] =	wrdreg s0;
	s26 =	sadd.s32 s9, s25;
	s5 =	sadd.s32 s10, s25  }
0x11: {  	s0 =	sadd.s32 s1, s30;
	[dreg:$0x9] =	wrdreg s31;
	s1 =	simm.s32 $0x4  }
0x12: {  	v2 =	vlaneseq.u32;
	s9 =	simm.s32 $0xB900;
	s10 =	simm.s32 $0xC900;
	[dreg:$0x6] =	wrdreg s26  }
0x13: {  	vm0 =	vmmov $0xffff;
	v1 =	vshrl.u32 v2, $0x3;
	s22 =	simm.s32 $0xD100;
	s23 =	simm.s32 $0xD900;
	[dreg:$0x7] =	wrdreg s5  }
0x14: {  	v0 =	vand.u32 $0x7, v2;
	v2 =	vor.u32 $0x8, v2;
	v1 =	vmul.u32 $0x8, v1;
	s25 =	simm.s32 $0xF900;
	[dreg:$0x8] =	wrdreg s0;
	s26 =	simm.s32 $0x2  }
.LBB2_1:
0x15: {  	s0 =	rddreg [dreg:$0x3]  }
0x16: {  	[tilespmem:s2], [sflag:$0x3] =	stream.linear.gather [hbm4b:s0+s2], $0x20, $0x38;
	[tilespmem:$0x10100] =	vst v63  }
0x17: {  	s17 =	rddreg [dreg:$0x4];
	s4 =	simm.s32 $0x80  }
0x18: {  	[tilespmem:s4], [sflag:$0x4] =	stream.linear.gather [hbm4b:s17+s2], $0x20, $0x38;
	[tilespmem:$0x10100] =	vst v63  }
0x19: {  	_ =	swait.ge [sflag:s15], $0x20  }
0x1a: {  	[sflag:s15] =	ssyncset.done $0x0  }
0x1b: {  	[sflag:s15] =	ssyncadd.s32 $0xFFFFFFE0  }
0x1c: {  	v3 =	vld [tilespmem:$0x0];
	_ =	sdelay $0x4  }
0x1d: {  	v4 =	vshll.u32 v3, $0x3  }
0x1e: {  	v3 =	vand.u32 $0x7, v3;
	v4 =	vand.u32 $0xFFFFFFC0, v4  }
0x1f: {  	v3 =	vor.u32 v3, v4  }
0x20: {  	v4 =	vperm.xlane v3, v0;
	_ =	sdelay $0x1  }
0x21: {  	v4 =	vadd.s32 v1, v4;
	_ =	sdelay $0x4  }
0x22: {  	[tilespmem:s16], [sflag:$0x1] =	stream.indirect_vreg.gather [hbm4b:s3+s2], $0x80, v4, vm0, $0xb8;
	[tilespmem:$0x10100] =	vst v63  }
0x23: {  	s5 =	simm.s32 $0x900;
	v3 =	vperm.xlane v3, v2  }
0x24: {  	[tilespmem:s5], [sflag:$0x1] =	stream.indirect_vreg.gather [hbm4b:s6+s2], $0x80, v4, vm0, $0xb8;
	[tilespmem:$0x10100] =	vst v63  }
0x25: {  	s14 =	simm.s32 $0x1100;
	v3 =	vadd.s32 v1, v3  }
0x26: {  	[tilespmem:s14], [sflag:$0x1] =	stream.indirect_vreg.gather [hbm4b:s7+s2], $0x80, v4, vm0, $0xb8;
	[tilespmem:$0x10100] =	vst v63  }
0x27: {  	s17 =	simm.s32 $0x1900  }
0x28: {  	[tilespmem:s17], [sflag:$0x1] =	stream.indirect_vreg.gather [hbm4b:s8+s2], $0x80, v4, vm0, $0xb8;
	[tilespmem:$0x10100] =	vst v63  }
0x29: {  	s4 =	simm.s32 $0x2100  }
0x2a: {  	[tilespmem:s4], [sflag:$0x1] =	stream.indirect_vreg.gather [hbm4b:s3+s2], $0x80, v3, vm0, $0xb8;
	[tilespmem:$0x10100] =	vst v63  }
0x2b: {  	s5 =	simm.s32 $0x2900  }
0x2c: {  	[tilespmem:s5], [sflag:$0x1] =	stream.indirect_vreg.gather [hbm4b:s6+s2], $0x80, v3, vm0, $0xb8;
	[tilespmem:$0x10100] =	vst v63  }
0x2d: {  	s14 =	simm.s32 $0x3100  }
0x2e: {  	[tilespmem:s14], [sflag:$0x1] =	stream.indirect_vreg.gather [hbm4b:s7+s2], $0x80, v3, vm0, $0xb8;
	[tilespmem:$0x10100] =	vst v63  }
0x2f: {  	s17 =	simm.s32 $0x3900  }
0x30: {  	[tilespmem:s17], [sflag:$0x1] =	stream.indirect_vreg.gather [hbm4b:s8+s2], $0x80, v3, vm0, $0xb8;
	[tilespmem:$0x10100] =	vst v63  }
0x31: {  	v3 =	vld [tilespmem:$0x10];
	_ =	sdelay $0x4  }
0x32: {  	v61 =	vshll.u32 v3, $0x3  }
0x33: {  	v3 =	vand.u32 $0x7, v3;
	v4 =	vand.u32 $0xFFFFFFC0, v61  }
0x34: {  	v3 =	vor.u32 v3, v4  }
0x35: {  	v4 =	vperm.xlane v3, v0;
	_ =	sdelay $0x1  }
0x36: {  	v4 =	vadd.s32 v1, v4;
	_ =	sdelay $0x3  }
0x37: {  	s4 =	simm.s32 $0x4100  }
0x38: {  	[tilespmem:s4], [sflag:$0x1] =	stream.indirect_vreg.gather [hbm4b:s3+s2], $0x80, v4, vm0, $0xb8;
	[tilespmem:$0x10100] =	vst v63  }
0x39: {  	s5 =	simm.s32 $0x4900;
	v3 =	vperm.xlane v3, v2  }
0x3a: {  	[tilespmem:s5], [sflag:$0x1] =	stream.indirect_vreg.gather [hbm4b:s6+s2], $0x80, v4, vm0, $0xb8;
	[tilespmem:$0x10100] =	vst v63  }
0x3b: {  	s14 =	simm.s32 $0x5100;
	v3 =	vadd.s32 v1, v3  }
0x3c: {  	[tilespmem:s14], [sflag:$0x1] =	stream.indirect_vreg.gather [hbm4b:s7+s2], $0x80, v4, vm0, $0xb8;
	[tilespmem:$0x10100] =	vst v63  }
0x3d: {  	s17 =	simm.s32 $0x5900  }
0x3e: {  	[tilespmem:s17], [sflag:$0x1] =	stream.indirect_vreg.gather [hbm4b:s8+s2], $0x80, v4, vm0, $0xb8;
	[tilespmem:$0x10100] =	vst v63  }
0x3f: {  	s4 =	simm.s32 $0x6100  }
0x40: {  	[tilespmem:s4], [sflag:$0x1] =	stream.indirect_vreg.gather [hbm4b:s3+s2], $0x80, v3, vm0, $0xb8;
	[tilespmem:$0x10100] =	vst v63  }
0x41: {  	s5 =	simm.s32 $0x6900  }
0x42: {  	[tilespmem:s5], [sflag:$0x1] =	stream.indirect_vreg.gather [hbm4b:s6+s2], $0x80, v3, vm0, $0xb8;
	[tilespmem:$0x10100] =	vst v63  }
0x43: {  	s14 =	simm.s32 $0x7100  }
0x44: {  	[tilespmem:s14], [sflag:$0x1] =	stream.indirect_vreg.gather [hbm4b:s7+s2], $0x80, v3, vm0, $0xb8;
	[tilespmem:$0x10100] =	vst v63  }
0x45: {  	s17 =	simm.s32 $0x7900  }
0x46: {  	[tilespmem:s17], [sflag:$0x1] =	stream.indirect_vreg.gather [hbm4b:s8+s2], $0x80, v3, vm0, $0xb8;
	[tilespmem:$0x10100] =	vst v63  }
0x47: {  	_ =	swait.ge [sflag:s1], $0x20  }
0x48: {  	[sflag:s1] =	ssyncset.done $0x0  }
0x49: {  	[sflag:s1] =	ssyncadd.s32 $0xFFFFFFE0  }
0x4a: {  	v3 =	vld [tilespmem:$0x80];
	_ =	sdelay $0x4  }
0x4b: {  	v62 =	vshll.u32 v3, $0x3  }
0x4c: {  	v3 =	vand.u32 $0x7, v3;
	v4 =	vand.u32 $0xFFFFFFC0, v62  }
0x4d: {  	v3 =	vor.u32 v3, v4  }
0x4e: {  	v4 =	vperm.xlane v3, v0;
	_ =	sdelay $0x1  }
0x4f: {  	v4 =	vadd.s32 v1, v4;
	_ =	sdelay $0x3  }
0x50: {  	s4 =	simm.s32 $0x8100  }
0x51: {  	[tilespmem:s4], [sflag:$0x2] =	stream.indirect_vreg.gather [hbm4b:s3+s2], $0x80, v4, vm0, $0xb8;
	[tilespmem:$0x10100] =	vst v63  }
0x52: {  	s5 =	simm.s32 $0x8900;
	v3 =	vperm.xlane v3, v2  }
0x53: {  	[tilespmem:s5], [sflag:$0x2] =	stream.indirect_vreg.gather [hbm4b:s6+s2], $0x80, v4, vm0, $0xb8;
	[tilespmem:$0x10100] =	vst v63  }
0x54: {  	s14 =	simm.s32 $0x9100;
	v3 =	vadd.s32 v1, v3  }
0x55: {  	[tilespmem:s14], [sflag:$0x2] =	stream.indirect_vreg.gather [hbm4b:s7+s2], $0x80, v4, vm0, $0xb8;
	[tilespmem:$0x10100] =	vst v63  }
0x56: {  	s17 =	simm.s32 $0x9900  }
0x57: {  	[tilespmem:s17], [sflag:$0x2] =	stream.indirect_vreg.gather [hbm4b:s8+s2], $0x80, v4, vm0, $0xb8;
	[tilespmem:$0x10100] =	vst v63  }
0x58: {  	_ = 	snop  }
0x59: {  	[tilespmem:s18], [sflag:$0x2] =	stream.indirect_vreg.gather [hbm4b:s3+s2], $0x80, v3, vm0, $0xb8;
	[tilespmem:$0x10100] =	vst v63  }
0x5a: {  	_ = 	snop  }
0x5b: {  	[tilespmem:s19], [sflag:$0x2] =	stream.indirect_vreg.gather [hbm4b:s6+s2], $0x80, v3, vm0, $0xb8;
	[tilespmem:$0x10100] =	vst v63  }
0x5c: {  	_ = 	snop  }
0x5d: {  	[tilespmem:s20], [sflag:$0x2] =	stream.indirect_vreg.gather [hbm4b:s7+s2], $0x80, v3, vm0, $0xb8;
	[tilespmem:$0x10100] =	vst v63  }
0x5e: {  	_ = 	snop  }
0x5f: {  	[tilespmem:s9], [sflag:$0x2] =	stream.indirect_vreg.gather [hbm4b:s8+s2], $0x80, v3, vm0, $0xb8;
	[tilespmem:$0x10100] =	vst v63  }
0x60: {  	v3 =	vld [tilespmem:$0x90];
	_ =	sdelay $0x4  }
0x61: {  	v63 =	vshll.u32 v3, $0x3  }
0x62: {  	v3 =	vand.u32 $0x7, v3;
	v4 =	vand.u32 $0xFFFFFFC0, v63  }
0x63: {  	v3 =	vor.u32 v3, v4  }
0x64: {  	v4 =	vperm.xlane v3, v0;
	_ =	sdelay $0x1  }
0x65: {  	v4 =	vadd.s32 v1, v4;
	_ =	sdelay $0x4  }
0x66: {  	[tilespmem:s21], [sflag:$0x2] =	stream.indirect_vreg.gather [hbm4b:s3+s2], $0x80, v4, vm0, $0xb8;
	[tilespmem:$0x10100] =	vst v63  }
0x67: {  	v3 =	vperm.xlane v3, v2  }
0x68: {  	[tilespmem:s10], [sflag:$0x2] =	stream.indirect_vreg.gather [hbm4b:s6+s2], $0x80, v4, vm0, $0xb8;
	[tilespmem:$0x10100] =	vst v63  }
0x69: {  	v3 =	vadd.s32 v1, v3  }
0x6a: {  	[tilespmem:s22], [sflag:$0x2] =	stream.indirect_vreg.gather [hbm4b:s7+s2], $0x80, v4, vm0, $0xb8;
	[tilespmem:$0x10100] =	vst v63  }
0x6b: {  	_ = 	snop  }
0x6c: {  	[tilespmem:s23], [sflag:$0x2] =	stream.indirect_vreg.gather [hbm4b:s8+s2], $0x80, v4, vm0, $0xb8;
	[tilespmem:$0x10100] =	vst v63  }
0x6d: {  	_ = 	snop  }
0x6e: {  	[tilespmem:s11], [sflag:$0x2] =	stream.indirect_vreg.gather [hbm4b:s3+s2], $0x80, v3, vm0, $0xb8;
	[tilespmem:$0x10100] =	vst v63  }
0x6f: {  	_ = 	snop  }
0x70: {  	[tilespmem:s24], [sflag:$0x2] =	stream.indirect_vreg.gather [hbm4b:s6+s2], $0x80, v3, vm0, $0xb8;
	[tilespmem:$0x10100] =	vst v63  }
0x71: {  	_ = 	snop  }
0x72: {  	[tilespmem:s12], [sflag:$0x2] =	stream.indirect_vreg.gather [hbm4b:s7+s2], $0x80, v3, vm0, $0xb8;
	[tilespmem:$0x10100] =	vst v63  }
0x73: {  	_ = 	snop  }
0x74: {  	[tilespmem:s25], [sflag:$0x2] =	stream.indirect_vreg.gather [hbm4b:s8+s2], $0x80, v3, vm0, $0xb8;
	[tilespmem:$0x10100] =	vst v63  }
0x75: {  	_ =	swait.ge [sflag:s13], $0x8000  }
0x76: {  	[sflag:s13] =	ssyncset.done $0x0  }
0x77: {  	[sflag:s13] =	ssyncadd.s32 $0xFFFF8000  }
0x78: {  	_ =	swait.ge [sflag:s26], $0x8000  }
0x79: {  	s30 =	simm.s32 $0xFFFF8000;
	s31 =	simm.s32 $0x0;
	[sflag:s26] =	ssyncset.done $0x0  }
0x7a: {  	s0 =	simm.s32 $0x0;
	s4 =	simm.s32 $0x0;
	[sflag:s26] =	ssyncadd.s32 $0xFFFF8000  }
.LBB2_2:
0x7b: {  	s5 =	sadd.s32 $0x8000, s30  }
0x7c: {  	s14 =	sand.u32 $0x380, s4;
	s5 =	sand.u32 $0x6000, s5  }
0x7d: {  	s5 =	sor.u32 s14, s5  }
0x7e: {  	v3 =	vld [tilespmem:s5+$0x100]  }
0x7f: {  	v4 =	vld [tilespmem:s5+$0x8100]  }
0x80: {  	v5 =	vld [tilespmem:s5+$0x110]  }
0x81: {  	v6 =	vld [tilespmem:s5+$0x8110]  }
0x82: {  	v7 =	vld [tilespmem:s5+$0x120]  }
0x83: {  	v8 =	vld [tilespmem:s5+$0x8120]  }
0x84: {  	v9 =	vld [tilespmem:s5+$0x130]  }
0x85: {  	v10 =	vld [tilespmem:s5+$0x8130]  }
0x86: {  	v11 =	vld [tilespmem:s5+$0x140]  }
0x87: {  	v12 =	vld [tilespmem:s5+$0x8140]  }
0x88: {  	v13 =	vld [tilespmem:s5+$0x150]  }
0x89: {  	v14 =	vld [tilespmem:s5+$0x8150]  }
0x8a: {  	v15 =	vld [tilespmem:s5+$0x160]  }
0x8b: {  	v16 =	vld [tilespmem:s5+$0x8160]  }
0x8c: {  	v17 =	vld [tilespmem:s5+$0x170]  }
0x8d: {  	v18 =	vld [tilespmem:s5+$0x8170]  }
0x8e: {  	v19 =	vld [tilespmem:s5+$0x500]  }
0x8f: {  	v20 =	vld [tilespmem:s5+$0x8500]  }
0x90: {  	v21 =	vld [tilespmem:s5+$0x510]  }
0x91: {  	v22 =	vld [tilespmem:s5+$0x8510]  }
0x92: {  	v23 =	vld [tilespmem:s5+$0x520]  }
0x93: {  	v24 =	vld [tilespmem:s5+$0x8520]  }
0x94: {  	v25 =	vld [tilespmem:s5+$0x530]  }
0x95: {  	v26 =	vld [tilespmem:s5+$0x8530]  }
0x96: {  	v27 =	vld [tilespmem:s5+$0x540]  }
0x97: {  	v28 =	vld [tilespmem:s5+$0x8540]  }
0x98: {  	v29 =	vld [tilespmem:s5+$0x550]  }
0x99: {  	v30 =	vld [tilespmem:s5+$0x8550]  }
0x9a: {  	v31 =	vld [tilespmem:s5+$0x560]  }
0x9b: {  	v32 =	vld [tilespmem:s5+$0x8560]  }
0x9c: {  	v33 =	vld [tilespmem:s5+$0x570]  }
0x9d: {  	v34 =	vld [tilespmem:s5+$0x8570]  }
0x9e: {  	v35 =	vld [tilespmem:s5+$0x900]  }
0x9f: {  	v36 =	vld [tilespmem:s5+$0x8900]  }
0xa0: {  	v37 =	vld [tilespmem:s5+$0x910]  }
0xa1: {  	v38 =	vld [tilespmem:s5+$0x8910]  }
0xa2: {  	v39 =	vld [tilespmem:s5+$0x920]  }
0xa3: {  	v40 =	vld [tilespmem:s5+$0x8920]  }
0xa4: {  	v41 =	vld [tilespmem:s5+$0x930]  }
0xa5: {  	v42 =	vld [tilespmem:s5+$0x8930]  }
0xa6: {  	v43 =	vld [tilespmem:s5+$0x940]  }
0xa7: {  	v44 =	vld [tilespmem:s5+$0x8940]  }
0xa8: {  	v45 =	vld [tilespmem:s5+$0x950]  }
0xa9: {  	v46 =	vld [tilespmem:s5+$0x8950]  }
0xaa: {  	v47 =	vld [tilespmem:s5+$0x960]  }
0xab: {  	v48 =	vld [tilespmem:s5+$0x8960]  }
0xac: {  	v49 =	vld [tilespmem:s5+$0x970]  }
0xad: {  	v50 =	vld [tilespmem:s5+$0x8970]  }
0xae: {  	v51 =	vld [tilespmem:s5+$0xD00]  }
0xaf: {  	v52 =	vld [tilespmem:s5+$0x8D00]  }
0xb0: {  	v53 =	vld [tilespmem:s5+$0xD10]  }
0xb1: {  	v54 =	vld [tilespmem:s5+$0x8D10]  }
0xb2: {  	v55 =	vld [tilespmem:s5+$0xD20]  }
0xb3: {  	v56 =	vld [tilespmem:s5+$0x8D20]  }
0xb4: {  	v57 =	vld [tilespmem:s5+$0xD30]  }
0xb5: {  	v58 =	vld [tilespmem:s5+$0x8D30]  }
0xb6: {  	v59 =	vld [tilespmem:s5+$0xD40]  }
0xb7: {  	v60 =	vld [tilespmem:s5+$0x8D40]  }
0xb8: {  	v61 =	vld [tilespmem:s5+$0xD50]  }
0xb9: {  	v62 =	vld [tilespmem:s5+$0x8D50]  }
0xba: {  	v63 =	vld [tilespmem:s5+$0xD60]  }
0xbb: {  	v3 =	vadd.f32 v4, v3;
	v4 =	vld [tilespmem:s5+$0x8D60]  }
0xbc: {  	v5 =	vadd.f32 v6, v5;
	v6 =	vld [tilespmem:s5+$0xD70]  }
0xbd: {  	v14 =	vadd.f32 v14, v13;
	v13 =	vld [tilespmem:s5+$0x9120];
	[tilespmem:s5+$0x100] =	vst v3;
	v3 =	vadd.f32 v8, v7  }
0xbe: {  	v18 =	vadd.f32 v18, v17;
	v17 =	vld [tilespmem:s5+$0x9140];
	[tilespmem:s5+$0x110] =	vst v5  }
0xbf: {  	v22 =	vadd.f32 v22, v21;
	v21 =	vld [tilespmem:s5+$0x9160];
	[tilespmem:s5+$0x120] =	vst v3;
	v3 =	vadd.f32 v12, v11  }
0xc0: {  	v7 =	vld [tilespmem:s5+$0x8D70];
	[tilespmem:s5+$0x150] =	vst v14  }
0xc1: {  	v8 =	vld [tilespmem:s5+$0x1100];
	[tilespmem:s5+$0x140] =	vst v3;
	v3 =	vadd.f32 v16, v15  }
0xc2: {  	v5 =	vadd.f32 v10, v9;
	v9 =	vld [tilespmem:s5+$0x9100];
	[tilespmem:s5+$0x170] =	vst v18  }
0xc3: {  	v10 =	vld [tilespmem:s5+$0x1110];
	[tilespmem:s5+$0x160] =	vst v3;
	v3 =	vadd.f32 v20, v19  }
0xc4: {  	v26 =	vadd.f32 v26, v25;
	v14 =	vld [tilespmem:s5+$0x1130];
	[tilespmem:s5+$0x510] =	vst v22  }
0xc5: {  	v18 =	vld [tilespmem:s5+$0x1150];
	[tilespmem:s5+$0x500] =	vst v3;
	v3 =	vadd.f32 v24, v23  }
0xc6: {  	v30 =	vadd.f32 v30, v29;
	[tilespmem:s5+$0x530] =	vst v26;
	v22 =	vld [tilespmem:s5+$0x1170]  }
0xc7: {  	v19 =	vld [tilespmem:s5+$0x9150];
	[tilespmem:s5+$0x520] =	vst v3;
	v3 =	vadd.f32 v28, v27  }
0xc8: {  	v34 =	vadd.f32 v34, v33;
	[tilespmem:s5+$0x550] =	vst v30;
	v11 =	vld [tilespmem:s5+$0x9110]  }
0xc9: {  	v12 =	vld [tilespmem:s5+$0x1120];
	[tilespmem:s5+$0x540] =	vst v3;
	v3 =	vadd.f32 v32, v31  }
0xca: {  	[tilespmem:s5+$0x570] =	vst v34;
	v15 =	vld [tilespmem:s5+$0x9130]  }
0xcb: {  	v16 =	vld [tilespmem:s5+$0x1140];
	[tilespmem:s5+$0x560] =	vst v3;
	v3 =	vadd.f32 v36, v35  }
0xcc: {  	[tilespmem:s5+$0x130] =	vst v5;
	v20 =	vld [tilespmem:s5+$0x1160];
	v19 =	vadd.f32 v19, v18  }
0xcd: {  	v24 =	vld [tilespmem:s5+$0x1500];
	[tilespmem:s5+$0x900] =	vst v3;
	v3 =	vadd.f32 v40, v39  }
0xce: {  	[tilespmem:s5+$0x1150] =	vst v19;
	v36 =	vadd.f32 v38, v37;
	v37 =	vld [tilespmem:s5+$0x9170]  }
0xcf: {  	v38 =	vadd.f32 v42, v41;
	v41 =	vld [tilespmem:s5+$0x1510];
	[tilespmem:s5+$0x920] =	vst v3;
	v3 =	vadd.f32 v44, v43  }
0xd0: {  	v42 =	vld [tilespmem:s5+$0x9510];
	[tilespmem:s5+$0x910] =	vst v36  }
0xd1: {  	v35 =	vld [tilespmem:s5+$0x1910];
	[tilespmem:s5+$0x940] =	vst v3;
	v3 =	vadd.f32 v48, v47  }
0xd2: {  	v39 =	vld [tilespmem:s5+$0x9500];
	[tilespmem:s5+$0x930] =	vst v38;
	v40 =	vadd.f32 v46, v45  }
0xd3: {  	v45 =	vld [tilespmem:s5+$0x9520];
	[tilespmem:s5+$0x960] =	vst v3;
	v3 =	vadd.f32 v52, v51  }
0xd4: {  	v46 =	vadd.f32 v54, v53;
	v53 =	vld [tilespmem:s5+$0x1550];
	[tilespmem:s5+$0x950] =	vst v40  }
0xd5: {  	v54 =	vld [tilespmem:s5+$0x9550];
	[tilespmem:s5+$0xD00] =	vst v3;
	v3 =	vadd.f32 v56, v55  }
0xd6: {  	v36 =	vld [tilespmem:s5+$0x9910];
	v43 =	vadd.f32 v50, v49;
	[tilespmem:s5+$0xD10] =	vst v46  }
0xd7: {  	v38 =	vld [tilespmem:s5+$0x1920];
	[tilespmem:s5+$0xD20] =	vst v3;
	v3 =	vadd.f32 v60, v59  }
0xd8: {  	v44 =	vld [tilespmem:s5+$0x1520];
	v49 =	vadd.f32 v58, v57;
	[tilespmem:s5+$0x970] =	vst v43  }
0xd9: {  	v50 =	vld [tilespmem:s5+$0x1540];
	[tilespmem:s5+$0xD40] =	vst v3;
	v3 =	vadd.f32 v4, v63  }
0xda: {  	v57 =	vld [tilespmem:s5+$0x9560];
	v58 =	vadd.f32 v11, v10;
	[tilespmem:s5+$0xD30] =	vst v49  }
0xdb: {  	v46 =	vld [tilespmem:s5+$0x9950];
	[tilespmem:s5+$0xD60] =	vst v3;
	v3 =	vadd.f32 v9, v8  }
0xdc: {  	v37 =	vadd.f32 v37, v22;
	v40 =	vadd.f32 v42, v41;
	v41 =	vld [tilespmem:s5+$0x1930];
	[tilespmem:s5+$0x1110] =	vst v58  }
0xdd: {  	v42 =	vld [tilespmem:s5+$0x9930];
	[tilespmem:s5+$0x1100] =	vst v3;
	v3 =	vadd.f32 v13, v12  }
0xde: {  	v47 =	vld [tilespmem:s5+$0x1530];
	[tilespmem:s5+$0x1170] =	vst v37  }
0xdf: {  	v48 =	vld [tilespmem:s5+$0x9530];
	[tilespmem:s5+$0x1120] =	vst v3;
	v3 =	vadd.f32 v17, v16  }
0xe0: {  	v49 =	vld [tilespmem:s5+$0x9960];
	[tilespmem:s5+$0x1510] =	vst v40;
	v52 =	vadd.f32 v62, v61  }
0xe1: {  	v51 =	vld [tilespmem:s5+$0x9540];
	[tilespmem:s5+$0x1140] =	vst v3;
	v3 =	vadd.f32 v21, v20  }
0xe2: {  	v61 =	vadd.f32 v15, v14;
	v62 =	vld [tilespmem:s5+$0x1900];
	[tilespmem:s5+$0xD50] =	vst v52  }
0xe3: {  	v56 =	vld [tilespmem:s5+$0x1560];
	[tilespmem:s5+$0x1160] =	vst v3;
	v3 =	vadd.f32 v39, v24  }
0xe4: {  	v55 =	vadd.f32 v7, v6;
	[tilespmem:s5+$0x1130] =	vst v61;
	v52 =	vld [tilespmem:s5+$0x9970]  }
0xe5: {  	v43 =	vadd.f32 v48, v47;
	v47 =	vld [tilespmem:s5+$0x1960];
	[tilespmem:s5+$0x1500] =	vst v3;
	v3 =	vadd.f32 v45, v44  }
0xe6: {  	[tilespmem:s5+$0xD70] =	vst v55;
	v63 =	vld [tilespmem:s5+$0x9900]  }
0xe7: {  	v59 =	vld [tilespmem:s5+$0x1570];
	[tilespmem:s5+$0x1520] =	vst v3;
	v3 =	vadd.f32 v51, v50  }
0xe8: {  	[tilespmem:s5+$0x1530] =	vst v43;
	v4 =	vadd.f32 v54, v53;
	v39 =	vld [tilespmem:s5+$0x9920]  }
0xe9: {  	v60 =	vld [tilespmem:s5+$0x9570];
	[tilespmem:s5+$0x1540] =	vst v3;
	v3 =	vadd.f32 v57, v56  }
0xea: {  	v54 =	vadd.f32 v42, v41;
	[tilespmem:s5+$0x1550] =	vst v4;
	v45 =	vld [tilespmem:s5+$0x1950]  }
0xeb: {  	v53 =	vld [tilespmem:s5+$0x9940];
	[tilespmem:s5+$0x1560] =	vst v3;
	v3 =	vadd.f32 v63, v62  }
0xec: {  	[tilespmem:s5+$0x1930] =	vst v54;
	v55 =	vadd.f32 v49, v47;
	v50 =	vld [tilespmem:s5+$0x1970]  }
0xed: {  	v44 =	vld [tilespmem:s5+$0x1940];
	[tilespmem:s5+$0x1900] =	vst v3;
	v3 =	vadd.f32 v39, v38  }
0xee: {  	v48 =	vadd.f32 v60, v59;
	[tilespmem:s5+$0x1960] =	vst v55  }
0xef: {  	[tilespmem:s5+$0x1920] =	vst v3;
	v3 =	vadd.f32 v46, v45  }
0xf0: {  	s17 =	sand.u32 $0x7, s31;
	[tilespmem:s5+$0x1570] =	vst v48;
	v51 =	vadd.f32 v36, v35  }
0xf1: {  	s14 =	sshll.u32 s17, $0x7;
	[tilespmem:s5+$0x1950] =	vst v3;
	v3 =	vadd.f32 v52, v50  }
0xf2: {  	s14 =	sadd.s32 s14, s0;
	[tilespmem:s5+$0x1910] =	vst v51;
	v56 =	vadd.f32 v53, v44  }
0xf3: {  	s17 =	sor.u32 $0x1C00, s14;
	[tilespmem:s5+$0x1970] =	vst v3  }
0xf4: {  	[tilespmem:s5+$0x1940] =	vst v56;
	v3 =	vld [tilespmem:s17+$0x100]  }
0xf5: {  	v4 =	vld [tilespmem:s17+$0x8100];
	_ =	sdelay $0x4  }
0xf6: {  	v3 =	vadd.f32 v4, v3;
	_ =	sdelay $0x1  }
0xf7: {  	[tilespmem:s17+$0x100] =	vst v3;
	s17 =	sor.u32 $0x1C10, s14  }
0xf8: {  	v3 =	vld [tilespmem:s17+$0x100]  }
0xf9: {  	v57 =	vld [tilespmem:s17+$0x8100];
	_ =	sdelay $0x4  }
0xfa: {  	v3 =	vadd.f32 v57, v3;
	_ =	sdelay $0x1  }
0xfb: {  	[tilespmem:s17+$0x100] =	vst v3;
	s17 =	sor.u32 $0x1C20, s14  }
0xfc: {  	v3 =	vld [tilespmem:s17+$0x100]  }
0xfd: {  	v58 =	vld [tilespmem:s17+$0x8100];
	_ =	sdelay $0x4  }
0xfe: {  	v3 =	vadd.f32 v58, v3;
	_ =	sdelay $0x1  }
0xff: {  	[tilespmem:s17+$0x100] =	vst v3;
	s17 =	sor.u32 $0x1C30, s14  }
0x100: {  	v3 =	vld [tilespmem:s17+$0x100]  }
0x101: {  	v59 =	vld [tilespmem:s17+$0x8100];
	_ =	sdelay $0x4  }
0x102: {  	v3 =	vadd.f32 v59, v3;
	_ =	sdelay $0x1  }
0x103: {  	[tilespmem:s17+$0x100] =	vst v3;
	s17 =	sor.u32 $0x1C40, s14  }
0x104: {  	v3 =	vld [tilespmem:s17+$0x100]  }
0x105: {  	v60 =	vld [tilespmem:s17+$0x8100];
	_ =	sdelay $0x4  }
0x106: {  	v3 =	vadd.f32 v60, v3;
	_ =	sdelay $0x1  }
0x107: {  	[tilespmem:s17+$0x100] =	vst v3;
	s17 =	sor.u32 $0x1C50, s14  }
0x108: {  	v3 =	vld [tilespmem:s17+$0x100]  }
0x109: {  	v61 =	vld [tilespmem:s17+$0x8100];
	_ =	sdelay $0x4  }
0x10a: {  	v3 =	vadd.f32 v61, v3;
	_ =	sdelay $0x1  }
0x10b: {  	[tilespmem:s17+$0x100] =	vst v3;
	s17 =	sor.u32 $0x1C60, s14  }
0x10c: {  	v3 =	vld [tilespmem:s17+$0x100]  }
0x10d: {  	v62 =	vld [tilespmem:s17+$0x8100];
	_ =	sdelay $0x4  }
0x10e: {  	v3 =	vadd.f32 v62, v3;
	_ =	sdelay $0x1  }
0x10f: {  	[tilespmem:s17+$0x100] =	vst v3;
	s17 =	sor.u32 $0x1C70, s14  }
0x110: {  	v3 =	vld [tilespmem:s17+$0x100]  }
0x111: {  	v63 =	vld [tilespmem:s17+$0x8100];
	_ =	sdelay $0x1  }
0x112: {  	p0 =	sne.s32 s4, $0xF80  }
.Ltmp0:
0x113: {  	_ = 	snop;
	(pc) =	sbr.rel @p0 .LBB2_2-.Ltmp0, $4  }
0x114: {  	_ = 	snop  }
0x115: {  	v3 =	vadd.f32 v63, v3  }
0x116: {  	s31 =	sadd.s32 $0x1, s31  }
0x117: {  	s30 =	sadd.s32 $0x400, s30;
	s4 =	sadd.s32 $0x80, s4;
	s0 =	sadd.s32 $0x400, s0;
	[tilespmem:s17+$0x100] =	vst v3  }
0x118: {  	s30 =	simm.s32 $0x0;
	s0 =	rddreg [dreg:$0x5]  }
0x119: {  	[hbm4b:s0+s30] =	stream.linear.scatter [tilespmem:s16], [sflag:$0x5], $0x8000, $0x38;
	[tilespmem:$0x10100] =	vst v63  }
0x11a: {  	_ =	swait.ge [sflag:s28], $0x8000  }
0x11b: {  	[sflag:s28] =	ssyncset.done $0x0  }
0x11c: {  	s14 =	rddreg [dreg:$0x6];
	[sflag:s28] =	ssyncadd.s32 $0xFFFF8000  }
0x11d: {  	[tilespmem:s30], [sflag:$0x3] =	stream.linear.gather [hbm4b:s14+s30], $0x20, $0x38;
	[tilespmem:$0x10100] =	vst v63  }
0x11e: {  	s4 =	simm.s32 $0x80;
	s17 =	rddreg [dreg:$0x7]  }
0x11f: {  	[tilespmem:s4], [sflag:$0x4] =	stream.linear.gather [hbm4b:s17+s30], $0x20, $0x38;
	[tilespmem:$0x10100] =	vst v63  }
0x120: {  	_ =	swait.ge [sflag:s15], $0x20  }
0x121: {  	[sflag:s15] =	ssyncset.done $0x0  }
0x122: {  	[sflag:s15] =	ssyncadd.s32 $0xFFFFFFE0  }
0x123: {  	v3 =	vld [tilespmem:$0x0];
	_ =	sdelay $0x4  }
0x124: {  	v4 =	vshll.u32 v3, $0x3  }
0x125: {  	v3 =	vand.u32 $0x7, v3;
	v4 =	vand.u32 $0xFFFFFFC0, v4  }
0x126: {  	v3 =	vor.u32 v3, v4  }
0x127: {  	v4 =	vperm.xlane v3, v0;
	_ =	sdelay $0x1  }
0x128: {  	v4 =	vadd.s32 v1, v4;
	_ =	sdelay $0x4  }
0x129: {  	[tilespmem:s16], [sflag:$0x1] =	stream.indirect_vreg.gather [hbm4b:s3+s30], $0x80, v4, vm0, $0xb8;
	[tilespmem:$0x10100] =	vst v63  }
0x12a: {  	s5 =	simm.s32 $0x900;
	v3 =	vperm.xlane v3, v2  }
0x12b: {  	[tilespmem:s5], [sflag:$0x1] =	stream.indirect_vreg.gather [hbm4b:s6+s30], $0x80, v4, vm0, $0xb8;
	[tilespmem:$0x10100] =	vst v63  }
0x12c: {  	s14 =	simm.s32 $0x1100;
	v3 =	vadd.s32 v1, v3  }
0x12d: {  	[tilespmem:s14], [sflag:$0x1] =	stream.indirect_vreg.gather [hbm4b:s7+s30], $0x80, v4, vm0, $0xb8;
	[tilespmem:$0x10100] =	vst v63  }
0x12e: {  	s17 =	simm.s32 $0x1900  }
0x12f: {  	[tilespmem:s17], [sflag:$0x1] =	stream.indirect_vreg.gather [hbm4b:s8+s30], $0x80, v4, vm0, $0xb8;
	[tilespmem:$0x10100] =	vst v63  }
0x130: {  	s4 =	simm.s32 $0x2100  }
0x131: {  	[tilespmem:s4], [sflag:$0x1] =	stream.indirect_vreg.gather [hbm4b:s3+s30], $0x80, v3, vm0, $0xb8;
	[tilespmem:$0x10100] =	vst v63  }
0x132: {  	s5 =	simm.s32 $0x2900  }
0x133: {  	[tilespmem:s5], [sflag:$0x1] =	stream.indirect_vreg.gather [hbm4b:s6+s30], $0x80, v3, vm0, $0xb8;
	[tilespmem:$0x10100] =	vst v63  }
0x134: {  	s14 =	simm.s32 $0x3100  }
0x135: {  	[tilespmem:s14], [sflag:$0x1] =	stream.indirect_vreg.gather [hbm4b:s7+s30], $0x80, v3, vm0, $0xb8;
	[tilespmem:$0x10100] =	vst v63  }
0x136: {  	s17 =	simm.s32 $0x3900  }
0x137: {  	[tilespmem:s17], [sflag:$0x1] =	stream.indirect_vreg.gather [hbm4b:s8+s30], $0x80, v3, vm0, $0xb8;
	[tilespmem:$0x10100] =	vst v63  }
0x138: {  	v3 =	vld [tilespmem:$0x10];
	_ =	sdelay $0x4  }
0x139: {  	v61 =	vshll.u32 v3, $0x3  }
0x13a: {  	v3 =	vand.u32 $0x7, v3;
	v4 =	vand.u32 $0xFFFFFFC0, v61  }
0x13b: {  	v3 =	vor.u32 v3, v4  }
0x13c: {  	v4 =	vperm.xlane v3, v0;
	_ =	sdelay $0x1  }
0x13d: {  	v4 =	vadd.s32 v1, v4;
	_ =	sdelay $0x3  }
0x13e: {  	s4 =	simm.s32 $0x4100  }
0x13f: {  	[tilespmem:s4], [sflag:$0x1] =	stream.indirect_vreg.gather [hbm4b:s3+s30], $0x80, v4, vm0, $0xb8;
	[tilespmem:$0x10100] =	vst v63  }
0x140: {  	s5 =	simm.s32 $0x4900;
	v3 =	vperm.xlane v3, v2  }
0x141: {  	[tilespmem:s5], [sflag:$0x1] =	stream.indirect_vreg.gather [hbm4b:s6+s30], $0x80, v4, vm0, $0xb8;
	[tilespmem:$0x10100] =	vst v63  }
0x142: {  	s14 =	simm.s32 $0x5100;
	v3 =	vadd.s32 v1, v3  }
0x143: {  	[tilespmem:s14], [sflag:$0x1] =	stream.indirect_vreg.gather [hbm4b:s7+s30], $0x80, v4, vm0, $0xb8;
	[tilespmem:$0x10100] =	vst v63  }
0x144: {  	s17 =	simm.s32 $0x5900  }
0x145: {  	[tilespmem:s17], [sflag:$0x1] =	stream.indirect_vreg.gather [hbm4b:s8+s30], $0x80, v4, vm0, $0xb8;
	[tilespmem:$0x10100] =	vst v63  }
0x146: {  	s4 =	simm.s32 $0x6100  }
0x147: {  	[tilespmem:s4], [sflag:$0x1] =	stream.indirect_vreg.gather [hbm4b:s3+s30], $0x80, v3, vm0, $0xb8;
	[tilespmem:$0x10100] =	vst v63  }
0x148: {  	s5 =	simm.s32 $0x6900  }
0x149: {  	[tilespmem:s5], [sflag:$0x1] =	stream.indirect_vreg.gather [hbm4b:s6+s30], $0x80, v3, vm0, $0xb8;
	[tilespmem:$0x10100] =	vst v63  }
0x14a: {  	s14 =	simm.s32 $0x7100  }
0x14b: {  	[tilespmem:s14], [sflag:$0x1] =	stream.indirect_vreg.gather [hbm4b:s7+s30], $0x80, v3, vm0, $0xb8;
	[tilespmem:$0x10100] =	vst v63  }
0x14c: {  	s17 =	simm.s32 $0x7900  }
0x14d: {  	[tilespmem:s17], [sflag:$0x1] =	stream.indirect_vreg.gather [hbm4b:s8+s30], $0x80, v3, vm0, $0xb8;
	[tilespmem:$0x10100] =	vst v63  }
0x14e: {  	_ =	swait.ge [sflag:s1], $0x20  }
0x14f: {  	[sflag:s1] =	ssyncset.done $0x0  }
0x150: {  	[sflag:s1] =	ssyncadd.s32 $0xFFFFFFE0  }
0x151: {  	v3 =	vld [tilespmem:$0x80];
	_ =	sdelay $0x4  }
0x152: {  	v62 =	vshll.u32 v3, $0x3  }
0x153: {  	v3 =	vand.u32 $0x7, v3;
	v4 =	vand.u32 $0xFFFFFFC0, v62  }
0x154: {  	v3 =	vor.u32 v3, v4  }
0x155: {  	v4 =	vperm.xlane v3, v0;
	_ =	sdelay $0x1  }
0x156: {  	v4 =	vadd.s32 v1, v4;
	_ =	sdelay $0x3  }
0x157: {  	s4 =	simm.s32 $0x8100  }
0x158: {  	[tilespmem:s4], [sflag:$0x2] =	stream.indirect_vreg.gather [hbm4b:s3+s30], $0x80, v4, vm0, $0xb8;
	[tilespmem:$0x10100] =	vst v63  }
0x159: {  	s5 =	simm.s32 $0x8900;
	v3 =	vperm.xlane v3, v2  }
0x15a: {  	[tilespmem:s5], [sflag:$0x2] =	stream.indirect_vreg.gather [hbm4b:s6+s30], $0x80, v4, vm0, $0xb8;
	[tilespmem:$0x10100] =	vst v63  }
0x15b: {  	s14 =	simm.s32 $0x9100;
	v3 =	vadd.s32 v1, v3  }
0x15c: {  	[tilespmem:s14], [sflag:$0x2] =	stream.indirect_vreg.gather [hbm4b:s7+s30], $0x80, v4, vm0, $0xb8;
	[tilespmem:$0x10100] =	vst v63  }
0x15d: {  	s17 =	simm.s32 $0x9900  }
0x15e: {  	[tilespmem:s17], [sflag:$0x2] =	stream.indirect_vreg.gather [hbm4b:s8+s30], $0x80, v4, vm0, $0xb8;
	[tilespmem:$0x10100] =	vst v63  }
0x15f: {  	_ = 	snop  }
0x160: {  	[tilespmem:s18], [sflag:$0x2] =	stream.indirect_vreg.gather [hbm4b:s3+s30], $0x80, v3, vm0, $0xb8;
	[tilespmem:$0x10100] =	vst v63  }
0x161: {  	_ = 	snop  }
0x162: {  	[tilespmem:s19], [sflag:$0x2] =	stream.indirect_vreg.gather [hbm4b:s6+s30], $0x80, v3, vm0, $0xb8;
	[tilespmem:$0x10100] =	vst v63  }
0x163: {  	_ = 	snop  }
0x164: {  	[tilespmem:s20], [sflag:$0x2] =	stream.indirect_vreg.gather [hbm4b:s7+s30], $0x80, v3, vm0, $0xb8;
	[tilespmem:$0x10100] =	vst v63  }
0x165: {  	_ = 	snop  }
0x166: {  	[tilespmem:s9], [sflag:$0x2] =	stream.indirect_vreg.gather [hbm4b:s8+s30], $0x80, v3, vm0, $0xb8;
	[tilespmem:$0x10100] =	vst v63  }
0x167: {  	v3 =	vld [tilespmem:$0x90];
	_ =	sdelay $0x4  }
0x168: {  	v63 =	vshll.u32 v3, $0x3  }
0x169: {  	v3 =	vand.u32 $0x7, v3;
	v4 =	vand.u32 $0xFFFFFFC0, v63  }
0x16a: {  	v3 =	vor.u32 v3, v4  }
0x16b: {  	v4 =	vperm.xlane v3, v0;
	_ =	sdelay $0x1  }
0x16c: {  	v4 =	vadd.s32 v1, v4;
	_ =	sdelay $0x4  }
0x16d: {  	[tilespmem:s21], [sflag:$0x2] =	stream.indirect_vreg.gather [hbm4b:s3+s30], $0x80, v4, vm0, $0xb8;
	[tilespmem:$0x10100] =	vst v63  }
0x16e: {  	v3 =	vperm.xlane v3, v2  }
0x16f: {  	[tilespmem:s10], [sflag:$0x2] =	stream.indirect_vreg.gather [hbm4b:s6+s30], $0x80, v4, vm0, $0xb8;
	[tilespmem:$0x10100] =	vst v63  }
0x170: {  	v3 =	vadd.s32 v1, v3  }
0x171: {  	[tilespmem:s22], [sflag:$0x2] =	stream.indirect_vreg.gather [hbm4b:s7+s30], $0x80, v4, vm0, $0xb8;
	[tilespmem:$0x10100] =	vst v63  }
0x172: {  	_ = 	snop  }
0x173: {  	[tilespmem:s23], [sflag:$0x2] =	stream.indirect_vreg.gather [hbm4b:s8+s30], $0x80, v4, vm0, $0xb8;
	[tilespmem:$0x10100] =	vst v63  }
0x174: {  	_ = 	snop  }
0x175: {  	[tilespmem:s11], [sflag:$0x2] =	stream.indirect_vreg.gather [hbm4b:s3+s30], $0x80, v3, vm0, $0xb8;
	[tilespmem:$0x10100] =	vst v63  }
0x176: {  	_ = 	snop  }
0x177: {  	[tilespmem:s24], [sflag:$0x2] =	stream.indirect_vreg.gather [hbm4b:s6+s30], $0x80, v3, vm0, $0xb8;
	[tilespmem:$0x10100] =	vst v63  }
0x178: {  	_ = 	snop  }
0x179: {  	[tilespmem:s12], [sflag:$0x2] =	stream.indirect_vreg.gather [hbm4b:s7+s30], $0x80, v3, vm0, $0xb8;
	[tilespmem:$0x10100] =	vst v63  }
0x17a: {  	_ = 	snop  }
0x17b: {  	[tilespmem:s25], [sflag:$0x2] =	stream.indirect_vreg.gather [hbm4b:s8+s30], $0x80, v3, vm0, $0xb8;
	[tilespmem:$0x10100] =	vst v63  }
0x17c: {  	_ =	swait.ge [sflag:s13], $0x8000  }
0x17d: {  	[sflag:s13] =	ssyncset.done $0x0  }
0x17e: {  	[sflag:s13] =	ssyncadd.s32 $0xFFFF8000  }
0x17f: {  	_ =	swait.ge [sflag:s26], $0x8000  }
0x180: {  	s31 =	simm.s32 $0xFFFF8000;
	[sflag:s26] =	ssyncset.done $0x0  }
0x181: {  	s0 =	simm.s32 $0x0;
	s4 =	simm.s32 $0x0;
	[sflag:s26] =	ssyncadd.s32 $0xFFFF8000  }
.LBB2_4:
0x182: {  	s5 =	sadd.s32 $0x8000, s31  }
0x183: {  	s14 =	sand.u32 $0x380, s4;
	s5 =	sand.u32 $0x6000, s5  }
0x184: {  	s5 =	sor.u32 s14, s5  }
0x185: {  	v3 =	vld [tilespmem:s5+$0x100]  }
0x186: {  	v4 =	vld [tilespmem:s5+$0x8100]  }
0x187: {  	v5 =	vld [tilespmem:s5+$0x110]  }
0x188: {  	v6 =	vld [tilespmem:s5+$0x8110]  }
0x189: {  	v7 =	vld [tilespmem:s5+$0x120]  }
0x18a: {  	v8 =	vld [tilespmem:s5+$0x8120]  }
0x18b: {  	v9 =	vld [tilespmem:s5+$0x130]  }
0x18c: {  	v10 =	vld [tilespmem:s5+$0x8130]  }
0x18d: {  	v11 =	vld [tilespmem:s5+$0x140]  }
0x18e: {  	v12 =	vld [tilespmem:s5+$0x8140]  }
0x18f: {  	v13 =	vld [tilespmem:s5+$0x150]  }
0x190: {  	v14 =	vld [tilespmem:s5+$0x8150]  }
0x191: {  	v15 =	vld [tilespmem:s5+$0x160]  }
0x192: {  	v16 =	vld [tilespmem:s5+$0x8160]  }
0x193: {  	v17 =	vld [tilespmem:s5+$0x170]  }
0x194: {  	v18 =	vld [tilespmem:s5+$0x8170]  }
0x195: {  	v19 =	vld [tilespmem:s5+$0x500]  }
0x196: {  	v20 =	vld [tilespmem:s5+$0x8500]  }
0x197: {  	v21 =	vld [tilespmem:s5+$0x510]  }
0x198: {  	v22 =	vld [tilespmem:s5+$0x8510]  }
0x199: {  	v23 =	vld [tilespmem:s5+$0x520]  }
0x19a: {  	v24 =	vld [tilespmem:s5+$0x8520]  }
0x19b: {  	v25 =	vld [tilespmem:s5+$0x530]  }
0x19c: {  	v26 =	vld [tilespmem:s5+$0x8530]  }
0x19d: {  	v27 =	vld [tilespmem:s5+$0x540]  }
0x19e: {  	v28 =	vld [tilespmem:s5+$0x8540]  }
0x19f: {  	v29 =	vld [tilespmem:s5+$0x550]  }
0x1a0: {  	v30 =	vld [tilespmem:s5+$0x8550]  }
0x1a1: {  	v31 =	vld [tilespmem:s5+$0x560]  }
0x1a2: {  	v32 =	vld [tilespmem:s5+$0x8560]  }
0x1a3: {  	v33 =	vld [tilespmem:s5+$0x570]  }
0x1a4: {  	v34 =	vld [tilespmem:s5+$0x8570]  }
0x1a5: {  	v35 =	vld [tilespmem:s5+$0x900]  }
0x1a6: {  	v36 =	vld [tilespmem:s5+$0x8900]  }
0x1a7: {  	v37 =	vld [tilespmem:s5+$0x910]  }
0x1a8: {  	v38 =	vld [tilespmem:s5+$0x8910]  }
0x1a9: {  	v39 =	vld [tilespmem:s5+$0x920]  }
0x1aa: {  	v40 =	vld [tilespmem:s5+$0x8920]  }
0x1ab: {  	v41 =	vld [tilespmem:s5+$0x930]  }
0x1ac: {  	v42 =	vld [tilespmem:s5+$0x8930]  }
0x1ad: {  	v43 =	vld [tilespmem:s5+$0x940]  }
0x1ae: {  	v44 =	vld [tilespmem:s5+$0x8940]  }
0x1af: {  	v45 =	vld [tilespmem:s5+$0x950]  }
0x1b0: {  	v46 =	vld [tilespmem:s5+$0x8950]  }
0x1b1: {  	v47 =	vld [tilespmem:s5+$0x960]  }
0x1b2: {  	v48 =	vld [tilespmem:s5+$0x8960]  }
0x1b3: {  	v49 =	vld [tilespmem:s5+$0x970]  }
0x1b4: {  	v50 =	vld [tilespmem:s5+$0x8970]  }
0x1b5: {  	v51 =	vld [tilespmem:s5+$0xD00]  }
0x1b6: {  	v52 =	vld [tilespmem:s5+$0x8D00]  }
0x1b7: {  	v53 =	vld [tilespmem:s5+$0xD10]  }
0x1b8: {  	v54 =	vld [tilespmem:s5+$0x8D10]  }
0x1b9: {  	v55 =	vld [tilespmem:s5+$0xD20]  }
0x1ba: {  	v56 =	vld [tilespmem:s5+$0x8D20]  }
0x1bb: {  	v57 =	vld [tilespmem:s5+$0xD30]  }
0x1bc: {  	v58 =	vld [tilespmem:s5+$0x8D30]  }
0x1bd: {  	v59 =	vld [tilespmem:s5+$0xD40]  }
0x1be: {  	v60 =	vld [tilespmem:s5+$0x8D40]  }
0x1bf: {  	v61 =	vld [tilespmem:s5+$0xD50]  }
0x1c0: {  	v62 =	vld [tilespmem:s5+$0x8D50]  }
0x1c1: {  	v63 =	vld [tilespmem:s5+$0xD60]  }
0x1c2: {  	v3 =	vadd.f32 v4, v3;
	v4 =	vld [tilespmem:s5+$0x8D60]  }
0x1c3: {  	v5 =	vadd.f32 v6, v5;
	v6 =	vld [tilespmem:s5+$0xD70]  }
0x1c4: {  	v14 =	vadd.f32 v14, v13;
	v13 =	vld [tilespmem:s5+$0x9120];
	[tilespmem:s5+$0x100] =	vst v3;
	v3 =	vadd.f32 v8, v7  }
0x1c5: {  	v18 =	vadd.f32 v18, v17;
	v17 =	vld [tilespmem:s5+$0x9140];
	[tilespmem:s5+$0x110] =	vst v5  }
0x1c6: {  	v22 =	vadd.f32 v22, v21;
	v21 =	vld [tilespmem:s5+$0x9160];
	[tilespmem:s5+$0x120] =	vst v3;
	v3 =	vadd.f32 v12, v11  }
0x1c7: {  	v7 =	vld [tilespmem:s5+$0x8D70];
	[tilespmem:s5+$0x150] =	vst v14  }
0x1c8: {  	v8 =	vld [tilespmem:s5+$0x1100];
	[tilespmem:s5+$0x140] =	vst v3;
	v3 =	vadd.f32 v16, v15  }
0x1c9: {  	v5 =	vadd.f32 v10, v9;
	v9 =	vld [tilespmem:s5+$0x9100];
	[tilespmem:s5+$0x170] =	vst v18  }
0x1ca: {  	v10 =	vld [tilespmem:s5+$0x1110];
	[tilespmem:s5+$0x160] =	vst v3;
	v3 =	vadd.f32 v20, v19  }
0x1cb: {  	v26 =	vadd.f32 v26, v25;
	v14 =	vld [tilespmem:s5+$0x1130];
	[tilespmem:s5+$0x510] =	vst v22  }
0x1cc: {  	v18 =	vld [tilespmem:s5+$0x1150];
	[tilespmem:s5+$0x500] =	vst v3;
	v3 =	vadd.f32 v24, v23  }
0x1cd: {  	v30 =	vadd.f32 v30, v29;
	[tilespmem:s5+$0x530] =	vst v26;
	v22 =	vld [tilespmem:s5+$0x1170]  }
0x1ce: {  	v19 =	vld [tilespmem:s5+$0x9150];
	[tilespmem:s5+$0x520] =	vst v3;
	v3 =	vadd.f32 v28, v27  }
0x1cf: {  	v34 =	vadd.f32 v34, v33;
	[tilespmem:s5+$0x550] =	vst v30;
	v11 =	vld [tilespmem:s5+$0x9110]  }
0x1d0: {  	v12 =	vld [tilespmem:s5+$0x1120];
	[tilespmem:s5+$0x540] =	vst v3;
	v3 =	vadd.f32 v32, v31  }
0x1d1: {  	[tilespmem:s5+$0x570] =	vst v34;
	v15 =	vld [tilespmem:s5+$0x9130]  }
0x1d2: {  	v16 =	vld [tilespmem:s5+$0x1140];
	[tilespmem:s5+$0x560] =	vst v3;
	v3 =	vadd.f32 v36, v35  }
0x1d3: {  	[tilespmem:s5+$0x130] =	vst v5;
	v20 =	vld [tilespmem:s5+$0x1160];
	v19 =	vadd.f32 v19, v18  }
0x1d4: {  	v24 =	vld [tilespmem:s5+$0x1500];
	[tilespmem:s5+$0x900] =	vst v3;
	v3 =	vadd.f32 v40, v39  }
0x1d5: {  	[tilespmem:s5+$0x1150] =	vst v19;
	v36 =	vadd.f32 v38, v37;
	v37 =	vld [tilespmem:s5+$0x9170]  }
0x1d6: {  	v38 =	vadd.f32 v42, v41;
	v41 =	vld [tilespmem:s5+$0x1510];
	[tilespmem:s5+$0x920] =	vst v3;
	v3 =	vadd.f32 v44, v43  }
0x1d7: {  	v42 =	vld [tilespmem:s5+$0x9510];
	[tilespmem:s5+$0x910] =	vst v36  }
0x1d8: {  	v35 =	vld [tilespmem:s5+$0x1910];
	[tilespmem:s5+$0x940] =	vst v3;
	v3 =	vadd.f32 v48, v47  }
0x1d9: {  	v39 =	vld [tilespmem:s5+$0x9500];
	[tilespmem:s5+$0x930] =	vst v38;
	v40 =	vadd.f32 v46, v45  }
0x1da: {  	v45 =	vld [tilespmem:s5+$0x9520];
	[tilespmem:s5+$0x960] =	vst v3;
	v3 =	vadd.f32 v52, v51  }
0x1db: {  	v46 =	vadd.f32 v54, v53;
	v53 =	vld [tilespmem:s5+$0x1550];
	[tilespmem:s5+$0x950] =	vst v40  }
0x1dc: {  	v54 =	vld [tilespmem:s5+$0x9550];
	[tilespmem:s5+$0xD00] =	vst v3;
	v3 =	vadd.f32 v56, v55  }
0x1dd: {  	v36 =	vld [tilespmem:s5+$0x9910];
	v43 =	vadd.f32 v50, v49;
	[tilespmem:s5+$0xD10] =	vst v46  }
0x1de: {  	v38 =	vld [tilespmem:s5+$0x1920];
	[tilespmem:s5+$0xD20] =	vst v3;
	v3 =	vadd.f32 v60, v59  }
0x1df: {  	v44 =	vld [tilespmem:s5+$0x1520];
	v49 =	vadd.f32 v58, v57;
	[tilespmem:s5+$0x970] =	vst v43  }
0x1e0: {  	v50 =	vld [tilespmem:s5+$0x1540];
	[tilespmem:s5+$0xD40] =	vst v3;
	v3 =	vadd.f32 v4, v63  }
0x1e1: {  	v57 =	vld [tilespmem:s5+$0x9560];
	v58 =	vadd.f32 v11, v10;
	[tilespmem:s5+$0xD30] =	vst v49  }
0x1e2: {  	v46 =	vld [tilespmem:s5+$0x9950];
	[tilespmem:s5+$0xD60] =	vst v3;
	v3 =	vadd.f32 v9, v8  }
0x1e3: {  	v37 =	vadd.f32 v37, v22;
	v40 =	vadd.f32 v42, v41;
	v41 =	vld [tilespmem:s5+$0x1930];
	[tilespmem:s5+$0x1110] =	vst v58  }
0x1e4: {  	v42 =	vld [tilespmem:s5+$0x9930];
	[tilespmem:s5+$0x1100] =	vst v3;
	v3 =	vadd.f32 v13, v12  }
0x1e5: {  	v47 =	vld [tilespmem:s5+$0x1530];
	[tilespmem:s5+$0x1170] =	vst v37  }
0x1e6: {  	v48 =	vld [tilespmem:s5+$0x9530];
	[tilespmem:s5+$0x1120] =	vst v3;
	v3 =	vadd.f32 v17, v16  }
0x1e7: {  	v49 =	vld [tilespmem:s5+$0x9960];
	[tilespmem:s5+$0x1510] =	vst v40;
	v52 =	vadd.f32 v62, v61  }
0x1e8: {  	v51 =	vld [tilespmem:s5+$0x9540];
	[tilespmem:s5+$0x1140] =	vst v3;
	v3 =	vadd.f32 v21, v20  }
0x1e9: {  	v61 =	vadd.f32 v15, v14;
	v62 =	vld [tilespmem:s5+$0x1900];
	[tilespmem:s5+$0xD50] =	vst v52  }
0x1ea: {  	v56 =	vld [tilespmem:s5+$0x1560];
	[tilespmem:s5+$0x1160] =	vst v3;
	v3 =	vadd.f32 v39, v24  }
0x1eb: {  	v55 =	vadd.f32 v7, v6;
	[tilespmem:s5+$0x1130] =	vst v61;
	v52 =	vld [tilespmem:s5+$0x9970]  }
0x1ec: {  	v43 =	vadd.f32 v48, v47;
	v47 =	vld [tilespmem:s5+$0x1960];
	[tilespmem:s5+$0x1500] =	vst v3;
	v3 =	vadd.f32 v45, v44  }
0x1ed: {  	[tilespmem:s5+$0xD70] =	vst v55;
	v63 =	vld [tilespmem:s5+$0x9900]  }
0x1ee: {  	v59 =	vld [tilespmem:s5+$0x1570];
	[tilespmem:s5+$0x1520] =	vst v3;
	v3 =	vadd.f32 v51, v50  }
0x1ef: {  	[tilespmem:s5+$0x1530] =	vst v43;
	v4 =	vadd.f32 v54, v53;
	v39 =	vld [tilespmem:s5+$0x9920]  }
0x1f0: {  	v60 =	vld [tilespmem:s5+$0x9570];
	[tilespmem:s5+$0x1540] =	vst v3;
	v3 =	vadd.f32 v57, v56  }
0x1f1: {  	v54 =	vadd.f32 v42, v41;
	[tilespmem:s5+$0x1550] =	vst v4;
	v45 =	vld [tilespmem:s5+$0x1950]  }
0x1f2: {  	v53 =	vld [tilespmem:s5+$0x9940];
	[tilespmem:s5+$0x1560] =	vst v3;
	v3 =	vadd.f32 v63, v62  }
0x1f3: {  	[tilespmem:s5+$0x1930] =	vst v54;
	v55 =	vadd.f32 v49, v47;
	v50 =	vld [tilespmem:s5+$0x1970]  }
0x1f4: {  	v44 =	vld [tilespmem:s5+$0x1940];
	[tilespmem:s5+$0x1900] =	vst v3;
	v3 =	vadd.f32 v39, v38  }
0x1f5: {  	v48 =	vadd.f32 v60, v59;
	[tilespmem:s5+$0x1960] =	vst v55  }
0x1f6: {  	[tilespmem:s5+$0x1920] =	vst v3;
	v3 =	vadd.f32 v46, v45  }
0x1f7: {  	s17 =	sand.u32 $0x7, s30;
	[tilespmem:s5+$0x1570] =	vst v48;
	v51 =	vadd.f32 v36, v35  }
0x1f8: {  	s14 =	sshll.u32 s17, $0x7;
	[tilespmem:s5+$0x1950] =	vst v3;
	v3 =	vadd.f32 v52, v50  }
0x1f9: {  	s14 =	sadd.s32 s14, s0;
	[tilespmem:s5+$0x1910] =	vst v51;
	v56 =	vadd.f32 v53, v44  }
0x1fa: {  	s17 =	sor.u32 $0x1C00, s14;
	[tilespmem:s5+$0x1970] =	vst v3  }
0x1fb: {  	[tilespmem:s5+$0x1940] =	vst v56;
	v3 =	vld [tilespmem:s17+$0x100]  }
0x1fc: {  	v4 =	vld [tilespmem:s17+$0x8100];
	_ =	sdelay $0x4  }
0x1fd: {  	v3 =	vadd.f32 v4, v3;
	_ =	sdelay $0x1  }
0x1fe: {  	[tilespmem:s17+$0x100] =	vst v3;
	s17 =	sor.u32 $0x1C10, s14  }
0x1ff: {  	v3 =	vld [tilespmem:s17+$0x100]  }
0x200: {  	v57 =	vld [tilespmem:s17+$0x8100];
	_ =	sdelay $0x4  }
0x201: {  	v3 =	vadd.f32 v57, v3;
	_ =	sdelay $0x1  }
0x202: {  	[tilespmem:s17+$0x100] =	vst v3;
	s17 =	sor.u32 $0x1C20, s14  }
0x203: {  	v3 =	vld [tilespmem:s17+$0x100]  }
0x204: {  	v58 =	vld [tilespmem:s17+$0x8100];
	_ =	sdelay $0x4  }
0x205: {  	v3 =	vadd.f32 v58, v3;
	_ =	sdelay $0x1  }
0x206: {  	[tilespmem:s17+$0x100] =	vst v3;
	s17 =	sor.u32 $0x1C30, s14  }
0x207: {  	v3 =	vld [tilespmem:s17+$0x100]  }
0x208: {  	v59 =	vld [tilespmem:s17+$0x8100];
	_ =	sdelay $0x4  }
0x209: {  	v3 =	vadd.f32 v59, v3;
	_ =	sdelay $0x1  }
0x20a: {  	[tilespmem:s17+$0x100] =	vst v3;
	s17 =	sor.u32 $0x1C40, s14  }
0x20b: {  	v3 =	vld [tilespmem:s17+$0x100]  }
0x20c: {  	v60 =	vld [tilespmem:s17+$0x8100];
	_ =	sdelay $0x4  }
0x20d: {  	v3 =	vadd.f32 v60, v3;
	_ =	sdelay $0x1  }
0x20e: {  	[tilespmem:s17+$0x100] =	vst v3;
	s17 =	sor.u32 $0x1C50, s14  }
0x20f: {  	v3 =	vld [tilespmem:s17+$0x100]  }
0x210: {  	v61 =	vld [tilespmem:s17+$0x8100];
	_ =	sdelay $0x4  }
0x211: {  	v3 =	vadd.f32 v61, v3;
	_ =	sdelay $0x1  }
0x212: {  	[tilespmem:s17+$0x100] =	vst v3;
	s17 =	sor.u32 $0x1C60, s14  }
0x213: {  	v3 =	vld [tilespmem:s17+$0x100]  }
0x214: {  	v62 =	vld [tilespmem:s17+$0x8100];
	_ =	sdelay $0x4  }
0x215: {  	v3 =	vadd.f32 v62, v3;
	_ =	sdelay $0x1  }
0x216: {  	[tilespmem:s17+$0x100] =	vst v3;
	s17 =	sor.u32 $0x1C70, s14  }
0x217: {  	v3 =	vld [tilespmem:s17+$0x100]  }
0x218: {  	v63 =	vld [tilespmem:s17+$0x8100];
	_ =	sdelay $0x1  }
0x219: {  	p0 =	sne.s32 s4, $0xF80  }
.Ltmp1:
0x21a: {  	_ = 	snop;
	(pc) =	sbr.rel @p0 .LBB2_4-.Ltmp1, $4  }
0x21b: {  	_ = 	snop  }
0x21c: {  	v3 =	vadd.f32 v63, v3  }
0x21d: {  	s30 =	sadd.s32 $0x1, s30  }
0x21e: {  	s31 =	sadd.s32 $0x400, s31;
	s4 =	sadd.s32 $0x80, s4;
	s0 =	sadd.s32 $0x400, s0;
	[tilespmem:s17+$0x100] =	vst v3  }
0x21f: {  	s0 =	rddreg [dreg:$0x8]  }
0x220: {  	[hbm4b:s0+s2] =	stream.linear.scatter [tilespmem:s16], [sflag:$0x5], $0x8000, $0x38;
	[tilespmem:$0x10100] =	vst v63  }
0x221: {  	_ =	swait.ge [sflag:s28], $0x8000  }
0x222: {  	s29 =	sadd.s32 $0x1, s29;
	s31 =	rddreg [dreg:$0x9]  }
0x223: {  	p0 =	sne.s32 s29, s31  }
.Ltmp2:
0x224: {  	_ = 	snop;
	(pc) =	sbr.rel @p0 .LBB2_1-.Ltmp2, $3  }
0x225: {  	_ =	sdelay $0x1  }
0x226: {  	[sflag:s28] =	ssyncset.done $0x0  }
0x227: {  	[sflag:s28] =	ssyncadd.s32 $0xFFFF8000  }
0x228: {  	_ =	sfence.sel $0x180000  }
0x229: {  	[bflag:$0x0] =	sbarrier.arrive $0xFFFF  }
0x22a: {  	_ =	strace $0x9000004A  }
0x22b: {  	s0 =	stileid.u32;
	[bflag:$0x2] =	sbarrier.arrive $0xFFFF  }
0x22c: {  	p0 =	sne.s32 s0, $0x0;
	s0 =	rddreg [dreg:$0x2]  }
0x22d: {  	s0 =	sadd.s32 @!p0 $0x100000, s0  }
0x22e: {  	[sflag:s0] =	ssyncadd.tile.s32 @!p0 $0x1;
	_ =	shalt  }
.Lfunc_end2:
_tile_overlayer_lowered:
.L_overlay_start_2:
0x22f: {  	(tag) =	ssettag $0x2  }
0x230: {  	s0 =	rddreg [dreg:$0x0];
	s2 =	stileid.u32  }
0x231: {  	s1 =	rddreg [dreg:$0x1];
	p0 =	sne.s32 s2, $0x0  }
0x232: {  	s3 =	rddreg [dreg:$0x2];
	[bflag:$0x3] =	sbarrier.arrive $0xFFFF;
	s2 =	simm.s32 @!p0 $0x1C05  }
0x233: {  	[timem:s3], [sflag:s2] =	dma.local @!p0 [hbm:s0], s1  }
0x234: {  	s0 =	simm.s32 @!p0 $0x5  }
0x235: {  	_ =	swait.ge @!p0 [sflag:s0], s1  }
0x236: {  	s1 =	ssub.s32 @!p0 $0x0, s1;
	[sflag:s0] =	ssyncset.done @!p0 $0x0  }
0x237: {  	[sflag:s0] =	ssyncadd.s32 @!p0 s1  }
0x238: {  	[bflag:$0x3] =	sbarrier.arrive $0xFFFF  }
0x239: {  	_ =	shalt  }

</sc_bundles>
